<compile_context>
chip_gen: v7x
topology: tpu7x:2x2x1
jax: 0.10.2.dev20260603
libtpu: 0.0.44.dev20260713+nightly
codegen_flags: <defaults>
</compile_context>

<pallas_src>
import functools
import math

import jax
import jax.numpy as jnp
from jax import lax
from jax.experimental import pallas as pl
from jax.experimental.pallas import tpu as pltpu
from jax.experimental.pallas import tpu_sc as plsc

N = 10000
E = 320000
D = 128
DA = 16
DE = 4
DR = 8
H = 8
AVG_NEIGH = 32.0

NC = 2
NS = 16
NW = NC * NS
EPW = E // NW
SUB = 80
KSUB = 1
CH = SUB * KSUB
NCHUNK = EPW // CH
ZCH = 80
NZCH = N // ZCH


def _sc_message_passing(h, T, src, dst):
    mesh = plsc.VectorSubcoreMesh(core_axis_name="c", subcore_axis_name="s")

    @functools.partial(
        pl.kernel,
        out_type=jax.ShapeDtypeStruct((2 * N, D), jnp.float32),
        mesh=mesh,
        scratch_types=[
            pltpu.VMEM((2, CH), jnp.int32),
            pltpu.VMEM((4, CH), jnp.int32),
            pltpu.VMEM((2, CH, D // 2), jnp.int32),
            pltpu.VMEM((2, CH, D), jnp.float32),
            pltpu.VMEM_SHARED((N, D), jnp.float32),
            pltpu.SemaphoreType.DMA,
            pltpu.SemaphoreType.DMA,
            pltpu.SemaphoreType.DMA,
        ],
    )
    def body(h_hbm, t_hbm, src_hbm, dst_hbm, out_hbm,
             src_v, dst_v, t_v, rows_v, acc, sem_lin, sem_g, sem_s):
        c = lax.axis_index("c")
        s = lax.axis_index("s")
        wid = s * NC + c
        ebase = wid * EPW

        def zrow(i, carry):
            for j in range(D // 16):
                rows_v[0, i, pl.ds(j * 16, 16)] = jnp.zeros((16,), jnp.float32)
            return carry

        lax.fori_loop(0, ZCH, zrow, 0)
        for it in range((NZCH + NS - 1) // NS):
            ck = s + it * NS
            @pl.when(ck < NZCH)
            def _():
                pltpu.sync_copy(rows_v.at[0], acc.at[pl.ds(ck * ZCH, ZCH)])
        plsc.subcore_barrier()

        def lin_start(ci, b, d):
            base = ebase + ci * CH
            pltpu.async_copy(src_hbm.at[pl.ds(base, CH)], src_v.at[b], sem_lin)
            pltpu.async_copy(dst_hbm.at[pl.ds(base, CH)], dst_v.at[d], sem_lin)
            pltpu.async_copy(t_hbm.at[pl.ds(base, CH)], t_v.at[b], sem_lin)

        def lin_wait(ci, b, d):
            base = ebase + ci * CH
            pltpu.make_async_copy(src_hbm.at[pl.ds(base, CH)], src_v.at[b], sem_lin).wait()
            pltpu.make_async_copy(dst_hbm.at[pl.ds(base, CH)], dst_v.at[d], sem_lin).wait()
            pltpu.make_async_copy(t_hbm.at[pl.ds(base, CH)], t_v.at[b], sem_lin).wait()

        def gather_start(b):
            pltpu.async_copy(h_hbm.at[src_v.at[b]], rows_v.at[b], sem_g)

        def gather_wait(b):
            pltpu.make_async_copy(h_hbm.at[src_v.at[b]], rows_v.at[b], sem_g).wait()

        def multiply(b):
            def mrow(i, carry):
                c16 = jnp.full((16,), 16, jnp.int32)
                cmask = jnp.full((16,), -65536, jnp.int32)
                for j in range(D // 32):
                    w = t_v[b, i, pl.ds(j * 16, 16)]
                    ta = jax.lax.bitcast_convert_type(
                        jax.lax.shift_left(w, c16), jnp.float32)
                    tb = jax.lax.bitcast_convert_type(
                        jax.lax.bitwise_and(w, cmask), jnp.float32)
                    sl0 = pl.ds(j * 32, 16)
                    sl1 = pl.ds(j * 32 + 16, 16)
                    rows_v[b, i, sl0] = rows_v[b, i, sl0] * ta
                    rows_v[b, i, sl1] = rows_v[b, i, sl1] * tb
                return carry
            lax.fori_loop(0, CH, mrow, 0)

        def step(ci, p, d, not_last, have2):
            q = 1 - p
            gather_wait(p)
            multiply(p)
            if not_last is not False:
                def advance():
                    lin_wait(ci + 1, q, (d + 1) % 4)
                    gather_start(q)
                if not_last is True:
                    advance()
                else:
                    pl.when(not_last)(advance)
            pltpu.sync_copy(rows_v.at[p], acc.at[dst_v.at[d]], add=True)
            if have2 is not False:
                def prefetch():
                    lin_start(ci + 2, p, (d + 2) % 4)
                if have2 is True:
                    prefetch()
                else:
                    pl.when(have2)(prefetch)

        lin_start(0, 0, 0)
        lin_wait(0, 0, 0)
        gather_start(0)
        lin_start(1, 1, 1)
        step(0, 0, 0, True, True)

        def quad(g, carry):
            step(4 * g + 1, 1, 1, True, True)
            step(4 * g + 2, 0, 2, True, True)
            step(4 * g + 3, 1, 3, True, g < (NCHUNK - 5) // 4)
            step(4 * g + 4, 0, 0, g < (NCHUNK - 5) // 4, g < (NCHUNK - 5) // 4)
            return carry

        lax.fori_loop(0, (NCHUNK - 1) // 4, quad, 0)
        plsc.subcore_barrier()

        for it in range((NZCH + NS - 1) // NS):
            ck = s + it * NS
            @pl.when(ck < NZCH)
            def _():
                r0 = ck * ZCH
                pltpu.sync_copy(acc.at[pl.ds(r0, ZCH)], rows_v.at[0])
                pltpu.sync_copy(rows_v.at[0],
                                out_hbm.at[pl.ds(c * N + r0, ZCH)])

    return body(h, T, src, dst)



BNH = 2000
BE = 8000
BNF = 2000


def _h_body(nf_ref, w_ref, o_ref):
    o_ref[...] = jnp.dot(nf_ref[...], w_ref[...], preferred_element_type=jnp.float32)


def _h_call(nf, W1s):
    return pl.pallas_call(
        _h_body,
        grid=(N // BNH,),
        in_specs=[
            pl.BlockSpec((BNH, D), lambda i: (i, 0)),
            pl.BlockSpec((D, D), lambda i: (0, 0)),
        ],
        out_specs=pl.BlockSpec((BNH, D), lambda i: (i, 0)),
        out_shape=jax.ShapeDtypeStruct((N, D), jnp.float32),
    )(nf, W1s)


def _t_body(ee_ref, ea_ref, wm1_ref, r_ref, q_ref, wlo_ref, whi_ref, o_ref):
    hm = jnp.dot(ee_ref[...], wm1_ref[...], preferred_element_type=jnp.float32)
    hm = jax.nn.silu(hm)
    hm2 = jnp.dot(hm, r_ref[...], preferred_element_type=jnp.float32)
    ea2 = jnp.dot(ea_ref[...], q_ref[...], preferred_element_type=jnp.float32)
    M = hm2 * ea2
    lo_f = jnp.dot(M, wlo_ref[...], preferred_element_type=jnp.float32)
    hi_f = jnp.dot(M, whi_ref[...], preferred_element_type=jnp.float32)
    v_lo = jax.lax.bitcast_convert_type(lo_f, jnp.uint32)
    v_hi = jax.lax.bitcast_convert_type(hi_f, jnp.uint32)
    rne_lo = v_lo + jnp.uint32(0x7FFF) + ((v_lo >> 16) & jnp.uint32(1))
    rne_hi = v_hi + jnp.uint32(0x7FFF) + ((v_hi >> 16) & jnp.uint32(1))
    w = (rne_lo >> 16) | (rne_hi & jnp.uint32(0xFFFF0000))
    o_ref[...] = jax.lax.bitcast_convert_type(w, jnp.int32)


def _t_call(ee, ea, Wm1s, Wbig):
    R = jnp.kron(jnp.eye(H, dtype=jnp.float32), jnp.ones((1, DE), jnp.float32))
    Q = jnp.kron(jnp.ones((1, H), jnp.float32), jnp.eye(DE, dtype=jnp.float32))
    Wb4 = Wbig.reshape(H * DE, D // 32, 2, 16)
    Wlo = Wb4[:, :, 0, :].reshape(H * DE, D // 2)
    Whi = Wb4[:, :, 1, :].reshape(H * DE, D // 2)
    return pl.pallas_call(
        _t_body,
        grid=(E // BE,),
        in_specs=[
            pl.BlockSpec((BE, DR), lambda i: (i, 0)),
            pl.BlockSpec((BE, DE), lambda i: (i, 0)),
            pl.BlockSpec((DR, H), lambda i: (0, 0)),
            pl.BlockSpec((H, H * DE), lambda i: (0, 0)),
            pl.BlockSpec((DE, H * DE), lambda i: (0, 0)),
            pl.BlockSpec((H * DE, D // 2), lambda i: (0, 0)),
            pl.BlockSpec((H * DE, D // 2), lambda i: (0, 0)),
        ],
        out_specs=pl.BlockSpec((BE, D // 2), lambda i: (i, 0)),
        out_shape=jax.ShapeDtypeStruct((E, D // 2), jnp.int32),
    )(ee, ea, Wm1s, R, Q, Wlo, Whi)


def _final_body(pa_ref, pb_ref, nf_ref, na_ref, w2_ref, wsc_ref, o_ref):
    agg = pa_ref[...] + pb_ref[...]
    m = jnp.dot(agg, w2_ref[...], preferred_element_type=jnp.float32)
    nf = nf_ref[...]
    t = jnp.dot(nf, wsc_ref[...], preferred_element_type=jnp.float32)
    na = na_ref[...]
    sc = na[:, 0:1] * t[:, 0:D]
    for v in range(1, DA):
        sc = sc + na[:, v:v + 1] * t[:, v * D:(v + 1) * D]
    x = m + sc
    o_ref[...] = nf + jax.nn.silu(x)


def _final_call(part, nf, na, W2s, Wsc2):
    nb = N // BNF
    return pl.pallas_call(
        _final_body,
        grid=(nb,),
        in_specs=[
            pl.BlockSpec((BNF, D), lambda i: (i, 0)),
            pl.BlockSpec((BNF, D), lambda i: (i + nb, 0)),
            pl.BlockSpec((BNF, D), lambda i: (i, 0)),
            pl.BlockSpec((BNF, DA), lambda i: (i, 0)),
            pl.BlockSpec((D, D), lambda i: (0, 0)),
            pl.BlockSpec((D, DA * D), lambda i: (0, 0)),
        ],
        out_specs=pl.BlockSpec((BNF, D), lambda i: (i, 0)),
        out_shape=jax.ShapeDtypeStruct((N, D), jnp.float32),
    )(part, part, nf, na, W2s, Wsc2)


def kernel(node_features, node_attrs, edge_attrs, edge_embedding, edge_index,
           W1, W_mlp1, W_mlp2, W2, W_sc):
    src = edge_index[0]
    dst = edge_index[1]

    W1s = W1 * (1.0 / math.sqrt(D))
    Wm1s = W_mlp1 * (1.0 / math.sqrt(DR))
    Wbig = (W_mlp2.reshape(H, D, DE).transpose(0, 2, 1).reshape(H * DE, D)
            * (1.0 / math.sqrt(H * DE * AVG_NEIGH)))
    W2s = W2 * (1.0 / math.sqrt(D))
    Wsc2 = W_sc.reshape(D, DA * D) * (1.0 / math.sqrt(D * DA))

    h = _h_call(node_features, W1s)
    T = _t_call(edge_embedding, edge_attrs, Wm1s, Wbig)
    part = _sc_message_passing(h, T, src, dst)
    return _final_call(part, node_features, node_attrs, W2s, Wsc2)

# --- scband reference (transcript-rebuilt; emitter-appended) ---
"""Pipeline reference for scband-point-conv-message-passing-34291018891266 (READ-ONLY COPY).

The authoritative reference and input builder live on the scoring server;
editing this copy changes nothing except your own understanding.
"""

import jax, jax.numpy as jnp
import numpy as np

N = 10000
E = 320000
D = 128   # node feature dim (128x0e)
DA = 16   # node attrs dim (16x0e)
DE = 4    # edge attrs dim (4x0e)
DR = 8    # edge embedding dim (8x0e)
H = 8     # radial MLP hidden size
AVG_NEIGH = 32.0


def setup_inputs(seed: int = 0) -> dict:
    key = jax.random.key(seed)
    ks = jax.random.split(key, 10)
    node_features = jax.random.normal(ks[0], (N, D), dtype=jnp.float32)
    node_attrs = jax.random.normal(ks[1], (N, DA), dtype=jnp.float32)
    edge_attrs = jax.random.normal(ks[2], (E, DE), dtype=jnp.float32)
    edge_embedding = jax.random.uniform(ks[3], (E, DR), dtype=jnp.float32)
    edge_index = jax.random.randint(ks[4], (2, E), 0, N, dtype=jnp.int32)
    # learned parameters (scalar-irreps instantiation)
    W1 = jax.random.normal(ks[5], (D, D), dtype=jnp.float32)        # linear_1 (e3nn Linear on 128x0e)
    W_mlp1 = jax.random.normal(ks[6], (DR, H), dtype=jnp.float32)   # radial MLP layer 1
    W_mlp2 = jax.random.normal(ks[7], (H, D * DE), dtype=jnp.float32)  # radial MLP -> tp weights (uvu paths)
    W2 = jax.random.normal(ks[8], (D, D), dtype=jnp.float32)        # linear_2
    W_sc = jax.random.normal(ks[9], (D, DA, D), dtype=jnp.float32)  # self-connection FullyConnectedTensorProduct
    return {
        "node_features": node_features,
        "node_attrs": node_attrs,
        "edge_attrs": edge_attrs,
        "edge_embedding": edge_embedding,
        "edge_index": edge_index,
        "W1": W1,
        "W_mlp1": W_mlp1,
        "W_mlp2": W_mlp2,
        "W2": W2,
        "W_sc": W_sc,
    }


def reference(node_features, node_attrs, edge_attrs, edge_embedding, edge_index,
              W1, W_mlp1, W_mlp2, W2, W_sc):
    src = edge_index[0]
    dst = edge_index[1]
    # --- PointConvMessage ---
    # linear_1 (e3nn Linear on 128x0e: dense matmul with 1/sqrt(fan_in) normalization)
    h = node_features @ W1 / jnp.sqrt(float(D))
    # gather source node features per edge
    x_e = jnp.take(h, src, axis=0)  # [E, D]
    # radial MLP on edge embedding producing per-edge tp weights (FullyConnectedNet, no bias)
    hmlp = jax.nn.silu(edge_embedding @ W_mlp1 / jnp.sqrt(float(DR)))
    tp_w = (hmlp @ W_mlp2 / jnp.sqrt(float(H))).reshape(E, D, DE)
    # UVU tensor product (all-scalar irreps): out[e,u] = sum_v w[e,u,v] * x[e,u] * y[e,v]
    msg = jnp.einsum('euv,eu,ev->eu', tp_w, x_e, edge_attrs) / jnp.sqrt(float(DE))
    # --- PointConvUpdate ---
    # scatter_add messages to destination nodes
    agg = jax.ops.segment_sum(msg, dst, num_segments=N)  # [N, D]
    agg = agg / jnp.sqrt(AVG_NEIGH)
    m = agg @ W2 / jnp.sqrt(float(D))
    # self connection: FullyConnectedTensorProduct(128x0e, 16x0e -> 128x0e)
    sc = jnp.einsum('nu,nv,uvw->nw', node_features, node_attrs, W_sc) / jnp.sqrt(float(D * DA))
    x = m + sc
    # --- equivariant nonlinearity (gate on all-scalar irreps reduces to silu) ---
    x = jax.nn.silu(x)
    # --- resnet (irreps_after_act == node_feats_irreps_in) ---
    return node_features + x

if __name__ == "__main__":
    import jax
    _d = setup_inputs()
    print(jax.jit(kernel)(*tuple(_d.values())))

</pallas_src>

<mosaic_0001>
#map = affine_map<(d0, d1) -> (0, 0)>
#map1 = affine_map<(d0, d1) -> (0)>
module attributes {stable_mosaic.version = 14 : i64} {
  func.func @body(%arg0: i32, %arg1: i32, %arg2: memref<10000x128xf32, #tpu.memory_space<hbm>>, %arg3: memref<320000x64xi32, #tpu.memory_space<hbm>>, %arg4: memref<320000xi32, #tpu.memory_space<hbm>>, %arg5: memref<320000xi32, #tpu.memory_space<hbm>>, %arg6: memref<20000x128xf32, #tpu.memory_space<hbm>>, %arg7: memref<2x80xi32, #tpu.memory_space<vmem>>, %arg8: memref<4x80xi32, #tpu.memory_space<vmem>>, %arg9: memref<2x80x64xi32, #tpu.memory_space<vmem>>, %arg10: memref<2x80x128xf32, #tpu.memory_space<vmem>>, %arg11: memref<10000x128xf32, #tpu.memory_space<vmem_shared>>, %arg12: memref<!tpu.dma_semaphore, #tpu.memory_space<semaphore_mem>>, %arg13: memref<!tpu.dma_semaphore, #tpu.memory_space<semaphore_mem>>, %arg14: memref<!tpu.dma_semaphore, #tpu.memory_space<semaphore_mem>>) attributes {dimension_semantics = [#tpu.dimension_semantics<core_parallel>, #tpu.dimension_semantics<subcore_parallel>], iteration_bounds = array<i64: 2, 16>, scalar_prefetch = 0 : i64, scratch_operands = 8 : i64, tpu.core_type = #tpu.core_type<sc_vector_subcore>, window_params = [{transform_indices = #map}, {transform_indices = #map}, {transform_indices = #map1}, {transform_indices = #map1}, {transform_indices = #map}]} {
    %mul3A = arith.constant 2 : i32
    %mul3A_0 = arith.muli %arg1, %mul3A : i32
    %add3A = arith.addi %mul3A_0, %arg0 : i32
    %mul3A_1 = arith.constant 10000 : i32
    %mul3A_2 = arith.muli %add3A, %mul3A_1 : i32
    %scan3A = arith.constant 0 : i32
    %scan3A_3 = arith.constant 0 : i32
    %scan3A_4 = arith.constant 80 : i32
    %scan3A_5 = arith.addi %scan3A_3, %scan3A_4 : i32
    %scan3A_6 = arith.constant 1 : i32
    scf.for %scan3A_330 = %scan3A_3 to %scan3A_5 step %scan3A_6  : i32 {
      %broadcast_in_dim3A = arith.constant 0.000000e+00 : f32
      %broadcast_in_dim3A_331 = vector.broadcast %broadcast_in_dim3A : f32 to vector<16xf32>
      %swap3A = arith.constant 0 : i32
      %swap3A_332 = arith.index_cast %swap3A : i32 to index
      %swap3A_333 = arith.index_cast %scan3A_330 : i32 to index
      %swap3A_334 = arith.constant 0 : index
      %swap3A_335 = tpu.vector_load %arg10[%swap3A_332, %swap3A_333, %swap3A_334] {strides = array<i32>} : memref<2x80x128xf32, #tpu.memory_space<vmem>>, vector<1x1x16xf32>,
      %swap3A_336 = vector.shape_cast %swap3A_335 : vector<1x1x16xf32> to vector<16xf32>
      %swap3A_337 = vector.shape_cast %broadcast_in_dim3A_331 : vector<16xf32> to vector<1x1x16xf32>
      tpu.vector_store %arg10[%swap3A_332, %swap3A_333, %swap3A_334], %swap3A_337 {strides = array<i32>} : memref<2x80x128xf32, #tpu.memory_space<vmem>>, vector<1x1x16xf32>,
      %broadcast_in_dim3A_338 = arith.constant 0.000000e+00 : f32
      %broadcast_in_dim3A_339 = vector.broadcast %broadcast_in_dim3A_338 : f32 to vector<16xf32>
      %swap3A_340 = arith.constant 0 : i32
      %swap3A_341 = arith.index_cast %swap3A_340 : i32 to index
      %swap3A_342 = arith.index_cast %scan3A_330 : i32 to index
      %swap3A_343 = arith.constant 16 : index
      %swap3A_344 = tpu.vector_load %arg10[%swap3A_341, %swap3A_342, %swap3A_343] {strides = array<i32>} : memref<2x80x128xf32, #tpu.memory_space<vmem>>, vector<1x1x16xf32>,
      %swap3A_345 = vector.shape_cast %swap3A_344 : vector<1x1x16xf32> to vector<16xf32>
      %swap3A_346 = vector.shape_cast %broadcast_in_dim3A_339 : vector<16xf32> to vector<1x1x16xf32>
      tpu.vector_store %arg10[%swap3A_341, %swap3A_342, %swap3A_343], %swap3A_346 {strides = array<i32>} : memref<2x80x128xf32, #tpu.memory_space<vmem>>, vector<1x1x16xf32>,
      %broadcast_in_dim3A_347 = arith.constant 0.000000e+00 : f32
      %broadcast_in_dim3A_348 = vector.broadcast %broadcast_in_dim3A_347 : f32 to vector<16xf32>
      %swap3A_349 = arith.constant 0 : i32
      %swap3A_350 = arith.index_cast %swap3A_349 : i32 to index
      %swap3A_351 = arith.index_cast %scan3A_330 : i32 to index
      %swap3A_352 = arith.constant 32 : index
      %swap3A_353 = tpu.vector_load %arg10[%swap3A_350, %swap3A_351, %swap3A_352] {strides = array<i32>} : memref<2x80x128xf32, #tpu.memory_space<vmem>>, vector<1x1x16xf32>,
      %swap3A_354 = vector.shape_cast %swap3A_353 : vector<1x1x16xf32> to vector<16xf32>
      %swap3A_355 = vector.shape_cast %broadcast_in_dim3A_348 : vector<16xf32> to vector<1x1x16xf32>
      tpu.vector_store %arg10[%swap3A_350, %swap3A_351, %swap3A_352], %swap3A_355 {strides = array<i32>} : memref<2x80x128xf32, #tpu.memory_space<vmem>>, vector<1x1x16xf32>,
      %broadcast_in_dim3A_356 = arith.constant 0.000000e+00 : f32
      %broadcast_in_dim3A_357 = vector.broadcast %broadcast_in_dim3A_356 : f32 to vector<16xf32>
      %swap3A_358 = arith.constant 0 : i32
      %swap3A_359 = arith.index_cast %swap3A_358 : i32 to index
      %swap3A_360 = arith.index_cast %scan3A_330 : i32 to index
      %swap3A_361 = arith.constant 48 : index
      %swap3A_362 = tpu.vector_load %arg10[%swap3A_359, %swap3A_360, %swap3A_361] {strides = array<i32>} : memref<2x80x128xf32, #tpu.memory_space<vmem>>, vector<1x1x16xf32>,
      %swap3A_363 = vector.shape_cast %swap3A_362 : vector<1x1x16xf32> to vector<16xf32>
      %swap3A_364 = vector.shape_cast %broadcast_in_dim3A_357 : vector<16xf32> to vector<1x1x16xf32>
      tpu.vector_store %arg10[%swap3A_359, %swap3A_360, %swap3A_361], %swap3A_364 {strides = array<i32>} : memref<2x80x128xf32, #tpu.memory_space<vmem>>, vector<1x1x16xf32>,
      %broadcast_in_dim3A_365 = arith.constant 0.000000e+00 : f32
      %broadcast_in_dim3A_366 = vector.broadcast %broadcast_in_dim3A_365 : f32 to vector<16xf32>
      %swap3A_367 = arith.constant 0 : i32
      %swap3A_368 = arith.index_cast %swap3A_367 : i32 to index
      %swap3A_369 = arith.index_cast %scan3A_330 : i32 to index
      %swap3A_370 = arith.constant 64 : index
      %swap3A_371 = tpu.vector_load %arg10[%swap3A_368, %swap3A_369, %swap3A_370] {strides = array<i32>} : memref<2x80x128xf32, #tpu.memory_space<vmem>>, vector<1x1x16xf32>,
      %swap3A_372 = vector.shape_cast %swap3A_371 : vector<1x1x16xf32> to vector<16xf32>
      %swap3A_373 = vector.shape_cast %broadcast_in_dim3A_366 : vector<16xf32> to vector<1x1x16xf32>
      tpu.vector_store %arg10[%swap3A_368, %swap3A_369, %swap3A_370], %swap3A_373 {strides = array<i32>} : memref<2x80x128xf32, #tpu.memory_space<vmem>>, vector<1x1x16xf32>,
      %broadcast_in_dim3A_374 = arith.constant 0.000000e+00 : f32
      %broadcast_in_dim3A_375 = vector.broadcast %broadcast_in_dim3A_374 : f32 to vector<16xf32>
      %swap3A_376 = arith.constant 0 : i32
      %swap3A_377 = arith.index_cast %swap3A_376 : i32 to index
      %swap3A_378 = arith.index_cast %scan3A_330 : i32 to index
      %swap3A_379 = arith.constant 80 : index
      %swap3A_380 = tpu.vector_load %arg10[%swap3A_377, %swap3A_378, %swap3A_379] {strides = array<i32>} : memref<2x80x128xf32, #tpu.memory_space<vmem>>, vector<1x1x16xf32>,
      %swap3A_381 = vector.shape_cast %swap3A_380 : vector<1x1x16xf32> to vector<16xf32>
      %swap3A_382 = vector.shape_cast %broadcast_in_dim3A_375 : vector<16xf32> to vector<1x1x16xf32>
      tpu.vector_store %arg10[%swap3A_377, %swap3A_378, %swap3A_379], %swap3A_382 {strides = array<i32>} : memref<2x80x128xf32, #tpu.memory_space<vmem>>, vector<1x1x16xf32>,
      %broadcast_in_dim3A_383 = arith.constant 0.000000e+00 : f32
      %broadcast_in_dim3A_384 = vector.broadcast %broadcast_in_dim3A_383 : f32 to vector<16xf32>
      %swap3A_385 = arith.constant 0 : i32
      %swap3A_386 = arith.index_cast %swap3A_385 : i32 to index
      %swap3A_387 = arith.index_cast %scan3A_330 : i32 to index
      %swap3A_388 = arith.constant 96 : index
      %swap3A_389 = tpu.vector_load %arg10[%swap3A_386, %swap3A_387, %swap3A_388] {strides = array<i32>} : memref<2x80x128xf32, #tpu.memory_space<vmem>>, vector<1x1x16xf32>,
      %swap3A_390 = vector.shape_cast %swap3A_389 : vector<1x1x16xf32> to vector<16xf32>
      %swap3A_391 = vector.shape_cast %broadcast_in_dim3A_384 : vector<16xf32> to vector<1x1x16xf32>
      tpu.vector_store %arg10[%swap3A_386, %swap3A_387, %swap3A_388], %swap3A_391 {strides = array<i32>} : memref<2x80x128xf32, #tpu.memory_space<vmem>>, vector<1x1x16xf32>,
      %broadcast_in_dim3A_392 = arith.constant 0.000000e+00 : f32
      %broadcast_in_dim3A_393 = vector.broadcast %broadcast_in_dim3A_392 : f32 to vector<16xf32>
      %swap3A_394 = arith.constant 0 : i32
      %swap3A_395 = arith.index_cast %swap3A_394 : i32 to index
      %swap3A_396 = arith.index_cast %scan3A_330 : i32 to index
      %swap3A_397 = arith.constant 112 : index
      %swap3A_398 = tpu.vector_load %arg10[%swap3A_395, %swap3A_396, %swap3A_397] {strides = array<i32>} : memref<2x80x128xf32, #tpu.memory_space<vmem>>, vector<1x1x16xf32>,
      %swap3A_399 = vector.shape_cast %swap3A_398 : vector<1x1x16xf32> to vector<16xf32>
      %swap3A_400 = vector.shape_cast %broadcast_in_dim3A_393 : vector<16xf32> to vector<1x1x16xf32>
      tpu.vector_store %arg10[%swap3A_395, %swap3A_396, %swap3A_397], %swap3A_400 {strides = array<i32>} : memref<2x80x128xf32, #tpu.memory_space<vmem>>, vector<1x1x16xf32>,
    }
    %scan3A_7 = arith.constant 80 : i32
    %add3A_8 = arith.constant 0 : i32
    %add3A_9 = arith.addi %arg1, %add3A_8 : i32
    %lt3A = arith.constant 125 : i32
    %lt3A_10 = arith.cmpi slt, %add3A_9, %lt3A : i32
    %convert_element_type3A = arith.extui %lt3A_10 : i1 to i32
    %cond3A = arith.constant 0 : i32
    %cond3A_11 = arith.cmpi ne, %convert_element_type3A, %cond3A : i32
    scf.if %cond3A_11 {
      %mul3A_330 = arith.constant 80 : i32
      %mul3A_331 = arith.muli %add3A_9, %mul3A_330 : i32
      %run_scoped3A_332 = arith.constant 0 : i32
      "tpu.region"() ({
        %run_scoped3A_333 = tpu.sem_alloc : memref<!tpu.dma_semaphore, #tpu.memory_space<semaphore_mem>>
        %dma_start3A_334 = arith.constant 0 : i32
        %dma_start3A_335 = arith.constant 0 : i32
        %dma_start3A_336 = tpu.memref_slice %arg10[%run_scoped3A_332, %dma_start3A_334, %dma_start3A_335] : memref<2x80x128xf32, #tpu.memory_space<vmem>> -> memref<1x80x128xf32, #tpu.memory_space<vmem>>
        %dma_start3A_337 = tpu.memref_squeeze %dma_start3A_336 : memref<1x80x128xf32, #tpu.memory_space<vmem>> -> memref<80x128xf32, #tpu.memory_space<vmem>>
        %dma_start3A_338 = arith.constant 0 : i32
        %dma_start3A_339 = tpu.memref_slice %arg11[%mul3A_331, %dma_start3A_338] : memref<10000x128xf32, #tpu.memory_space<vmem_shared>> -> memref<80x128xf32, #tpu.memory_space<vmem_shared>>
        %dma_start3A_340 = arith.constant 0 : i32
        %dma_start3A_341 = tpu.memref_slice %arg11[%mul3A_331, %dma_start3A_340] : memref<10000x128xf32, #tpu.memory_space<vmem_shared>> -> memref<80x128xf32, #tpu.memory_space<vmem_shared>>
        %dma_start3A_342 = arith.constant 0 : i32
        %dma_start3A_343 = arith.constant 0 : i32
        %dma_start3A_344 = tpu.memref_slice %arg10[%run_scoped3A_332, %dma_start3A_342, %dma_start3A_343] : memref<2x80x128xf32, #tpu.memory_space<vmem>> -> memref<1x80x128xf32, #tpu.memory_space<vmem>>
        %dma_start3A_345 = tpu.memref_squeeze %dma_start3A_344 : memref<1x80x128xf32, #tpu.memory_space<vmem>> -> memref<80x128xf32, #tpu.memory_space<vmem>>
        tpu.enqueue_dma source(%dma_start3A_345 : memref<80x128xf32, #tpu.memory_space<vmem>>) target(%dma_start3A_341 : memref<80x128xf32, #tpu.memory_space<vmem_shared>>) target_semaphore(%run_scoped3A_333 : memref<!tpu.dma_semaphore, #tpu.memory_space<semaphore_mem>>)
        %dma_wait3A_346 = arith.constant 0 : i32
        %dma_wait3A_347 = arith.constant 0 : i32
        %dma_wait3A_348 = tpu.memref_slice %arg10[%run_scoped3A_332, %dma_wait3A_346, %dma_wait3A_347] : memref<2x80x128xf32, #tpu.memory_space<vmem>> -> memref<1x80x128xf32, #tpu.memory_space<vmem>>
        %dma_wait3A_349 = tpu.memref_squeeze %dma_wait3A_348 : memref<1x80x128xf32, #tpu.memory_space<vmem>> -> memref<80x128xf32, #tpu.memory_space<vmem>>
        %dma_wait3A_350 = arith.constant 0 : i32
        %dma_wait3A_351 = tpu.memref_slice %arg11[%mul3A_331, %dma_wait3A_350] : memref<10000x128xf32, #tpu.memory_space<vmem_shared>> -> memref<80x128xf32, #tpu.memory_space<vmem_shared>>
        %dma_wait3A_352 = arith.constant 0 : i32
        %dma_wait3A_353 = tpu.memref_slice %arg11[%mul3A_331, %dma_wait3A_352] : memref<10000x128xf32, #tpu.memory_space<vmem_shared>> -> memref<80x128xf32, #tpu.memory_space<vmem_shared>>
        %dma_wait3A_354 = arith.constant 0 : i32
        %dma_wait3A_355 = arith.constant 0 : i32
        %dma_wait3A_356 = tpu.memref_slice %arg10[%run_scoped3A_332, %dma_wait3A_354, %dma_wait3A_355] : memref<2x80x128xf32, #tpu.memory_space<vmem>> -> memref<1x80x128xf32, #tpu.memory_space<vmem>>
        %dma_wait3A_357 = tpu.memref_squeeze %dma_wait3A_356 : memref<1x80x128xf32, #tpu.memory_space<vmem>> -> memref<80x128xf32, #tpu.memory_space<vmem>>
        tpu.wait_dma2 semaphore(%run_scoped3A_333 : memref<!tpu.dma_semaphore, #tpu.memory_space<semaphore_mem>>) src(%dma_wait3A_357 : memref<80x128xf32, #tpu.memory_space<vmem>>) dst(%dma_wait3A_353 : memref<80x128xf32, #tpu.memory_space<vmem_shared>>)
        tpu.yield
      }) : () -> ()
    } else {
    }
    %add3A_12 = arith.constant 16 : i32
    %add3A_13 = arith.addi %arg1, %add3A_12 : i32
    %lt3A_14 = arith.constant 125 : i32
    %lt3A_15 = arith.cmpi slt, %add3A_13, %lt3A_14 : i32
    %convert_element_type3A_16 = arith.extui %lt3A_15 : i1 to i32
    %cond3A_17 = arith.constant 0 : i32
    %cond3A_18 = arith.cmpi ne, %convert_element_type3A_16, %cond3A_17 : i32
    scf.if %cond3A_18 {
      %mul3A_330 = arith.constant 80 : i32
      %mul3A_331 = arith.muli %add3A_13, %mul3A_330 : i32
      %run_scoped3A_332 = arith.constant 0 : i32
      "tpu.region"() ({
        %run_scoped3A_333 = tpu.sem_alloc : memref<!tpu.dma_semaphore, #tpu.memory_space<semaphore_mem>>
        %dma_start3A_334 = arith.constant 0 : i32
        %dma_start3A_335 = arith.constant 0 : i32
        %dma_start3A_336 = tpu.memref_slice %arg10[%run_scoped3A_332, %dma_start3A_334, %dma_start3A_335] : memref<2x80x128xf32, #tpu.memory_space<vmem>> -> memref<1x80x128xf32, #tpu.memory_space<vmem>>
        %dma_start3A_337 = tpu.memref_squeeze %dma_start3A_336 : memref<1x80x128xf32, #tpu.memory_space<vmem>> -> memref<80x128xf32, #tpu.memory_space<vmem>>
        %dma_start3A_338 = arith.constant 0 : i32
        %dma_start3A_339 = tpu.memref_slice %arg11[%mul3A_331, %dma_start3A_338] : memref<10000x128xf32, #tpu.memory_space<vmem_shared>> -> memref<80x128xf32, #tpu.memory_space<vmem_shared>>
        %dma_start3A_340 = arith.constant 0 : i32
        %dma_start3A_341 = tpu.memref_slice %arg11[%mul3A_331, %dma_start3A_340] : memref<10000x128xf32, #tpu.memory_space<vmem_shared>> -> memref<80x128xf32, #tpu.memory_space<vmem_shared>>
        %dma_start3A_342 = arith.constant 0 : i32
        %dma_start3A_343 = arith.constant 0 : i32
        %dma_start3A_344 = tpu.memref_slice %arg10[%run_scoped3A_332, %dma_start3A_342, %dma_start3A_343] : memref<2x80x128xf32, #tpu.memory_space<vmem>> -> memref<1x80x128xf32, #tpu.memory_space<vmem>>
        %dma_start3A_345 = tpu.memref_squeeze %dma_start3A_344 : memref<1x80x128xf32, #tpu.memory_space<vmem>> -> memref<80x128xf32, #tpu.memory_space<vmem>>
        tpu.enqueue_dma source(%dma_start3A_345 : memref<80x128xf32, #tpu.memory_space<vmem>>) target(%dma_start3A_341 : memref<80x128xf32, #tpu.memory_space<vmem_shared>>) target_semaphore(%run_scoped3A_333 : memref<!tpu.dma_semaphore, #tpu.memory_space<semaphore_mem>>)
        %dma_wait3A_346 = arith.constant 0 : i32
        %dma_wait3A_347 = arith.constant 0 : i32
        %dma_wait3A_348 = tpu.memref_slice %arg10[%run_scoped3A_332, %dma_wait3A_346, %dma_wait3A_347] : memref<2x80x128xf32, #tpu.memory_space<vmem>> -> memref<1x80x128xf32, #tpu.memory_space<vmem>>
        %dma_wait3A_349 = tpu.memref_squeeze %dma_wait3A_348 : memref<1x80x128xf32, #tpu.memory_space<vmem>> -> memref<80x128xf32, #tpu.memory_space<vmem>>
        %dma_wait3A_350 = arith.constant 0 : i32
        %dma_wait3A_351 = tpu.memref_slice %arg11[%mul3A_331, %dma_wait3A_350] : memref<10000x128xf32, #tpu.memory_space<vmem_shared>> -> memref<80x128xf32, #tpu.memory_space<vmem_shared>>
        %dma_wait3A_352 = arith.constant 0 : i32
        %dma_wait3A_353 = tpu.memref_slice %arg11[%mul3A_331, %dma_wait3A_352] : memref<10000x128xf32, #tpu.memory_space<vmem_shared>> -> memref<80x128xf32, #tpu.memory_space<vmem_shared>>
        %dma_wait3A_354 = arith.constant 0 : i32
        %dma_wait3A_355 = arith.constant 0 : i32
        %dma_wait3A_356 = tpu.memref_slice %arg10[%run_scoped3A_332, %dma_wait3A_354, %dma_wait3A_355] : memref<2x80x128xf32, #tpu.memory_space<vmem>> -> memref<1x80x128xf32, #tpu.memory_space<vmem>>
        %dma_wait3A_357 = tpu.memref_squeeze %dma_wait3A_356 : memref<1x80x128xf32, #tpu.memory_space<vmem>> -> memref<80x128xf32, #tpu.memory_space<vmem>>
        tpu.wait_dma2 semaphore(%run_scoped3A_333 : memref<!tpu.dma_semaphore, #tpu.memory_space<semaphore_mem>>) src(%dma_wait3A_357 : memref<80x128xf32, #tpu.memory_space<vmem>>) dst(%dma_wait3A_353 : memref<80x128xf32, #tpu.memory_space<vmem_shared>>)
        tpu.yield
      }) : () -> ()
    } else {
    }
    %add3A_19 = arith.constant 32 : i32
    %add3A_20 = arith.addi %arg1, %add3A_19 : i32
    %lt3A_21 = arith.constant 125 : i32
    %lt3A_22 = arith.cmpi slt, %add3A_20, %lt3A_21 : i32
    %convert_element_type3A_23 = arith.extui %lt3A_22 : i1 to i32
    %cond3A_24 = arith.constant 0 : i32
    %cond3A_25 = arith.cmpi ne, %convert_element_type3A_23, %cond3A_24 : i32
    scf.if %cond3A_25 {
      %mul3A_330 = arith.constant 80 : i32
      %mul3A_331 = arith.muli %add3A_20, %mul3A_330 : i32
      %run_scoped3A_332 = arith.constant 0 : i32
      "tpu.region"() ({
        %run_scoped3A_333 = tpu.sem_alloc : memref<!tpu.dma_semaphore, #tpu.memory_space<semaphore_mem>>
        %dma_start3A_334 = arith.constant 0 : i32
        %dma_start3A_335 = arith.constant 0 : i32
        %dma_start3A_336 = tpu.memref_slice %arg10[%run_scoped3A_332, %dma_start3A_334, %dma_start3A_335] : memref<2x80x128xf32, #tpu.memory_space<vmem>> -> memref<1x80x128xf32, #tpu.memory_space<vmem>>
        %dma_start3A_337 = tpu.memref_squeeze %dma_start3A_336 : memref<1x80x128xf32, #tpu.memory_space<vmem>> -> memref<80x128xf32, #tpu.memory_space<vmem>>
        %dma_start3A_338 = arith.constant 0 : i32
        %dma_start3A_339 = tpu.memref_slice %arg11[%mul3A_331, %dma_start3A_338] : memref<10000x128xf32, #tpu.memory_space<vmem_shared>> -> memref<80x128xf32, #tpu.memory_space<vmem_shared>>
        %dma_start3A_340 = arith.constant 0 : i32
        %dma_start3A_341 = tpu.memref_slice %arg11[%mul3A_331, %dma_start3A_340] : memref<10000x128xf32, #tpu.memory_space<vmem_shared>> -> memref<80x128xf32, #tpu.memory_space<vmem_shared>>
        %dma_start3A_342 = arith.constant 0 : i32
        %dma_start3A_343 = arith.constant 0 : i32
        %dma_start3A_344 = tpu.memref_slice %arg10[%run_scoped3A_332, %dma_start3A_342, %dma_start3A_343] : memref<2x80x128xf32, #tpu.memory_space<vmem>> -> memref<1x80x128xf32, #tpu.memory_space<vmem>>
        %dma_start3A_345 = tpu.memref_squeeze %dma_start3A_344 : memref<1x80x128xf32, #tpu.memory_space<vmem>> -> memref<80x128xf32, #tpu.memory_space<vmem>>
        tpu.enqueue_dma source(%dma_start3A_345 : memref<80x128xf32, #tpu.memory_space<vmem>>) target(%dma_start3A_341 : memref<80x128xf32, #tpu.memory_space<vmem_shared>>) target_semaphore(%run_scoped3A_333 : memref<!tpu.dma_semaphore, #tpu.memory_space<semaphore_mem>>)
        %dma_wait3A_346 = arith.constant 0 : i32
        %dma_wait3A_347 = arith.constant 0 : i32
        %dma_wait3A_348 = tpu.memref_slice %arg10[%run_scoped3A_332, %dma_wait3A_346, %dma_wait3A_347] : memref<2x80x128xf32, #tpu.memory_space<vmem>> -> memref<1x80x128xf32, #tpu.memory_space<vmem>>
        %dma_wait3A_349 = tpu.memref_squeeze %dma_wait3A_348 : memref<1x80x128xf32, #tpu.memory_space<vmem>> -> memref<80x128xf32, #tpu.memory_space<vmem>>
        %dma_wait3A_350 = arith.constant 0 : i32
        %dma_wait3A_351 = tpu.memref_slice %arg11[%mul3A_331, %dma_wait3A_350] : memref<10000x128xf32, #tpu.memory_space<vmem_shared>> -> memref<80x128xf32, #tpu.memory_space<vmem_shared>>
        %dma_wait3A_352 = arith.constant 0 : i32
        %dma_wait3A_353 = tpu.memref_slice %arg11[%mul3A_331, %dma_wait3A_352] : memref<10000x128xf32, #tpu.memory_space<vmem_shared>> -> memref<80x128xf32, #tpu.memory_space<vmem_shared>>
        %dma_wait3A_354 = arith.constant 0 : i32
        %dma_wait3A_355 = arith.constant 0 : i32
        %dma_wait3A_356 = tpu.memref_slice %arg10[%run_scoped3A_332, %dma_wait3A_354, %dma_wait3A_355] : memref<2x80x128xf32, #tpu.memory_space<vmem>> -> memref<1x80x128xf32, #tpu.memory_space<vmem>>
        %dma_wait3A_357 = tpu.memref_squeeze %dma_wait3A_356 : memref<1x80x128xf32, #tpu.memory_space<vmem>> -> memref<80x128xf32, #tpu.memory_space<vmem>>
        tpu.wait_dma2 semaphore(%run_scoped3A_333 : memref<!tpu.dma_semaphore, #tpu.memory_space<semaphore_mem>>) src(%dma_wait3A_357 : memref<80x128xf32, #tpu.memory_space<vmem>>) dst(%dma_wait3A_353 : memref<80x128xf32, #tpu.memory_space<vmem_shared>>)
        tpu.yield
      }) : () -> ()
    } else {
    }
    %add3A_26 = arith.constant 48 : i32
    %add3A_27 = arith.addi %arg1, %add3A_26 : i32
    %lt3A_28 = arith.constant 125 : i32
    %lt3A_29 = arith.cmpi slt, %add3A_27, %lt3A_28 : i32
    %convert_element_type3A_30 = arith.extui %lt3A_29 : i1 to i32
    %cond3A_31 = arith.constant 0 : i32
    %cond3A_32 = arith.cmpi ne, %convert_element_type3A_30, %cond3A_31 : i32
    scf.if %cond3A_32 {
      %mul3A_330 = arith.constant 80 : i32
      %mul3A_331 = arith.muli %add3A_27, %mul3A_330 : i32
      %run_scoped3A_332 = arith.constant 0 : i32
      "tpu.region"() ({
        %run_scoped3A_333 = tpu.sem_alloc : memref<!tpu.dma_semaphore, #tpu.memory_space<semaphore_mem>>
        %dma_start3A_334 = arith.constant 0 : i32
        %dma_start3A_335 = arith.constant 0 : i32
        %dma_start3A_336 = tpu.memref_slice %arg10[%run_scoped3A_332, %dma_start3A_334, %dma_start3A_335] : memref<2x80x128xf32, #tpu.memory_space<vmem>> -> memref<1x80x128xf32, #tpu.memory_space<vmem>>
        %dma_start3A_337 = tpu.memref_squeeze %dma_start3A_336 : memref<1x80x128xf32, #tpu.memory_space<vmem>> -> memref<80x128xf32, #tpu.memory_space<vmem>>
        %dma_start3A_338 = arith.constant 0 : i32
        %dma_start3A_339 = tpu.memref_slice %arg11[%mul3A_331, %dma_start3A_338] : memref<10000x128xf32, #tpu.memory_space<vmem_shared>> -> memref<80x128xf32, #tpu.memory_space<vmem_shared>>
        %dma_start3A_340 = arith.constant 0 : i32
        %dma_start3A_341 = tpu.memref_slice %arg11[%mul3A_331, %dma_start3A_340] : memref<10000x128xf32, #tpu.memory_space<vmem_shared>> -> memref<80x128xf32, #tpu.memory_space<vmem_shared>>
        %dma_start3A_342 = arith.constant 0 : i32
        %dma_start3A_343 = arith.constant 0 : i32
        %dma_start3A_344 = tpu.memref_slice %arg10[%run_scoped3A_332, %dma_start3A_342, %dma_start3A_343] : memref<2x80x128xf32, #tpu.memory_space<vmem>> -> memref<1x80x128xf32, #tpu.memory_space<vmem>>
        %dma_start3A_345 = tpu.memref_squeeze %dma_start3A_344 : memref<1x80x128xf32, #tpu.memory_space<vmem>> -> memref<80x128xf32, #tpu.memory_space<vmem>>
        tpu.enqueue_dma source(%dma_start3A_345 : memref<80x128xf32, #tpu.memory_space<vmem>>) target(%dma_start3A_341 : memref<80x128xf32, #tpu.memory_space<vmem_shared>>) target_semaphore(%run_scoped3A_333 : memref<!tpu.dma_semaphore, #tpu.memory_space<semaphore_mem>>)
        %dma_wait3A_346 = arith.constant 0 : i32
        %dma_wait3A_347 = arith.constant 0 : i32
        %dma_wait3A_348 = tpu.memref_slice %arg10[%run_scoped3A_332, %dma_wait3A_346, %dma_wait3A_347] : memref<2x80x128xf32, #tpu.memory_space<vmem>> -> memref<1x80x128xf32, #tpu.memory_space<vmem>>
        %dma_wait3A_349 = tpu.memref_squeeze %dma_wait3A_348 : memref<1x80x128xf32, #tpu.memory_space<vmem>> -> memref<80x128xf32, #tpu.memory_space<vmem>>
        %dma_wait3A_350 = arith.constant 0 : i32
        %dma_wait3A_351 = tpu.memref_slice %arg11[%mul3A_331, %dma_wait3A_350] : memref<10000x128xf32, #tpu.memory_space<vmem_shared>> -> memref<80x128xf32, #tpu.memory_space<vmem_shared>>
        %dma_wait3A_352 = arith.constant 0 : i32
        %dma_wait3A_353 = tpu.memref_slice %arg11[%mul3A_331, %dma_wait3A_352] : memref<10000x128xf32, #tpu.memory_space<vmem_shared>> -> memref<80x128xf32, #tpu.memory_space<vmem_shared>>
        %dma_wait3A_354 = arith.constant 0 : i32
        %dma_wait3A_355 = arith.constant 0 : i32
        %dma_wait3A_356 = tpu.memref_slice %arg10[%run_scoped3A_332, %dma_wait3A_354, %dma_wait3A_355] : memref<2x80x128xf32, #tpu.memory_space<vmem>> -> memref<1x80x128xf32, #tpu.memory_space<vmem>>
        %dma_wait3A_357 = tpu.memref_squeeze %dma_wait3A_356 : memref<1x80x128xf32, #tpu.memory_space<vmem>> -> memref<80x128xf32, #tpu.memory_space<vmem>>
        tpu.wait_dma2 semaphore(%run_scoped3A_333 : memref<!tpu.dma_semaphore, #tpu.memory_space<semaphore_mem>>) src(%dma_wait3A_357 : memref<80x128xf32, #tpu.memory_space<vmem>>) dst(%dma_wait3A_353 : memref<80x128xf32, #tpu.memory_space<vmem_shared>>)
        tpu.yield
      }) : () -> ()
    } else {
    }
    %add3A_33 = arith.constant 64 : i32
    %add3A_34 = arith.addi %arg1, %add3A_33 : i32
    %lt3A_35 = arith.constant 125 : i32
    %lt3A_36 = arith.cmpi slt, %add3A_34, %lt3A_35 : i32
    %convert_element_type3A_37 = arith.extui %lt3A_36 : i1 to i32
    %cond3A_38 = arith.constant 0 : i32
    %cond3A_39 = arith.cmpi ne, %convert_element_type3A_37, %cond3A_38 : i32
    scf.if %cond3A_39 {
      %mul3A_330 = arith.constant 80 : i32
      %mul3A_331 = arith.muli %add3A_34, %mul3A_330 : i32
      %run_scoped3A_332 = arith.constant 0 : i32
      "tpu.region"() ({
        %run_scoped3A_333 = tpu.sem_alloc : memref<!tpu.dma_semaphore, #tpu.memory_space<semaphore_mem>>
        %dma_start3A_334 = arith.constant 0 : i32
        %dma_start3A_335 = arith.constant 0 : i32
        %dma_start3A_336 = tpu.memref_slice %arg10[%run_scoped3A_332, %dma_start3A_334, %dma_start3A_335] : memref<2x80x128xf32, #tpu.memory_space<vmem>> -> memref<1x80x128xf32, #tpu.memory_space<vmem>>
        %dma_start3A_337 = tpu.memref_squeeze %dma_start3A_336 : memref<1x80x128xf32, #tpu.memory_space<vmem>> -> memref<80x128xf32, #tpu.memory_space<vmem>>
        %dma_start3A_338 = arith.constant 0 : i32
        %dma_start3A_339 = tpu.memref_slice %arg11[%mul3A_331, %dma_start3A_338] : memref<10000x128xf32, #tpu.memory_space<vmem_shared>> -> memref<80x128xf32, #tpu.memory_space<vmem_shared>>
        %dma_start3A_340 = arith.constant 0 : i32
        %dma_start3A_341 = tpu.memref_slice %arg11[%mul3A_331, %dma_start3A_340] : memref<10000x128xf32, #tpu.memory_space<vmem_shared>> -> memref<80x128xf32, #tpu.memory_space<vmem_shared>>
        %dma_start3A_342 = arith.constant 0 : i32
        %dma_start3A_343 = arith.constant 0 : i32
        %dma_start3A_344 = tpu.memref_slice %arg10[%run_scoped3A_332, %dma_start3A_342, %dma_start3A_343] : memref<2x80x128xf32, #tpu.memory_space<vmem>> -> memref<1x80x128xf32, #tpu.memory_space<vmem>>
        %dma_start3A_345 = tpu.memref_squeeze %dma_start3A_344 : memref<1x80x128xf32, #tpu.memory_space<vmem>> -> memref<80x128xf32, #tpu.memory_space<vmem>>
        tpu.enqueue_dma source(%dma_start3A_345 : memref<80x128xf32, #tpu.memory_space<vmem>>) target(%dma_start3A_341 : memref<80x128xf32, #tpu.memory_space<vmem_shared>>) target_semaphore(%run_scoped3A_333 : memref<!tpu.dma_semaphore, #tpu.memory_space<semaphore_mem>>)
        %dma_wait3A_346 = arith.constant 0 : i32
        %dma_wait3A_347 = arith.constant 0 : i32
        %dma_wait3A_348 = tpu.memref_slice %arg10[%run_scoped3A_332, %dma_wait3A_346, %dma_wait3A_347] : memref<2x80x128xf32, #tpu.memory_space<vmem>> -> memref<1x80x128xf32, #tpu.memory_space<vmem>>
        %dma_wait3A_349 = tpu.memref_squeeze %dma_wait3A_348 : memref<1x80x128xf32, #tpu.memory_space<vmem>> -> memref<80x128xf32, #tpu.memory_space<vmem>>
        %dma_wait3A_350 = arith.constant 0 : i32
        %dma_wait3A_351 = tpu.memref_slice %arg11[%mul3A_331, %dma_wait3A_350] : memref<10000x128xf32, #tpu.memory_space<vmem_shared>> -> memref<80x128xf32, #tpu.memory_space<vmem_shared>>
        %dma_wait3A_352 = arith.constant 0 : i32
        %dma_wait3A_353 = tpu.memref_slice %arg11[%mul3A_331, %dma_wait3A_352] : memref<10000x128xf32, #tpu.memory_space<vmem_shared>> -> memref<80x128xf32, #tpu.memory_space<vmem_shared>>
        %dma_wait3A_354 = arith.constant 0 : i32
        %dma_wait3A_355 = arith.constant 0 : i32
        %dma_wait3A_356 = tpu.memref_slice %arg10[%run_scoped3A_332, %dma_wait3A_354, %dma_wait3A_355] : memref<2x80x128xf32, #tpu.memory_space<vmem>> -> memref<1x80x128xf32, #tpu.memory_space<vmem>>
        %dma_wait3A_357 = tpu.memref_squeeze %dma_wait3A_356 : memref<1x80x128xf32, #tpu.memory_space<vmem>> -> memref<80x128xf32, #tpu.memory_space<vmem>>
        tpu.wait_dma2 semaphore(%run_scoped3A_333 : memref<!tpu.dma_semaphore, #tpu.memory_space<semaphore_mem>>) src(%dma_wait3A_357 : memref<80x128xf32, #tpu.memory_space<vmem>>) dst(%dma_wait3A_353 : memref<80x128xf32, #tpu.memory_space<vmem_shared>>)
        tpu.yield
      }) : () -> ()
    } else {
    }
    %add3A_40 = arith.constant 80 : i32
    %add3A_41 = arith.addi %arg1, %add3A_40 : i32
    %lt3A_42 = arith.constant 125 : i32
    %lt3A_43 = arith.cmpi slt, %add3A_41, %lt3A_42 : i32
    %convert_element_type3A_44 = arith.extui %lt3A_43 : i1 to i32
    %cond3A_45 = arith.constant 0 : i32
    %cond3A_46 = arith.cmpi ne, %convert_element_type3A_44, %cond3A_45 : i32
    scf.if %cond3A_46 {
      %mul3A_330 = arith.constant 80 : i32
      %mul3A_331 = arith.muli %add3A_41, %mul3A_330 : i32
      %run_scoped3A_332 = arith.constant 0 : i32
      "tpu.region"() ({
        %run_scoped3A_333 = tpu.sem_alloc : memref<!tpu.dma_semaphore, #tpu.memory_space<semaphore_mem>>
        %dma_start3A_334 = arith.constant 0 : i32
        %dma_start3A_335 = arith.constant 0 : i32
        %dma_start3A_336 = tpu.memref_slice %arg10[%run_scoped3A_332, %dma_start3A_334, %dma_start3A_335] : memref<2x80x128xf32, #tpu.memory_space<vmem>> -> memref<1x80x128xf32, #tpu.memory_space<vmem>>
        %dma_start3A_337 = tpu.memref_squeeze %dma_start3A_336 : memref<1x80x128xf32, #tpu.memory_space<vmem>> -> memref<80x128xf32, #tpu.memory_space<vmem>>
        %dma_start3A_338 = arith.constant 0 : i32
        %dma_start3A_339 = tpu.memref_slice %arg11[%mul3A_331, %dma_start3A_338] : memref<10000x128xf32, #tpu.memory_space<vmem_shared>> -> memref<80x128xf32, #tpu.memory_space<vmem_shared>>
        %dma_start3A_340 = arith.constant 0 : i32
        %dma_start3A_341 = tpu.memref_slice %arg11[%mul3A_331, %dma_start3A_340] : memref<10000x128xf32, #tpu.memory_space<vmem_shared>> -> memref<80x128xf32, #tpu.memory_space<vmem_shared>>
        %dma_start3A_342 = arith.constant 0 : i32
        %dma_start3A_343 = arith.constant 0 : i32
        %dma_start3A_344 = tpu.memref_slice %arg10[%run_scoped3A_332, %dma_start3A_342, %dma_start3A_343] : memref<2x80x128xf32, #tpu.memory_space<vmem>> -> memref<1x80x128xf32, #tpu.memory_space<vmem>>
        %dma_start3A_345 = tpu.memref_squeeze %dma_start3A_344 : memref<1x80x128xf32, #tpu.memory_space<vmem>> -> memref<80x128xf32, #tpu.memory_space<vmem>>
        tpu.enqueue_dma source(%dma_start3A_345 : memref<80x128xf32, #tpu.memory_space<vmem>>) target(%dma_start3A_341 : memref<80x128xf32, #tpu.memory_space<vmem_shared>>) target_semaphore(%run_scoped3A_333 : memref<!tpu.dma_semaphore, #tpu.memory_space<semaphore_mem>>)
        %dma_wait3A_346 = arith.constant 0 : i32
        %dma_wait3A_347 = arith.constant 0 : i32
        %dma_wait3A_348 = tpu.memref_slice %arg10[%run_scoped3A_332, %dma_wait3A_346, %dma_wait3A_347] : memref<2x80x128xf32, #tpu.memory_space<vmem>> -> memref<1x80x128xf32, #tpu.memory_space<vmem>>
        %dma_wait3A_349 = tpu.memref_squeeze %dma_wait3A_348 : memref<1x80x128xf32, #tpu.memory_space<vmem>> -> memref<80x128xf32, #tpu.memory_space<vmem>>
        %dma_wait3A_350 = arith.constant 0 : i32
        %dma_wait3A_351 = tpu.memref_slice %arg11[%mul3A_331, %dma_wait3A_350] : memref<10000x128xf32, #tpu.memory_space<vmem_shared>> -> memref<80x128xf32, #tpu.memory_space<vmem_shared>>
        %dma_wait3A_352 = arith.constant 0 : i32
        %dma_wait3A_353 = tpu.memref_slice %arg11[%mul3A_331, %dma_wait3A_352] : memref<10000x128xf32, #tpu.memory_space<vmem_shared>> -> memref<80x128xf32, #tpu.memory_space<vmem_shared>>
        %dma_wait3A_354 = arith.constant 0 : i32
        %dma_wait3A_355 = arith.constant 0 : i32
        %dma_wait3A_356 = tpu.memref_slice %arg10[%run_scoped3A_332, %dma_wait3A_354, %dma_wait3A_355] : memref<2x80x128xf32, #tpu.memory_space<vmem>> -> memref<1x80x128xf32, #tpu.memory_space<vmem>>
        %dma_wait3A_357 = tpu.memref_squeeze %dma_wait3A_356 : memref<1x80x128xf32, #tpu.memory_space<vmem>> -> memref<80x128xf32, #tpu.memory_space<vmem>>
        tpu.wait_dma2 semaphore(%run_scoped3A_333 : memref<!tpu.dma_semaphore, #tpu.memory_space<semaphore_mem>>) src(%dma_wait3A_357 : memref<80x128xf32, #tpu.memory_space<vmem>>) dst(%dma_wait3A_353 : memref<80x128xf32, #tpu.memory_space<vmem_shared>>)
        tpu.yield
      }) : () -> ()
    } else {
    }
    %add3A_47 = arith.constant 96 : i32
    %add3A_48 = arith.addi %arg1, %add3A_47 : i32
    %lt3A_49 = arith.constant 125 : i32
    %lt3A_50 = arith.cmpi slt, %add3A_48, %lt3A_49 : i32
    %convert_element_type3A_51 = arith.extui %lt3A_50 : i1 to i32
    %cond3A_52 = arith.constant 0 : i32
    %cond3A_53 = arith.cmpi ne, %convert_element_type3A_51, %cond3A_52 : i32
    scf.if %cond3A_53 {
      %mul3A_330 = arith.constant 80 : i32
      %mul3A_331 = arith.muli %add3A_48, %mul3A_330 : i32
      %run_scoped3A_332 = arith.constant 0 : i32
      "tpu.region"() ({
        %run_scoped3A_333 = tpu.sem_alloc : memref<!tpu.dma_semaphore, #tpu.memory_space<semaphore_mem>>
        %dma_start3A_334 = arith.constant 0 : i32
        %dma_start3A_335 = arith.constant 0 : i32
        %dma_start3A_336 = tpu.memref_slice %arg10[%run_scoped3A_332, %dma_start3A_334, %dma_start3A_335] : memref<2x80x128xf32, #tpu.memory_space<vmem>> -> memref<1x80x128xf32, #tpu.memory_space<vmem>>
        %dma_start3A_337 = tpu.memref_squeeze %dma_start3A_336 : memref<1x80x128xf32, #tpu.memory_space<vmem>> -> memref<80x128xf32, #tpu.memory_space<vmem>>
        %dma_start3A_338 = arith.constant 0 : i32
        %dma_start3A_339 = tpu.memref_slice %arg11[%mul3A_331, %dma_start3A_338] : memref<10000x128xf32, #tpu.memory_space<vmem_shared>> -> memref<80x128xf32, #tpu.memory_space<vmem_shared>>
        %dma_start3A_340 = arith.constant 0 : i32
        %dma_start3A_341 = tpu.memref_slice %arg11[%mul3A_331, %dma_start3A_340] : memref<10000x128xf32, #tpu.memory_space<vmem_shared>> -> memref<80x128xf32, #tpu.memory_space<vmem_shared>>
        %dma_start3A_342 = arith.constant 0 : i32
        %dma_start3A_343 = arith.constant 0 : i32
        %dma_start3A_344 = tpu.memref_slice %arg10[%run_scoped3A_332, %dma_start3A_342, %dma_start3A_343] : memref<2x80x128xf32, #tpu.memory_space<vmem>> -> memref<1x80x128xf32, #tpu.memory_space<vmem>>
        %dma_start3A_345 = tpu.memref_squeeze %dma_start3A_344 : memref<1x80x128xf32, #tpu.memory_space<vmem>> -> memref<80x128xf32, #tpu.memory_space<vmem>>
        tpu.enqueue_dma source(%dma_start3A_345 : memref<80x128xf32, #tpu.memory_space<vmem>>) target(%dma_start3A_341 : memref<80x128xf32, #tpu.memory_space<vmem_shared>>) target_semaphore(%run_scoped3A_333 : memref<!tpu.dma_semaphore, #tpu.memory_space<semaphore_mem>>)
        %dma_wait3A_346 = arith.constant 0 : i32
        %dma_wait3A_347 = arith.constant 0 : i32
        %dma_wait3A_348 = tpu.memref_slice %arg10[%run_scoped3A_332, %dma_wait3A_346, %dma_wait3A_347] : memref<2x80x128xf32, #tpu.memory_space<vmem>> -> memref<1x80x128xf32, #tpu.memory_space<vmem>>
        %dma_wait3A_349 = tpu.memref_squeeze %dma_wait3A_348 : memref<1x80x128xf32, #tpu.memory_space<vmem>> -> memref<80x128xf32, #tpu.memory_space<vmem>>
        %dma_wait3A_350 = arith.constant 0 : i32
        %dma_wait3A_351 = tpu.memref_slice %arg11[%mul3A_331, %dma_wait3A_350] : memref<10000x128xf32, #tpu.memory_space<vmem_shared>> -> memref<80x128xf32, #tpu.memory_space<vmem_shared>>
        %dma_wait3A_352 = arith.constant 0 : i32
        %dma_wait3A_353 = tpu.memref_slice %arg11[%mul3A_331, %dma_wait3A_352] : memref<10000x128xf32, #tpu.memory_space<vmem_shared>> -> memref<80x128xf32, #tpu.memory_space<vmem_shared>>
        %dma_wait3A_354 = arith.constant 0 : i32
        %dma_wait3A_355 = arith.constant 0 : i32
        %dma_wait3A_356 = tpu.memref_slice %arg10[%run_scoped3A_332, %dma_wait3A_354, %dma_wait3A_355] : memref<2x80x128xf32, #tpu.memory_space<vmem>> -> memref<1x80x128xf32, #tpu.memory_space<vmem>>
        %dma_wait3A_357 = tpu.memref_squeeze %dma_wait3A_356 : memref<1x80x128xf32, #tpu.memory_space<vmem>> -> memref<80x128xf32, #tpu.memory_space<vmem>>
        tpu.wait_dma2 semaphore(%run_scoped3A_333 : memref<!tpu.dma_semaphore, #tpu.memory_space<semaphore_mem>>) src(%dma_wait3A_357 : memref<80x128xf32, #tpu.memory_space<vmem>>) dst(%dma_wait3A_353 : memref<80x128xf32, #tpu.memory_space<vmem_shared>>)
        tpu.yield
      }) : () -> ()
    } else {
    }
    %add3A_54 = arith.constant 112 : i32
    %add3A_55 = arith.addi %arg1, %add3A_54 : i32
    %lt3A_56 = arith.constant 125 : i32
    %lt3A_57 = arith.cmpi slt, %add3A_55, %lt3A_56 : i32
    %convert_element_type3A_58 = arith.extui %lt3A_57 : i1 to i32
    %cond3A_59 = arith.constant 0 : i32
    %cond3A_60 = arith.cmpi ne, %convert_element_type3A_58, %cond3A_59 : i32
    scf.if %cond3A_60 {
      %mul3A_330 = arith.constant 80 : i32
      %mul3A_331 = arith.muli %add3A_55, %mul3A_330 : i32
      %run_scoped3A_332 = arith.constant 0 : i32
      "tpu.region"() ({
        %run_scoped3A_333 = tpu.sem_alloc : memref<!tpu.dma_semaphore, #tpu.memory_space<semaphore_mem>>
        %dma_start3A_334 = arith.constant 0 : i32
        %dma_start3A_335 = arith.constant 0 : i32
        %dma_start3A_336 = tpu.memref_slice %arg10[%run_scoped3A_332, %dma_start3A_334, %dma_start3A_335] : memref<2x80x128xf32, #tpu.memory_space<vmem>> -> memref<1x80x128xf32, #tpu.memory_space<vmem>>
        %dma_start3A_337 = tpu.memref_squeeze %dma_start3A_336 : memref<1x80x128xf32, #tpu.memory_space<vmem>> -> memref<80x128xf32, #tpu.memory_space<vmem>>
        %dma_start3A_338 = arith.constant 0 : i32
        %dma_start3A_339 = tpu.memref_slice %arg11[%mul3A_331, %dma_start3A_338] : memref<10000x128xf32, #tpu.memory_space<vmem_shared>> -> memref<80x128xf32, #tpu.memory_space<vmem_shared>>
        %dma_start3A_340 = arith.constant 0 : i32
        %dma_start3A_341 = tpu.memref_slice %arg11[%mul3A_331, %dma_start3A_340] : memref<10000x128xf32, #tpu.memory_space<vmem_shared>> -> memref<80x128xf32, #tpu.memory_space<vmem_shared>>
        %dma_start3A_342 = arith.constant 0 : i32
        %dma_start3A_343 = arith.constant 0 : i32
        %dma_start3A_344 = tpu.memref_slice %arg10[%run_scoped3A_332, %dma_start3A_342, %dma_start3A_343] : memref<2x80x128xf32, #tpu.memory_space<vmem>> -> memref<1x80x128xf32, #tpu.memory_space<vmem>>
        %dma_start3A_345 = tpu.memref_squeeze %dma_start3A_344 : memref<1x80x128xf32, #tpu.memory_space<vmem>> -> memref<80x128xf32, #tpu.memory_space<vmem>>
        tpu.enqueue_dma source(%dma_start3A_345 : memref<80x128xf32, #tpu.memory_space<vmem>>) target(%dma_start3A_341 : memref<80x128xf32, #tpu.memory_space<vmem_shared>>) target_semaphore(%run_scoped3A_333 : memref<!tpu.dma_semaphore, #tpu.memory_space<semaphore_mem>>)
        %dma_wait3A_346 = arith.constant 0 : i32
        %dma_wait3A_347 = arith.constant 0 : i32
        %dma_wait3A_348 = tpu.memref_slice %arg10[%run_scoped3A_332, %dma_wait3A_346, %dma_wait3A_347] : memref<2x80x128xf32, #tpu.memory_space<vmem>> -> memref<1x80x128xf32, #tpu.memory_space<vmem>>
        %dma_wait3A_349 = tpu.memref_squeeze %dma_wait3A_348 : memref<1x80x128xf32, #tpu.memory_space<vmem>> -> memref<80x128xf32, #tpu.memory_space<vmem>>
        %dma_wait3A_350 = arith.constant 0 : i32
        %dma_wait3A_351 = tpu.memref_slice %arg11[%mul3A_331, %dma_wait3A_350] : memref<10000x128xf32, #tpu.memory_space<vmem_shared>> -> memref<80x128xf32, #tpu.memory_space<vmem_shared>>
        %dma_wait3A_352 = arith.constant 0 : i32
        %dma_wait3A_353 = tpu.memref_slice %arg11[%mul3A_331, %dma_wait3A_352] : memref<10000x128xf32, #tpu.memory_space<vmem_shared>> -> memref<80x128xf32, #tpu.memory_space<vmem_shared>>
        %dma_wait3A_354 = arith.constant 0 : i32
        %dma_wait3A_355 = arith.constant 0 : i32
        %dma_wait3A_356 = tpu.memref_slice %arg10[%run_scoped3A_332, %dma_wait3A_354, %dma_wait3A_355] : memref<2x80x128xf32, #tpu.memory_space<vmem>> -> memref<1x80x128xf32, #tpu.memory_space<vmem>>
        %dma_wait3A_357 = tpu.memref_squeeze %dma_wait3A_356 : memref<1x80x128xf32, #tpu.memory_space<vmem>> -> memref<80x128xf32, #tpu.memory_space<vmem>>
        tpu.wait_dma2 semaphore(%run_scoped3A_333 : memref<!tpu.dma_semaphore, #tpu.memory_space<semaphore_mem>>) src(%dma_wait3A_357 : memref<80x128xf32, #tpu.memory_space<vmem>>) dst(%dma_wait3A_353 : memref<80x128xf32, #tpu.memory_space<vmem_shared>>)
        tpu.yield
      }) : () -> ()
    } else {
    }
    %barrier3A = arith.constant 0 : index
    tpu.barrier barrier_id(%barrier3A)
    %add3A_61 = arith.constant 0 : i32
    %add3A_62 = arith.addi %mul3A_2, %add3A_61 : i32
    %dma_start3A = arith.constant 0 : i32
    %dma_start3A_63 = arith.constant 0 : i32
    %dma_start3A_64 = tpu.memref_slice %arg7[%dma_start3A, %dma_start3A_63] : memref<2x80xi32, #tpu.memory_space<vmem>> -> memref<1x80xi32, #tpu.memory_space<vmem>>
    %dma_start3A_65 = tpu.memref_squeeze %dma_start3A_64 : memref<1x80xi32, #tpu.memory_space<vmem>> -> memref<80xi32, #tpu.memory_space<vmem>>
    %dma_start3A_66 = tpu.memref_slice %arg4[%add3A_62] : memref<320000xi32, #tpu.memory_space<hbm>> -> memref<80xi32, #tpu.memory_space<hbm>>
    %dma_start3A_67 = arith.constant 0 : i32
    %dma_start3A_68 = tpu.memref_slice %arg7[%dma_start3A, %dma_start3A_67] : memref<2x80xi32, #tpu.memory_space<vmem>> -> memref<1x80xi32, #tpu.memory_space<vmem>>
    %dma_start3A_69 = tpu.memref_squeeze %dma_start3A_68 : memref<1x80xi32, #tpu.memory_space<vmem>> -> memref<80xi32, #tpu.memory_space<vmem>>
    %dma_start3A_70 = tpu.memref_slice %arg4[%add3A_62] : memref<320000xi32, #tpu.memory_space<hbm>> -> memref<80xi32, #tpu.memory_space<hbm>>
    tpu.enqueue_dma source(%dma_start3A_70 : memref<80xi32, #tpu.memory_space<hbm>>) target(%dma_start3A_69 : memref<80xi32, #tpu.memory_space<vmem>>) target_semaphore(%arg12 : memref<!tpu.dma_semaphore, #tpu.memory_space<semaphore_mem>>)
    %dma_start3A_71 = arith.constant 0 : i32
    %dma_start3A_72 = arith.constant 0 : i32
    %dma_start3A_73 = tpu.memref_slice %arg8[%dma_start3A_71, %dma_start3A_72] : memref<4x80xi32, #tpu.memory_space<vmem>> -> memref<1x80xi32, #tpu.memory_space<vmem>>
    %dma_start3A_74 = tpu.memref_squeeze %dma_start3A_73 : memref<1x80xi32, #tpu.memory_space<vmem>> -> memref<80xi32, #tpu.memory_space<vmem>>
    %dma_start3A_75 = tpu.memref_slice %arg5[%add3A_62] : memref<320000xi32, #tpu.memory_space<hbm>> -> memref<80xi32, #tpu.memory_space<hbm>>
    %dma_start3A_76 = arith.constant 0 : i32
    %dma_start3A_77 = tpu.memref_slice %arg8[%dma_start3A_71, %dma_start3A_76] : memref<4x80xi32, #tpu.memory_space<vmem>> -> memref<1x80xi32, #tpu.memory_space<vmem>>
    %dma_start3A_78 = tpu.memref_squeeze %dma_start3A_77 : memref<1x80xi32, #tpu.memory_space<vmem>> -> memref<80xi32, #tpu.memory_space<vmem>>
    %dma_start3A_79 = tpu.memref_slice %arg5[%add3A_62] : memref<320000xi32, #tpu.memory_space<hbm>> -> memref<80xi32, #tpu.memory_space<hbm>>
    tpu.enqueue_dma source(%dma_start3A_79 : memref<80xi32, #tpu.memory_space<hbm>>) target(%dma_start3A_78 : memref<80xi32, #tpu.memory_space<vmem>>) target_semaphore(%arg12 : memref<!tpu.dma_semaphore, #tpu.memory_space<semaphore_mem>>)
    %dma_start3A_80 = arith.constant 0 : i32
    %dma_start3A_81 = arith.constant 0 : i32
    %dma_start3A_82 = arith.constant 0 : i32
    %dma_start3A_83 = tpu.memref_slice %arg9[%dma_start3A_80, %dma_start3A_81, %dma_start3A_82] : memref<2x80x64xi32, #tpu.memory_space<vmem>> -> memref<1x80x64xi32, #tpu.memory_space<vmem>>
    %dma_start3A_84 = tpu.memref_squeeze %dma_start3A_83 : memref<1x80x64xi32, #tpu.memory_space<vmem>> -> memref<80x64xi32, #tpu.memory_space<vmem>>
    %dma_start3A_85 = arith.constant 0 : i32
    %dma_start3A_86 = tpu.memref_slice %arg3[%add3A_62, %dma_start3A_85] : memref<320000x64xi32, #tpu.memory_space<hbm>> -> memref<80x64xi32, #tpu.memory_space<hbm>>
    %dma_start3A_87 = arith.constant 0 : i32
    %dma_start3A_88 = arith.constant 0 : i32
    %dma_start3A_89 = tpu.memref_slice %arg9[%dma_start3A_80, %dma_start3A_87, %dma_start3A_88] : memref<2x80x64xi32, #tpu.memory_space<vmem>> -> memref<1x80x64xi32, #tpu.memory_space<vmem>>
    %dma_start3A_90 = tpu.memref_squeeze %dma_start3A_89 : memref<1x80x64xi32, #tpu.memory_space<vmem>> -> memref<80x64xi32, #tpu.memory_space<vmem>>
    %dma_start3A_91 = arith.constant 0 : i32
    %dma_start3A_92 = tpu.memref_slice %arg3[%add3A_62, %dma_start3A_91] : memref<320000x64xi32, #tpu.memory_space<hbm>> -> memref<80x64xi32, #tpu.memory_space<hbm>>
    tpu.enqueue_dma source(%dma_start3A_92 : memref<80x64xi32, #tpu.memory_space<hbm>>) target(%dma_start3A_90 : memref<80x64xi32, #tpu.memory_space<vmem>>) target_semaphore(%arg12 : memref<!tpu.dma_semaphore, #tpu.memory_space<semaphore_mem>>)
    %add3A_93 = arith.constant 0 : i32
    %add3A_94 = arith.addi %mul3A_2, %add3A_93 : i32
    %dma_wait3A = arith.constant 0 : i32
    %dma_wait3A_95 = arith.constant 0 : i32
    %dma_wait3A_96 = tpu.memref_slice %arg7[%dma_wait3A, %dma_wait3A_95] : memref<2x80xi32, #tpu.memory_space<vmem>> -> memref<1x80xi32, #tpu.memory_space<vmem>>
    %dma_wait3A_97 = tpu.memref_squeeze %dma_wait3A_96 : memref<1x80xi32, #tpu.memory_space<vmem>> -> memref<80xi32, #tpu.memory_space<vmem>>
    %dma_wait3A_98 = tpu.memref_slice %arg4[%add3A_94] : memref<320000xi32, #tpu.memory_space<hbm>> -> memref<80xi32, #tpu.memory_space<hbm>>
    %dma_wait3A_99 = arith.constant 0 : i32
    %dma_wait3A_100 = tpu.memref_slice %arg7[%dma_wait3A, %dma_wait3A_99] : memref<2x80xi32, #tpu.memory_space<vmem>> -> memref<1x80xi32, #tpu.memory_space<vmem>>
    %dma_wait3A_101 = tpu.memref_squeeze %dma_wait3A_100 : memref<1x80xi32, #tpu.memory_space<vmem>> -> memref<80xi32, #tpu.memory_space<vmem>>
    %dma_wait3A_102 = tpu.memref_slice %arg4[%add3A_94] : memref<320000xi32, #tpu.memory_space<hbm>> -> memref<80xi32, #tpu.memory_space<hbm>>
    tpu.wait_dma2 semaphore(%arg12 : memref<!tpu.dma_semaphore, #tpu.memory_space<semaphore_mem>>) src(%dma_wait3A_102 : memref<80xi32, #tpu.memory_space<hbm>>) dst(%dma_wait3A_101 : memref<80xi32, #tpu.memory_space<vmem>>)
    %dma_wait3A_103 = arith.constant 0 : i32
    %dma_wait3A_104 = arith.constant 0 : i32
    %dma_wait3A_105 = tpu.memref_slice %arg8[%dma_wait3A_103, %dma_wait3A_104] : memref<4x80xi32, #tpu.memory_space<vmem>> -> memref<1x80xi32, #tpu.memory_space<vmem>>
    %dma_wait3A_106 = tpu.memref_squeeze %dma_wait3A_105 : memref<1x80xi32, #tpu.memory_space<vmem>> -> memref<80xi32, #tpu.memory_space<vmem>>
    %dma_wait3A_107 = tpu.memref_slice %arg5[%add3A_94] : memref<320000xi32, #tpu.memory_space<hbm>> -> memref<80xi32, #tpu.memory_space<hbm>>
    %dma_wait3A_108 = arith.constant 0 : i32
    %dma_wait3A_109 = tpu.memref_slice %arg8[%dma_wait3A_103, %dma_wait3A_108] : memref<4x80xi32, #tpu.memory_space<vmem>> -> memref<1x80xi32, #tpu.memory_space<vmem>>
    %dma_wait3A_110 = tpu.memref_squeeze %dma_wait3A_109 : memref<1x80xi32, #tpu.memory_space<vmem>> -> memref<80xi32, #tpu.memory_space<vmem>>
    %dma_wait3A_111 = tpu.memref_slice %arg5[%add3A_94] : memref<320000xi32, #tpu.memory_space<hbm>> -> memref<80xi32, #tpu.memory_space<hbm>>
    tpu.wait_dma2 semaphore(%arg12 : memref<!tpu.dma_semaphore, #tpu.memory_space<semaphore_mem>>) src(%dma_wait3A_111 : memref<80xi32, #tpu.memory_space<hbm>>) dst(%dma_wait3A_110 : memref<80xi32, #tpu.memory_space<vmem>>)
    %dma_wait3A_112 = arith.constant 0 : i32
    %dma_wait3A_113 = arith.constant 0 : i32
    %dma_wait3A_114 = arith.constant 0 : i32
    %dma_wait3A_115 = tpu.memref_slice %arg9[%dma_wait3A_112, %dma_wait3A_113, %dma_wait3A_114] : memref<2x80x64xi32, #tpu.memory_space<vmem>> -> memref<1x80x64xi32, #tpu.memory_space<vmem>>
    %dma_wait3A_116 = tpu.memref_squeeze %dma_wait3A_115 : memref<1x80x64xi32, #tpu.memory_space<vmem>> -> memref<80x64xi32, #tpu.memory_space<vmem>>
    %dma_wait3A_117 = arith.constant 0 : i32
    %dma_wait3A_118 = tpu.memref_slice %arg3[%add3A_94, %dma_wait3A_117] : memref<320000x64xi32, #tpu.memory_space<hbm>> -> memref<80x64xi32, #tpu.memory_space<hbm>>
    %dma_wait3A_119 = arith.constant 0 : i32
    %dma_wait3A_120 = arith.constant 0 : i32
    %dma_wait3A_121 = tpu.memref_slice %arg9[%dma_wait3A_112, %dma_wait3A_119, %dma_wait3A_120] : memref<2x80x64xi32, #tpu.memory_space<vmem>> -> memref<1x80x64xi32, #tpu.memory_space<vmem>>
    %dma_wait3A_122 = tpu.memref_squeeze %dma_wait3A_121 : memref<1x80x64xi32, #tpu.memory_space<vmem>> -> memref<80x64xi32, #tpu.memory_space<vmem>>
    %dma_wait3A_123 = arith.constant 0 : i32
    %dma_wait3A_124 = tpu.memref_slice %arg3[%add3A_94, %dma_wait3A_123] : memref<320000x64xi32, #tpu.memory_space<hbm>> -> memref<80x64xi32, #tpu.memory_space<hbm>>
    tpu.wait_dma2 semaphore(%arg12 : memref<!tpu.dma_semaphore, #tpu.memory_space<semaphore_mem>>) src(%dma_wait3A_124 : memref<80x64xi32, #tpu.memory_space<hbm>>) dst(%dma_wait3A_122 : memref<80x64xi32, #tpu.memory_space<vmem>>)
    %dma_start3A_125 = arith.constant 0 : i32
    %dma_start3A_126 = arith.constant 0 : i32
    %dma_start3A_127 = arith.constant 0 : i32
    %dma_start3A_128 = arith.constant 0 : i32
    %dma_start3A_129 = tpu.memref_slice %arg10[%dma_start3A_126, %dma_start3A_127, %dma_start3A_128] : memref<2x80x128xf32, #tpu.memory_space<vmem>> -> memref<1x80x128xf32, #tpu.memory_space<vmem>>
    %dma_start3A_130 = tpu.memref_squeeze %dma_start3A_129 : memref<1x80x128xf32, #tpu.memory_space<vmem>> -> memref<80x128xf32, #tpu.memory_space<vmem>>
    %dma_start3A_131 = arith.constant 0 : i32
    %dma_start3A_132 = tpu.memref_slice %arg7[%dma_start3A_125, %dma_start3A_131] : memref<2x80xi32, #tpu.memory_space<vmem>> -> memref<1x80xi32, #tpu.memory_space<vmem>>
    %dma_start3A_133 = tpu.memref_squeeze %dma_start3A_132 : memref<1x80xi32, #tpu.memory_space<vmem>> -> memref<80xi32, #tpu.memory_space<vmem>>
    %dma_start3A_134 = arith.constant 0 : i32
    %dma_start3A_135 = arith.constant 0 : i32
    %dma_start3A_136 = tpu.memref_slice %arg2[%dma_start3A_134, %dma_start3A_135] : memref<10000x128xf32, #tpu.memory_space<hbm>> -> memref<10000x128xf32, #tpu.memory_space<hbm>>
    tpu.enqueue_indirect_dma source(%dma_start3A_136 : memref<10000x128xf32, #tpu.memory_space<hbm>>) target(%dma_start3A_130 : memref<80x128xf32, #tpu.memory_space<vmem>>) offsets(%dma_start3A_133 : memref<80xi32, #tpu.memory_space<vmem>>) semaphore(%arg13 : memref<!tpu.dma_semaphore, #tpu.memory_space<semaphore_mem>>)
    %add3A_137 = arith.constant 80 : i32
    %add3A_138 = arith.addi %mul3A_2, %add3A_137 : i32
    %dma_start3A_139 = arith.constant 1 : i32
    %dma_start3A_140 = arith.constant 0 : i32
    %dma_start3A_141 = tpu.memref_slice %arg7[%dma_start3A_139, %dma_start3A_140] : memref<2x80xi32, #tpu.memory_space<vmem>> -> memref<1x80xi32, #tpu.memory_space<vmem>>
    %dma_start3A_142 = tpu.memref_squeeze %dma_start3A_141 : memref<1x80xi32, #tpu.memory_space<vmem>> -> memref<80xi32, #tpu.memory_space<vmem>>
    %dma_start3A_143 = tpu.memref_slice %arg4[%add3A_138] : memref<320000xi32, #tpu.memory_space<hbm>> -> memref<80xi32, #tpu.memory_space<hbm>>
    %dma_start3A_144 = arith.constant 0 : i32
    %dma_start3A_145 = tpu.memref_slice %arg7[%dma_start3A_139, %dma_start3A_144] : memref<2x80xi32, #tpu.memory_space<vmem>> -> memref<1x80xi32, #tpu.memory_space<vmem>>
    %dma_start3A_146 = tpu.memref_squeeze %dma_start3A_145 : memref<1x80xi32, #tpu.memory_space<vmem>> -> memref<80xi32, #tpu.memory_space<vmem>>
    %dma_start3A_147 = tpu.memref_slice %arg4[%add3A_138] : memref<320000xi32, #tpu.memory_space<hbm>> -> memref<80xi32, #tpu.memory_space<hbm>>
    tpu.enqueue_dma source(%dma_start3A_147 : memref<80xi32, #tpu.memory_space<hbm>>) target(%dma_start3A_146 : memref<80xi32, #tpu.memory_space<vmem>>) target_semaphore(%arg12 : memref<!tpu.dma_semaphore, #tpu.memory_space<semaphore_mem>>)
    %dma_start3A_148 = arith.constant 1 : i32
    %dma_start3A_149 = arith.constant 0 : i32
    %dma_start3A_150 = tpu.memref_slice %arg8[%dma_start3A_148, %dma_start3A_149] : memref<4x80xi32, #tpu.memory_space<vmem>> -> memref<1x80xi32, #tpu.memory_space<vmem>>
    %dma_start3A_151 = tpu.memref_squeeze %dma_start3A_150 : memref<1x80xi32, #tpu.memory_space<vmem>> -> memref<80xi32, #tpu.memory_space<vmem>>
    %dma_start3A_152 = tpu.memref_slice %arg5[%add3A_138] : memref<320000xi32, #tpu.memory_space<hbm>> -> memref<80xi32, #tpu.memory_space<hbm>>
    %dma_start3A_153 = arith.constant 0 : i32
    %dma_start3A_154 = tpu.memref_slice %arg8[%dma_start3A_148, %dma_start3A_153] : memref<4x80xi32, #tpu.memory_space<vmem>> -> memref<1x80xi32, #tpu.memory_space<vmem>>
    %dma_start3A_155 = tpu.memref_squeeze %dma_start3A_154 : memref<1x80xi32, #tpu.memory_space<vmem>> -> memref<80xi32, #tpu.memory_space<vmem>>
    %dma_start3A_156 = tpu.memref_slice %arg5[%add3A_138] : memref<320000xi32, #tpu.memory_space<hbm>> -> memref<80xi32, #tpu.memory_space<hbm>>
    tpu.enqueue_dma source(%dma_start3A_156 : memref<80xi32, #tpu.memory_space<hbm>>) target(%dma_start3A_155 : memref<80xi32, #tpu.memory_space<vmem>>) target_semaphore(%arg12 : memref<!tpu.dma_semaphore, #tpu.memory_space<semaphore_mem>>)
    %dma_start3A_157 = arith.constant 1 : i32
    %dma_start3A_158 = arith.constant 0 : i32
    %dma_start3A_159 = arith.constant 0 : i32
    %dma_start3A_160 = tpu.memref_slice %arg9[%dma_start3A_157, %dma_start3A_158, %dma_start3A_159] : memref<2x80x64xi32, #tpu.memory_space<vmem>> -> memref<1x80x64xi32, #tpu.memory_space<vmem>>
    %dma_start3A_161 = tpu.memref_squeeze %dma_start3A_160 : memref<1x80x64xi32, #tpu.memory_space<vmem>> -> memref<80x64xi32, #tpu.memory_space<vmem>>
    %dma_start3A_162 = arith.constant 0 : i32
    %dma_start3A_163 = tpu.memref_slice %arg3[%add3A_138, %dma_start3A_162] : memref<320000x64xi32, #tpu.memory_space<hbm>> -> memref<80x64xi32, #tpu.memory_space<hbm>>
    %dma_start3A_164 = arith.constant 0 : i32
    %dma_start3A_165 = arith.constant 0 : i32
    %dma_start3A_166 = tpu.memref_slice %arg9[%dma_start3A_157, %dma_start3A_164, %dma_start3A_165] : memref<2x80x64xi32, #tpu.memory_space<vmem>> -> memref<1x80x64xi32, #tpu.memory_space<vmem>>
    %dma_start3A_167 = tpu.memref_squeeze %dma_start3A_166 : memref<1x80x64xi32, #tpu.memory_space<vmem>> -> memref<80x64xi32, #tpu.memory_space<vmem>>
    %dma_start3A_168 = arith.constant 0 : i32
    %dma_start3A_169 = tpu.memref_slice %arg3[%add3A_138, %dma_start3A_168] : memref<320000x64xi32, #tpu.memory_space<hbm>> -> memref<80x64xi32, #tpu.memory_space<hbm>>
    tpu.enqueue_dma source(%dma_start3A_169 : memref<80x64xi32, #tpu.memory_space<hbm>>) target(%dma_start3A_167 : memref<80x64xi32, #tpu.memory_space<vmem>>) target_semaphore(%arg12 : memref<!tpu.dma_semaphore, #tpu.memory_space<semaphore_mem>>)
    %dma_wait3A_170 = arith.constant 0 : i32
    %dma_wait3A_171 = arith.constant 0 : i32
    %dma_wait3A_172 = arith.constant 0 : i32
    %dma_wait3A_173 = arith.constant 0 : i32
    %dma_wait3A_174 = tpu.memref_slice %arg10[%dma_wait3A_171, %dma_wait3A_172, %dma_wait3A_173] : memref<2x80x128xf32, #tpu.memory_space<vmem>> -> memref<1x80x128xf32, #tpu.memory_space<vmem>>
    %dma_wait3A_175 = tpu.memref_squeeze %dma_wait3A_174 : memref<1x80x128xf32, #tpu.memory_space<vmem>> -> memref<80x128xf32, #tpu.memory_space<vmem>>
    %dma_wait3A_176 = arith.constant 0 : i32
    %dma_wait3A_177 = tpu.memref_slice %arg7[%dma_wait3A_170, %dma_wait3A_176] : memref<2x80xi32, #tpu.memory_space<vmem>> -> memref<1x80xi32, #tpu.memory_space<vmem>>
    %dma_wait3A_178 = tpu.memref_squeeze %dma_wait3A_177 : memref<1x80xi32, #tpu.memory_space<vmem>> -> memref<80xi32, #tpu.memory_space<vmem>>
    %dma_wait3A_179 = arith.constant 0 : i32
    %dma_wait3A_180 = arith.constant 0 : i32
    %dma_wait3A_181 = tpu.memref_slice %arg2[%dma_wait3A_179, %dma_wait3A_180] : memref<10000x128xf32, #tpu.memory_space<hbm>> -> memref<10000x128xf32, #tpu.memory_space<hbm>>
    tpu.wait_indirect_dma semaphore(%arg13 : memref<!tpu.dma_semaphore, #tpu.memory_space<semaphore_mem>>) src(%dma_wait3A_181 : memref<10000x128xf32, #tpu.memory_space<hbm>>) dst(%dma_wait3A_175 : memref<80x128xf32, #tpu.memory_space<vmem>>)
    %scan3A_182 = arith.constant 0 : i32
    %scan3A_183 = arith.constant 0 : i32
    %scan3A_184 = arith.constant 80 : i32
    %scan3A_185 = arith.addi %scan3A_183, %scan3A_184 : i32
    %scan3A_186 = arith.constant 1 : i32
    scf.for %scan3A_330 = %scan3A_183 to %scan3A_185 step %scan3A_186  : i32 {
      %broadcast_in_dim3A = arith.constant 16 : i32
      %broadcast_in_dim3A_331 = vector.broadcast %broadcast_in_dim3A : i32 to vector<16xi32>
      %broadcast_in_dim3A_332 = arith.constant -65536 : i32
      %broadcast_in_dim3A_333 = vector.broadcast %broadcast_in_dim3A_332 : i32 to vector<16xi32>
      %get3A = arith.constant 0 : i32
      %get3A_334 = arith.index_cast %get3A : i32 to index
      %get3A_335 = arith.index_cast %scan3A_330 : i32 to index
      %get3A_336 = arith.constant 0 : index
      %get3A_337 = tpu.vector_load %arg9[%get3A_334, %get3A_335, %get3A_336] {strides = array<i32>} : memref<2x80x64xi32, #tpu.memory_space<vmem>>, vector<1x1x16xi32>,
      %get3A_338 = vector.shape_cast %get3A_337 : vector<1x1x16xi32> to vector<16xi32>
      %shift_left3A = arith.shli %get3A_338, %broadcast_in_dim3A_331 : vector<16xi32>
      %bitcast_convert_type3A = tpu.bitcast %shift_left3A : vector<16xi32> -> vector<16xf32>
      %and3A = arith.andi %get3A_338, %broadcast_in_dim3A_333 : vector<16xi32>
      %bitcast_convert_type3A_339 = tpu.bitcast %and3A : vector<16xi32> -> vector<16xf32>
      %get3A_340 = arith.constant 0 : i32
      %get3A_341 = arith.index_cast %get3A_340 : i32 to index
      %get3A_342 = arith.index_cast %scan3A_330 : i32 to index
      %get3A_343 = arith.constant 0 : index
      %get3A_344 = tpu.vector_load %arg10[%get3A_341, %get3A_342, %get3A_343] {strides = array<i32>} : memref<2x80x128xf32, #tpu.memory_space<vmem>>, vector<1x1x16xf32>,
      %get3A_345 = vector.shape_cast %get3A_344 : vector<1x1x16xf32> to vector<16xf32>
      %mul3A_346 = arith.mulf %get3A_345, %bitcast_convert_type3A : vector<16xf32>
      %swap3A = arith.constant 0 : i32
      %swap3A_347 = arith.index_cast %swap3A : i32 to index
      %swap3A_348 = arith.index_cast %scan3A_330 : i32 to index
      %swap3A_349 = arith.constant 0 : index
      %swap3A_350 = tpu.vector_load %arg10[%swap3A_347, %swap3A_348, %swap3A_349] {strides = array<i32>} : memref<2x80x128xf32, #tpu.memory_space<vmem>>, vector<1x1x16xf32>,
      %swap3A_351 = vector.shape_cast %swap3A_350 : vector<1x1x16xf32> to vector<16xf32>
      %swap3A_352 = vector.shape_cast %mul3A_346 : vector<16xf32> to vector<1x1x16xf32>
      tpu.vector_store %arg10[%swap3A_347, %swap3A_348, %swap3A_349], %swap3A_352 {strides = array<i32>} : memref<2x80x128xf32, #tpu.memory_space<vmem>>, vector<1x1x16xf32>,
      %get3A_353 = arith.constant 0 : i32
      %get3A_354 = arith.index_cast %get3A_353 : i32 to index
      %get3A_355 = arith.index_cast %scan3A_330 : i32 to index
      %get3A_356 = arith.constant 16 : index
      %get3A_357 = tpu.vector_load %arg10[%get3A_354, %get3A_355, %get3A_356] {strides = array<i32>} : memref<2x80x128xf32, #tpu.memory_space<vmem>>, vector<1x1x16xf32>,
      %get3A_358 = vector.shape_cast %get3A_357 : vector<1x1x16xf32> to vector<16xf32>
      %mul3A_359 = arith.mulf %get3A_358, %bitcast_convert_type3A_339 : vector<16xf32>
      %swap3A_360 = arith.constant 0 : i32
      %swap3A_361 = arith.index_cast %swap3A_360 : i32 to index
      %swap3A_362 = arith.index_cast %scan3A_330 : i32 to index
      %swap3A_363 = arith.constant 16 : index
      %swap3A_364 = tpu.vector_load %arg10[%swap3A_361, %swap3A_362, %swap3A_363] {strides = array<i32>} : memref<2x80x128xf32, #tpu.memory_space<vmem>>, vector<1x1x16xf32>,
      %swap3A_365 = vector.shape_cast %swap3A_364 : vector<1x1x16xf32> to vector<16xf32>
      %swap3A_366 = vector.shape_cast %mul3A_359 : vector<16xf32> to vector<1x1x16xf32>
      tpu.vector_store %arg10[%swap3A_361, %swap3A_362, %swap3A_363], %swap3A_366 {strides = array<i32>} : memref<2x80x128xf32, #tpu.memory_space<vmem>>, vector<1x1x16xf32>,
      %get3A_367 = arith.constant 0 : i32
      %get3A_368 = arith.index_cast %get3A_367 : i32 to index
      %get3A_369 = arith.index_cast %scan3A_330 : i32 to index
      %get3A_370 = arith.constant 16 : index
      %get3A_371 = tpu.vector_load %arg9[%get3A_368, %get3A_369, %get3A_370] {strides = array<i32>} : memref<2x80x64xi32, #tpu.memory_space<vmem>>, vector<1x1x16xi32>,
      %get3A_372 = vector.shape_cast %get3A_371 : vector<1x1x16xi32> to vector<16xi32>
      %shift_left3A_373 = arith.shli %get3A_372, %broadcast_in_dim3A_331 : vector<16xi32>
      %bitcast_convert_type3A_374 = tpu.bitcast %shift_left3A_373 : vector<16xi32> -> vector<16xf32>
      %and3A_375 = arith.andi %get3A_372, %broadcast_in_dim3A_333 : vector<16xi32>
      %bitcast_convert_type3A_376 = tpu.bitcast %and3A_375 : vector<16xi32> -> vector<16xf32>
      %get3A_377 = arith.constant 0 : i32
      %get3A_378 = arith.index_cast %get3A_377 : i32 to index
      %get3A_379 = arith.index_cast %scan3A_330 : i32 to index
      %get3A_380 = arith.constant 32 : index
      %get3A_381 = tpu.vector_load %arg10[%get3A_378, %get3A_379, %get3A_380] {strides = array<i32>} : memref<2x80x128xf32, #tpu.memory_space<vmem>>, vector<1x1x16xf32>,
      %get3A_382 = vector.shape_cast %get3A_381 : vector<1x1x16xf32> to vector<16xf32>
      %mul3A_383 = arith.mulf %get3A_382, %bitcast_convert_type3A_374 : vector<16xf32>
      %swap3A_384 = arith.constant 0 : i32
      %swap3A_385 = arith.index_cast %swap3A_384 : i32 to index
      %swap3A_386 = arith.index_cast %scan3A_330 : i32 to index
      %swap3A_387 = arith.constant 32 : index
      %swap3A_388 = tpu.vector_load %arg10[%swap3A_385, %swap3A_386, %swap3A_387] {strides = array<i32>} : memref<2x80x128xf32, #tpu.memory_space<vmem>>, vector<1x1x16xf32>,
      %swap3A_389 = vector.shape_cast %swap3A_388 : vector<1x1x16xf32> to vector<16xf32>
      %swap3A_390 = vector.shape_cast %mul3A_383 : vector<16xf32> to vector<1x1x16xf32>
      tpu.vector_store %arg10[%swap3A_385, %swap3A_386, %swap3A_387], %swap3A_390 {strides = array<i32>} : memref<2x80x128xf32, #tpu.memory_space<vmem>>, vector<1x1x16xf32>,
      %get3A_391 = arith.constant 0 : i32
      %get3A_392 = arith.index_cast %get3A_391 : i32 to index
      %get3A_393 = arith.index_cast %scan3A_330 : i32 to index
      %get3A_394 = arith.constant 48 : index
      %get3A_395 = tpu.vector_load %arg10[%get3A_392, %get3A_393, %get3A_394] {strides = array<i32>} : memref<2x80x128xf32, #tpu.memory_space<vmem>>, vector<1x1x16xf32>,
      %get3A_396 = vector.shape_cast %get3A_395 : vector<1x1x16xf32> to vector<16xf32>
      %mul3A_397 = arith.mulf %get3A_396, %bitcast_convert_type3A_376 : vector<16xf32>
      %swap3A_398 = arith.constant 0 : i32
      %swap3A_399 = arith.index_cast %swap3A_398 : i32 to index
      %swap3A_400 = arith.index_cast %scan3A_330 : i32 to index
      %swap3A_401 = arith.constant 48 : index
      %swap3A_402 = tpu.vector_load %arg10[%swap3A_399, %swap3A_400, %swap3A_401] {strides = array<i32>} : memref<2x80x128xf32, #tpu.memory_space<vmem>>, vector<1x1x16xf32>,
      %swap3A_403 = vector.shape_cast %swap3A_402 : vector<1x1x16xf32> to vector<16xf32>
      %swap3A_404 = vector.shape_cast %mul3A_397 : vector<16xf32> to vector<1x1x16xf32>
      tpu.vector_store %arg10[%swap3A_399, %swap3A_400, %swap3A_401], %swap3A_404 {strides = array<i32>} : memref<2x80x128xf32, #tpu.memory_space<vmem>>, vector<1x1x16xf32>,
      %get3A_405 = arith.constant 0 : i32
      %get3A_406 = arith.index_cast %get3A_405 : i32 to index
      %get3A_407 = arith.index_cast %scan3A_330 : i32 to index
      %get3A_408 = arith.constant 32 : index
      %get3A_409 = tpu.vector_load %arg9[%get3A_406, %get3A_407, %get3A_408] {strides = array<i32>} : memref<2x80x64xi32, #tpu.memory_space<vmem>>, vector<1x1x16xi32>,
      %get3A_410 = vector.shape_cast %get3A_409 : vector<1x1x16xi32> to vector<16xi32>
      %shift_left3A_411 = arith.shli %get3A_410, %broadcast_in_dim3A_331 : vector<16xi32>
      %bitcast_convert_type3A_412 = tpu.bitcast %shift_left3A_411 : vector<16xi32> -> vector<16xf32>
      %and3A_413 = arith.andi %get3A_410, %broadcast_in_dim3A_333 : vector<16xi32>
      %bitcast_convert_type3A_414 = tpu.bitcast %and3A_413 : vector<16xi32> -> vector<16xf32>
      %get3A_415 = arith.constant 0 : i32
      %get3A_416 = arith.index_cast %get3A_415 : i32 to index
      %get3A_417 = arith.index_cast %scan3A_330 : i32 to index
      %get3A_418 = arith.constant 64 : index
      %get3A_419 = tpu.vector_load %arg10[%get3A_416, %get3A_417, %get3A_418] {strides = array<i32>} : memref<2x80x128xf32, #tpu.memory_space<vmem>>, vector<1x1x16xf32>,
      %get3A_420 = vector.shape_cast %get3A_419 : vector<1x1x16xf32> to vector<16xf32>
      %mul3A_421 = arith.mulf %get3A_420, %bitcast_convert_type3A_412 : vector<16xf32>
      %swap3A_422 = arith.constant 0 : i32
      %swap3A_423 = arith.index_cast %swap3A_422 : i32 to index
      %swap3A_424 = arith.index_cast %scan3A_330 : i32 to index
      %swap3A_425 = arith.constant 64 : index
      %swap3A_426 = tpu.vector_load %arg10[%swap3A_423, %swap3A_424, %swap3A_425] {strides = array<i32>} : memref<2x80x128xf32, #tpu.memory_space<vmem>>, vector<1x1x16xf32>,
      %swap3A_427 = vector.shape_cast %swap3A_426 : vector<1x1x16xf32> to vector<16xf32>
      %swap3A_428 = vector.shape_cast %mul3A_421 : vector<16xf32> to vector<1x1x16xf32>
      tpu.vector_store %arg10[%swap3A_423, %swap3A_424, %swap3A_425], %swap3A_428 {strides = array<i32>} : memref<2x80x128xf32, #tpu.memory_space<vmem>>, vector<1x1x16xf32>,
      %get3A_429 = arith.constant 0 : i32
      %get3A_430 = arith.index_cast %get3A_429 : i32 to index
      %get3A_431 = arith.index_cast %scan3A_330 : i32 to index
      %get3A_432 = arith.constant 80 : index
      %get3A_433 = tpu.vector_load %arg10[%get3A_430, %get3A_431, %get3A_432] {strides = array<i32>} : memref<2x80x128xf32, #tpu.memory_space<vmem>>, vector<1x1x16xf32>,
      %get3A_434 = vector.shape_cast %get3A_433 : vector<1x1x16xf32> to vector<16xf32>
      %mul3A_435 = arith.mulf %get3A_434, %bitcast_convert_type3A_414 : vector<16xf32>
      %swap3A_436 = arith.constant 0 : i32
      %swap3A_437 = arith.index_cast %swap3A_436 : i32 to index
      %swap3A_438 = arith.index_cast %scan3A_330 : i32 to index
      %swap3A_439 = arith.constant 80 : index
      %swap3A_440 = tpu.vector_load %arg10[%swap3A_437, %swap3A_438, %swap3A_439] {strides = array<i32>} : memref<2x80x128xf32, #tpu.memory_space<vmem>>, vector<1x1x16xf32>,
      %swap3A_441 = vector.shape_cast %swap3A_440 : vector<1x1x16xf32> to vector<16xf32>
      %swap3A_442 = vector.shape_cast %mul3A_435 : vector<16xf32> to vector<1x1x16xf32>
      tpu.vector_store %arg10[%swap3A_437, %swap3A_438, %swap3A_439], %swap3A_442 {strides = array<i32>} : memref<2x80x128xf32, #tpu.memory_space<vmem>>, vector<1x1x16xf32>,
      %get3A_443 = arith.constant 0 : i32
      %get3A_444 = arith.index_cast %get3A_443 : i32 to index
      %get3A_445 = arith.index_cast %scan3A_330 : i32 to index
      %get3A_446 = arith.constant 48 : index
      %get3A_447 = tpu.vector_load %arg9[%get3A_444, %get3A_445, %get3A_446] {strides = array<i32>} : memref<2x80x64xi32, #tpu.memory_space<vmem>>, vector<1x1x16xi32>,
      %get3A_448 = vector.shape_cast %get3A_447 : vector<1x1x16xi32> to vector<16xi32>
      %shift_left3A_449 = arith.shli %get3A_448, %broadcast_in_dim3A_331 : vector<16xi32>
      %bitcast_convert_type3A_450 = tpu.bitcast %shift_left3A_449 : vector<16xi32> -> vector<16xf32>
      %and3A_451 = arith.andi %get3A_448, %broadcast_in_dim3A_333 : vector<16xi32>
      %bitcast_convert_type3A_452 = tpu.bitcast %and3A_451 : vector<16xi32> -> vector<16xf32>
      %get3A_453 = arith.constant 0 : i32
      %get3A_454 = arith.index_cast %get3A_453 : i32 to index
      %get3A_455 = arith.index_cast %scan3A_330 : i32 to index
      %get3A_456 = arith.constant 96 : index
      %get3A_457 = tpu.vector_load %arg10[%get3A_454, %get3A_455, %get3A_456] {strides = array<i32>} : memref<2x80x128xf32, #tpu.memory_space<vmem>>, vector<1x1x16xf32>,
      %get3A_458 = vector.shape_cast %get3A_457 : vector<1x1x16xf32> to vector<16xf32>
      %mul3A_459 = arith.mulf %get3A_458, %bitcast_convert_type3A_450 : vector<16xf32>
      %swap3A_460 = arith.constant 0 : i32
      %swap3A_461 = arith.index_cast %swap3A_460 : i32 to index
      %swap3A_462 = arith.index_cast %scan3A_330 : i32 to index
      %swap3A_463 = arith.constant 96 : index
      %swap3A_464 = tpu.vector_load %arg10[%swap3A_461, %swap3A_462, %swap3A_463] {strides = array<i32>} : memref<2x80x128xf32, #tpu.memory_space<vmem>>, vector<1x1x16xf32>,
      %swap3A_465 = vector.shape_cast %swap3A_464 : vector<1x1x16xf32> to vector<16xf32>
      %swap3A_466 = vector.shape_cast %mul3A_459 : vector<16xf32> to vector<1x1x16xf32>
      tpu.vector_store %arg10[%swap3A_461, %swap3A_462, %swap3A_463], %swap3A_466 {strides = array<i32>} : memref<2x80x128xf32, #tpu.memory_space<vmem>>, vector<1x1x16xf32>,
      %get3A_467 = arith.constant 0 : i32
      %get3A_468 = arith.index_cast %get3A_467 : i32 to index
      %get3A_469 = arith.index_cast %scan3A_330 : i32 to index
      %get3A_470 = arith.constant 112 : index
      %get3A_471 = tpu.vector_load %arg10[%get3A_468, %get3A_469, %get3A_470] {strides = array<i32>} : memref<2x80x128xf32, #tpu.memory_space<vmem>>, vector<1x1x16xf32>,
      %get3A_472 = vector.shape_cast %get3A_471 : vector<1x1x16xf32> to vector<16xf32>
      %mul3A_473 = arith.mulf %get3A_472, %bitcast_convert_type3A_452 : vector<16xf32>
      %swap3A_474 = arith.constant 0 : i32
      %swap3A_475 = arith.index_cast %swap3A_474 : i32 to index
      %swap3A_476 = arith.index_cast %scan3A_330 : i32 to index
      %swap3A_477 = arith.constant 112 : index
      %swap3A_478 = tpu.vector_load %arg10[%swap3A_475, %swap3A_476, %swap3A_477] {strides = array<i32>} : memref<2x80x128xf32, #tpu.memory_space<vmem>>, vector<1x1x16xf32>,
      %swap3A_479 = vector.shape_cast %swap3A_478 : vector<1x1x16xf32> to vector<16xf32>
      %swap3A_480 = vector.shape_cast %mul3A_473 : vector<16xf32> to vector<1x1x16xf32>
      tpu.vector_store %arg10[%swap3A_475, %swap3A_476, %swap3A_477], %swap3A_480 {strides = array<i32>} : memref<2x80x128xf32, #tpu.memory_space<vmem>>, vector<1x1x16xf32>,
    }
    %scan3A_187 = arith.constant 80 : i32
    %add3A_188 = arith.constant 80 : i32
    %add3A_189 = arith.addi %mul3A_2, %add3A_188 : i32
    %dma_wait3A_190 = arith.constant 1 : i32
    %dma_wait3A_191 = arith.constant 0 : i32
    %dma_wait3A_192 = tpu.memref_slice %arg7[%dma_wait3A_190, %dma_wait3A_191] : memref<2x80xi32, #tpu.memory_space<vmem>> -> memref<1x80xi32, #tpu.memory_space<vmem>>
    %dma_wait3A_193 = tpu.memref_squeeze %dma_wait3A_192 : memref<1x80xi32, #tpu.memory_space<vmem>> -> memref<80xi32, #tpu.memory_space<vmem>>
    %dma_wait3A_194 = tpu.memref_slice %arg4[%add3A_189] : memref<320000xi32, #tpu.memory_space<hbm>> -> memref<80xi32, #tpu.memory_space<hbm>>
    %dma_wait3A_195 = arith.constant 0 : i32
    %dma_wait3A_196 = tpu.memref_slice %arg7[%dma_wait3A_190, %dma_wait3A_195] : memref<2x80xi32, #tpu.memory_space<vmem>> -> memref<1x80xi32, #tpu.memory_space<vmem>>
    %dma_wait3A_197 = tpu.memref_squeeze %dma_wait3A_196 : memref<1x80xi32, #tpu.memory_space<vmem>> -> memref<80xi32, #tpu.memory_space<vmem>>
    %dma_wait3A_198 = tpu.memref_slice %arg4[%add3A_189] : memref<320000xi32, #tpu.memory_space<hbm>> -> memref<80xi32, #tpu.memory_space<hbm>>
    tpu.wait_dma2 semaphore(%arg12 : memref<!tpu.dma_semaphore, #tpu.memory_space<semaphore_mem>>) src(%dma_wait3A_198 : memref<80xi32, #tpu.memory_space<hbm>>) dst(%dma_wait3A_197 : memref<80xi32, #tpu.memory_space<vmem>>)
    %dma_wait3A_199 = arith.constant 1 : i32
    %dma_wait3A_200 = arith.constant 0 : i32
    %dma_wait3A_201 = tpu.memref_slice %arg8[%dma_wait3A_199, %dma_wait3A_200] : memref<4x80xi32, #tpu.memory_space<vmem>> -> memref<1x80xi32, #tpu.memory_space<vmem>>
    %dma_wait3A_202 = tpu.memref_squeeze %dma_wait3A_201 : memref<1x80xi32, #tpu.memory_space<vmem>> -> memref<80xi32, #tpu.memory_space<vmem>>
    %dma_wait3A_203 = tpu.memref_slice %arg5[%add3A_189] : memref<320000xi32, #tpu.memory_space<hbm>> -> memref<80xi32, #tpu.memory_space<hbm>>
    %dma_wait3A_204 = arith.constant 0 : i32
    %dma_wait3A_205 = tpu.memref_slice %arg8[%dma_wait3A_199, %dma_wait3A_204] : memref<4x80xi32, #tpu.memory_space<vmem>> -> memref<1x80xi32, #tpu.memory_space<vmem>>
    %dma_wait3A_206 = tpu.memref_squeeze %dma_wait3A_205 : memref<1x80xi32, #tpu.memory_space<vmem>> -> memref<80xi32, #tpu.memory_space<vmem>>
    %dma_wait3A_207 = tpu.memref_slice %arg5[%add3A_189] : memref<320000xi32, #tpu.memory_space<hbm>> -> memref<80xi32, #tpu.memory_space<hbm>>
    tpu.wait_dma2 semaphore(%arg12 : memref<!tpu.dma_semaphore, #tpu.memory_space<semaphore_mem>>) src(%dma_wait3A_207 : memref<80xi32, #tpu.memory_space<hbm>>) dst(%dma_wait3A_206 : memref<80xi32, #tpu.memory_space<vmem>>)
    %dma_wait3A_208 = arith.constant 1 : i32
    %dma_wait3A_209 = arith.constant 0 : i32
    %dma_wait3A_210 = arith.constant 0 : i32
    %dma_wait3A_211 = tpu.memref_slice %arg9[%dma_wait3A_208, %dma_wait3A_209, %dma_wait3A_210] : memref<2x80x64xi32, #tpu.memory_space<vmem>> -> memref<1x80x64xi32, #tpu.memory_space<vmem>>
    %dma_wait3A_212 = tpu.memref_squeeze %dma_wait3A_211 : memref<1x80x64xi32, #tpu.memory_space<vmem>> -> memref<80x64xi32, #tpu.memory_space<vmem>>
    %dma_wait3A_213 = arith.constant 0 : i32
    %dma_wait3A_214 = tpu.memref_slice %arg3[%add3A_189, %dma_wait3A_213] : memref<320000x64xi32, #tpu.memory_space<hbm>> -> memref<80x64xi32, #tpu.memory_space<hbm>>
    %dma_wait3A_215 = arith.constant 0 : i32
    %dma_wait3A_216 = arith.constant 0 : i32
    %dma_wait3A_217 = tpu.memref_slice %arg9[%dma_wait3A_208, %dma_wait3A_215, %dma_wait3A_216] : memref<2x80x64xi32, #tpu.memory_space<vmem>> -> memref<1x80x64xi32, #tpu.memory_space<vmem>>
    %dma_wait3A_218 = tpu.memref_squeeze %dma_wait3A_217 : memref<1x80x64xi32, #tpu.memory_space<vmem>> -> memref<80x64xi32, #tpu.memory_space<vmem>>
    %dma_wait3A_219 = arith.constant 0 : i32
    %dma_wait3A_220 = tpu.memref_slice %arg3[%add3A_189, %dma_wait3A_219] : memref<320000x64xi32, #tpu.memory_space<hbm>> -> memref<80x64xi32, #tpu.memory_space<hbm>>
    tpu.wait_dma2 semaphore(%arg12 : memref<!tpu.dma_semaphore, #tpu.memory_space<semaphore_mem>>) src(%dma_wait3A_220 : memref<80x64xi32, #tpu.memory_space<hbm>>) dst(%dma_wait3A_218 : memref<80x64xi32, #tpu.memory_space<vmem>>)
    %dma_start3A_221 = arith.constant 1 : i32
    %dma_start3A_222 = arith.constant 1 : i32
    %dma_start3A_223 = arith.constant 0 : i32
    %dma_start3A_224 = arith.constant 0 : i32
    %dma_start3A_225 = tpu.memref_slice %arg10[%dma_start3A_222, %dma_start3A_223, %dma_start3A_224] : memref<2x80x128xf32, #tpu.memory_space<vmem>> -> memref<1x80x128xf32, #tpu.memory_space<vmem>>
    %dma_start3A_226 = tpu.memref_squeeze %dma_start3A_225 : memref<1x80x128xf32, #tpu.memory_space<vmem>> -> memref<80x128xf32, #tpu.memory_space<vmem>>
    %dma_start3A_227 = arith.constant 0 : i32
    %dma_start3A_228 = tpu.memref_slice %arg7[%dma_start3A_221, %dma_start3A_227] : memref<2x80xi32, #tpu.memory_space<vmem>> -> memref<1x80xi32, #tpu.memory_space<vmem>>
    %dma_start3A_229 = tpu.memref_squeeze %dma_start3A_228 : memref<1x80xi32, #tpu.memory_space<vmem>> -> memref<80xi32, #tpu.memory_space<vmem>>
    %dma_start3A_230 = arith.constant 0 : i32
    %dma_start3A_231 = arith.constant 0 : i32
    %dma_start3A_232 = tpu.memref_slice %arg2[%dma_start3A_230, %dma_start3A_231] : memref<10000x128xf32, #tpu.memory_space<hbm>> -> memref<10000x128xf32, #tpu.memory_space<hbm>>
    tpu.enqueue_indirect_dma source(%dma_start3A_232 : memref<10000x128xf32, #tpu.memory_space<hbm>>) target(%dma_start3A_226 : memref<80x128xf32, #tpu.memory_space<vmem>>) offsets(%dma_start3A_229 : memref<80xi32, #tpu.memory_space<vmem>>) semaphore(%arg13 : memref<!tpu.dma_semaphore, #tpu.memory_space<semaphore_mem>>)
    %run_scoped3A = arith.constant 0 : i32
    %run_scoped3A_233 = arith.constant 0 : i32
    "tpu.region"() ({
      %run_scoped3A_330 = tpu.sem_alloc : memref<!tpu.dma_semaphore, #tpu.memory_space<semaphore_mem>>
      %dma_start3A_331 = arith.constant 0 : i32
      %dma_start3A_332 = arith.constant 0 : i32
      %dma_start3A_333 = tpu.memref_slice %arg10[%run_scoped3A, %dma_start3A_331, %dma_start3A_332] : memref<2x80x128xf32, #tpu.memory_space<vmem>> -> memref<1x80x128xf32, #tpu.memory_space<vmem>>
      %dma_start3A_334 = tpu.memref_squeeze %dma_start3A_333 : memref<1x80x128xf32, #tpu.memory_space<vmem>> -> memref<80x128xf32, #tpu.memory_space<vmem>>
      %dma_start3A_335 = arith.constant 0 : i32
      %dma_start3A_336 = tpu.memref_slice %arg8[%run_scoped3A_233, %dma_start3A_335] : memref<4x80xi32, #tpu.memory_space<vmem>> -> memref<1x80xi32, #tpu.memory_space<vmem>>
      %dma_start3A_337 = tpu.memref_squeeze %dma_start3A_336 : memref<1x80xi32, #tpu.memory_space<vmem>> -> memref<80xi32, #tpu.memory_space<vmem>>
      %dma_start3A_338 = arith.constant 0 : i32
      %dma_start3A_339 = arith.constant 0 : i32
      %dma_start3A_340 = tpu.memref_slice %arg11[%dma_start3A_338, %dma_start3A_339] : memref<10000x128xf32, #tpu.memory_space<vmem_shared>> -> memref<10000x128xf32, #tpu.memory_space<vmem_shared>>
      tpu.enqueue_indirect_dma source(%dma_start3A_334 : memref<80x128xf32, #tpu.memory_space<vmem>>) target(%dma_start3A_340 : memref<10000x128xf32, #tpu.memory_space<vmem_shared>>) offsets(%dma_start3A_337 : memref<80xi32, #tpu.memory_space<vmem>>) semaphore(%run_scoped3A_330 : memref<!tpu.dma_semaphore, #tpu.memory_space<semaphore_mem>>) {add = true}
      %dma_wait3A_341 = arith.constant 0 : i32
      %dma_wait3A_342 = arith.constant 0 : i32
      %dma_wait3A_343 = tpu.memref_slice %arg10[%run_scoped3A, %dma_wait3A_341, %dma_wait3A_342] : memref<2x80x128xf32, #tpu.memory_space<vmem>> -> memref<1x80x128xf32, #tpu.memory_space<vmem>>
      %dma_wait3A_344 = tpu.memref_squeeze %dma_wait3A_343 : memref<1x80x128xf32, #tpu.memory_space<vmem>> -> memref<80x128xf32, #tpu.memory_space<vmem>>
      %dma_wait3A_345 = arith.constant 0 : i32
      %dma_wait3A_346 = tpu.memref_slice %arg8[%run_scoped3A_233, %dma_wait3A_345] : memref<4x80xi32, #tpu.memory_space<vmem>> -> memref<1x80xi32, #tpu.memory_space<vmem>>
      %dma_wait3A_347 = tpu.memref_squeeze %dma_wait3A_346 : memref<1x80xi32, #tpu.memory_space<vmem>> -> memref<80xi32, #tpu.memory_space<vmem>>
      %dma_wait3A_348 = arith.constant 0 : i32
      %dma_wait3A_349 = arith.constant 0 : i32
      %dma_wait3A_350 = tpu.memref_slice %arg11[%dma_wait3A_348, %dma_wait3A_349] : memref<10000x128xf32, #tpu.memory_space<vmem_shared>> -> memref<10000x128xf32, #tpu.memory_space<vmem_shared>>
      tpu.wait_indirect_dma semaphore(%run_scoped3A_330 : memref<!tpu.dma_semaphore, #tpu.memory_space<semaphore_mem>>) src(%dma_wait3A_344 : memref<80x128xf32, #tpu.memory_space<vmem>>) dst(%dma_wait3A_350 : memref<10000x128xf32, #tpu.memory_space<vmem_shared>>)
      tpu.yield
    }) : () -> ()
    %add3A_234 = arith.constant 160 : i32
    %add3A_235 = arith.addi %mul3A_2, %add3A_234 : i32
    %dma_start3A_236 = arith.constant 0 : i32
    %dma_start3A_237 = arith.constant 0 : i32
    %dma_start3A_238 = tpu.memref_slice %arg7[%dma_start3A_236, %dma_start3A_237] : memref<2x80xi32, #tpu.memory_space<vmem>> -> memref<1x80xi32, #tpu.memory_space<vmem>>
    %dma_start3A_239 = tpu.memref_squeeze %dma_start3A_238 : memref<1x80xi32, #tpu.memory_space<vmem>> -> memref<80xi32, #tpu.memory_space<vmem>>
    %dma_start3A_240 = tpu.memref_slice %arg4[%add3A_235] : memref<320000xi32, #tpu.memory_space<hbm>> -> memref<80xi32, #tpu.memory_space<hbm>>
    %dma_start3A_241 = arith.constant 0 : i32
    %dma_start3A_242 = tpu.memref_slice %arg7[%dma_start3A_236, %dma_start3A_241] : memref<2x80xi32, #tpu.memory_space<vmem>> -> memref<1x80xi32, #tpu.memory_space<vmem>>
    %dma_start3A_243 = tpu.memref_squeeze %dma_start3A_242 : memref<1x80xi32, #tpu.memory_space<vmem>> -> memref<80xi32, #tpu.memory_space<vmem>>
    %dma_start3A_244 = tpu.memref_slice %arg4[%add3A_235] : memref<320000xi32, #tpu.memory_space<hbm>> -> memref<80xi32, #tpu.memory_space<hbm>>
    tpu.enqueue_dma source(%dma_start3A_244 : memref<80xi32, #tpu.memory_space<hbm>>) target(%dma_start3A_243 : memref<80xi32, #tpu.memory_space<vmem>>) target_semaphore(%arg12 : memref<!tpu.dma_semaphore, #tpu.memory_space<semaphore_mem>>)
    %dma_start3A_245 = arith.constant 2 : i32
    %dma_start3A_246 = arith.constant 0 : i32
    %dma_start3A_247 = tpu.memref_slice %arg8[%dma_start3A_245, %dma_start3A_246] : memref<4x80xi32, #tpu.memory_space<vmem>> -> memref<1x80xi32, #tpu.memory_space<vmem>>
    %dma_start3A_248 = tpu.memref_squeeze %dma_start3A_247 : memref<1x80xi32, #tpu.memory_space<vmem>> -> memref<80xi32, #tpu.memory_space<vmem>>
    %dma_start3A_249 = tpu.memref_slice %arg5[%add3A_235] : memref<320000xi32, #tpu.memory_space<hbm>> -> memref<80xi32, #tpu.memory_space<hbm>>
    %dma_start3A_250 = arith.constant 0 : i32
    %dma_start3A_251 = tpu.memref_slice %arg8[%dma_start3A_245, %dma_start3A_250] : memref<4x80xi32, #tpu.memory_space<vmem>> -> memref<1x80xi32, #tpu.memory_space<vmem>>
    %dma_start3A_252 = tpu.memref_squeeze %dma_start3A_251 : memref<1x80xi32, #tpu.memory_space<vmem>> -> memref<80xi32, #tpu.memory_space<vmem>>
    %dma_start3A_253 = tpu.memref_slice %arg5[%add3A_235] : memref<320000xi32, #tpu.memory_space<hbm>> -> memref<80xi32, #tpu.memory_space<hbm>>
    tpu.enqueue_dma source(%dma_start3A_253 : memref<80xi32, #tpu.memory_space<hbm>>) target(%dma_start3A_252 : memref<80xi32, #tpu.memory_space<vmem>>) target_semaphore(%arg12 : memref<!tpu.dma_semaphore, #tpu.memory_space<semaphore_mem>>)
    %dma_start3A_254 = arith.constant 0 : i32
    %dma_start3A_255 = arith.constant 0 : i32
    %dma_start3A_256 = arith.constant 0 : i32
    %dma_start3A_257 = tpu.memref_slice %arg9[%dma_start3A_254, %dma_start3A_255, %dma_start3A_256] : memref<2x80x64xi32, #tpu.memory_space<vmem>> -> memref<1x80x64xi32, #tpu.memory_space<vmem>>
    %dma_start3A_258 = tpu.memref_squeeze %dma_start3A_257 : memref<1x80x64xi32, #tpu.memory_space<vmem>> -> memref<80x64xi32, #tpu.memory_space<vmem>>
    %dma_start3A_259 = arith.constant 0 : i32
    %dma_start3A_260 = tpu.memref_slice %arg3[%add3A_235, %dma_start3A_259] : memref<320000x64xi32, #tpu.memory_space<hbm>> -> memref<80x64xi32, #tpu.memory_space<hbm>>
    %dma_start3A_261 = arith.constant 0 : i32
    %dma_start3A_262 = arith.constant 0 : i32
    %dma_start3A_263 = tpu.memref_slice %arg9[%dma_start3A_254, %dma_start3A_261, %dma_start3A_262] : memref<2x80x64xi32, #tpu.memory_space<vmem>> -> memref<1x80x64xi32, #tpu.memory_space<vmem>>
    %dma_start3A_264 = tpu.memref_squeeze %dma_start3A_263 : memref<1x80x64xi32, #tpu.memory_space<vmem>> -> memref<80x64xi32, #tpu.memory_space<vmem>>
    %dma_start3A_265 = arith.constant 0 : i32
    %dma_start3A_266 = tpu.memref_slice %arg3[%add3A_235, %dma_start3A_265] : memref<320000x64xi32, #tpu.memory_space<hbm>> -> memref<80x64xi32, #tpu.memory_space<hbm>>
    tpu.enqueue_dma source(%dma_start3A_266 : memref<80x64xi32, #tpu.memory_space<hbm>>) target(%dma_start3A_264 : memref<80x64xi32, #tpu.memory_space<vmem>>) target_semaphore(%arg12 : memref<!tpu.dma_semaphore, #tpu.memory_space<semaphore_mem>>)
    %scan3A_267 = arith.constant 0 : i32
    %scan3A_268 = arith.constant 0 : i32
    %scan3A_269 = arith.constant 31 : i32
    %scan3A_270 = arith.addi %scan3A_268, %scan3A_269 : i32
    %scan3A_271 = arith.constant 1 : i32
    scf.for %scan3A_330 = %scan3A_268 to %scan3A_270 step %scan3A_271  : i32 {
      %mul3A_331 = arith.constant 4 : i32
      %mul3A_332 = arith.muli %mul3A_331, %scan3A_330 : i32
      %add3A_333 = arith.constant 1 : i32
      %add3A_334 = arith.addi %mul3A_332, %add3A_333 : i32
      %dma_wait3A_335 = arith.constant 1 : i32
      %dma_wait3A_336 = arith.constant 1 : i32
      %dma_wait3A_337 = arith.constant 0 : i32
      %dma_wait3A_338 = arith.constant 0 : i32
      %dma_wait3A_339 = tpu.memref_slice %arg10[%dma_wait3A_336, %dma_wait3A_337, %dma_wait3A_338] : memref<2x80x128xf32, #tpu.memory_space<vmem>> -> memref<1x80x128xf32, #tpu.memory_space<vmem>>
      %dma_wait3A_340 = tpu.memref_squeeze %dma_wait3A_339 : memref<1x80x128xf32, #tpu.memory_space<vmem>> -> memref<80x128xf32, #tpu.memory_space<vmem>>
      %dma_wait3A_341 = arith.constant 0 : i32
      %dma_wait3A_342 = tpu.memref_slice %arg7[%dma_wait3A_335, %dma_wait3A_341] : memref<2x80xi32, #tpu.memory_space<vmem>> -> memref<1x80xi32, #tpu.memory_space<vmem>>
      %dma_wait3A_343 = tpu.memref_squeeze %dma_wait3A_342 : memref<1x80xi32, #tpu.memory_space<vmem>> -> memref<80xi32, #tpu.memory_space<vmem>>
      %dma_wait3A_344 = arith.constant 0 : i32
      %dma_wait3A_345 = arith.constant 0 : i32
      %dma_wait3A_346 = tpu.memref_slice %arg2[%dma_wait3A_344, %dma_wait3A_345] : memref<10000x128xf32, #tpu.memory_space<hbm>> -> memref<10000x128xf32, #tpu.memory_space<hbm>>
      tpu.wait_indirect_dma semaphore(%arg13 : memref<!tpu.dma_semaphore, #tpu.memory_space<semaphore_mem>>) src(%dma_wait3A_346 : memref<10000x128xf32, #tpu.memory_space<hbm>>) dst(%dma_wait3A_340 : memref<80x128xf32, #tpu.memory_space<vmem>>)
      %scan3A_347 = arith.constant 0 : i32
      %scan3A_348 = arith.constant 0 : i32
      %scan3A_349 = arith.constant 80 : i32
      %scan3A_350 = arith.addi %scan3A_348, %scan3A_349 : i32
      %scan3A_351 = arith.constant 1 : i32
      scf.for %scan3A_658 = %scan3A_348 to %scan3A_350 step %scan3A_351  : i32 {
        %broadcast_in_dim3A = arith.constant 16 : i32
        %broadcast_in_dim3A_659 = vector.broadcast %broadcast_in_dim3A : i32 to vector<16xi32>
        %broadcast_in_dim3A_660 = arith.constant -65536 : i32
        %broadcast_in_dim3A_661 = vector.broadcast %broadcast_in_dim3A_660 : i32 to vector<16xi32>
        %get3A = arith.constant 1 : i32
        %get3A_662 = arith.index_cast %get3A : i32 to index
        %get3A_663 = arith.index_cast %scan3A_658 : i32 to index
        %get3A_664 = arith.constant 0 : index
        %get3A_665 = tpu.vector_load %arg9[%get3A_662, %get3A_663, %get3A_664] {strides = array<i32>} : memref<2x80x64xi32, #tpu.memory_space<vmem>>, vector<1x1x16xi32>,
        %get3A_666 = vector.shape_cast %get3A_665 : vector<1x1x16xi32> to vector<16xi32>
        %shift_left3A = arith.shli %get3A_666, %broadcast_in_dim3A_659 : vector<16xi32>
        %bitcast_convert_type3A = tpu.bitcast %shift_left3A : vector<16xi32> -> vector<16xf32>
        %and3A = arith.andi %get3A_666, %broadcast_in_dim3A_661 : vector<16xi32>
        %bitcast_convert_type3A_667 = tpu.bitcast %and3A : vector<16xi32> -> vector<16xf32>
        %get3A_668 = arith.constant 1 : i32
        %get3A_669 = arith.index_cast %get3A_668 : i32 to index
        %get3A_670 = arith.index_cast %scan3A_658 : i32 to index
        %get3A_671 = arith.constant 0 : index
        %get3A_672 = tpu.vector_load %arg10[%get3A_669, %get3A_670, %get3A_671] {strides = array<i32>} : memref<2x80x128xf32, #tpu.memory_space<vmem>>, vector<1x1x16xf32>,
        %get3A_673 = vector.shape_cast %get3A_672 : vector<1x1x16xf32> to vector<16xf32>
        %mul3A_674 = arith.mulf %get3A_673, %bitcast_convert_type3A : vector<16xf32>
        %swap3A = arith.constant 1 : i32
        %swap3A_675 = arith.index_cast %swap3A : i32 to index
        %swap3A_676 = arith.index_cast %scan3A_658 : i32 to index
        %swap3A_677 = arith.constant 0 : index
        %swap3A_678 = tpu.vector_load %arg10[%swap3A_675, %swap3A_676, %swap3A_677] {strides = array<i32>} : memref<2x80x128xf32, #tpu.memory_space<vmem>>, vector<1x1x16xf32>,
        %swap3A_679 = vector.shape_cast %swap3A_678 : vector<1x1x16xf32> to vector<16xf32>
        %swap3A_680 = vector.shape_cast %mul3A_674 : vector<16xf32> to vector<1x1x16xf32>
        tpu.vector_store %arg10[%swap3A_675, %swap3A_676, %swap3A_677], %swap3A_680 {strides = array<i32>} : memref<2x80x128xf32, #tpu.memory_space<vmem>>, vector<1x1x16xf32>,
        %get3A_681 = arith.constant 1 : i32
        %get3A_682 = arith.index_cast %get3A_681 : i32 to index
        %get3A_683 = arith.index_cast %scan3A_658 : i32 to index
        %get3A_684 = arith.constant 16 : index
        %get3A_685 = tpu.vector_load %arg10[%get3A_682, %get3A_683, %get3A_684] {strides = array<i32>} : memref<2x80x128xf32, #tpu.memory_space<vmem>>, vector<1x1x16xf32>,
        %get3A_686 = vector.shape_cast %get3A_685 : vector<1x1x16xf32> to vector<16xf32>
        %mul3A_687 = arith.mulf %get3A_686, %bitcast_convert_type3A_667 : vector<16xf32>
        %swap3A_688 = arith.constant 1 : i32
        %swap3A_689 = arith.index_cast %swap3A_688 : i32 to index
        %swap3A_690 = arith.index_cast %scan3A_658 : i32 to index
        %swap3A_691 = arith.constant 16 : index
        %swap3A_692 = tpu.vector_load %arg10[%swap3A_689, %swap3A_690, %swap3A_691] {strides = array<i32>} : memref<2x80x128xf32, #tpu.memory_space<vmem>>, vector<1x1x16xf32>,
        %swap3A_693 = vector.shape_cast %swap3A_692 : vector<1x1x16xf32> to vector<16xf32>
        %swap3A_694 = vector.shape_cast %mul3A_687 : vector<16xf32> to vector<1x1x16xf32>
        tpu.vector_store %arg10[%swap3A_689, %swap3A_690, %swap3A_691], %swap3A_694 {strides = array<i32>} : memref<2x80x128xf32, #tpu.memory_space<vmem>>, vector<1x1x16xf32>,
        %get3A_695 = arith.constant 1 : i32
        %get3A_696 = arith.index_cast %get3A_695 : i32 to index
        %get3A_697 = arith.index_cast %scan3A_658 : i32 to index
        %get3A_698 = arith.constant 16 : index
        %get3A_699 = tpu.vector_load %arg9[%get3A_696, %get3A_697, %get3A_698] {strides = array<i32>} : memref<2x80x64xi32, #tpu.memory_space<vmem>>, vector<1x1x16xi32>,
        %get3A_700 = vector.shape_cast %get3A_699 : vector<1x1x16xi32> to vector<16xi32>
        %shift_left3A_701 = arith.shli %get3A_700, %broadcast_in_dim3A_659 : vector<16xi32>
        %bitcast_convert_type3A_702 = tpu.bitcast %shift_left3A_701 : vector<16xi32> -> vector<16xf32>
        %and3A_703 = arith.andi %get3A_700, %broadcast_in_dim3A_661 : vector<16xi32>
        %bitcast_convert_type3A_704 = tpu.bitcast %and3A_703 : vector<16xi32> -> vector<16xf32>
        %get3A_705 = arith.constant 1 : i32
        %get3A_706 = arith.index_cast %get3A_705 : i32 to index
        %get3A_707 = arith.index_cast %scan3A_658 : i32 to index
        %get3A_708 = arith.constant 32 : index
        %get3A_709 = tpu.vector_load %arg10[%get3A_706, %get3A_707, %get3A_708] {strides = array<i32>} : memref<2x80x128xf32, #tpu.memory_space<vmem>>, vector<1x1x16xf32>,
        %get3A_710 = vector.shape_cast %get3A_709 : vector<1x1x16xf32> to vector<16xf32>
        %mul3A_711 = arith.mulf %get3A_710, %bitcast_convert_type3A_702 : vector<16xf32>
        %swap3A_712 = arith.constant 1 : i32
        %swap3A_713 = arith.index_cast %swap3A_712 : i32 to index
        %swap3A_714 = arith.index_cast %scan3A_658 : i32 to index
        %swap3A_715 = arith.constant 32 : index
        %swap3A_716 = tpu.vector_load %arg10[%swap3A_713, %swap3A_714, %swap3A_715] {strides = array<i32>} : memref<2x80x128xf32, #tpu.memory_space<vmem>>, vector<1x1x16xf32>,
        %swap3A_717 = vector.shape_cast %swap3A_716 : vector<1x1x16xf32> to vector<16xf32>
        %swap3A_718 = vector.shape_cast %mul3A_711 : vector<16xf32> to vector<1x1x16xf32>
        tpu.vector_store %arg10[%swap3A_713, %swap3A_714, %swap3A_715], %swap3A_718 {strides = array<i32>} : memref<2x80x128xf32, #tpu.memory_space<vmem>>, vector<1x1x16xf32>,
        %get3A_719 = arith.constant 1 : i32
        %get3A_720 = arith.index_cast %get3A_719 : i32 to index
        %get3A_721 = arith.index_cast %scan3A_658 : i32 to index
        %get3A_722 = arith.constant 48 : index
        %get3A_723 = tpu.vector_load %arg10[%get3A_720, %get3A_721, %get3A_722] {strides = array<i32>} : memref<2x80x128xf32, #tpu.memory_space<vmem>>, vector<1x1x16xf32>,
        %get3A_724 = vector.shape_cast %get3A_723 : vector<1x1x16xf32> to vector<16xf32>
        %mul3A_725 = arith.mulf %get3A_724, %bitcast_convert_type3A_704 : vector<16xf32>
        %swap3A_726 = arith.constant 1 : i32
        %swap3A_727 = arith.index_cast %swap3A_726 : i32 to index
        %swap3A_728 = arith.index_cast %scan3A_658 : i32 to index
        %swap3A_729 = arith.constant 48 : index
        %swap3A_730 = tpu.vector_load %arg10[%swap3A_727, %swap3A_728, %swap3A_729] {strides = array<i32>} : memref<2x80x128xf32, #tpu.memory_space<vmem>>, vector<1x1x16xf32>,
        %swap3A_731 = vector.shape_cast %swap3A_730 : vector<1x1x16xf32> to vector<16xf32>
        %swap3A_732 = vector.shape_cast %mul3A_725 : vector<16xf32> to vector<1x1x16xf32>
        tpu.vector_store %arg10[%swap3A_727, %swap3A_728, %swap3A_729], %swap3A_732 {strides = array<i32>} : memref<2x80x128xf32, #tpu.memory_space<vmem>>, vector<1x1x16xf32>,
        %get3A_733 = arith.constant 1 : i32
        %get3A_734 = arith.index_cast %get3A_733 : i32 to index
        %get3A_735 = arith.index_cast %scan3A_658 : i32 to index
        %get3A_736 = arith.constant 32 : index
        %get3A_737 = tpu.vector_load %arg9[%get3A_734, %get3A_735, %get3A_736] {strides = array<i32>} : memref<2x80x64xi32, #tpu.memory_space<vmem>>, vector<1x1x16xi32>,
        %get3A_738 = vector.shape_cast %get3A_737 : vector<1x1x16xi32> to vector<16xi32>
        %shift_left3A_739 = arith.shli %get3A_738, %broadcast_in_dim3A_659 : vector<16xi32>
        %bitcast_convert_type3A_740 = tpu.bitcast %shift_left3A_739 : vector<16xi32> -> vector<16xf32>
        %and3A_741 = arith.andi %get3A_738, %broadcast_in_dim3A_661 : vector<16xi32>
        %bitcast_convert_type3A_742 = tpu.bitcast %and3A_741 : vector<16xi32> -> vector<16xf32>
        %get3A_743 = arith.constant 1 : i32
        %get3A_744 = arith.index_cast %get3A_743 : i32 to index
        %get3A_745 = arith.index_cast %scan3A_658 : i32 to index
        %get3A_746 = arith.constant 64 : index
        %get3A_747 = tpu.vector_load %arg10[%get3A_744, %get3A_745, %get3A_746] {strides = array<i32>} : memref<2x80x128xf32, #tpu.memory_space<vmem>>, vector<1x1x16xf32>,
        %get3A_748 = vector.shape_cast %get3A_747 : vector<1x1x16xf32> to vector<16xf32>
        %mul3A_749 = arith.mulf %get3A_748, %bitcast_convert_type3A_740 : vector<16xf32>
        %swap3A_750 = arith.constant 1 : i32
        %swap3A_751 = arith.index_cast %swap3A_750 : i32 to index
        %swap3A_752 = arith.index_cast %scan3A_658 : i32 to index
        %swap3A_753 = arith.constant 64 : index
        %swap3A_754 = tpu.vector_load %arg10[%swap3A_751, %swap3A_752, %swap3A_753] {strides = array<i32>} : memref<2x80x128xf32, #tpu.memory_space<vmem>>, vector<1x1x16xf32>,
        %swap3A_755 = vector.shape_cast %swap3A_754 : vector<1x1x16xf32> to vector<16xf32>
        %swap3A_756 = vector.shape_cast %mul3A_749 : vector<16xf32> to vector<1x1x16xf32>
        tpu.vector_store %arg10[%swap3A_751, %swap3A_752, %swap3A_753], %swap3A_756 {strides = array<i32>} : memref<2x80x128xf32, #tpu.memory_space<vmem>>, vector<1x1x16xf32>,
        %get3A_757 = arith.constant 1 : i32
        %get3A_758 = arith.index_cast %get3A_757 : i32 to index
        %get3A_759 = arith.index_cast %scan3A_658 : i32 to index
        %get3A_760 = arith.constant 80 : index
        %get3A_761 = tpu.vector_load %arg10[%get3A_758, %get3A_759, %get3A_760] {strides = array<i32>} : memref<2x80x128xf32, #tpu.memory_space<vmem>>, vector<1x1x16xf32>,
        %get3A_762 = vector.shape_cast %get3A_761 : vector<1x1x16xf32> to vector<16xf32>
        %mul3A_763 = arith.mulf %get3A_762, %bitcast_convert_type3A_742 : vector<16xf32>
        %swap3A_764 = arith.constant 1 : i32
        %swap3A_765 = arith.index_cast %swap3A_764 : i32 to index
        %swap3A_766 = arith.index_cast %scan3A_658 : i32 to index
        %swap3A_767 = arith.constant 80 : index
        %swap3A_768 = tpu.vector_load %arg10[%swap3A_765, %swap3A_766, %swap3A_767] {strides = array<i32>} : memref<2x80x128xf32, #tpu.memory_space<vmem>>, vector<1x1x16xf32>,
        %swap3A_769 = vector.shape_cast %swap3A_768 : vector<1x1x16xf32> to vector<16xf32>
        %swap3A_770 = vector.shape_cast %mul3A_763 : vector<16xf32> to vector<1x1x16xf32>
        tpu.vector_store %arg10[%swap3A_765, %swap3A_766, %swap3A_767], %swap3A_770 {strides = array<i32>} : memref<2x80x128xf32, #tpu.memory_space<vmem>>, vector<1x1x16xf32>,
        %get3A_771 = arith.constant 1 : i32
        %get3A_772 = arith.index_cast %get3A_771 : i32 to index
        %get3A_773 = arith.index_cast %scan3A_658 : i32 to index
        %get3A_774 = arith.constant 48 : index
        %get3A_775 = tpu.vector_load %arg9[%get3A_772, %get3A_773, %get3A_774] {strides = array<i32>} : memref<2x80x64xi32, #tpu.memory_space<vmem>>, vector<1x1x16xi32>,
        %get3A_776 = vector.shape_cast %get3A_775 : vector<1x1x16xi32> to vector<16xi32>
        %shift_left3A_777 = arith.shli %get3A_776, %broadcast_in_dim3A_659 : vector<16xi32>
        %bitcast_convert_type3A_778 = tpu.bitcast %shift_left3A_777 : vector<16xi32> -> vector<16xf32>
        %and3A_779 = arith.andi %get3A_776, %broadcast_in_dim3A_661 : vector<16xi32>
        %bitcast_convert_type3A_780 = tpu.bitcast %and3A_779 : vector<16xi32> -> vector<16xf32>
        %get3A_781 = arith.constant 1 : i32
        %get3A_782 = arith.index_cast %get3A_781 : i32 to index
        %get3A_783 = arith.index_cast %scan3A_658 : i32 to index
        %get3A_784 = arith.constant 96 : index
        %get3A_785 = tpu.vector_load %arg10[%get3A_782, %get3A_783, %get3A_784] {strides = array<i32>} : memref<2x80x128xf32, #tpu.memory_space<vmem>>, vector<1x1x16xf32>,
        %get3A_786 = vector.shape_cast %get3A_785 : vector<1x1x16xf32> to vector<16xf32>
        %mul3A_787 = arith.mulf %get3A_786, %bitcast_convert_type3A_778 : vector<16xf32>
        %swap3A_788 = arith.constant 1 : i32
        %swap3A_789 = arith.index_cast %swap3A_788 : i32 to index
        %swap3A_790 = arith.index_cast %scan3A_658 : i32 to index
        %swap3A_791 = arith.constant 96 : index
        %swap3A_792 = tpu.vector_load %arg10[%swap3A_789, %swap3A_790, %swap3A_791] {strides = array<i32>} : memref<2x80x128xf32, #tpu.memory_space<vmem>>, vector<1x1x16xf32>,
        %swap3A_793 = vector.shape_cast %swap3A_792 : vector<1x1x16xf32> to vector<16xf32>
        %swap3A_794 = vector.shape_cast %mul3A_787 : vector<16xf32> to vector<1x1x16xf32>
        tpu.vector_store %arg10[%swap3A_789, %swap3A_790, %swap3A_791], %swap3A_794 {strides = array<i32>} : memref<2x80x128xf32, #tpu.memory_space<vmem>>, vector<1x1x16xf32>,
        %get3A_795 = arith.constant 1 : i32
        %get3A_796 = arith.index_cast %get3A_795 : i32 to index
        %get3A_797 = arith.index_cast %scan3A_658 : i32 to index
        %get3A_798 = arith.constant 112 : index
        %get3A_799 = tpu.vector_load %arg10[%get3A_796, %get3A_797, %get3A_798] {strides = array<i32>} : memref<2x80x128xf32, #tpu.memory_space<vmem>>, vector<1x1x16xf32>,
        %get3A_800 = vector.shape_cast %get3A_799 : vector<1x1x16xf32> to vector<16xf32>
        %mul3A_801 = arith.mulf %get3A_800, %bitcast_convert_type3A_780 : vector<16xf32>
        %swap3A_802 = arith.constant 1 : i32
        %swap3A_803 = arith.index_cast %swap3A_802 : i32 to index
        %swap3A_804 = arith.index_cast %scan3A_658 : i32 to index
        %swap3A_805 = arith.constant 112 : index
        %swap3A_806 = tpu.vector_load %arg10[%swap3A_803, %swap3A_804, %swap3A_805] {strides = array<i32>} : memref<2x80x128xf32, #tpu.memory_space<vmem>>, vector<1x1x16xf32>,
        %swap3A_807 = vector.shape_cast %swap3A_806 : vector<1x1x16xf32> to vector<16xf32>
        %swap3A_808 = vector.shape_cast %mul3A_801 : vector<16xf32> to vector<1x1x16xf32>
        tpu.vector_store %arg10[%swap3A_803, %swap3A_804, %swap3A_805], %swap3A_808 {strides = array<i32>} : memref<2x80x128xf32, #tpu.memory_space<vmem>>, vector<1x1x16xf32>,
      }
      %scan3A_352 = arith.constant 80 : i32
      %add3A_353 = arith.constant 1 : i32
      %add3A_354 = arith.addi %add3A_334, %add3A_353 : i32
      %mul3A_355 = arith.constant 80 : i32
      %mul3A_356 = arith.muli %add3A_354, %mul3A_355 : i32
      %add3A_357 = arith.addi %mul3A_2, %mul3A_356 : i32
      %dma_wait3A_358 = arith.constant 0 : i32
      %dma_wait3A_359 = arith.constant 0 : i32
      %dma_wait3A_360 = tpu.memref_slice %arg7[%dma_wait3A_358, %dma_wait3A_359] : memref<2x80xi32, #tpu.memory_space<vmem>> -> memref<1x80xi32, #tpu.memory_space<vmem>>
      %dma_wait3A_361 = tpu.memref_squeeze %dma_wait3A_360 : memref<1x80xi32, #tpu.memory_space<vmem>> -> memref<80xi32, #tpu.memory_space<vmem>>
      %dma_wait3A_362 = tpu.memref_slice %arg4[%add3A_357] : memref<320000xi32, #tpu.memory_space<hbm>> -> memref<80xi32, #tpu.memory_space<hbm>>
      %dma_wait3A_363 = arith.constant 0 : i32
      %dma_wait3A_364 = tpu.memref_slice %arg7[%dma_wait3A_358, %dma_wait3A_363] : memref<2x80xi32, #tpu.memory_space<vmem>> -> memref<1x80xi32, #tpu.memory_space<vmem>>
      %dma_wait3A_365 = tpu.memref_squeeze %dma_wait3A_364 : memref<1x80xi32, #tpu.memory_space<vmem>> -> memref<80xi32, #tpu.memory_space<vmem>>
      %dma_wait3A_366 = tpu.memref_slice %arg4[%add3A_357] : memref<320000xi32, #tpu.memory_space<hbm>> -> memref<80xi32, #tpu.memory_space<hbm>>
      tpu.wait_dma2 semaphore(%arg12 : memref<!tpu.dma_semaphore, #tpu.memory_space<semaphore_mem>>) src(%dma_wait3A_366 : memref<80xi32, #tpu.memory_space<hbm>>) dst(%dma_wait3A_365 : memref<80xi32, #tpu.memory_space<vmem>>)
      %dma_wait3A_367 = arith.constant 2 : i32
      %dma_wait3A_368 = arith.constant 0 : i32
      %dma_wait3A_369 = tpu.memref_slice %arg8[%dma_wait3A_367, %dma_wait3A_368] : memref<4x80xi32, #tpu.memory_space<vmem>> -> memref<1x80xi32, #tpu.memory_space<vmem>>
      %dma_wait3A_370 = tpu.memref_squeeze %dma_wait3A_369 : memref<1x80xi32, #tpu.memory_space<vmem>> -> memref<80xi32, #tpu.memory_space<vmem>>
      %dma_wait3A_371 = tpu.memref_slice %arg5[%add3A_357] : memref<320000xi32, #tpu.memory_space<hbm>> -> memref<80xi32, #tpu.memory_space<hbm>>
      %dma_wait3A_372 = arith.constant 0 : i32
      %dma_wait3A_373 = tpu.memref_slice %arg8[%dma_wait3A_367, %dma_wait3A_372] : memref<4x80xi32, #tpu.memory_space<vmem>> -> memref<1x80xi32, #tpu.memory_space<vmem>>
      %dma_wait3A_374 = tpu.memref_squeeze %dma_wait3A_373 : memref<1x80xi32, #tpu.memory_space<vmem>> -> memref<80xi32, #tpu.memory_space<vmem>>
      %dma_wait3A_375 = tpu.memref_slice %arg5[%add3A_357] : memref<320000xi32, #tpu.memory_space<hbm>> -> memref<80xi32, #tpu.memory_space<hbm>>
      tpu.wait_dma2 semaphore(%arg12 : memref<!tpu.dma_semaphore, #tpu.memory_space<semaphore_mem>>) src(%dma_wait3A_375 : memref<80xi32, #tpu.memory_space<hbm>>) dst(%dma_wait3A_374 : memref<80xi32, #tpu.memory_space<vmem>>)
      %dma_wait3A_376 = arith.constant 0 : i32
      %dma_wait3A_377 = arith.constant 0 : i32
      %dma_wait3A_378 = arith.constant 0 : i32
      %dma_wait3A_379 = tpu.memref_slice %arg9[%dma_wait3A_376, %dma_wait3A_377, %dma_wait3A_378] : memref<2x80x64xi32, #tpu.memory_space<vmem>> -> memref<1x80x64xi32, #tpu.memory_space<vmem>>
      %dma_wait3A_380 = tpu.memref_squeeze %dma_wait3A_379 : memref<1x80x64xi32, #tpu.memory_space<vmem>> -> memref<80x64xi32, #tpu.memory_space<vmem>>
      %dma_wait3A_381 = arith.constant 0 : i32
      %dma_wait3A_382 = tpu.memref_slice %arg3[%add3A_357, %dma_wait3A_381] : memref<320000x64xi32, #tpu.memory_space<hbm>> -> memref<80x64xi32, #tpu.memory_space<hbm>>
      %dma_wait3A_383 = arith.constant 0 : i32
      %dma_wait3A_384 = arith.constant 0 : i32
      %dma_wait3A_385 = tpu.memref_slice %arg9[%dma_wait3A_376, %dma_wait3A_383, %dma_wait3A_384] : memref<2x80x64xi32, #tpu.memory_space<vmem>> -> memref<1x80x64xi32, #tpu.memory_space<vmem>>
      %dma_wait3A_386 = tpu.memref_squeeze %dma_wait3A_385 : memref<1x80x64xi32, #tpu.memory_space<vmem>> -> memref<80x64xi32, #tpu.memory_space<vmem>>
      %dma_wait3A_387 = arith.constant 0 : i32
      %dma_wait3A_388 = tpu.memref_slice %arg3[%add3A_357, %dma_wait3A_387] : memref<320000x64xi32, #tpu.memory_space<hbm>> -> memref<80x64xi32, #tpu.memory_space<hbm>>
      tpu.wait_dma2 semaphore(%arg12 : memref<!tpu.dma_semaphore, #tpu.memory_space<semaphore_mem>>) src(%dma_wait3A_388 : memref<80x64xi32, #tpu.memory_space<hbm>>) dst(%dma_wait3A_386 : memref<80x64xi32, #tpu.memory_space<vmem>>)
      %dma_start3A_389 = arith.constant 0 : i32
      %dma_start3A_390 = arith.constant 0 : i32
      %dma_start3A_391 = arith.constant 0 : i32
      %dma_start3A_392 = arith.constant 0 : i32
      %dma_start3A_393 = tpu.memref_slice %arg10[%dma_start3A_390, %dma_start3A_391, %dma_start3A_392] : memref<2x80x128xf32, #tpu.memory_space<vmem>> -> memref<1x80x128xf32, #tpu.memory_space<vmem>>
      %dma_start3A_394 = tpu.memref_squeeze %dma_start3A_393 : memref<1x80x128xf32, #tpu.memory_space<vmem>> -> memref<80x128xf32, #tpu.memory_space<vmem>>
      %dma_start3A_395 = arith.constant 0 : i32
      %dma_start3A_396 = tpu.memref_slice %arg7[%dma_start3A_389, %dma_start3A_395] : memref<2x80xi32, #tpu.memory_space<vmem>> -> memref<1x80xi32, #tpu.memory_space<vmem>>
      %dma_start3A_397 = tpu.memref_squeeze %dma_start3A_396 : memref<1x80xi32, #tpu.memory_space<vmem>> -> memref<80xi32, #tpu.memory_space<vmem>>
      %dma_start3A_398 = arith.constant 0 : i32
      %dma_start3A_399 = arith.constant 0 : i32
      %dma_start3A_400 = tpu.memref_slice %arg2[%dma_start3A_398, %dma_start3A_399] : memref<10000x128xf32, #tpu.memory_space<hbm>> -> memref<10000x128xf32, #tpu.memory_space<hbm>>
      tpu.enqueue_indirect_dma source(%dma_start3A_400 : memref<10000x128xf32, #tpu.memory_space<hbm>>) target(%dma_start3A_394 : memref<80x128xf32, #tpu.memory_space<vmem>>) offsets(%dma_start3A_397 : memref<80xi32, #tpu.memory_space<vmem>>) semaphore(%arg13 : memref<!tpu.dma_semaphore, #tpu.memory_space<semaphore_mem>>)
      %run_scoped3A_401 = arith.constant 1 : i32
      %run_scoped3A_402 = arith.constant 1 : i32
      "tpu.region"() ({
        %run_scoped3A_658 = tpu.sem_alloc : memref<!tpu.dma_semaphore, #tpu.memory_space<semaphore_mem>>
        %dma_start3A_659 = arith.constant 0 : i32
        %dma_start3A_660 = arith.constant 0 : i32
        %dma_start3A_661 = tpu.memref_slice %arg10[%run_scoped3A_401, %dma_start3A_659, %dma_start3A_660] : memref<2x80x128xf32, #tpu.memory_space<vmem>> -> memref<1x80x128xf32, #tpu.memory_space<vmem>>
        %dma_start3A_662 = tpu.memref_squeeze %dma_start3A_661 : memref<1x80x128xf32, #tpu.memory_space<vmem>> -> memref<80x128xf32, #tpu.memory_space<vmem>>
        %dma_start3A_663 = arith.constant 0 : i32
        %dma_start3A_664 = tpu.memref_slice %arg8[%run_scoped3A_402, %dma_start3A_663] : memref<4x80xi32, #tpu.memory_space<vmem>> -> memref<1x80xi32, #tpu.memory_space<vmem>>
        %dma_start3A_665 = tpu.memref_squeeze %dma_start3A_664 : memref<1x80xi32, #tpu.memory_space<vmem>> -> memref<80xi32, #tpu.memory_space<vmem>>
        %dma_start3A_666 = arith.constant 0 : i32
        %dma_start3A_667 = arith.constant 0 : i32
        %dma_start3A_668 = tpu.memref_slice %arg11[%dma_start3A_666, %dma_start3A_667] : memref<10000x128xf32, #tpu.memory_space<vmem_shared>> -> memref<10000x128xf32, #tpu.memory_space<vmem_shared>>
        tpu.enqueue_indirect_dma source(%dma_start3A_662 : memref<80x128xf32, #tpu.memory_space<vmem>>) target(%dma_start3A_668 : memref<10000x128xf32, #tpu.memory_space<vmem_shared>>) offsets(%dma_start3A_665 : memref<80xi32, #tpu.memory_space<vmem>>) semaphore(%run_scoped3A_658 : memref<!tpu.dma_semaphore, #tpu.memory_space<semaphore_mem>>) {add = true}
        %dma_wait3A_669 = arith.constant 0 : i32
        %dma_wait3A_670 = arith.constant 0 : i32
        %dma_wait3A_671 = tpu.memref_slice %arg10[%run_scoped3A_401, %dma_wait3A_669, %dma_wait3A_670] : memref<2x80x128xf32, #tpu.memory_space<vmem>> -> memref<1x80x128xf32, #tpu.memory_space<vmem>>
        %dma_wait3A_672 = tpu.memref_squeeze %dma_wait3A_671 : memref<1x80x128xf32, #tpu.memory_space<vmem>> -> memref<80x128xf32, #tpu.memory_space<vmem>>
        %dma_wait3A_673 = arith.constant 0 : i32
        %dma_wait3A_674 = tpu.memref_slice %arg8[%run_scoped3A_402, %dma_wait3A_673] : memref<4x80xi32, #tpu.memory_space<vmem>> -> memref<1x80xi32, #tpu.memory_space<vmem>>
        %dma_wait3A_675 = tpu.memref_squeeze %dma_wait3A_674 : memref<1x80xi32, #tpu.memory_space<vmem>> -> memref<80xi32, #tpu.memory_space<vmem>>
        %dma_wait3A_676 = arith.constant 0 : i32
        %dma_wait3A_677 = arith.constant 0 : i32
        %dma_wait3A_678 = tpu.memref_slice %arg11[%dma_wait3A_676, %dma_wait3A_677] : memref<10000x128xf32, #tpu.memory_space<vmem_shared>> -> memref<10000x128xf32, #tpu.memory_space<vmem_shared>>
        tpu.wait_indirect_dma semaphore(%run_scoped3A_658 : memref<!tpu.dma_semaphore, #tpu.memory_space<semaphore_mem>>) src(%dma_wait3A_672 : memref<80x128xf32, #tpu.memory_space<vmem>>) dst(%dma_wait3A_678 : memref<10000x128xf32, #tpu.memory_space<vmem_shared>>)
        tpu.yield
      }) : () -> ()
      %add3A_403 = arith.constant 2 : i32
      %add3A_404 = arith.addi %add3A_334, %add3A_403 : i32
      %mul3A_405 = arith.constant 80 : i32
      %mul3A_406 = arith.muli %add3A_404, %mul3A_405 : i32
      %add3A_407 = arith.addi %mul3A_2, %mul3A_406 : i32
      %dma_start3A_408 = arith.constant 1 : i32
      %dma_start3A_409 = arith.constant 0 : i32
      %dma_start3A_410 = tpu.memref_slice %arg7[%dma_start3A_408, %dma_start3A_409] : memref<2x80xi32, #tpu.memory_space<vmem>> -> memref<1x80xi32, #tpu.memory_space<vmem>>
      %dma_start3A_411 = tpu.memref_squeeze %dma_start3A_410 : memref<1x80xi32, #tpu.memory_space<vmem>> -> memref<80xi32, #tpu.memory_space<vmem>>
      %dma_start3A_412 = tpu.memref_slice %arg4[%add3A_407] : memref<320000xi32, #tpu.memory_space<hbm>> -> memref<80xi32, #tpu.memory_space<hbm>>
      %dma_start3A_413 = arith.constant 0 : i32
      %dma_start3A_414 = tpu.memref_slice %arg7[%dma_start3A_408, %dma_start3A_413] : memref<2x80xi32, #tpu.memory_space<vmem>> -> memref<1x80xi32, #tpu.memory_space<vmem>>
      %dma_start3A_415 = tpu.memref_squeeze %dma_start3A_414 : memref<1x80xi32, #tpu.memory_space<vmem>> -> memref<80xi32, #tpu.memory_space<vmem>>
      %dma_start3A_416 = tpu.memref_slice %arg4[%add3A_407] : memref<320000xi32, #tpu.memory_space<hbm>> -> memref<80xi32, #tpu.memory_space<hbm>>
      tpu.enqueue_dma source(%dma_start3A_416 : memref<80xi32, #tpu.memory_space<hbm>>) target(%dma_start3A_415 : memref<80xi32, #tpu.memory_space<vmem>>) target_semaphore(%arg12 : memref<!tpu.dma_semaphore, #tpu.memory_space<semaphore_mem>>)
      %dma_start3A_417 = arith.constant 3 : i32
      %dma_start3A_418 = arith.constant 0 : i32
      %dma_start3A_419 = tpu.memref_slice %arg8[%dma_start3A_417, %dma_start3A_418] : memref<4x80xi32, #tpu.memory_space<vmem>> -> memref<1x80xi32, #tpu.memory_space<vmem>>
      %dma_start3A_420 = tpu.memref_squeeze %dma_start3A_419 : memref<1x80xi32, #tpu.memory_space<vmem>> -> memref<80xi32, #tpu.memory_space<vmem>>
      %dma_start3A_421 = tpu.memref_slice %arg5[%add3A_407] : memref<320000xi32, #tpu.memory_space<hbm>> -> memref<80xi32, #tpu.memory_space<hbm>>
      %dma_start3A_422 = arith.constant 0 : i32
      %dma_start3A_423 = tpu.memref_slice %arg8[%dma_start3A_417, %dma_start3A_422] : memref<4x80xi32, #tpu.memory_space<vmem>> -> memref<1x80xi32, #tpu.memory_space<vmem>>
      %dma_start3A_424 = tpu.memref_squeeze %dma_start3A_423 : memref<1x80xi32, #tpu.memory_space<vmem>> -> memref<80xi32, #tpu.memory_space<vmem>>
      %dma_start3A_425 = tpu.memref_slice %arg5[%add3A_407] : memref<320000xi32, #tpu.memory_space<hbm>> -> memref<80xi32, #tpu.memory_space<hbm>>
      tpu.enqueue_dma source(%dma_start3A_425 : memref<80xi32, #tpu.memory_space<hbm>>) target(%dma_start3A_424 : memref<80xi32, #tpu.memory_space<vmem>>) target_semaphore(%arg12 : memref<!tpu.dma_semaphore, #tpu.memory_space<semaphore_mem>>)
      %dma_start3A_426 = arith.constant 1 : i32
      %dma_start3A_427 = arith.constant 0 : i32
      %dma_start3A_428 = arith.constant 0 : i32
      %dma_start3A_429 = tpu.memref_slice %arg9[%dma_start3A_426, %dma_start3A_427, %dma_start3A_428] : memref<2x80x64xi32, #tpu.memory_space<vmem>> -> memref<1x80x64xi32, #tpu.memory_space<vmem>>
      %dma_start3A_430 = tpu.memref_squeeze %dma_start3A_429 : memref<1x80x64xi32, #tpu.memory_space<vmem>> -> memref<80x64xi32, #tpu.memory_space<vmem>>
      %dma_start3A_431 = arith.constant 0 : i32
      %dma_start3A_432 = tpu.memref_slice %arg3[%add3A_407, %dma_start3A_431] : memref<320000x64xi32, #tpu.memory_space<hbm>> -> memref<80x64xi32, #tpu.memory_space<hbm>>
      %dma_start3A_433 = arith.constant 0 : i32
      %dma_start3A_434 = arith.constant 0 : i32
      %dma_start3A_435 = tpu.memref_slice %arg9[%dma_start3A_426, %dma_start3A_433, %dma_start3A_434] : memref<2x80x64xi32, #tpu.memory_space<vmem>> -> memref<1x80x64xi32, #tpu.memory_space<vmem>>
      %dma_start3A_436 = tpu.memref_squeeze %dma_start3A_435 : memref<1x80x64xi32, #tpu.memory_space<vmem>> -> memref<80x64xi32, #tpu.memory_space<vmem>>
      %dma_start3A_437 = arith.constant 0 : i32
      %dma_start3A_438 = tpu.memref_slice %arg3[%add3A_407, %dma_start3A_437] : memref<320000x64xi32, #tpu.memory_space<hbm>> -> memref<80x64xi32, #tpu.memory_space<hbm>>
      tpu.enqueue_dma source(%dma_start3A_438 : memref<80x64xi32, #tpu.memory_space<hbm>>) target(%dma_start3A_436 : memref<80x64xi32, #tpu.memory_space<vmem>>) target_semaphore(%arg12 : memref<!tpu.dma_semaphore, #tpu.memory_space<semaphore_mem>>)
      %mul3A_439 = arith.constant 4 : i32
      %mul3A_440 = arith.muli %mul3A_439, %scan3A_330 : i32
      %add3A_441 = arith.constant 2 : i32
      %add3A_442 = arith.addi %mul3A_440, %add3A_441 : i32
      %dma_wait3A_443 = arith.constant 0 : i32
      %dma_wait3A_444 = arith.constant 0 : i32
      %dma_wait3A_445 = arith.constant 0 : i32
      %dma_wait3A_446 = arith.constant 0 : i32
      %dma_wait3A_447 = tpu.memref_slice %arg10[%dma_wait3A_444, %dma_wait3A_445, %dma_wait3A_446] : memref<2x80x128xf32, #tpu.memory_space<vmem>> -> memref<1x80x128xf32, #tpu.memory_space<vmem>>
      %dma_wait3A_448 = tpu.memref_squeeze %dma_wait3A_447 : memref<1x80x128xf32, #tpu.memory_space<vmem>> -> memref<80x128xf32, #tpu.memory_space<vmem>>
      %dma_wait3A_449 = arith.constant 0 : i32
      %dma_wait3A_450 = tpu.memref_slice %arg7[%dma_wait3A_443, %dma_wait3A_449] : memref<2x80xi32, #tpu.memory_space<vmem>> -> memref<1x80xi32, #tpu.memory_space<vmem>>
      %dma_wait3A_451 = tpu.memref_squeeze %dma_wait3A_450 : memref<1x80xi32, #tpu.memory_space<vmem>> -> memref<80xi32, #tpu.memory_space<vmem>>
      %dma_wait3A_452 = arith.constant 0 : i32
      %dma_wait3A_453 = arith.constant 0 : i32
      %dma_wait3A_454 = tpu.memref_slice %arg2[%dma_wait3A_452, %dma_wait3A_453] : memref<10000x128xf32, #tpu.memory_space<hbm>> -> memref<10000x128xf32, #tpu.memory_space<hbm>>
      tpu.wait_indirect_dma semaphore(%arg13 : memref<!tpu.dma_semaphore, #tpu.memory_space<semaphore_mem>>) src(%dma_wait3A_454 : memref<10000x128xf32, #tpu.memory_space<hbm>>) dst(%dma_wait3A_448 : memref<80x128xf32, #tpu.memory_space<vmem>>)
      %scan3A_455 = arith.constant 0 : i32
      %scan3A_456 = arith.constant 0 : i32
      %scan3A_457 = arith.constant 80 : i32
      %scan3A_458 = arith.addi %scan3A_456, %scan3A_457 : i32
      %scan3A_459 = arith.constant 1 : i32
      scf.for %scan3A_658 = %scan3A_456 to %scan3A_458 step %scan3A_459  : i32 {
        %broadcast_in_dim3A = arith.constant 16 : i32
        %broadcast_in_dim3A_659 = vector.broadcast %broadcast_in_dim3A : i32 to vector<16xi32>
        %broadcast_in_dim3A_660 = arith.constant -65536 : i32
        %broadcast_in_dim3A_661 = vector.broadcast %broadcast_in_dim3A_660 : i32 to vector<16xi32>
        %get3A = arith.constant 0 : i32
        %get3A_662 = arith.index_cast %get3A : i32 to index
        %get3A_663 = arith.index_cast %scan3A_658 : i32 to index
        %get3A_664 = arith.constant 0 : index
        %get3A_665 = tpu.vector_load %arg9[%get3A_662, %get3A_663, %get3A_664] {strides = array<i32>} : memref<2x80x64xi32, #tpu.memory_space<vmem>>, vector<1x1x16xi32>,
        %get3A_666 = vector.shape_cast %get3A_665 : vector<1x1x16xi32> to vector<16xi32>
        %shift_left3A = arith.shli %get3A_666, %broadcast_in_dim3A_659 : vector<16xi32>
        %bitcast_convert_type3A = tpu.bitcast %shift_left3A : vector<16xi32> -> vector<16xf32>
        %and3A = arith.andi %get3A_666, %broadcast_in_dim3A_661 : vector<16xi32>
        %bitcast_convert_type3A_667 = tpu.bitcast %and3A : vector<16xi32> -> vector<16xf32>
        %get3A_668 = arith.constant 0 : i32
        %get3A_669 = arith.index_cast %get3A_668 : i32 to index
        %get3A_670 = arith.index_cast %scan3A_658 : i32 to index
        %get3A_671 = arith.constant 0 : index
        %get3A_672 = tpu.vector_load %arg10[%get3A_669, %get3A_670, %get3A_671] {strides = array<i32>} : memref<2x80x128xf32, #tpu.memory_space<vmem>>, vector<1x1x16xf32>,
        %get3A_673 = vector.shape_cast %get3A_672 : vector<1x1x16xf32> to vector<16xf32>
        %mul3A_674 = arith.mulf %get3A_673, %bitcast_convert_type3A : vector<16xf32>
        %swap3A = arith.constant 0 : i32
        %swap3A_675 = arith.index_cast %swap3A : i32 to index
        %swap3A_676 = arith.index_cast %scan3A_658 : i32 to index
        %swap3A_677 = arith.constant 0 : index
        %swap3A_678 = tpu.vector_load %arg10[%swap3A_675, %swap3A_676, %swap3A_677] {strides = array<i32>} : memref<2x80x128xf32, #tpu.memory_space<vmem>>, vector<1x1x16xf32>,
        %swap3A_679 = vector.shape_cast %swap3A_678 : vector<1x1x16xf32> to vector<16xf32>
        %swap3A_680 = vector.shape_cast %mul3A_674 : vector<16xf32> to vector<1x1x16xf32>
        tpu.vector_store %arg10[%swap3A_675, %swap3A_676, %swap3A_677], %swap3A_680 {strides = array<i32>} : memref<2x80x128xf32, #tpu.memory_space<vmem>>, vector<1x1x16xf32>,
        %get3A_681 = arith.constant 0 : i32
        %get3A_682 = arith.index_cast %get3A_681 : i32 to index
        %get3A_683 = arith.index_cast %scan3A_658 : i32 to index
        %get3A_684 = arith.constant 16 : index
        %get3A_685 = tpu.vector_load %arg10[%get3A_682, %get3A_683, %get3A_684] {strides = array<i32>} : memref<2x80x128xf32, #tpu.memory_space<vmem>>, vector<1x1x16xf32>,
        %get3A_686 = vector.shape_cast %get3A_685 : vector<1x1x16xf32> to vector<16xf32>
        %mul3A_687 = arith.mulf %get3A_686, %bitcast_convert_type3A_667 : vector<16xf32>
        %swap3A_688 = arith.constant 0 : i32
        %swap3A_689 = arith.index_cast %swap3A_688 : i32 to index
        %swap3A_690 = arith.index_cast %scan3A_658 : i32 to index
        %swap3A_691 = arith.constant 16 : index
        %swap3A_692 = tpu.vector_load %arg10[%swap3A_689, %swap3A_690, %swap3A_691] {strides = array<i32>} : memref<2x80x128xf32, #tpu.memory_space<vmem>>, vector<1x1x16xf32>,
        %swap3A_693 = vector.shape_cast %swap3A_692 : vector<1x1x16xf32> to vector<16xf32>
        %swap3A_694 = vector.shape_cast %mul3A_687 : vector<16xf32> to vector<1x1x16xf32>
        tpu.vector_store %arg10[%swap3A_689, %swap3A_690, %swap3A_691], %swap3A_694 {strides = array<i32>} : memref<2x80x128xf32, #tpu.memory_space<vmem>>, vector<1x1x16xf32>,
        %get3A_695 = arith.constant 0 : i32
        %get3A_696 = arith.index_cast %get3A_695 : i32 to index
        %get3A_697 = arith.index_cast %scan3A_658 : i32 to index
        %get3A_698 = arith.constant 16 : index
        %get3A_699 = tpu.vector_load %arg9[%get3A_696, %get3A_697, %get3A_698] {strides = array<i32>} : memref<2x80x64xi32, #tpu.memory_space<vmem>>, vector<1x1x16xi32>,
        %get3A_700 = vector.shape_cast %get3A_699 : vector<1x1x16xi32> to vector<16xi32>
        %shift_left3A_701 = arith.shli %get3A_700, %broadcast_in_dim3A_659 : vector<16xi32>
        %bitcast_convert_type3A_702 = tpu.bitcast %shift_left3A_701 : vector<16xi32> -> vector<16xf32>
        %and3A_703 = arith.andi %get3A_700, %broadcast_in_dim3A_661 : vector<16xi32>
        %bitcast_convert_type3A_704 = tpu.bitcast %and3A_703 : vector<16xi32> -> vector<16xf32>
        %get3A_705 = arith.constant 0 : i32
        %get3A_706 = arith.index_cast %get3A_705 : i32 to index
        %get3A_707 = arith.index_cast %scan3A_658 : i32 to index
        %get3A_708 = arith.constant 32 : index
        %get3A_709 = tpu.vector_load %arg10[%get3A_706, %get3A_707, %get3A_708] {strides = array<i32>} : memref<2x80x128xf32, #tpu.memory_space<vmem>>, vector<1x1x16xf32>,
        %get3A_710 = vector.shape_cast %get3A_709 : vector<1x1x16xf32> to vector<16xf32>
        %mul3A_711 = arith.mulf %get3A_710, %bitcast_convert_type3A_702 : vector<16xf32>
        %swap3A_712 = arith.constant 0 : i32
        %swap3A_713 = arith.index_cast %swap3A_712 : i32 to index
        %swap3A_714 = arith.index_cast %scan3A_658 : i32 to index
        %swap3A_715 = arith.constant 32 : index
        %swap3A_716 = tpu.vector_load %arg10[%swap3A_713, %swap3A_714, %swap3A_715] {strides = array<i32>} : memref<2x80x128xf32, #tpu.memory_space<vmem>>, vector<1x1x16xf32>,
        %swap3A_717 = vector.shape_cast %swap3A_716 : vector<1x1x16xf32> to vector<16xf32>
        %swap3A_718 = vector.shape_cast %mul3A_711 : vector<16xf32> to vector<1x1x16xf32>
        tpu.vector_store %arg10[%swap3A_713, %swap3A_714, %swap3A_715], %swap3A_718 {strides = array<i32>} : memref<2x80x128xf32, #tpu.memory_space<vmem>>, vector<1x1x16xf32>,
        %get3A_719 = arith.constant 0 : i32
        %get3A_720 = arith.index_cast %get3A_719 : i32 to index
        %get3A_721 = arith.index_cast %scan3A_658 : i32 to index
        %get3A_722 = arith.constant 48 : index
        %get3A_723 = tpu.vector_load %arg10[%get3A_720, %get3A_721, %get3A_722] {strides = array<i32>} : memref<2x80x128xf32, #tpu.memory_space<vmem>>, vector<1x1x16xf32>,
        %get3A_724 = vector.shape_cast %get3A_723 : vector<1x1x16xf32> to vector<16xf32>
        %mul3A_725 = arith.mulf %get3A_724, %bitcast_convert_type3A_704 : vector<16xf32>
        %swap3A_726 = arith.constant 0 : i32
        %swap3A_727 = arith.index_cast %swap3A_726 : i32 to index
        %swap3A_728 = arith.index_cast %scan3A_658 : i32 to index
        %swap3A_729 = arith.constant 48 : index
        %swap3A_730 = tpu.vector_load %arg10[%swap3A_727, %swap3A_728, %swap3A_729] {strides = array<i32>} : memref<2x80x128xf32, #tpu.memory_space<vmem>>, vector<1x1x16xf32>,
        %swap3A_731 = vector.shape_cast %swap3A_730 : vector<1x1x16xf32> to vector<16xf32>
        %swap3A_732 = vector.shape_cast %mul3A_725 : vector<16xf32> to vector<1x1x16xf32>
        tpu.vector_store %arg10[%swap3A_727, %swap3A_728, %swap3A_729], %swap3A_732 {strides = array<i32>} : memref<2x80x128xf32, #tpu.memory_space<vmem>>, vector<1x1x16xf32>,
        %get3A_733 = arith.constant 0 : i32
        %get3A_734 = arith.index_cast %get3A_733 : i32 to index
        %get3A_735 = arith.index_cast %scan3A_658 : i32 to index
        %get3A_736 = arith.constant 32 : index
        %get3A_737 = tpu.vector_load %arg9[%get3A_734, %get3A_735, %get3A_736] {strides = array<i32>} : memref<2x80x64xi32, #tpu.memory_space<vmem>>, vector<1x1x16xi32>,
        %get3A_738 = vector.shape_cast %get3A_737 : vector<1x1x16xi32> to vector<16xi32>
        %shift_left3A_739 = arith.shli %get3A_738, %broadcast_in_dim3A_659 : vector<16xi32>
        %bitcast_convert_type3A_740 = tpu.bitcast %shift_left3A_739 : vector<16xi32> -> vector<16xf32>
        %and3A_741 = arith.andi %get3A_738, %broadcast_in_dim3A_661 : vector<16xi32>
        %bitcast_convert_type3A_742 = tpu.bitcast %and3A_741 : vector<16xi32> -> vector<16xf32>
        %get3A_743 = arith.constant 0 : i32
        %get3A_744 = arith.index_cast %get3A_743 : i32 to index
        %get3A_745 = arith.index_cast %scan3A_658 : i32 to index
        %get3A_746 = arith.constant 64 : index
        %get3A_747 = tpu.vector_load %arg10[%get3A_744, %get3A_745, %get3A_746] {strides = array<i32>} : memref<2x80x128xf32, #tpu.memory_space<vmem>>, vector<1x1x16xf32>,
        %get3A_748 = vector.shape_cast %get3A_747 : vector<1x1x16xf32> to vector<16xf32>
        %mul3A_749 = arith.mulf %get3A_748, %bitcast_convert_type3A_740 : vector<16xf32>
        %swap3A_750 = arith.constant 0 : i32
        %swap3A_751 = arith.index_cast %swap3A_750 : i32 to index
        %swap3A_752 = arith.index_cast %scan3A_658 : i32 to index
        %swap3A_753 = arith.constant 64 : index
        %swap3A_754 = tpu.vector_load %arg10[%swap3A_751, %swap3A_752, %swap3A_753] {strides = array<i32>} : memref<2x80x128xf32, #tpu.memory_space<vmem>>, vector<1x1x16xf32>,
        %swap3A_755 = vector.shape_cast %swap3A_754 : vector<1x1x16xf32> to vector<16xf32>
        %swap3A_756 = vector.shape_cast %mul3A_749 : vector<16xf32> to vector<1x1x16xf32>
        tpu.vector_store %arg10[%swap3A_751, %swap3A_752, %swap3A_753], %swap3A_756 {strides = array<i32>} : memref<2x80x128xf32, #tpu.memory_space<vmem>>, vector<1x1x16xf32>,
        %get3A_757 = arith.constant 0 : i32
        %get3A_758 = arith.index_cast %get3A_757 : i32 to index
        %get3A_759 = arith.index_cast %scan3A_658 : i32 to index
        %get3A_760 = arith.constant 80 : index
        %get3A_761 = tpu.vector_load %arg10[%get3A_758, %get3A_759, %get3A_760] {strides = array<i32>} : memref<2x80x128xf32, #tpu.memory_space<vmem>>, vector<1x1x16xf32>,
        %get3A_762 = vector.shape_cast %get3A_761 : vector<1x1x16xf32> to vector<16xf32>
        %mul3A_763 = arith.mulf %get3A_762, %bitcast_convert_type3A_742 : vector<16xf32>
        %swap3A_764 = arith.constant 0 : i32
        %swap3A_765 = arith.index_cast %swap3A_764 : i32 to index
        %swap3A_766 = arith.index_cast %scan3A_658 : i32 to index
        %swap3A_767 = arith.constant 80 : index
        %swap3A_768 = tpu.vector_load %arg10[%swap3A_765, %swap3A_766, %swap3A_767] {strides = array<i32>} : memref<2x80x128xf32, #tpu.memory_space<vmem>>, vector<1x1x16xf32>,
        %swap3A_769 = vector.shape_cast %swap3A_768 : vector<1x1x16xf32> to vector<16xf32>
        %swap3A_770 = vector.shape_cast %mul3A_763 : vector<16xf32> to vector<1x1x16xf32>
        tpu.vector_store %arg10[%swap3A_765, %swap3A_766, %swap3A_767], %swap3A_770 {strides = array<i32>} : memref<2x80x128xf32, #tpu.memory_space<vmem>>, vector<1x1x16xf32>,
        %get3A_771 = arith.constant 0 : i32
        %get3A_772 = arith.index_cast %get3A_771 : i32 to index
        %get3A_773 = arith.index_cast %scan3A_658 : i32 to index
        %get3A_774 = arith.constant 48 : index
        %get3A_775 = tpu.vector_load %arg9[%get3A_772, %get3A_773, %get3A_774] {strides = array<i32>} : memref<2x80x64xi32, #tpu.memory_space<vmem>>, vector<1x1x16xi32>,
        %get3A_776 = vector.shape_cast %get3A_775 : vector<1x1x16xi32> to vector<16xi32>
        %shift_left3A_777 = arith.shli %get3A_776, %broadcast_in_dim3A_659 : vector<16xi32>
        %bitcast_convert_type3A_778 = tpu.bitcast %shift_left3A_777 : vector<16xi32> -> vector<16xf32>
        %and3A_779 = arith.andi %get3A_776, %broadcast_in_dim3A_661 : vector<16xi32>
        %bitcast_convert_type3A_780 = tpu.bitcast %and3A_779 : vector<16xi32> -> vector<16xf32>
        %get3A_781 = arith.constant 0 : i32
        %get3A_782 = arith.index_cast %get3A_781 : i32 to index
        %get3A_783 = arith.index_cast %scan3A_658 : i32 to index
        %get3A_784 = arith.constant 96 : index
        %get3A_785 = tpu.vector_load %arg10[%get3A_782, %get3A_783, %get3A_784] {strides = array<i32>} : memref<2x80x128xf32, #tpu.memory_space<vmem>>, vector<1x1x16xf32>,
        %get3A_786 = vector.shape_cast %get3A_785 : vector<1x1x16xf32> to vector<16xf32>
        %mul3A_787 = arith.mulf %get3A_786, %bitcast_convert_type3A_778 : vector<16xf32>
        %swap3A_788 = arith.constant 0 : i32
        %swap3A_789 = arith.index_cast %swap3A_788 : i32 to index
        %swap3A_790 = arith.index_cast %scan3A_658 : i32 to index
        %swap3A_791 = arith.constant 96 : index
        %swap3A_792 = tpu.vector_load %arg10[%swap3A_789, %swap3A_790, %swap3A_791] {strides = array<i32>} : memref<2x80x128xf32, #tpu.memory_space<vmem>>, vector<1x1x16xf32>,
        %swap3A_793 = vector.shape_cast %swap3A_792 : vector<1x1x16xf32> to vector<16xf32>
        %swap3A_794 = vector.shape_cast %mul3A_787 : vector<16xf32> to vector<1x1x16xf32>
        tpu.vector_store %arg10[%swap3A_789, %swap3A_790, %swap3A_791], %swap3A_794 {strides = array<i32>} : memref<2x80x128xf32, #tpu.memory_space<vmem>>, vector<1x1x16xf32>,
        %get3A_795 = arith.constant 0 : i32
        %get3A_796 = arith.index_cast %get3A_795 : i32 to index
        %get3A_797 = arith.index_cast %scan3A_658 : i32 to index
        %get3A_798 = arith.constant 112 : index
        %get3A_799 = tpu.vector_load %arg10[%get3A_796, %get3A_797, %get3A_798] {strides = array<i32>} : memref<2x80x128xf32, #tpu.memory_space<vmem>>, vector<1x1x16xf32>,
        %get3A_800 = vector.shape_cast %get3A_799 : vector<1x1x16xf32> to vector<16xf32>
        %mul3A_801 = arith.mulf %get3A_800, %bitcast_convert_type3A_780 : vector<16xf32>
        %swap3A_802 = arith.constant 0 : i32
        %swap3A_803 = arith.index_cast %swap3A_802 : i32 to index
        %swap3A_804 = arith.index_cast %scan3A_658 : i32 to index
        %swap3A_805 = arith.constant 112 : index
        %swap3A_806 = tpu.vector_load %arg10[%swap3A_803, %swap3A_804, %swap3A_805] {strides = array<i32>} : memref<2x80x128xf32, #tpu.memory_space<vmem>>, vector<1x1x16xf32>,
        %swap3A_807 = vector.shape_cast %swap3A_806 : vector<1x1x16xf32> to vector<16xf32>
        %swap3A_808 = vector.shape_cast %mul3A_801 : vector<16xf32> to vector<1x1x16xf32>
        tpu.vector_store %arg10[%swap3A_803, %swap3A_804, %swap3A_805], %swap3A_808 {strides = array<i32>} : memref<2x80x128xf32, #tpu.memory_space<vmem>>, vector<1x1x16xf32>,
      }
      %scan3A_460 = arith.constant 80 : i32
      %add3A_461 = arith.constant 1 : i32
      %add3A_462 = arith.addi %add3A_442, %add3A_461 : i32
      %mul3A_463 = arith.constant 80 : i32
      %mul3A_464 = arith.muli %add3A_462, %mul3A_463 : i32
      %add3A_465 = arith.addi %mul3A_2, %mul3A_464 : i32
      %dma_wait3A_466 = arith.constant 1 : i32
      %dma_wait3A_467 = arith.constant 0 : i32
      %dma_wait3A_468 = tpu.memref_slice %arg7[%dma_wait3A_466, %dma_wait3A_467] : memref<2x80xi32, #tpu.memory_space<vmem>> -> memref<1x80xi32, #tpu.memory_space<vmem>>
      %dma_wait3A_469 = tpu.memref_squeeze %dma_wait3A_468 : memref<1x80xi32, #tpu.memory_space<vmem>> -> memref<80xi32, #tpu.memory_space<vmem>>
      %dma_wait3A_470 = tpu.memref_slice %arg4[%add3A_465] : memref<320000xi32, #tpu.memory_space<hbm>> -> memref<80xi32, #tpu.memory_space<hbm>>
      %dma_wait3A_471 = arith.constant 0 : i32
      %dma_wait3A_472 = tpu.memref_slice %arg7[%dma_wait3A_466, %dma_wait3A_471] : memref<2x80xi32, #tpu.memory_space<vmem>> -> memref<1x80xi32, #tpu.memory_space<vmem>>
      %dma_wait3A_473 = tpu.memref_squeeze %dma_wait3A_472 : memref<1x80xi32, #tpu.memory_space<vmem>> -> memref<80xi32, #tpu.memory_space<vmem>>
      %dma_wait3A_474 = tpu.memref_slice %arg4[%add3A_465] : memref<320000xi32, #tpu.memory_space<hbm>> -> memref<80xi32, #tpu.memory_space<hbm>>
      tpu.wait_dma2 semaphore(%arg12 : memref<!tpu.dma_semaphore, #tpu.memory_space<semaphore_mem>>) src(%dma_wait3A_474 : memref<80xi32, #tpu.memory_space<hbm>>) dst(%dma_wait3A_473 : memref<80xi32, #tpu.memory_space<vmem>>)
      %dma_wait3A_475 = arith.constant 3 : i32
      %dma_wait3A_476 = arith.constant 0 : i32
      %dma_wait3A_477 = tpu.memref_slice %arg8[%dma_wait3A_475, %dma_wait3A_476] : memref<4x80xi32, #tpu.memory_space<vmem>> -> memref<1x80xi32, #tpu.memory_space<vmem>>
      %dma_wait3A_478 = tpu.memref_squeeze %dma_wait3A_477 : memref<1x80xi32, #tpu.memory_space<vmem>> -> memref<80xi32, #tpu.memory_space<vmem>>
      %dma_wait3A_479 = tpu.memref_slice %arg5[%add3A_465] : memref<320000xi32, #tpu.memory_space<hbm>> -> memref<80xi32, #tpu.memory_space<hbm>>
      %dma_wait3A_480 = arith.constant 0 : i32
      %dma_wait3A_481 = tpu.memref_slice %arg8[%dma_wait3A_475, %dma_wait3A_480] : memref<4x80xi32, #tpu.memory_space<vmem>> -> memref<1x80xi32, #tpu.memory_space<vmem>>
      %dma_wait3A_482 = tpu.memref_squeeze %dma_wait3A_481 : memref<1x80xi32, #tpu.memory_space<vmem>> -> memref<80xi32, #tpu.memory_space<vmem>>
      %dma_wait3A_483 = tpu.memref_slice %arg5[%add3A_465] : memref<320000xi32, #tpu.memory_space<hbm>> -> memref<80xi32, #tpu.memory_space<hbm>>
      tpu.wait_dma2 semaphore(%arg12 : memref<!tpu.dma_semaphore, #tpu.memory_space<semaphore_mem>>) src(%dma_wait3A_483 : memref<80xi32, #tpu.memory_space<hbm>>) dst(%dma_wait3A_482 : memref<80xi32, #tpu.memory_space<vmem>>)
      %dma_wait3A_484 = arith.constant 1 : i32
      %dma_wait3A_485 = arith.constant 0 : i32
      %dma_wait3A_486 = arith.constant 0 : i32
      %dma_wait3A_487 = tpu.memref_slice %arg9[%dma_wait3A_484, %dma_wait3A_485, %dma_wait3A_486] : memref<2x80x64xi32, #tpu.memory_space<vmem>> -> memref<1x80x64xi32, #tpu.memory_space<vmem>>
      %dma_wait3A_488 = tpu.memref_squeeze %dma_wait3A_487 : memref<1x80x64xi32, #tpu.memory_space<vmem>> -> memref<80x64xi32, #tpu.memory_space<vmem>>
      %dma_wait3A_489 = arith.constant 0 : i32
      %dma_wait3A_490 = tpu.memref_slice %arg3[%add3A_465, %dma_wait3A_489] : memref<320000x64xi32, #tpu.memory_space<hbm>> -> memref<80x64xi32, #tpu.memory_space<hbm>>
      %dma_wait3A_491 = arith.constant 0 : i32
      %dma_wait3A_492 = arith.constant 0 : i32
      %dma_wait3A_493 = tpu.memref_slice %arg9[%dma_wait3A_484, %dma_wait3A_491, %dma_wait3A_492] : memref<2x80x64xi32, #tpu.memory_space<vmem>> -> memref<1x80x64xi32, #tpu.memory_space<vmem>>
      %dma_wait3A_494 = tpu.memref_squeeze %dma_wait3A_493 : memref<1x80x64xi32, #tpu.memory_space<vmem>> -> memref<80x64xi32, #tpu.memory_space<vmem>>
      %dma_wait3A_495 = arith.constant 0 : i32
      %dma_wait3A_496 = tpu.memref_slice %arg3[%add3A_465, %dma_wait3A_495] : memref<320000x64xi32, #tpu.memory_space<hbm>> -> memref<80x64xi32, #tpu.memory_space<hbm>>
      tpu.wait_dma2 semaphore(%arg12 : memref<!tpu.dma_semaphore, #tpu.memory_space<semaphore_mem>>) src(%dma_wait3A_496 : memref<80x64xi32, #tpu.memory_space<hbm>>) dst(%dma_wait3A_494 : memref<80x64xi32, #tpu.memory_space<vmem>>)
      %dma_start3A_497 = arith.constant 1 : i32
      %dma_start3A_498 = arith.constant 1 : i32
      %dma_start3A_499 = arith.constant 0 : i32
      %dma_start3A_500 = arith.constant 0 : i32
      %dma_start3A_501 = tpu.memref_slice %arg10[%dma_start3A_498, %dma_start3A_499, %dma_start3A_500] : memref<2x80x128xf32, #tpu.memory_space<vmem>> -> memref<1x80x128xf32, #tpu.memory_space<vmem>>
      %dma_start3A_502 = tpu.memref_squeeze %dma_start3A_501 : memref<1x80x128xf32, #tpu.memory_space<vmem>> -> memref<80x128xf32, #tpu.memory_space<vmem>>
      %dma_start3A_503 = arith.constant 0 : i32
      %dma_start3A_504 = tpu.memref_slice %arg7[%dma_start3A_497, %dma_start3A_503] : memref<2x80xi32, #tpu.memory_space<vmem>> -> memref<1x80xi32, #tpu.memory_space<vmem>>
      %dma_start3A_505 = tpu.memref_squeeze %dma_start3A_504 : memref<1x80xi32, #tpu.memory_space<vmem>> -> memref<80xi32, #tpu.memory_space<vmem>>
      %dma_start3A_506 = arith.constant 0 : i32
      %dma_start3A_507 = arith.constant 0 : i32
      %dma_start3A_508 = tpu.memref_slice %arg2[%dma_start3A_506, %dma_start3A_507] : memref<10000x128xf32, #tpu.memory_space<hbm>> -> memref<10000x128xf32, #tpu.memory_space<hbm>>
      tpu.enqueue_indirect_dma source(%dma_start3A_508 : memref<10000x128xf32, #tpu.memory_space<hbm>>) target(%dma_start3A_502 : memref<80x128xf32, #tpu.memory_space<vmem>>) offsets(%dma_start3A_505 : memref<80xi32, #tpu.memory_space<vmem>>) semaphore(%arg13 : memref<!tpu.dma_semaphore, #tpu.memory_space<semaphore_mem>>)
      %run_scoped3A_509 = arith.constant 0 : i32
      %run_scoped3A_510 = arith.constant 2 : i32
      "tpu.region"() ({
        %run_scoped3A_658 = tpu.sem_alloc : memref<!tpu.dma_semaphore, #tpu.memory_space<semaphore_mem>>
        %dma_start3A_659 = arith.constant 0 : i32
        %dma_start3A_660 = arith.constant 0 : i32
        %dma_start3A_661 = tpu.memref_slice %arg10[%run_scoped3A_509, %dma_start3A_659, %dma_start3A_660] : memref<2x80x128xf32, #tpu.memory_space<vmem>> -> memref<1x80x128xf32, #tpu.memory_space<vmem>>
        %dma_start3A_662 = tpu.memref_squeeze %dma_start3A_661 : memref<1x80x128xf32, #tpu.memory_space<vmem>> -> memref<80x128xf32, #tpu.memory_space<vmem>>
        %dma_start3A_663 = arith.constant 0 : i32
        %dma_start3A_664 = tpu.memref_slice %arg8[%run_scoped3A_510, %dma_start3A_663] : memref<4x80xi32, #tpu.memory_space<vmem>> -> memref<1x80xi32, #tpu.memory_space<vmem>>
        %dma_start3A_665 = tpu.memref_squeeze %dma_start3A_664 : memref<1x80xi32, #tpu.memory_space<vmem>> -> memref<80xi32, #tpu.memory_space<vmem>>
        %dma_start3A_666 = arith.constant 0 : i32
        %dma_start3A_667 = arith.constant 0 : i32
        %dma_start3A_668 = tpu.memref_slice %arg11[%dma_start3A_666, %dma_start3A_667] : memref<10000x128xf32, #tpu.memory_space<vmem_shared>> -> memref<10000x128xf32, #tpu.memory_space<vmem_shared>>
        tpu.enqueue_indirect_dma source(%dma_start3A_662 : memref<80x128xf32, #tpu.memory_space<vmem>>) target(%dma_start3A_668 : memref<10000x128xf32, #tpu.memory_space<vmem_shared>>) offsets(%dma_start3A_665 : memref<80xi32, #tpu.memory_space<vmem>>) semaphore(%run_scoped3A_658 : memref<!tpu.dma_semaphore, #tpu.memory_space<semaphore_mem>>) {add = true}
        %dma_wait3A_669 = arith.constant 0 : i32
        %dma_wait3A_670 = arith.constant 0 : i32
        %dma_wait3A_671 = tpu.memref_slice %arg10[%run_scoped3A_509, %dma_wait3A_669, %dma_wait3A_670] : memref<2x80x128xf32, #tpu.memory_space<vmem>> -> memref<1x80x128xf32, #tpu.memory_space<vmem>>
        %dma_wait3A_672 = tpu.memref_squeeze %dma_wait3A_671 : memref<1x80x128xf32, #tpu.memory_space<vmem>> -> memref<80x128xf32, #tpu.memory_space<vmem>>
        %dma_wait3A_673 = arith.constant 0 : i32
        %dma_wait3A_674 = tpu.memref_slice %arg8[%run_scoped3A_510, %dma_wait3A_673] : memref<4x80xi32, #tpu.memory_space<vmem>> -> memref<1x80xi32, #tpu.memory_space<vmem>>
        %dma_wait3A_675 = tpu.memref_squeeze %dma_wait3A_674 : memref<1x80xi32, #tpu.memory_space<vmem>> -> memref<80xi32, #tpu.memory_space<vmem>>
        %dma_wait3A_676 = arith.constant 0 : i32
        %dma_wait3A_677 = arith.constant 0 : i32
        %dma_wait3A_678 = tpu.memref_slice %arg11[%dma_wait3A_676, %dma_wait3A_677] : memref<10000x128xf32, #tpu.memory_space<vmem_shared>> -> memref<10000x128xf32, #tpu.memory_space<vmem_shared>>
        tpu.wait_indirect_dma semaphore(%run_scoped3A_658 : memref<!tpu.dma_semaphore, #tpu.memory_space<semaphore_mem>>) src(%dma_wait3A_672 : memref<80x128xf32, #tpu.memory_space<vmem>>) dst(%dma_wait3A_678 : memref<10000x128xf32, #tpu.memory_space<vmem_shared>>)
        tpu.yield
      }) : () -> ()
      %add3A_511 = arith.constant 2 : i32
      %add3A_512 = arith.addi %add3A_442, %add3A_511 : i32
      %mul3A_513 = arith.constant 80 : i32
      %mul3A_514 = arith.muli %add3A_512, %mul3A_513 : i32
      %add3A_515 = arith.addi %mul3A_2, %mul3A_514 : i32
      %dma_start3A_516 = arith.constant 0 : i32
      %dma_start3A_517 = arith.constant 0 : i32
      %dma_start3A_518 = tpu.memref_slice %arg7[%dma_start3A_516, %dma_start3A_517] : memref<2x80xi32, #tpu.memory_space<vmem>> -> memref<1x80xi32, #tpu.memory_space<vmem>>
      %dma_start3A_519 = tpu.memref_squeeze %dma_start3A_518 : memref<1x80xi32, #tpu.memory_space<vmem>> -> memref<80xi32, #tpu.memory_space<vmem>>
      %dma_start3A_520 = tpu.memref_slice %arg4[%add3A_515] : memref<320000xi32, #tpu.memory_space<hbm>> -> memref<80xi32, #tpu.memory_space<hbm>>
      %dma_start3A_521 = arith.constant 0 : i32
      %dma_start3A_522 = tpu.memref_slice %arg7[%dma_start3A_516, %dma_start3A_521] : memref<2x80xi32, #tpu.memory_space<vmem>> -> memref<1x80xi32, #tpu.memory_space<vmem>>
      %dma_start3A_523 = tpu.memref_squeeze %dma_start3A_522 : memref<1x80xi32, #tpu.memory_space<vmem>> -> memref<80xi32, #tpu.memory_space<vmem>>
      %dma_start3A_524 = tpu.memref_slice %arg4[%add3A_515] : memref<320000xi32, #tpu.memory_space<hbm>> -> memref<80xi32, #tpu.memory_space<hbm>>
      tpu.enqueue_dma source(%dma_start3A_524 : memref<80xi32, #tpu.memory_space<hbm>>) target(%dma_start3A_523 : memref<80xi32, #tpu.memory_space<vmem>>) target_semaphore(%arg12 : memref<!tpu.dma_semaphore, #tpu.memory_space<semaphore_mem>>)
      %dma_start3A_525 = arith.constant 0 : i32
      %dma_start3A_526 = arith.constant 0 : i32
      %dma_start3A_527 = tpu.memref_slice %arg8[%dma_start3A_525, %dma_start3A_526] : memref<4x80xi32, #tpu.memory_space<vmem>> -> memref<1x80xi32, #tpu.memory_space<vmem>>
      %dma_start3A_528 = tpu.memref_squeeze %dma_start3A_527 : memref<1x80xi32, #tpu.memory_space<vmem>> -> memref<80xi32, #tpu.memory_space<vmem>>
      %dma_start3A_529 = tpu.memref_slice %arg5[%add3A_515] : memref<320000xi32, #tpu.memory_space<hbm>> -> memref<80xi32, #tpu.memory_space<hbm>>
      %dma_start3A_530 = arith.constant 0 : i32
      %dma_start3A_531 = tpu.memref_slice %arg8[%dma_start3A_525, %dma_start3A_530] : memref<4x80xi32, #tpu.memory_space<vmem>> -> memref<1x80xi32, #tpu.memory_space<vmem>>
      %dma_start3A_532 = tpu.memref_squeeze %dma_start3A_531 : memref<1x80xi32, #tpu.memory_space<vmem>> -> memref<80xi32, #tpu.memory_space<vmem>>
      %dma_start3A_533 = tpu.memref_slice %arg5[%add3A_515] : memref<320000xi32, #tpu.memory_space<hbm>> -> memref<80xi32, #tpu.memory_space<hbm>>
      tpu.enqueue_dma source(%dma_start3A_533 : memref<80xi32, #tpu.memory_space<hbm>>) target(%dma_start3A_532 : memref<80xi32, #tpu.memory_space<vmem>>) target_semaphore(%arg12 : memref<!tpu.dma_semaphore, #tpu.memory_space<semaphore_mem>>)
      %dma_start3A_534 = arith.constant 0 : i32
      %dma_start3A_535 = arith.constant 0 : i32
      %dma_start3A_536 = arith.constant 0 : i32
      %dma_start3A_537 = tpu.memref_slice %arg9[%dma_start3A_534, %dma_start3A_535, %dma_start3A_536] : memref<2x80x64xi32, #tpu.memory_space<vmem>> -> memref<1x80x64xi32, #tpu.memory_space<vmem>>
      %dma_start3A_538 = tpu.memref_squeeze %dma_start3A_537 : memref<1x80x64xi32, #tpu.memory_space<vmem>> -> memref<80x64xi32, #tpu.memory_space<vmem>>
      %dma_start3A_539 = arith.constant 0 : i32
      %dma_start3A_540 = tpu.memref_slice %arg3[%add3A_515, %dma_start3A_539] : memref<320000x64xi32, #tpu.memory_space<hbm>> -> memref<80x64xi32, #tpu.memory_space<hbm>>
      %dma_start3A_541 = arith.constant 0 : i32
      %dma_start3A_542 = arith.constant 0 : i32
      %dma_start3A_543 = tpu.memref_slice %arg9[%dma_start3A_534, %dma_start3A_541, %dma_start3A_542] : memref<2x80x64xi32, #tpu.memory_space<vmem>> -> memref<1x80x64xi32, #tpu.memory_space<vmem>>
      %dma_start3A_544 = tpu.memref_squeeze %dma_start3A_543 : memref<1x80x64xi32, #tpu.memory_space<vmem>> -> memref<80x64xi32, #tpu.memory_space<vmem>>
      %dma_start3A_545 = arith.constant 0 : i32
      %dma_start3A_546 = tpu.memref_slice %arg3[%add3A_515, %dma_start3A_545] : memref<320000x64xi32, #tpu.memory_space<hbm>> -> memref<80x64xi32, #tpu.memory_space<hbm>>
      tpu.enqueue_dma source(%dma_start3A_546 : memref<80x64xi32, #tpu.memory_space<hbm>>) target(%dma_start3A_544 : memref<80x64xi32, #tpu.memory_space<vmem>>) target_semaphore(%arg12 : memref<!tpu.dma_semaphore, #tpu.memory_space<semaphore_mem>>)
      %mul3A_547 = arith.constant 4 : i32
      %mul3A_548 = arith.muli %mul3A_547, %scan3A_330 : i32
      %add3A_549 = arith.constant 3 : i32
      %add3A_550 = arith.addi %mul3A_548, %add3A_549 : i32
      %lt3A_551 = arith.constant 30 : i32
      %lt3A_552 = arith.cmpi slt, %scan3A_330, %lt3A_551 : i32
      %dma_wait3A_553 = arith.constant 1 : i32
      %dma_wait3A_554 = arith.constant 1 : i32
      %dma_wait3A_555 = arith.constant 0 : i32
      %dma_wait3A_556 = arith.constant 0 : i32
      %dma_wait3A_557 = tpu.memref_slice %arg10[%dma_wait3A_554, %dma_wait3A_555, %dma_wait3A_556] : memref<2x80x128xf32, #tpu.memory_space<vmem>> -> memref<1x80x128xf32, #tpu.memory_space<vmem>>
      %dma_wait3A_558 = tpu.memref_squeeze %dma_wait3A_557 : memref<1x80x128xf32, #tpu.memory_space<vmem>> -> memref<80x128xf32, #tpu.memory_space<vmem>>
      %dma_wait3A_559 = arith.constant 0 : i32
      %dma_wait3A_560 = tpu.memref_slice %arg7[%dma_wait3A_553, %dma_wait3A_559] : memref<2x80xi32, #tpu.memory_space<vmem>> -> memref<1x80xi32, #tpu.memory_space<vmem>>
      %dma_wait3A_561 = tpu.memref_squeeze %dma_wait3A_560 : memref<1x80xi32, #tpu.memory_space<vmem>> -> memref<80xi32, #tpu.memory_space<vmem>>
      %dma_wait3A_562 = arith.constant 0 : i32
      %dma_wait3A_563 = arith.constant 0 : i32
      %dma_wait3A_564 = tpu.memref_slice %arg2[%dma_wait3A_562, %dma_wait3A_563] : memref<10000x128xf32, #tpu.memory_space<hbm>> -> memref<10000x128xf32, #tpu.memory_space<hbm>>
      tpu.wait_indirect_dma semaphore(%arg13 : memref<!tpu.dma_semaphore, #tpu.memory_space<semaphore_mem>>) src(%dma_wait3A_564 : memref<10000x128xf32, #tpu.memory_space<hbm>>) dst(%dma_wait3A_558 : memref<80x128xf32, #tpu.memory_space<vmem>>)
      %scan3A_565 = arith.constant 0 : i32
      %scan3A_566 = arith.constant 0 : i32
      %scan3A_567 = arith.constant 80 : i32
      %scan3A_568 = arith.addi %scan3A_566, %scan3A_567 : i32
      %scan3A_569 = arith.constant 1 : i32
      scf.for %scan3A_658 = %scan3A_566 to %scan3A_568 step %scan3A_569  : i32 {
        %broadcast_in_dim3A = arith.constant 16 : i32
        %broadcast_in_dim3A_659 = vector.broadcast %broadcast_in_dim3A : i32 to vector<16xi32>
        %broadcast_in_dim3A_660 = arith.constant -65536 : i32
        %broadcast_in_dim3A_661 = vector.broadcast %broadcast_in_dim3A_660 : i32 to vector<16xi32>
        %get3A = arith.constant 1 : i32
        %get3A_662 = arith.index_cast %get3A : i32 to index
        %get3A_663 = arith.index_cast %scan3A_658 : i32 to index
        %get3A_664 = arith.constant 0 : index
        %get3A_665 = tpu.vector_load %arg9[%get3A_662, %get3A_663, %get3A_664] {strides = array<i32>} : memref<2x80x64xi32, #tpu.memory_space<vmem>>, vector<1x1x16xi32>,
        %get3A_666 = vector.shape_cast %get3A_665 : vector<1x1x16xi32> to vector<16xi32>
        %shift_left3A = arith.shli %get3A_666, %broadcast_in_dim3A_659 : vector<16xi32>
        %bitcast_convert_type3A = tpu.bitcast %shift_left3A : vector<16xi32> -> vector<16xf32>
        %and3A = arith.andi %get3A_666, %broadcast_in_dim3A_661 : vector<16xi32>
        %bitcast_convert_type3A_667 = tpu.bitcast %and3A : vector<16xi32> -> vector<16xf32>
        %get3A_668 = arith.constant 1 : i32
        %get3A_669 = arith.index_cast %get3A_668 : i32 to index
        %get3A_670 = arith.index_cast %scan3A_658 : i32 to index
        %get3A_671 = arith.constant 0 : index
        %get3A_672 = tpu.vector_load %arg10[%get3A_669, %get3A_670, %get3A_671] {strides = array<i32>} : memref<2x80x128xf32, #tpu.memory_space<vmem>>, vector<1x1x16xf32>,
        %get3A_673 = vector.shape_cast %get3A_672 : vector<1x1x16xf32> to vector<16xf32>
        %mul3A_674 = arith.mulf %get3A_673, %bitcast_convert_type3A : vector<16xf32>
        %swap3A = arith.constant 1 : i32
        %swap3A_675 = arith.index_cast %swap3A : i32 to index
        %swap3A_676 = arith.index_cast %scan3A_658 : i32 to index
        %swap3A_677 = arith.constant 0 : index
        %swap3A_678 = tpu.vector_load %arg10[%swap3A_675, %swap3A_676, %swap3A_677] {strides = array<i32>} : memref<2x80x128xf32, #tpu.memory_space<vmem>>, vector<1x1x16xf32>,
        %swap3A_679 = vector.shape_cast %swap3A_678 : vector<1x1x16xf32> to vector<16xf32>
        %swap3A_680 = vector.shape_cast %mul3A_674 : vector<16xf32> to vector<1x1x16xf32>
        tpu.vector_store %arg10[%swap3A_675, %swap3A_676, %swap3A_677], %swap3A_680 {strides = array<i32>} : memref<2x80x128xf32, #tpu.memory_space<vmem>>, vector<1x1x16xf32>,
        %get3A_681 = arith.constant 1 : i32
        %get3A_682 = arith.index_cast %get3A_681 : i32 to index
        %get3A_683 = arith.index_cast %scan3A_658 : i32 to index
        %get3A_684 = arith.constant 16 : index
        %get3A_685 = tpu.vector_load %arg10[%get3A_682, %get3A_683, %get3A_684] {strides = array<i32>} : memref<2x80x128xf32, #tpu.memory_space<vmem>>, vector<1x1x16xf32>,
        %get3A_686 = vector.shape_cast %get3A_685 : vector<1x1x16xf32> to vector<16xf32>
        %mul3A_687 = arith.mulf %get3A_686, %bitcast_convert_type3A_667 : vector<16xf32>
        %swap3A_688 = arith.constant 1 : i32
        %swap3A_689 = arith.index_cast %swap3A_688 : i32 to index
        %swap3A_690 = arith.index_cast %scan3A_658 : i32 to index
        %swap3A_691 = arith.constant 16 : index
        %swap3A_692 = tpu.vector_load %arg10[%swap3A_689, %swap3A_690, %swap3A_691] {strides = array<i32>} : memref<2x80x128xf32, #tpu.memory_space<vmem>>, vector<1x1x16xf32>,
        %swap3A_693 = vector.shape_cast %swap3A_692 : vector<1x1x16xf32> to vector<16xf32>
        %swap3A_694 = vector.shape_cast %mul3A_687 : vector<16xf32> to vector<1x1x16xf32>
        tpu.vector_store %arg10[%swap3A_689, %swap3A_690, %swap3A_691], %swap3A_694 {strides = array<i32>} : memref<2x80x128xf32, #tpu.memory_space<vmem>>, vector<1x1x16xf32>,
        %get3A_695 = arith.constant 1 : i32
        %get3A_696 = arith.index_cast %get3A_695 : i32 to index
        %get3A_697 = arith.index_cast %scan3A_658 : i32 to index
        %get3A_698 = arith.constant 16 : index
        %get3A_699 = tpu.vector_load %arg9[%get3A_696, %get3A_697, %get3A_698] {strides = array<i32>} : memref<2x80x64xi32, #tpu.memory_space<vmem>>, vector<1x1x16xi32>,
        %get3A_700 = vector.shape_cast %get3A_699 : vector<1x1x16xi32> to vector<16xi32>
        %shift_left3A_701 = arith.shli %get3A_700, %broadcast_in_dim3A_659 : vector<16xi32>
        %bitcast_convert_type3A_702 = tpu.bitcast %shift_left3A_701 : vector<16xi32> -> vector<16xf32>
        %and3A_703 = arith.andi %get3A_700, %broadcast_in_dim3A_661 : vector<16xi32>
        %bitcast_convert_type3A_704 = tpu.bitcast %and3A_703 : vector<16xi32> -> vector<16xf32>
        %get3A_705 = arith.constant 1 : i32
        %get3A_706 = arith.index_cast %get3A_705 : i32 to index
        %get3A_707 = arith.index_cast %scan3A_658 : i32 to index
        %get3A_708 = arith.constant 32 : index
        %get3A_709 = tpu.vector_load %arg10[%get3A_706, %get3A_707, %get3A_708] {strides = array<i32>} : memref<2x80x128xf32, #tpu.memory_space<vmem>>, vector<1x1x16xf32>,
        %get3A_710 = vector.shape_cast %get3A_709 : vector<1x1x16xf32> to vector<16xf32>
        %mul3A_711 = arith.mulf %get3A_710, %bitcast_convert_type3A_702 : vector<16xf32>
        %swap3A_712 = arith.constant 1 : i32
        %swap3A_713 = arith.index_cast %swap3A_712 : i32 to index
        %swap3A_714 = arith.index_cast %scan3A_658 : i32 to index
        %swap3A_715 = arith.constant 32 : index
        %swap3A_716 = tpu.vector_load %arg10[%swap3A_713, %swap3A_714, %swap3A_715] {strides = array<i32>} : memref<2x80x128xf32, #tpu.memory_space<vmem>>, vector<1x1x16xf32>,
        %swap3A_717 = vector.shape_cast %swap3A_716 : vector<1x1x16xf32> to vector<16xf32>
        %swap3A_718 = vector.shape_cast %mul3A_711 : vector<16xf32> to vector<1x1x16xf32>
        tpu.vector_store %arg10[%swap3A_713, %swap3A_714, %swap3A_715], %swap3A_718 {strides = array<i32>} : memref<2x80x128xf32, #tpu.memory_space<vmem>>, vector<1x1x16xf32>,
        %get3A_719 = arith.constant 1 : i32
        %get3A_720 = arith.index_cast %get3A_719 : i32 to index
        %get3A_721 = arith.index_cast %scan3A_658 : i32 to index
        %get3A_722 = arith.constant 48 : index
        %get3A_723 = tpu.vector_load %arg10[%get3A_720, %get3A_721, %get3A_722] {strides = array<i32>} : memref<2x80x128xf32, #tpu.memory_space<vmem>>, vector<1x1x16xf32>,
        %get3A_724 = vector.shape_cast %get3A_723 : vector<1x1x16xf32> to vector<16xf32>
        %mul3A_725 = arith.mulf %get3A_724, %bitcast_convert_type3A_704 : vector<16xf32>
        %swap3A_726 = arith.constant 1 : i32
        %swap3A_727 = arith.index_cast %swap3A_726 : i32 to index
        %swap3A_728 = arith.index_cast %scan3A_658 : i32 to index
        %swap3A_729 = arith.constant 48 : index
        %swap3A_730 = tpu.vector_load %arg10[%swap3A_727, %swap3A_728, %swap3A_729] {strides = array<i32>} : memref<2x80x128xf32, #tpu.memory_space<vmem>>, vector<1x1x16xf32>,
        %swap3A_731 = vector.shape_cast %swap3A_730 : vector<1x1x16xf32> to vector<16xf32>
        %swap3A_732 = vector.shape_cast %mul3A_725 : vector<16xf32> to vector<1x1x16xf32>
        tpu.vector_store %arg10[%swap3A_727, %swap3A_728, %swap3A_729], %swap3A_732 {strides = array<i32>} : memref<2x80x128xf32, #tpu.memory_space<vmem>>, vector<1x1x16xf32>,
        %get3A_733 = arith.constant 1 : i32
        %get3A_734 = arith.index_cast %get3A_733 : i32 to index
        %get3A_735 = arith.index_cast %scan3A_658 : i32 to index
        %get3A_736 = arith.constant 32 : index
        %get3A_737 = tpu.vector_load %arg9[%get3A_734, %get3A_735, %get3A_736] {strides = array<i32>} : memref<2x80x64xi32, #tpu.memory_space<vmem>>, vector<1x1x16xi32>,
        %get3A_738 = vector.shape_cast %get3A_737 : vector<1x1x16xi32> to vector<16xi32>
        %shift_left3A_739 = arith.shli %get3A_738, %broadcast_in_dim3A_659 : vector<16xi32>
        %bitcast_convert_type3A_740 = tpu.bitcast %shift_left3A_739 : vector<16xi32> -> vector<16xf32>
        %and3A_741 = arith.andi %get3A_738, %broadcast_in_dim3A_661 : vector<16xi32>
        %bitcast_convert_type3A_742 = tpu.bitcast %and3A_741 : vector<16xi32> -> vector<16xf32>
        %get3A_743 = arith.constant 1 : i32
        %get3A_744 = arith.index_cast %get3A_743 : i32 to index
        %get3A_745 = arith.index_cast %scan3A_658 : i32 to index
        %get3A_746 = arith.constant 64 : index
        %get3A_747 = tpu.vector_load %arg10[%get3A_744, %get3A_745, %get3A_746] {strides = array<i32>} : memref<2x80x128xf32, #tpu.memory_space<vmem>>, vector<1x1x16xf32>,
        %get3A_748 = vector.shape_cast %get3A_747 : vector<1x1x16xf32> to vector<16xf32>
        %mul3A_749 = arith.mulf %get3A_748, %bitcast_convert_type3A_740 : vector<16xf32>
        %swap3A_750 = arith.constant 1 : i32
        %swap3A_751 = arith.index_cast %swap3A_750 : i32 to index
        %swap3A_752 = arith.index_cast %scan3A_658 : i32 to index
        %swap3A_753 = arith.constant 64 : index
        %swap3A_754 = tpu.vector_load %arg10[%swap3A_751, %swap3A_752, %swap3A_753] {strides = array<i32>} : memref<2x80x128xf32, #tpu.memory_space<vmem>>, vector<1x1x16xf32>,
        %swap3A_755 = vector.shape_cast %swap3A_754 : vector<1x1x16xf32> to vector<16xf32>
        %swap3A_756 = vector.shape_cast %mul3A_749 : vector<16xf32> to vector<1x1x16xf32>
        tpu.vector_store %arg10[%swap3A_751, %swap3A_752, %swap3A_753], %swap3A_756 {strides = array<i32>} : memref<2x80x128xf32, #tpu.memory_space<vmem>>, vector<1x1x16xf32>,
        %get3A_757 = arith.constant 1 : i32
        %get3A_758 = arith.index_cast %get3A_757 : i32 to index
        %get3A_759 = arith.index_cast %scan3A_658 : i32 to index
        %get3A_760 = arith.constant 80 : index
        %get3A_761 = tpu.vector_load %arg10[%get3A_758, %get3A_759, %get3A_760] {strides = array<i32>} : memref<2x80x128xf32, #tpu.memory_space<vmem>>, vector<1x1x16xf32>,
        %get3A_762 = vector.shape_cast %get3A_761 : vector<1x1x16xf32> to vector<16xf32>
        %mul3A_763 = arith.mulf %get3A_762, %bitcast_convert_type3A_742 : vector<16xf32>
        %swap3A_764 = arith.constant 1 : i32
        %swap3A_765 = arith.index_cast %swap3A_764 : i32 to index
        %swap3A_766 = arith.index_cast %scan3A_658 : i32 to index
        %swap3A_767 = arith.constant 80 : index
        %swap3A_768 = tpu.vector_load %arg10[%swap3A_765, %swap3A_766, %swap3A_767] {strides = array<i32>} : memref<2x80x128xf32, #tpu.memory_space<vmem>>, vector<1x1x16xf32>,
        %swap3A_769 = vector.shape_cast %swap3A_768 : vector<1x1x16xf32> to vector<16xf32>
        %swap3A_770 = vector.shape_cast %mul3A_763 : vector<16xf32> to vector<1x1x16xf32>
        tpu.vector_store %arg10[%swap3A_765, %swap3A_766, %swap3A_767], %swap3A_770 {strides = array<i32>} : memref<2x80x128xf32, #tpu.memory_space<vmem>>, vector<1x1x16xf32>,
        %get3A_771 = arith.constant 1 : i32
        %get3A_772 = arith.index_cast %get3A_771 : i32 to index
        %get3A_773 = arith.index_cast %scan3A_658 : i32 to index
        %get3A_774 = arith.constant 48 : index
        %get3A_775 = tpu.vector_load %arg9[%get3A_772, %get3A_773, %get3A_774] {strides = array<i32>} : memref<2x80x64xi32, #tpu.memory_space<vmem>>, vector<1x1x16xi32>,
        %get3A_776 = vector.shape_cast %get3A_775 : vector<1x1x16xi32> to vector<16xi32>
        %shift_left3A_777 = arith.shli %get3A_776, %broadcast_in_dim3A_659 : vector<16xi32>
        %bitcast_convert_type3A_778 = tpu.bitcast %shift_left3A_777 : vector<16xi32> -> vector<16xf32>
        %and3A_779 = arith.andi %get3A_776, %broadcast_in_dim3A_661 : vector<16xi32>
        %bitcast_convert_type3A_780 = tpu.bitcast %and3A_779 : vector<16xi32> -> vector<16xf32>
        %get3A_781 = arith.constant 1 : i32
        %get3A_782 = arith.index_cast %get3A_781 : i32 to index
        %get3A_783 = arith.index_cast %scan3A_658 : i32 to index
        %get3A_784 = arith.constant 96 : index
        %get3A_785 = tpu.vector_load %arg10[%get3A_782, %get3A_783, %get3A_784] {strides = array<i32>} : memref<2x80x128xf32, #tpu.memory_space<vmem>>, vector<1x1x16xf32>,
        %get3A_786 = vector.shape_cast %get3A_785 : vector<1x1x16xf32> to vector<16xf32>
        %mul3A_787 = arith.mulf %get3A_786, %bitcast_convert_type3A_778 : vector<16xf32>
        %swap3A_788 = arith.constant 1 : i32
        %swap3A_789 = arith.index_cast %swap3A_788 : i32 to index
        %swap3A_790 = arith.index_cast %scan3A_658 : i32 to index
        %swap3A_791 = arith.constant 96 : index
        %swap3A_792 = tpu.vector_load %arg10[%swap3A_789, %swap3A_790, %swap3A_791] {strides = array<i32>} : memref<2x80x128xf32, #tpu.memory_space<vmem>>, vector<1x1x16xf32>,
        %swap3A_793 = vector.shape_cast %swap3A_792 : vector<1x1x16xf32> to vector<16xf32>
        %swap3A_794 = vector.shape_cast %mul3A_787 : vector<16xf32> to vector<1x1x16xf32>
        tpu.vector_store %arg10[%swap3A_789, %swap3A_790, %swap3A_791], %swap3A_794 {strides = array<i32>} : memref<2x80x128xf32, #tpu.memory_space<vmem>>, vector<1x1x16xf32>,
        %get3A_795 = arith.constant 1 : i32
        %get3A_796 = arith.index_cast %get3A_795 : i32 to index
        %get3A_797 = arith.index_cast %scan3A_658 : i32 to index
        %get3A_798 = arith.constant 112 : index
        %get3A_799 = tpu.vector_load %arg10[%get3A_796, %get3A_797, %get3A_798] {strides = array<i32>} : memref<2x80x128xf32, #tpu.memory_space<vmem>>, vector<1x1x16xf32>,
        %get3A_800 = vector.shape_cast %get3A_799 : vector<1x1x16xf32> to vector<16xf32>
        %mul3A_801 = arith.mulf %get3A_800, %bitcast_convert_type3A_780 : vector<16xf32>
        %swap3A_802 = arith.constant 1 : i32
        %swap3A_803 = arith.index_cast %swap3A_802 : i32 to index
        %swap3A_804 = arith.index_cast %scan3A_658 : i32 to index
        %swap3A_805 = arith.constant 112 : index
        %swap3A_806 = tpu.vector_load %arg10[%swap3A_803, %swap3A_804, %swap3A_805] {strides = array<i32>} : memref<2x80x128xf32, #tpu.memory_space<vmem>>, vector<1x1x16xf32>,
        %swap3A_807 = vector.shape_cast %swap3A_806 : vector<1x1x16xf32> to vector<16xf32>
        %swap3A_808 = vector.shape_cast %mul3A_801 : vector<16xf32> to vector<1x1x16xf32>
        tpu.vector_store %arg10[%swap3A_803, %swap3A_804, %swap3A_805], %swap3A_808 {strides = array<i32>} : memref<2x80x128xf32, #tpu.memory_space<vmem>>, vector<1x1x16xf32>,
      }
      %scan3A_570 = arith.constant 80 : i32
      %add3A_571 = arith.constant 1 : i32
      %add3A_572 = arith.addi %add3A_550, %add3A_571 : i32
      %mul3A_573 = arith.constant 80 : i32
      %mul3A_574 = arith.muli %add3A_572, %mul3A_573 : i32
      %add3A_575 = arith.addi %mul3A_2, %mul3A_574 : i32
      %dma_wait3A_576 = arith.constant 0 : i32
      %dma_wait3A_577 = arith.constant 0 : i32
      %dma_wait3A_578 = tpu.memref_slice %arg7[%dma_wait3A_576, %dma_wait3A_577] : memref<2x80xi32, #tpu.memory_space<vmem>> -> memref<1x80xi32, #tpu.memory_space<vmem>>
      %dma_wait3A_579 = tpu.memref_squeeze %dma_wait3A_578 : memref<1x80xi32, #tpu.memory_space<vmem>> -> memref<80xi32, #tpu.memory_space<vmem>>
      %dma_wait3A_580 = tpu.memref_slice %arg4[%add3A_575] : memref<320000xi32, #tpu.memory_space<hbm>> -> memref<80xi32, #tpu.memory_space<hbm>>
      %dma_wait3A_581 = arith.constant 0 : i32
      %dma_wait3A_582 = tpu.memref_slice %arg7[%dma_wait3A_576, %dma_wait3A_581] : memref<2x80xi32, #tpu.memory_space<vmem>> -> memref<1x80xi32, #tpu.memory_space<vmem>>
      %dma_wait3A_583 = tpu.memref_squeeze %dma_wait3A_582 : memref<1x80xi32, #tpu.memory_space<vmem>> -> memref<80xi32, #tpu.memory_space<vmem>>
      %dma_wait3A_584 = tpu.memref_slice %arg4[%add3A_575] : memref<320000xi32, #tpu.memory_space<hbm>> -> memref<80xi32, #tpu.memory_space<hbm>>
      tpu.wait_dma2 semaphore(%arg12 : memref<!tpu.dma_semaphore, #tpu.memory_space<semaphore_mem>>) src(%dma_wait3A_584 : memref<80xi32, #tpu.memory_space<hbm>>) dst(%dma_wait3A_583 : memref<80xi32, #tpu.memory_space<vmem>>)
      %dma_wait3A_585 = arith.constant 0 : i32
      %dma_wait3A_586 = arith.constant 0 : i32
      %dma_wait3A_587 = tpu.memref_slice %arg8[%dma_wait3A_585, %dma_wait3A_586] : memref<4x80xi32, #tpu.memory_space<vmem>> -> memref<1x80xi32, #tpu.memory_space<vmem>>
      %dma_wait3A_588 = tpu.memref_squeeze %dma_wait3A_587 : memref<1x80xi32, #tpu.memory_space<vmem>> -> memref<80xi32, #tpu.memory_space<vmem>>
      %dma_wait3A_589 = tpu.memref_slice %arg5[%add3A_575] : memref<320000xi32, #tpu.memory_space<hbm>> -> memref<80xi32, #tpu.memory_space<hbm>>
      %dma_wait3A_590 = arith.constant 0 : i32
      %dma_wait3A_591 = tpu.memref_slice %arg8[%dma_wait3A_585, %dma_wait3A_590] : memref<4x80xi32, #tpu.memory_space<vmem>> -> memref<1x80xi32, #tpu.memory_space<vmem>>
      %dma_wait3A_592 = tpu.memref_squeeze %dma_wait3A_591 : memref<1x80xi32, #tpu.memory_space<vmem>> -> memref<80xi32, #tpu.memory_space<vmem>>
      %dma_wait3A_593 = tpu.memref_slice %arg5[%add3A_575] : memref<320000xi32, #tpu.memory_space<hbm>> -> memref<80xi32, #tpu.memory_space<hbm>>
      tpu.wait_dma2 semaphore(%arg12 : memref<!tpu.dma_semaphore, #tpu.memory_space<semaphore_mem>>) src(%dma_wait3A_593 : memref<80xi32, #tpu.memory_space<hbm>>) dst(%dma_wait3A_592 : memref<80xi32, #tpu.memory_space<vmem>>)
      %dma_wait3A_594 = arith.constant 0 : i32
      %dma_wait3A_595 = arith.constant 0 : i32
      %dma_wait3A_596 = arith.constant 0 : i32
      %dma_wait3A_597 = tpu.memref_slice %arg9[%dma_wait3A_594, %dma_wait3A_595, %dma_wait3A_596] : memref<2x80x64xi32, #tpu.memory_space<vmem>> -> memref<1x80x64xi32, #tpu.memory_space<vmem>>
      %dma_wait3A_598 = tpu.memref_squeeze %dma_wait3A_597 : memref<1x80x64xi32, #tpu.memory_space<vmem>> -> memref<80x64xi32, #tpu.memory_space<vmem>>
      %dma_wait3A_599 = arith.constant 0 : i32
      %dma_wait3A_600 = tpu.memref_slice %arg3[%add3A_575, %dma_wait3A_599] : memref<320000x64xi32, #tpu.memory_space<hbm>> -> memref<80x64xi32, #tpu.memory_space<hbm>>
      %dma_wait3A_601 = arith.constant 0 : i32
      %dma_wait3A_602 = arith.constant 0 : i32
      %dma_wait3A_603 = tpu.memref_slice %arg9[%dma_wait3A_594, %dma_wait3A_601, %dma_wait3A_602] : memref<2x80x64xi32, #tpu.memory_space<vmem>> -> memref<1x80x64xi32, #tpu.memory_space<vmem>>
      %dma_wait3A_604 = tpu.memref_squeeze %dma_wait3A_603 : memref<1x80x64xi32, #tpu.memory_space<vmem>> -> memref<80x64xi32, #tpu.memory_space<vmem>>
      %dma_wait3A_605 = arith.constant 0 : i32
      %dma_wait3A_606 = tpu.memref_slice %arg3[%add3A_575, %dma_wait3A_605] : memref<320000x64xi32, #tpu.memory_space<hbm>> -> memref<80x64xi32, #tpu.memory_space<hbm>>
      tpu.wait_dma2 semaphore(%arg12 : memref<!tpu.dma_semaphore, #tpu.memory_space<semaphore_mem>>) src(%dma_wait3A_606 : memref<80x64xi32, #tpu.memory_space<hbm>>) dst(%dma_wait3A_604 : memref<80x64xi32, #tpu.memory_space<vmem>>)
      %dma_start3A_607 = arith.constant 0 : i32
      %dma_start3A_608 = arith.constant 0 : i32
      %dma_start3A_609 = arith.constant 0 : i32
      %dma_start3A_610 = arith.constant 0 : i32
      %dma_start3A_611 = tpu.memref_slice %arg10[%dma_start3A_608, %dma_start3A_609, %dma_start3A_610] : memref<2x80x128xf32, #tpu.memory_space<vmem>> -> memref<1x80x128xf32, #tpu.memory_space<vmem>>
      %dma_start3A_612 = tpu.memref_squeeze %dma_start3A_611 : memref<1x80x128xf32, #tpu.memory_space<vmem>> -> memref<80x128xf32, #tpu.memory_space<vmem>>
      %dma_start3A_613 = arith.constant 0 : i32
      %dma_start3A_614 = tpu.memref_slice %arg7[%dma_start3A_607, %dma_start3A_613] : memref<2x80xi32, #tpu.memory_space<vmem>> -> memref<1x80xi32, #tpu.memory_space<vmem>>
      %dma_start3A_615 = tpu.memref_squeeze %dma_start3A_614 : memref<1x80xi32, #tpu.memory_space<vmem>> -> memref<80xi32, #tpu.memory_space<vmem>>
      %dma_start3A_616 = arith.constant 0 : i32
      %dma_start3A_617 = arith.constant 0 : i32
      %dma_start3A_618 = tpu.memref_slice %arg2[%dma_start3A_616, %dma_start3A_617] : memref<10000x128xf32, #tpu.memory_space<hbm>> -> memref<10000x128xf32, #tpu.memory_space<hbm>>
      tpu.enqueue_indirect_dma source(%dma_start3A_618 : memref<10000x128xf32, #tpu.memory_space<hbm>>) target(%dma_start3A_612 : memref<80x128xf32, #tpu.memory_space<vmem>>) offsets(%dma_start3A_615 : memref<80xi32, #tpu.memory_space<vmem>>) semaphore(%arg13 : memref<!tpu.dma_semaphore, #tpu.memory_space<semaphore_mem>>)
      %run_scoped3A_619 = arith.constant 1 : i32
      %run_scoped3A_620 = arith.constant 3 : i32
      "tpu.region"() ({
        %run_scoped3A_658 = tpu.sem_alloc : memref<!tpu.dma_semaphore, #tpu.memory_space<semaphore_mem>>
        %dma_start3A_659 = arith.constant 0 : i32
        %dma_start3A_660 = arith.constant 0 : i32
        %dma_start3A_661 = tpu.memref_slice %arg10[%run_scoped3A_619, %dma_start3A_659, %dma_start3A_660] : memref<2x80x128xf32, #tpu.memory_space<vmem>> -> memref<1x80x128xf32, #tpu.memory_space<vmem>>
        %dma_start3A_662 = tpu.memref_squeeze %dma_start3A_661 : memref<1x80x128xf32, #tpu.memory_space<vmem>> -> memref<80x128xf32, #tpu.memory_space<vmem>>
        %dma_start3A_663 = arith.constant 0 : i32
        %dma_start3A_664 = tpu.memref_slice %arg8[%run_scoped3A_620, %dma_start3A_663] : memref<4x80xi32, #tpu.memory_space<vmem>> -> memref<1x80xi32, #tpu.memory_space<vmem>>
        %dma_start3A_665 = tpu.memref_squeeze %dma_start3A_664 : memref<1x80xi32, #tpu.memory_space<vmem>> -> memref<80xi32, #tpu.memory_space<vmem>>
        %dma_start3A_666 = arith.constant 0 : i32
        %dma_start3A_667 = arith.constant 0 : i32
        %dma_start3A_668 = tpu.memref_slice %arg11[%dma_start3A_666, %dma_start3A_667] : memref<10000x128xf32, #tpu.memory_space<vmem_shared>> -> memref<10000x128xf32, #tpu.memory_space<vmem_shared>>
        tpu.enqueue_indirect_dma source(%dma_start3A_662 : memref<80x128xf32, #tpu.memory_space<vmem>>) target(%dma_start3A_668 : memref<10000x128xf32, #tpu.memory_space<vmem_shared>>) offsets(%dma_start3A_665 : memref<80xi32, #tpu.memory_space<vmem>>) semaphore(%run_scoped3A_658 : memref<!tpu.dma_semaphore, #tpu.memory_space<semaphore_mem>>) {add = true}
        %dma_wait3A_669 = arith.constant 0 : i32
        %dma_wait3A_670 = arith.constant 0 : i32
        %dma_wait3A_671 = tpu.memref_slice %arg10[%run_scoped3A_619, %dma_wait3A_669, %dma_wait3A_670] : memref<2x80x128xf32, #tpu.memory_space<vmem>> -> memref<1x80x128xf32, #tpu.memory_space<vmem>>
        %dma_wait3A_672 = tpu.memref_squeeze %dma_wait3A_671 : memref<1x80x128xf32, #tpu.memory_space<vmem>> -> memref<80x128xf32, #tpu.memory_space<vmem>>
        %dma_wait3A_673 = arith.constant 0 : i32
        %dma_wait3A_674 = tpu.memref_slice %arg8[%run_scoped3A_620, %dma_wait3A_673] : memref<4x80xi32, #tpu.memory_space<vmem>> -> memref<1x80xi32, #tpu.memory_space<vmem>>
        %dma_wait3A_675 = tpu.memref_squeeze %dma_wait3A_674 : memref<1x80xi32, #tpu.memory_space<vmem>> -> memref<80xi32, #tpu.memory_space<vmem>>
        %dma_wait3A_676 = arith.constant 0 : i32
        %dma_wait3A_677 = arith.constant 0 : i32
        %dma_wait3A_678 = tpu.memref_slice %arg11[%dma_wait3A_676, %dma_wait3A_677] : memref<10000x128xf32, #tpu.memory_space<vmem_shared>> -> memref<10000x128xf32, #tpu.memory_space<vmem_shared>>
        tpu.wait_indirect_dma semaphore(%run_scoped3A_658 : memref<!tpu.dma_semaphore, #tpu.memory_space<semaphore_mem>>) src(%dma_wait3A_672 : memref<80x128xf32, #tpu.memory_space<vmem>>) dst(%dma_wait3A_678 : memref<10000x128xf32, #tpu.memory_space<vmem_shared>>)
        tpu.yield
      }) : () -> ()
      %convert_element_type3A_621 = arith.extui %lt3A_552 : i1 to i32
      %cond3A_622 = arith.constant 0 : i32
      %cond3A_623 = arith.cmpi ne, %convert_element_type3A_621, %cond3A_622 : i32
      scf.if %cond3A_623 {
        %add3A_658 = arith.constant 2 : i32
        %add3A_659 = arith.addi %add3A_550, %add3A_658 : i32
        %mul3A_660 = arith.constant 80 : i32
        %mul3A_661 = arith.muli %add3A_659, %mul3A_660 : i32
        %add3A_662 = arith.addi %mul3A_2, %mul3A_661 : i32
        %dma_start3A_663 = arith.constant 1 : i32
        %dma_start3A_664 = arith.constant 0 : i32
        %dma_start3A_665 = tpu.memref_slice %arg7[%dma_start3A_663, %dma_start3A_664] : memref<2x80xi32, #tpu.memory_space<vmem>> -> memref<1x80xi32, #tpu.memory_space<vmem>>
        %dma_start3A_666 = tpu.memref_squeeze %dma_start3A_665 : memref<1x80xi32, #tpu.memory_space<vmem>> -> memref<80xi32, #tpu.memory_space<vmem>>
        %dma_start3A_667 = tpu.memref_slice %arg4[%add3A_662] : memref<320000xi32, #tpu.memory_space<hbm>> -> memref<80xi32, #tpu.memory_space<hbm>>
        %dma_start3A_668 = arith.constant 0 : i32
        %dma_start3A_669 = tpu.memref_slice %arg7[%dma_start3A_663, %dma_start3A_668] : memref<2x80xi32, #tpu.memory_space<vmem>> -> memref<1x80xi32, #tpu.memory_space<vmem>>
        %dma_start3A_670 = tpu.memref_squeeze %dma_start3A_669 : memref<1x80xi32, #tpu.memory_space<vmem>> -> memref<80xi32, #tpu.memory_space<vmem>>
        %dma_start3A_671 = tpu.memref_slice %arg4[%add3A_662] : memref<320000xi32, #tpu.memory_space<hbm>> -> memref<80xi32, #tpu.memory_space<hbm>>
        tpu.enqueue_dma source(%dma_start3A_671 : memref<80xi32, #tpu.memory_space<hbm>>) target(%dma_start3A_670 : memref<80xi32, #tpu.memory_space<vmem>>) target_semaphore(%arg12 : memref<!tpu.dma_semaphore, #tpu.memory_space<semaphore_mem>>)
        %dma_start3A_672 = arith.constant 1 : i32
        %dma_start3A_673 = arith.constant 0 : i32
        %dma_start3A_674 = tpu.memref_slice %arg8[%dma_start3A_672, %dma_start3A_673] : memref<4x80xi32, #tpu.memory_space<vmem>> -> memref<1x80xi32, #tpu.memory_space<vmem>>
        %dma_start3A_675 = tpu.memref_squeeze %dma_start3A_674 : memref<1x80xi32, #tpu.memory_space<vmem>> -> memref<80xi32, #tpu.memory_space<vmem>>
        %dma_start3A_676 = tpu.memref_slice %arg5[%add3A_662] : memref<320000xi32, #tpu.memory_space<hbm>> -> memref<80xi32, #tpu.memory_space<hbm>>
        %dma_start3A_677 = arith.constant 0 : i32
        %dma_start3A_678 = tpu.memref_slice %arg8[%dma_start3A_672, %dma_start3A_677] : memref<4x80xi32, #tpu.memory_space<vmem>> -> memref<1x80xi32, #tpu.memory_space<vmem>>
        %dma_start3A_679 = tpu.memref_squeeze %dma_start3A_678 : memref<1x80xi32, #tpu.memory_space<vmem>> -> memref<80xi32, #tpu.memory_space<vmem>>
        %dma_start3A_680 = tpu.memref_slice %arg5[%add3A_662] : memref<320000xi32, #tpu.memory_space<hbm>> -> memref<80xi32, #tpu.memory_space<hbm>>
        tpu.enqueue_dma source(%dma_start3A_680 : memref<80xi32, #tpu.memory_space<hbm>>) target(%dma_start3A_679 : memref<80xi32, #tpu.memory_space<vmem>>) target_semaphore(%arg12 : memref<!tpu.dma_semaphore, #tpu.memory_space<semaphore_mem>>)
        %dma_start3A_681 = arith.constant 1 : i32
        %dma_start3A_682 = arith.constant 0 : i32
        %dma_start3A_683 = arith.constant 0 : i32
        %dma_start3A_684 = tpu.memref_slice %arg9[%dma_start3A_681, %dma_start3A_682, %dma_start3A_683] : memref<2x80x64xi32, #tpu.memory_space<vmem>> -> memref<1x80x64xi32, #tpu.memory_space<vmem>>
        %dma_start3A_685 = tpu.memref_squeeze %dma_start3A_684 : memref<1x80x64xi32, #tpu.memory_space<vmem>> -> memref<80x64xi32, #tpu.memory_space<vmem>>
        %dma_start3A_686 = arith.constant 0 : i32
        %dma_start3A_687 = tpu.memref_slice %arg3[%add3A_662, %dma_start3A_686] : memref<320000x64xi32, #tpu.memory_space<hbm>> -> memref<80x64xi32, #tpu.memory_space<hbm>>
        %dma_start3A_688 = arith.constant 0 : i32
        %dma_start3A_689 = arith.constant 0 : i32
        %dma_start3A_690 = tpu.memref_slice %arg9[%dma_start3A_681, %dma_start3A_688, %dma_start3A_689] : memref<2x80x64xi32, #tpu.memory_space<vmem>> -> memref<1x80x64xi32, #tpu.memory_space<vmem>>
        %dma_start3A_691 = tpu.memref_squeeze %dma_start3A_690 : memref<1x80x64xi32, #tpu.memory_space<vmem>> -> memref<80x64xi32, #tpu.memory_space<vmem>>
        %dma_start3A_692 = arith.constant 0 : i32
        %dma_start3A_693 = tpu.memref_slice %arg3[%add3A_662, %dma_start3A_692] : memref<320000x64xi32, #tpu.memory_space<hbm>> -> memref<80x64xi32, #tpu.memory_space<hbm>>
        tpu.enqueue_dma source(%dma_start3A_693 : memref<80x64xi32, #tpu.memory_space<hbm>>) target(%dma_start3A_691 : memref<80x64xi32, #tpu.memory_space<vmem>>) target_semaphore(%arg12 : memref<!tpu.dma_semaphore, #tpu.memory_space<semaphore_mem>>)
      } else {
      }
      %mul3A_624 = arith.constant 4 : i32
      %mul3A_625 = arith.muli %mul3A_624, %scan3A_330 : i32
      %add3A_626 = arith.constant 4 : i32
      %add3A_627 = arith.addi %mul3A_625, %add3A_626 : i32
      %lt3A_628 = arith.constant 30 : i32
      %lt3A_629 = arith.cmpi slt, %scan3A_330, %lt3A_628 : i32
      %lt3A_630 = arith.constant 30 : i32
      %lt3A_631 = arith.cmpi slt, %scan3A_330, %lt3A_630 : i32
      %dma_wait3A_632 = arith.constant 0 : i32
      %dma_wait3A_633 = arith.constant 0 : i32
      %dma_wait3A_634 = arith.constant 0 : i32
      %dma_wait3A_635 = arith.constant 0 : i32
      %dma_wait3A_636 = tpu.memref_slice %arg10[%dma_wait3A_633, %dma_wait3A_634, %dma_wait3A_635] : memref<2x80x128xf32, #tpu.memory_space<vmem>> -> memref<1x80x128xf32, #tpu.memory_space<vmem>>
      %dma_wait3A_637 = tpu.memref_squeeze %dma_wait3A_636 : memref<1x80x128xf32, #tpu.memory_space<vmem>> -> memref<80x128xf32, #tpu.memory_space<vmem>>
      %dma_wait3A_638 = arith.constant 0 : i32
      %dma_wait3A_639 = tpu.memref_slice %arg7[%dma_wait3A_632, %dma_wait3A_638] : memref<2x80xi32, #tpu.memory_space<vmem>> -> memref<1x80xi32, #tpu.memory_space<vmem>>
      %dma_wait3A_640 = tpu.memref_squeeze %dma_wait3A_639 : memref<1x80xi32, #tpu.memory_space<vmem>> -> memref<80xi32, #tpu.memory_space<vmem>>
      %dma_wait3A_641 = arith.constant 0 : i32
      %dma_wait3A_642 = arith.constant 0 : i32
      %dma_wait3A_643 = tpu.memref_slice %arg2[%dma_wait3A_641, %dma_wait3A_642] : memref<10000x128xf32, #tpu.memory_space<hbm>> -> memref<10000x128xf32, #tpu.memory_space<hbm>>
      tpu.wait_indirect_dma semaphore(%arg13 : memref<!tpu.dma_semaphore, #tpu.memory_space<semaphore_mem>>) src(%dma_wait3A_643 : memref<10000x128xf32, #tpu.memory_space<hbm>>) dst(%dma_wait3A_637 : memref<80x128xf32, #tpu.memory_space<vmem>>)
      %scan3A_644 = arith.constant 0 : i32
      %scan3A_645 = arith.constant 0 : i32
      %scan3A_646 = arith.constant 80 : i32
      %scan3A_647 = arith.addi %scan3A_645, %scan3A_646 : i32
      %scan3A_648 = arith.constant 1 : i32
      scf.for %scan3A_658 = %scan3A_645 to %scan3A_647 step %scan3A_648  : i32 {
        %broadcast_in_dim3A = arith.constant 16 : i32
        %broadcast_in_dim3A_659 = vector.broadcast %broadcast_in_dim3A : i32 to vector<16xi32>
        %broadcast_in_dim3A_660 = arith.constant -65536 : i32
        %broadcast_in_dim3A_661 = vector.broadcast %broadcast_in_dim3A_660 : i32 to vector<16xi32>
        %get3A = arith.constant 0 : i32
        %get3A_662 = arith.index_cast %get3A : i32 to index
        %get3A_663 = arith.index_cast %scan3A_658 : i32 to index
        %get3A_664 = arith.constant 0 : index
        %get3A_665 = tpu.vector_load %arg9[%get3A_662, %get3A_663, %get3A_664] {strides = array<i32>} : memref<2x80x64xi32, #tpu.memory_space<vmem>>, vector<1x1x16xi32>,
        %get3A_666 = vector.shape_cast %get3A_665 : vector<1x1x16xi32> to vector<16xi32>
        %shift_left3A = arith.shli %get3A_666, %broadcast_in_dim3A_659 : vector<16xi32>
        %bitcast_convert_type3A = tpu.bitcast %shift_left3A : vector<16xi32> -> vector<16xf32>
        %and3A = arith.andi %get3A_666, %broadcast_in_dim3A_661 : vector<16xi32>
        %bitcast_convert_type3A_667 = tpu.bitcast %and3A : vector<16xi32> -> vector<16xf32>
        %get3A_668 = arith.constant 0 : i32
        %get3A_669 = arith.index_cast %get3A_668 : i32 to index
        %get3A_670 = arith.index_cast %scan3A_658 : i32 to index
        %get3A_671 = arith.constant 0 : index
        %get3A_672 = tpu.vector_load %arg10[%get3A_669, %get3A_670, %get3A_671] {strides = array<i32>} : memref<2x80x128xf32, #tpu.memory_space<vmem>>, vector<1x1x16xf32>,
        %get3A_673 = vector.shape_cast %get3A_672 : vector<1x1x16xf32> to vector<16xf32>
        %mul3A_674 = arith.mulf %get3A_673, %bitcast_convert_type3A : vector<16xf32>
        %swap3A = arith.constant 0 : i32
        %swap3A_675 = arith.index_cast %swap3A : i32 to index
        %swap3A_676 = arith.index_cast %scan3A_658 : i32 to index
        %swap3A_677 = arith.constant 0 : index
        %swap3A_678 = tpu.vector_load %arg10[%swap3A_675, %swap3A_676, %swap3A_677] {strides = array<i32>} : memref<2x80x128xf32, #tpu.memory_space<vmem>>, vector<1x1x16xf32>,
        %swap3A_679 = vector.shape_cast %swap3A_678 : vector<1x1x16xf32> to vector<16xf32>
        %swap3A_680 = vector.shape_cast %mul3A_674 : vector<16xf32> to vector<1x1x16xf32>
        tpu.vector_store %arg10[%swap3A_675, %swap3A_676, %swap3A_677], %swap3A_680 {strides = array<i32>} : memref<2x80x128xf32, #tpu.memory_space<vmem>>, vector<1x1x16xf32>,
        %get3A_681 = arith.constant 0 : i32
        %get3A_682 = arith.index_cast %get3A_681 : i32 to index
        %get3A_683 = arith.index_cast %scan3A_658 : i32 to index
        %get3A_684 = arith.constant 16 : index
        %get3A_685 = tpu.vector_load %arg10[%get3A_682, %get3A_683, %get3A_684] {strides = array<i32>} : memref<2x80x128xf32, #tpu.memory_space<vmem>>, vector<1x1x16xf32>,
        %get3A_686 = vector.shape_cast %get3A_685 : vector<1x1x16xf32> to vector<16xf32>
        %mul3A_687 = arith.mulf %get3A_686, %bitcast_convert_type3A_667 : vector<16xf32>
        %swap3A_688 = arith.constant 0 : i32
        %swap3A_689 = arith.index_cast %swap3A_688 : i32 to index
        %swap3A_690 = arith.index_cast %scan3A_658 : i32 to index
        %swap3A_691 = arith.constant 16 : index
        %swap3A_692 = tpu.vector_load %arg10[%swap3A_689, %swap3A_690, %swap3A_691] {strides = array<i32>} : memref<2x80x128xf32, #tpu.memory_space<vmem>>, vector<1x1x16xf32>,
        %swap3A_693 = vector.shape_cast %swap3A_692 : vector<1x1x16xf32> to vector<16xf32>
        %swap3A_694 = vector.shape_cast %mul3A_687 : vector<16xf32> to vector<1x1x16xf32>
        tpu.vector_store %arg10[%swap3A_689, %swap3A_690, %swap3A_691], %swap3A_694 {strides = array<i32>} : memref<2x80x128xf32, #tpu.memory_space<vmem>>, vector<1x1x16xf32>,
        %get3A_695 = arith.constant 0 : i32
        %get3A_696 = arith.index_cast %get3A_695 : i32 to index
        %get3A_697 = arith.index_cast %scan3A_658 : i32 to index
        %get3A_698 = arith.constant 16 : index
        %get3A_699 = tpu.vector_load %arg9[%get3A_696, %get3A_697, %get3A_698] {strides = array<i32>} : memref<2x80x64xi32, #tpu.memory_space<vmem>>, vector<1x1x16xi32>,
        %get3A_700 = vector.shape_cast %get3A_699 : vector<1x1x16xi32> to vector<16xi32>
        %shift_left3A_701 = arith.shli %get3A_700, %broadcast_in_dim3A_659 : vector<16xi32>
        %bitcast_convert_type3A_702 = tpu.bitcast %shift_left3A_701 : vector<16xi32> -> vector<16xf32>
        %and3A_703 = arith.andi %get3A_700, %broadcast_in_dim3A_661 : vector<16xi32>
        %bitcast_convert_type3A_704 = tpu.bitcast %and3A_703 : vector<16xi32> -> vector<16xf32>
        %get3A_705 = arith.constant 0 : i32
        %get3A_706 = arith.index_cast %get3A_705 : i32 to index
        %get3A_707 = arith.index_cast %scan3A_658 : i32 to index
        %get3A_708 = arith.constant 32 : index
        %get3A_709 = tpu.vector_load %arg10[%get3A_706, %get3A_707, %get3A_708] {strides = array<i32>} : memref<2x80x128xf32, #tpu.memory_space<vmem>>, vector<1x1x16xf32>,
        %get3A_710 = vector.shape_cast %get3A_709 : vector<1x1x16xf32> to vector<16xf32>
        %mul3A_711 = arith.mulf %get3A_710, %bitcast_convert_type3A_702 : vector<16xf32>
        %swap3A_712 = arith.constant 0 : i32
        %swap3A_713 = arith.index_cast %swap3A_712 : i32 to index
        %swap3A_714 = arith.index_cast %scan3A_658 : i32 to index
        %swap3A_715 = arith.constant 32 : index
        %swap3A_716 = tpu.vector_load %arg10[%swap3A_713, %swap3A_714, %swap3A_715] {strides = array<i32>} : memref<2x80x128xf32, #tpu.memory_space<vmem>>, vector<1x1x16xf32>,
        %swap3A_717 = vector.shape_cast %swap3A_716 : vector<1x1x16xf32> to vector<16xf32>
        %swap3A_718 = vector.shape_cast %mul3A_711 : vector<16xf32> to vector<1x1x16xf32>
        tpu.vector_store %arg10[%swap3A_713, %swap3A_714, %swap3A_715], %swap3A_718 {strides = array<i32>} : memref<2x80x128xf32, #tpu.memory_space<vmem>>, vector<1x1x16xf32>,
        %get3A_719 = arith.constant 0 : i32
        %get3A_720 = arith.index_cast %get3A_719 : i32 to index
        %get3A_721 = arith.index_cast %scan3A_658 : i32 to index
        %get3A_722 = arith.constant 48 : index
        %get3A_723 = tpu.vector_load %arg10[%get3A_720, %get3A_721, %get3A_722] {strides = array<i32>} : memref<2x80x128xf32, #tpu.memory_space<vmem>>, vector<1x1x16xf32>,
        %get3A_724 = vector.shape_cast %get3A_723 : vector<1x1x16xf32> to vector<16xf32>
        %mul3A_725 = arith.mulf %get3A_724, %bitcast_convert_type3A_704 : vector<16xf32>
        %swap3A_726 = arith.constant 0 : i32
        %swap3A_727 = arith.index_cast %swap3A_726 : i32 to index
        %swap3A_728 = arith.index_cast %scan3A_658 : i32 to index
        %swap3A_729 = arith.constant 48 : index
        %swap3A_730 = tpu.vector_load %arg10[%swap3A_727, %swap3A_728, %swap3A_729] {strides = array<i32>} : memref<2x80x128xf32, #tpu.memory_space<vmem>>, vector<1x1x16xf32>,
        %swap3A_731 = vector.shape_cast %swap3A_730 : vector<1x1x16xf32> to vector<16xf32>
        %swap3A_732 = vector.shape_cast %mul3A_725 : vector<16xf32> to vector<1x1x16xf32>
        tpu.vector_store %arg10[%swap3A_727, %swap3A_728, %swap3A_729], %swap3A_732 {strides = array<i32>} : memref<2x80x128xf32, #tpu.memory_space<vmem>>, vector<1x1x16xf32>,
        %get3A_733 = arith.constant 0 : i32
        %get3A_734 = arith.index_cast %get3A_733 : i32 to index
        %get3A_735 = arith.index_cast %scan3A_658 : i32 to index
        %get3A_736 = arith.constant 32 : index
        %get3A_737 = tpu.vector_load %arg9[%get3A_734, %get3A_735, %get3A_736] {strides = array<i32>} : memref<2x80x64xi32, #tpu.memory_space<vmem>>, vector<1x1x16xi32>,
        %get3A_738 = vector.shape_cast %get3A_737 : vector<1x1x16xi32> to vector<16xi32>
        %shift_left3A_739 = arith.shli %get3A_738, %broadcast_in_dim3A_659 : vector<16xi32>
        %bitcast_convert_type3A_740 = tpu.bitcast %shift_left3A_739 : vector<16xi32> -> vector<16xf32>
        %and3A_741 = arith.andi %get3A_738, %broadcast_in_dim3A_661 : vector<16xi32>
        %bitcast_convert_type3A_742 = tpu.bitcast %and3A_741 : vector<16xi32> -> vector<16xf32>
        %get3A_743 = arith.constant 0 : i32
        %get3A_744 = arith.index_cast %get3A_743 : i32 to index
        %get3A_745 = arith.index_cast %scan3A_658 : i32 to index
        %get3A_746 = arith.constant 64 : index
        %get3A_747 = tpu.vector_load %arg10[%get3A_744, %get3A_745, %get3A_746] {strides = array<i32>} : memref<2x80x128xf32, #tpu.memory_space<vmem>>, vector<1x1x16xf32>,
        %get3A_748 = vector.shape_cast %get3A_747 : vector<1x1x16xf32> to vector<16xf32>
        %mul3A_749 = arith.mulf %get3A_748, %bitcast_convert_type3A_740 : vector<16xf32>
        %swap3A_750 = arith.constant 0 : i32
        %swap3A_751 = arith.index_cast %swap3A_750 : i32 to index
        %swap3A_752 = arith.index_cast %scan3A_658 : i32 to index
        %swap3A_753 = arith.constant 64 : index
        %swap3A_754 = tpu.vector_load %arg10[%swap3A_751, %swap3A_752, %swap3A_753] {strides = array<i32>} : memref<2x80x128xf32, #tpu.memory_space<vmem>>, vector<1x1x16xf32>,
        %swap3A_755 = vector.shape_cast %swap3A_754 : vector<1x1x16xf32> to vector<16xf32>
        %swap3A_756 = vector.shape_cast %mul3A_749 : vector<16xf32> to vector<1x1x16xf32>
        tpu.vector_store %arg10[%swap3A_751, %swap3A_752, %swap3A_753], %swap3A_756 {strides = array<i32>} : memref<2x80x128xf32, #tpu.memory_space<vmem>>, vector<1x1x16xf32>,
        %get3A_757 = arith.constant 0 : i32
        %get3A_758 = arith.index_cast %get3A_757 : i32 to index
        %get3A_759 = arith.index_cast %scan3A_658 : i32 to index
        %get3A_760 = arith.constant 80 : index
        %get3A_761 = tpu.vector_load %arg10[%get3A_758, %get3A_759, %get3A_760] {strides = array<i32>} : memref<2x80x128xf32, #tpu.memory_space<vmem>>, vector<1x1x16xf32>,
        %get3A_762 = vector.shape_cast %get3A_761 : vector<1x1x16xf32> to vector<16xf32>
        %mul3A_763 = arith.mulf %get3A_762, %bitcast_convert_type3A_742 : vector<16xf32>
        %swap3A_764 = arith.constant 0 : i32
        %swap3A_765 = arith.index_cast %swap3A_764 : i32 to index
        %swap3A_766 = arith.index_cast %scan3A_658 : i32 to index
        %swap3A_767 = arith.constant 80 : index
        %swap3A_768 = tpu.vector_load %arg10[%swap3A_765, %swap3A_766, %swap3A_767] {strides = array<i32>} : memref<2x80x128xf32, #tpu.memory_space<vmem>>, vector<1x1x16xf32>,
        %swap3A_769 = vector.shape_cast %swap3A_768 : vector<1x1x16xf32> to vector<16xf32>
        %swap3A_770 = vector.shape_cast %mul3A_763 : vector<16xf32> to vector<1x1x16xf32>
        tpu.vector_store %arg10[%swap3A_765, %swap3A_766, %swap3A_767], %swap3A_770 {strides = array<i32>} : memref<2x80x128xf32, #tpu.memory_space<vmem>>, vector<1x1x16xf32>,
        %get3A_771 = arith.constant 0 : i32
        %get3A_772 = arith.index_cast %get3A_771 : i32 to index
        %get3A_773 = arith.index_cast %scan3A_658 : i32 to index
        %get3A_774 = arith.constant 48 : index
        %get3A_775 = tpu.vector_load %arg9[%get3A_772, %get3A_773, %get3A_774] {strides = array<i32>} : memref<2x80x64xi32, #tpu.memory_space<vmem>>, vector<1x1x16xi32>,
        %get3A_776 = vector.shape_cast %get3A_775 : vector<1x1x16xi32> to vector<16xi32>
        %shift_left3A_777 = arith.shli %get3A_776, %broadcast_in_dim3A_659 : vector<16xi32>
        %bitcast_convert_type3A_778 = tpu.bitcast %shift_left3A_777 : vector<16xi32> -> vector<16xf32>
        %and3A_779 = arith.andi %get3A_776, %broadcast_in_dim3A_661 : vector<16xi32>
        %bitcast_convert_type3A_780 = tpu.bitcast %and3A_779 : vector<16xi32> -> vector<16xf32>
        %get3A_781 = arith.constant 0 : i32
        %get3A_782 = arith.index_cast %get3A_781 : i32 to index
        %get3A_783 = arith.index_cast %scan3A_658 : i32 to index
        %get3A_784 = arith.constant 96 : index
        %get3A_785 = tpu.vector_load %arg10[%get3A_782, %get3A_783, %get3A_784] {strides = array<i32>} : memref<2x80x128xf32, #tpu.memory_space<vmem>>, vector<1x1x16xf32>,
        %get3A_786 = vector.shape_cast %get3A_785 : vector<1x1x16xf32> to vector<16xf32>
        %mul3A_787 = arith.mulf %get3A_786, %bitcast_convert_type3A_778 : vector<16xf32>
        %swap3A_788 = arith.constant 0 : i32
        %swap3A_789 = arith.index_cast %swap3A_788 : i32 to index
        %swap3A_790 = arith.index_cast %scan3A_658 : i32 to index
        %swap3A_791 = arith.constant 96 : index
        %swap3A_792 = tpu.vector_load %arg10[%swap3A_789, %swap3A_790, %swap3A_791] {strides = array<i32>} : memref<2x80x128xf32, #tpu.memory_space<vmem>>, vector<1x1x16xf32>,
        %swap3A_793 = vector.shape_cast %swap3A_792 : vector<1x1x16xf32> to vector<16xf32>
        %swap3A_794 = vector.shape_cast %mul3A_787 : vector<16xf32> to vector<1x1x16xf32>
        tpu.vector_store %arg10[%swap3A_789, %swap3A_790, %swap3A_791], %swap3A_794 {strides = array<i32>} : memref<2x80x128xf32, #tpu.memory_space<vmem>>, vector<1x1x16xf32>,
        %get3A_795 = arith.constant 0 : i32
        %get3A_796 = arith.index_cast %get3A_795 : i32 to index
        %get3A_797 = arith.index_cast %scan3A_658 : i32 to index
        %get3A_798 = arith.constant 112 : index
        %get3A_799 = tpu.vector_load %arg10[%get3A_796, %get3A_797, %get3A_798] {strides = array<i32>} : memref<2x80x128xf32, #tpu.memory_space<vmem>>, vector<1x1x16xf32>,
        %get3A_800 = vector.shape_cast %get3A_799 : vector<1x1x16xf32> to vector<16xf32>
        %mul3A_801 = arith.mulf %get3A_800, %bitcast_convert_type3A_780 : vector<16xf32>
        %swap3A_802 = arith.constant 0 : i32
        %swap3A_803 = arith.index_cast %swap3A_802 : i32 to index
        %swap3A_804 = arith.index_cast %scan3A_658 : i32 to index
        %swap3A_805 = arith.constant 112 : index
        %swap3A_806 = tpu.vector_load %arg10[%swap3A_803, %swap3A_804, %swap3A_805] {strides = array<i32>} : memref<2x80x128xf32, #tpu.memory_space<vmem>>, vector<1x1x16xf32>,
        %swap3A_807 = vector.shape_cast %swap3A_806 : vector<1x1x16xf32> to vector<16xf32>
        %swap3A_808 = vector.shape_cast %mul3A_801 : vector<16xf32> to vector<1x1x16xf32>
        tpu.vector_store %arg10[%swap3A_803, %swap3A_804, %swap3A_805], %swap3A_808 {strides = array<i32>} : memref<2x80x128xf32, #tpu.memory_space<vmem>>, vector<1x1x16xf32>,
      }
      %scan3A_649 = arith.constant 80 : i32
      %convert_element_type3A_650 = arith.extui %lt3A_629 : i1 to i32
      %cond3A_651 = arith.constant 0 : i32
      %cond3A_652 = arith.cmpi ne, %convert_element_type3A_650, %cond3A_651 : i32
      scf.if %cond3A_652 {
        %add3A_658 = arith.constant 1 : i32
        %add3A_659 = arith.addi %add3A_627, %add3A_658 : i32
        %mul3A_660 = arith.constant 80 : i32
        %mul3A_661 = arith.muli %add3A_659, %mul3A_660 : i32
        %add3A_662 = arith.addi %mul3A_2, %mul3A_661 : i32
        %dma_wait3A_663 = arith.constant 1 : i32
        %dma_wait3A_664 = arith.constant 0 : i32
        %dma_wait3A_665 = tpu.memref_slice %arg7[%dma_wait3A_663, %dma_wait3A_664] : memref<2x80xi32, #tpu.memory_space<vmem>> -> memref<1x80xi32, #tpu.memory_space<vmem>>
        %dma_wait3A_666 = tpu.memref_squeeze %dma_wait3A_665 : memref<1x80xi32, #tpu.memory_space<vmem>> -> memref<80xi32, #tpu.memory_space<vmem>>
        %dma_wait3A_667 = tpu.memref_slice %arg4[%add3A_662] : memref<320000xi32, #tpu.memory_space<hbm>> -> memref<80xi32, #tpu.memory_space<hbm>>
        %dma_wait3A_668 = arith.constant 0 : i32
        %dma_wait3A_669 = tpu.memref_slice %arg7[%dma_wait3A_663, %dma_wait3A_668] : memref<2x80xi32, #tpu.memory_space<vmem>> -> memref<1x80xi32, #tpu.memory_space<vmem>>
        %dma_wait3A_670 = tpu.memref_squeeze %dma_wait3A_669 : memref<1x80xi32, #tpu.memory_space<vmem>> -> memref<80xi32, #tpu.memory_space<vmem>>
        %dma_wait3A_671 = tpu.memref_slice %arg4[%add3A_662] : memref<320000xi32, #tpu.memory_space<hbm>> -> memref<80xi32, #tpu.memory_space<hbm>>
        tpu.wait_dma2 semaphore(%arg12 : memref<!tpu.dma_semaphore, #tpu.memory_space<semaphore_mem>>) src(%dma_wait3A_671 : memref<80xi32, #tpu.memory_space<hbm>>) dst(%dma_wait3A_670 : memref<80xi32, #tpu.memory_space<vmem>>)
        %dma_wait3A_672 = arith.constant 1 : i32
        %dma_wait3A_673 = arith.constant 0 : i32
        %dma_wait3A_674 = tpu.memref_slice %arg8[%dma_wait3A_672, %dma_wait3A_673] : memref<4x80xi32, #tpu.memory_space<vmem>> -> memref<1x80xi32, #tpu.memory_space<vmem>>
        %dma_wait3A_675 = tpu.memref_squeeze %dma_wait3A_674 : memref<1x80xi32, #tpu.memory_space<vmem>> -> memref<80xi32, #tpu.memory_space<vmem>>
        %dma_wait3A_676 = tpu.memref_slice %arg5[%add3A_662] : memref<320000xi32, #tpu.memory_space<hbm>> -> memref<80xi32, #tpu.memory_space<hbm>>
        %dma_wait3A_677 = arith.constant 0 : i32
        %dma_wait3A_678 = tpu.memref_slice %arg8[%dma_wait3A_672, %dma_wait3A_677] : memref<4x80xi32, #tpu.memory_space<vmem>> -> memref<1x80xi32, #tpu.memory_space<vmem>>
        %dma_wait3A_679 = tpu.memref_squeeze %dma_wait3A_678 : memref<1x80xi32, #tpu.memory_space<vmem>> -> memref<80xi32, #tpu.memory_space<vmem>>
        %dma_wait3A_680 = tpu.memref_slice %arg5[%add3A_662] : memref<320000xi32, #tpu.memory_space<hbm>> -> memref<80xi32, #tpu.memory_space<hbm>>
        tpu.wait_dma2 semaphore(%arg12 : memref<!tpu.dma_semaphore, #tpu.memory_space<semaphore_mem>>) src(%dma_wait3A_680 : memref<80xi32, #tpu.memory_space<hbm>>) dst(%dma_wait3A_679 : memref<80xi32, #tpu.memory_space<vmem>>)
        %dma_wait3A_681 = arith.constant 1 : i32
        %dma_wait3A_682 = arith.constant 0 : i32
        %dma_wait3A_683 = arith.constant 0 : i32
        %dma_wait3A_684 = tpu.memref_slice %arg9[%dma_wait3A_681, %dma_wait3A_682, %dma_wait3A_683] : memref<2x80x64xi32, #tpu.memory_space<vmem>> -> memref<1x80x64xi32, #tpu.memory_space<vmem>>
        %dma_wait3A_685 = tpu.memref_squeeze %dma_wait3A_684 : memref<1x80x64xi32, #tpu.memory_space<vmem>> -> memref<80x64xi32, #tpu.memory_space<vmem>>
        %dma_wait3A_686 = arith.constant 0 : i32
        %dma_wait3A_687 = tpu.memref_slice %arg3[%add3A_662, %dma_wait3A_686] : memref<320000x64xi32, #tpu.memory_space<hbm>> -> memref<80x64xi32, #tpu.memory_space<hbm>>
        %dma_wait3A_688 = arith.constant 0 : i32
        %dma_wait3A_689 = arith.constant 0 : i32
        %dma_wait3A_690 = tpu.memref_slice %arg9[%dma_wait3A_681, %dma_wait3A_688, %dma_wait3A_689] : memref<2x80x64xi32, #tpu.memory_space<vmem>> -> memref<1x80x64xi32, #tpu.memory_space<vmem>>
        %dma_wait3A_691 = tpu.memref_squeeze %dma_wait3A_690 : memref<1x80x64xi32, #tpu.memory_space<vmem>> -> memref<80x64xi32, #tpu.memory_space<vmem>>
        %dma_wait3A_692 = arith.constant 0 : i32
        %dma_wait3A_693 = tpu.memref_slice %arg3[%add3A_662, %dma_wait3A_692] : memref<320000x64xi32, #tpu.memory_space<hbm>> -> memref<80x64xi32, #tpu.memory_space<hbm>>
        tpu.wait_dma2 semaphore(%arg12 : memref<!tpu.dma_semaphore, #tpu.memory_space<semaphore_mem>>) src(%dma_wait3A_693 : memref<80x64xi32, #tpu.memory_space<hbm>>) dst(%dma_wait3A_691 : memref<80x64xi32, #tpu.memory_space<vmem>>)
        %dma_start3A_694 = arith.constant 1 : i32
        %dma_start3A_695 = arith.constant 1 : i32
        %dma_start3A_696 = arith.constant 0 : i32
        %dma_start3A_697 = arith.constant 0 : i32
        %dma_start3A_698 = tpu.memref_slice %arg10[%dma_start3A_695, %dma_start3A_696, %dma_start3A_697] : memref<2x80x128xf32, #tpu.memory_space<vmem>> -> memref<1x80x128xf32, #tpu.memory_space<vmem>>
        %dma_start3A_699 = tpu.memref_squeeze %dma_start3A_698 : memref<1x80x128xf32, #tpu.memory_space<vmem>> -> memref<80x128xf32, #tpu.memory_space<vmem>>
        %dma_start3A_700 = arith.constant 0 : i32
        %dma_start3A_701 = tpu.memref_slice %arg7[%dma_start3A_694, %dma_start3A_700] : memref<2x80xi32, #tpu.memory_space<vmem>> -> memref<1x80xi32, #tpu.memory_space<vmem>>
        %dma_start3A_702 = tpu.memref_squeeze %dma_start3A_701 : memref<1x80xi32, #tpu.memory_space<vmem>> -> memref<80xi32, #tpu.memory_space<vmem>>
        %dma_start3A_703 = arith.constant 0 : i32
        %dma_start3A_704 = arith.constant 0 : i32
        %dma_start3A_705 = tpu.memref_slice %arg2[%dma_start3A_703, %dma_start3A_704] : memref<10000x128xf32, #tpu.memory_space<hbm>> -> memref<10000x128xf32, #tpu.memory_space<hbm>>
        tpu.enqueue_indirect_dma source(%dma_start3A_705 : memref<10000x128xf32, #tpu.memory_space<hbm>>) target(%dma_start3A_699 : memref<80x128xf32, #tpu.memory_space<vmem>>) offsets(%dma_start3A_702 : memref<80xi32, #tpu.memory_space<vmem>>) semaphore(%arg13 : memref<!tpu.dma_semaphore, #tpu.memory_space<semaphore_mem>>)
      } else {
      }
      %run_scoped3A_653 = arith.constant 0 : i32
      %run_scoped3A_654 = arith.constant 0 : i32
      "tpu.region"() ({
        %run_scoped3A_658 = tpu.sem_alloc : memref<!tpu.dma_semaphore, #tpu.memory_space<semaphore_mem>>
        %dma_start3A_659 = arith.constant 0 : i32
        %dma_start3A_660 = arith.constant 0 : i32
        %dma_start3A_661 = tpu.memref_slice %arg10[%run_scoped3A_653, %dma_start3A_659, %dma_start3A_660] : memref<2x80x128xf32, #tpu.memory_space<vmem>> -> memref<1x80x128xf32, #tpu.memory_space<vmem>>
        %dma_start3A_662 = tpu.memref_squeeze %dma_start3A_661 : memref<1x80x128xf32, #tpu.memory_space<vmem>> -> memref<80x128xf32, #tpu.memory_space<vmem>>
        %dma_start3A_663 = arith.constant 0 : i32
        %dma_start3A_664 = tpu.memref_slice %arg8[%run_scoped3A_654, %dma_start3A_663] : memref<4x80xi32, #tpu.memory_space<vmem>> -> memref<1x80xi32, #tpu.memory_space<vmem>>
        %dma_start3A_665 = tpu.memref_squeeze %dma_start3A_664 : memref<1x80xi32, #tpu.memory_space<vmem>> -> memref<80xi32, #tpu.memory_space<vmem>>
        %dma_start3A_666 = arith.constant 0 : i32
        %dma_start3A_667 = arith.constant 0 : i32
        %dma_start3A_668 = tpu.memref_slice %arg11[%dma_start3A_666, %dma_start3A_667] : memref<10000x128xf32, #tpu.memory_space<vmem_shared>> -> memref<10000x128xf32, #tpu.memory_space<vmem_shared>>
        tpu.enqueue_indirect_dma source(%dma_start3A_662 : memref<80x128xf32, #tpu.memory_space<vmem>>) target(%dma_start3A_668 : memref<10000x128xf32, #tpu.memory_space<vmem_shared>>) offsets(%dma_start3A_665 : memref<80xi32, #tpu.memory_space<vmem>>) semaphore(%run_scoped3A_658 : memref<!tpu.dma_semaphore, #tpu.memory_space<semaphore_mem>>) {add = true}
        %dma_wait3A_669 = arith.constant 0 : i32
        %dma_wait3A_670 = arith.constant 0 : i32
        %dma_wait3A_671 = tpu.memref_slice %arg10[%run_scoped3A_653, %dma_wait3A_669, %dma_wait3A_670] : memref<2x80x128xf32, #tpu.memory_space<vmem>> -> memref<1x80x128xf32, #tpu.memory_space<vmem>>
        %dma_wait3A_672 = tpu.memref_squeeze %dma_wait3A_671 : memref<1x80x128xf32, #tpu.memory_space<vmem>> -> memref<80x128xf32, #tpu.memory_space<vmem>>
        %dma_wait3A_673 = arith.constant 0 : i32
        %dma_wait3A_674 = tpu.memref_slice %arg8[%run_scoped3A_654, %dma_wait3A_673] : memref<4x80xi32, #tpu.memory_space<vmem>> -> memref<1x80xi32, #tpu.memory_space<vmem>>
        %dma_wait3A_675 = tpu.memref_squeeze %dma_wait3A_674 : memref<1x80xi32, #tpu.memory_space<vmem>> -> memref<80xi32, #tpu.memory_space<vmem>>
        %dma_wait3A_676 = arith.constant 0 : i32
        %dma_wait3A_677 = arith.constant 0 : i32
        %dma_wait3A_678 = tpu.memref_slice %arg11[%dma_wait3A_676, %dma_wait3A_677] : memref<10000x128xf32, #tpu.memory_space<vmem_shared>> -> memref<10000x128xf32, #tpu.memory_space<vmem_shared>>
        tpu.wait_indirect_dma semaphore(%run_scoped3A_658 : memref<!tpu.dma_semaphore, #tpu.memory_space<semaphore_mem>>) src(%dma_wait3A_672 : memref<80x128xf32, #tpu.memory_space<vmem>>) dst(%dma_wait3A_678 : memref<10000x128xf32, #tpu.memory_space<vmem_shared>>)
        tpu.yield
      }) : () -> ()
      %convert_element_type3A_655 = arith.extui %lt3A_631 : i1 to i32
      %cond3A_656 = arith.constant 0 : i32
      %cond3A_657 = arith.cmpi ne, %convert_element_type3A_655, %cond3A_656 : i32
      scf.if %cond3A_657 {
        %add3A_658 = arith.constant 2 : i32
        %add3A_659 = arith.addi %add3A_627, %add3A_658 : i32
        %mul3A_660 = arith.constant 80 : i32
        %mul3A_661 = arith.muli %add3A_659, %mul3A_660 : i32
        %add3A_662 = arith.addi %mul3A_2, %mul3A_661 : i32
        %dma_start3A_663 = arith.constant 0 : i32
        %dma_start3A_664 = arith.constant 0 : i32
        %dma_start3A_665 = tpu.memref_slice %arg7[%dma_start3A_663, %dma_start3A_664] : memref<2x80xi32, #tpu.memory_space<vmem>> -> memref<1x80xi32, #tpu.memory_space<vmem>>
        %dma_start3A_666 = tpu.memref_squeeze %dma_start3A_665 : memref<1x80xi32, #tpu.memory_space<vmem>> -> memref<80xi32, #tpu.memory_space<vmem>>
        %dma_start3A_667 = tpu.memref_slice %arg4[%add3A_662] : memref<320000xi32, #tpu.memory_space<hbm>> -> memref<80xi32, #tpu.memory_space<hbm>>
        %dma_start3A_668 = arith.constant 0 : i32
        %dma_start3A_669 = tpu.memref_slice %arg7[%dma_start3A_663, %dma_start3A_668] : memref<2x80xi32, #tpu.memory_space<vmem>> -> memref<1x80xi32, #tpu.memory_space<vmem>>
        %dma_start3A_670 = tpu.memref_squeeze %dma_start3A_669 : memref<1x80xi32, #tpu.memory_space<vmem>> -> memref<80xi32, #tpu.memory_space<vmem>>
        %dma_start3A_671 = tpu.memref_slice %arg4[%add3A_662] : memref<320000xi32, #tpu.memory_space<hbm>> -> memref<80xi32, #tpu.memory_space<hbm>>
        tpu.enqueue_dma source(%dma_start3A_671 : memref<80xi32, #tpu.memory_space<hbm>>) target(%dma_start3A_670 : memref<80xi32, #tpu.memory_space<vmem>>) target_semaphore(%arg12 : memref<!tpu.dma_semaphore, #tpu.memory_space<semaphore_mem>>)
        %dma_start3A_672 = arith.constant 2 : i32
        %dma_start3A_673 = arith.constant 0 : i32
        %dma_start3A_674 = tpu.memref_slice %arg8[%dma_start3A_672, %dma_start3A_673] : memref<4x80xi32, #tpu.memory_space<vmem>> -> memref<1x80xi32, #tpu.memory_space<vmem>>
        %dma_start3A_675 = tpu.memref_squeeze %dma_start3A_674 : memref<1x80xi32, #tpu.memory_space<vmem>> -> memref<80xi32, #tpu.memory_space<vmem>>
        %dma_start3A_676 = tpu.memref_slice %arg5[%add3A_662] : memref<320000xi32, #tpu.memory_space<hbm>> -> memref<80xi32, #tpu.memory_space<hbm>>
        %dma_start3A_677 = arith.constant 0 : i32
        %dma_start3A_678 = tpu.memref_slice %arg8[%dma_start3A_672, %dma_start3A_677] : memref<4x80xi32, #tpu.memory_space<vmem>> -> memref<1x80xi32, #tpu.memory_space<vmem>>
        %dma_start3A_679 = tpu.memref_squeeze %dma_start3A_678 : memref<1x80xi32, #tpu.memory_space<vmem>> -> memref<80xi32, #tpu.memory_space<vmem>>
        %dma_start3A_680 = tpu.memref_slice %arg5[%add3A_662] : memref<320000xi32, #tpu.memory_space<hbm>> -> memref<80xi32, #tpu.memory_space<hbm>>
        tpu.enqueue_dma source(%dma_start3A_680 : memref<80xi32, #tpu.memory_space<hbm>>) target(%dma_start3A_679 : memref<80xi32, #tpu.memory_space<vmem>>) target_semaphore(%arg12 : memref<!tpu.dma_semaphore, #tpu.memory_space<semaphore_mem>>)
        %dma_start3A_681 = arith.constant 0 : i32
        %dma_start3A_682 = arith.constant 0 : i32
        %dma_start3A_683 = arith.constant 0 : i32
        %dma_start3A_684 = tpu.memref_slice %arg9[%dma_start3A_681, %dma_start3A_682, %dma_start3A_683] : memref<2x80x64xi32, #tpu.memory_space<vmem>> -> memref<1x80x64xi32, #tpu.memory_space<vmem>>
        %dma_start3A_685 = tpu.memref_squeeze %dma_start3A_684 : memref<1x80x64xi32, #tpu.memory_space<vmem>> -> memref<80x64xi32, #tpu.memory_space<vmem>>
        %dma_start3A_686 = arith.constant 0 : i32
        %dma_start3A_687 = tpu.memref_slice %arg3[%add3A_662, %dma_start3A_686] : memref<320000x64xi32, #tpu.memory_space<hbm>> -> memref<80x64xi32, #tpu.memory_space<hbm>>
        %dma_start3A_688 = arith.constant 0 : i32
        %dma_start3A_689 = arith.constant 0 : i32
        %dma_start3A_690 = tpu.memref_slice %arg9[%dma_start3A_681, %dma_start3A_688, %dma_start3A_689] : memref<2x80x64xi32, #tpu.memory_space<vmem>> -> memref<1x80x64xi32, #tpu.memory_space<vmem>>
        %dma_start3A_691 = tpu.memref_squeeze %dma_start3A_690 : memref<1x80x64xi32, #tpu.memory_space<vmem>> -> memref<80x64xi32, #tpu.memory_space<vmem>>
        %dma_start3A_692 = arith.constant 0 : i32
        %dma_start3A_693 = tpu.memref_slice %arg3[%add3A_662, %dma_start3A_692] : memref<320000x64xi32, #tpu.memory_space<hbm>> -> memref<80x64xi32, #tpu.memory_space<hbm>>
        tpu.enqueue_dma source(%dma_start3A_693 : memref<80x64xi32, #tpu.memory_space<hbm>>) target(%dma_start3A_691 : memref<80x64xi32, #tpu.memory_space<vmem>>) target_semaphore(%arg12 : memref<!tpu.dma_semaphore, #tpu.memory_space<semaphore_mem>>)
      } else {
      }
    }
    %scan3A_272 = arith.constant 31 : i32
    %barrier3A_273 = arith.constant 0 : index
    tpu.barrier barrier_id(%barrier3A_273)
    %add3A_274 = arith.constant 0 : i32
    %add3A_275 = arith.addi %arg1, %add3A_274 : i32
    %lt3A_276 = arith.constant 125 : i32
    %lt3A_277 = arith.cmpi slt, %add3A_275, %lt3A_276 : i32
    %convert_element_type3A_278 = arith.extui %lt3A_277 : i1 to i32
    %cond3A_279 = arith.constant 0 : i32
    %cond3A_280 = arith.cmpi ne, %convert_element_type3A_278, %cond3A_279 : i32
    scf.if %cond3A_280 {
      %mul3A_330 = arith.constant 80 : i32
      %mul3A_331 = arith.muli %add3A_275, %mul3A_330 : i32
      %run_scoped3A_332 = arith.constant 0 : i32
      "tpu.region"() ({
        %run_scoped3A_337 = tpu.sem_alloc : memref<!tpu.dma_semaphore, #tpu.memory_space<semaphore_mem>>
        %dma_start3A_338 = arith.constant 0 : i32
        %dma_start3A_339 = arith.constant 0 : i32
        %dma_start3A_340 = tpu.memref_slice %arg10[%run_scoped3A_332, %dma_start3A_338, %dma_start3A_339] : memref<2x80x128xf32, #tpu.memory_space<vmem>> -> memref<1x80x128xf32, #tpu.memory_space<vmem>>
        %dma_start3A_341 = tpu.memref_squeeze %dma_start3A_340 : memref<1x80x128xf32, #tpu.memory_space<vmem>> -> memref<80x128xf32, #tpu.memory_space<vmem>>
        %dma_start3A_342 = arith.constant 0 : i32
        %dma_start3A_343 = tpu.memref_slice %arg11[%mul3A_331, %dma_start3A_342] : memref<10000x128xf32, #tpu.memory_space<vmem_shared>> -> memref<80x128xf32, #tpu.memory_space<vmem_shared>>
        %dma_start3A_344 = arith.constant 0 : i32
        %dma_start3A_345 = arith.constant 0 : i32
        %dma_start3A_346 = tpu.memref_slice %arg10[%run_scoped3A_332, %dma_start3A_344, %dma_start3A_345] : memref<2x80x128xf32, #tpu.memory_space<vmem>> -> memref<1x80x128xf32, #tpu.memory_space<vmem>>
        %dma_start3A_347 = tpu.memref_squeeze %dma_start3A_346 : memref<1x80x128xf32, #tpu.memory_space<vmem>> -> memref<80x128xf32, #tpu.memory_space<vmem>>
        %dma_start3A_348 = arith.constant 0 : i32
        %dma_start3A_349 = tpu.memref_slice %arg11[%mul3A_331, %dma_start3A_348] : memref<10000x128xf32, #tpu.memory_space<vmem_shared>> -> memref<80x128xf32, #tpu.memory_space<vmem_shared>>
        tpu.enqueue_dma source(%dma_start3A_349 : memref<80x128xf32, #tpu.memory_space<vmem_shared>>) target(%dma_start3A_347 : memref<80x128xf32, #tpu.memory_space<vmem>>) target_semaphore(%run_scoped3A_337 : memref<!tpu.dma_semaphore, #tpu.memory_space<semaphore_mem>>)
        %dma_wait3A_350 = arith.constant 0 : i32
        %dma_wait3A_351 = arith.constant 0 : i32
        %dma_wait3A_352 = tpu.memref_slice %arg10[%run_scoped3A_332, %dma_wait3A_350, %dma_wait3A_351] : memref<2x80x128xf32, #tpu.memory_space<vmem>> -> memref<1x80x128xf32, #tpu.memory_space<vmem>>
        %dma_wait3A_353 = tpu.memref_squeeze %dma_wait3A_352 : memref<1x80x128xf32, #tpu.memory_space<vmem>> -> memref<80x128xf32, #tpu.memory_space<vmem>>
        %dma_wait3A_354 = arith.constant 0 : i32
        %dma_wait3A_355 = tpu.memref_slice %arg11[%mul3A_331, %dma_wait3A_354] : memref<10000x128xf32, #tpu.memory_space<vmem_shared>> -> memref<80x128xf32, #tpu.memory_space<vmem_shared>>
        %dma_wait3A_356 = arith.constant 0 : i32
        %dma_wait3A_357 = arith.constant 0 : i32
        %dma_wait3A_358 = tpu.memref_slice %arg10[%run_scoped3A_332, %dma_wait3A_356, %dma_wait3A_357] : memref<2x80x128xf32, #tpu.memory_space<vmem>> -> memref<1x80x128xf32, #tpu.memory_space<vmem>>
        %dma_wait3A_359 = tpu.memref_squeeze %dma_wait3A_358 : memref<1x80x128xf32, #tpu.memory_space<vmem>> -> memref<80x128xf32, #tpu.memory_space<vmem>>
        %dma_wait3A_360 = arith.constant 0 : i32
        %dma_wait3A_361 = tpu.memref_slice %arg11[%mul3A_331, %dma_wait3A_360] : memref<10000x128xf32, #tpu.memory_space<vmem_shared>> -> memref<80x128xf32, #tpu.memory_space<vmem_shared>>
        tpu.wait_dma2 semaphore(%run_scoped3A_337 : memref<!tpu.dma_semaphore, #tpu.memory_space<semaphore_mem>>) src(%dma_wait3A_361 : memref<80x128xf32, #tpu.memory_space<vmem_shared>>) dst(%dma_wait3A_359 : memref<80x128xf32, #tpu.memory_space<vmem>>)
        tpu.yield
      }) : () -> ()
      %mul3A_333 = arith.constant 10000 : i32
      %mul3A_334 = arith.muli %arg0, %mul3A_333 : i32
      %add3A_335 = arith.addi %mul3A_334, %mul3A_331 : i32
      %run_scoped3A_336 = arith.constant 0 : i32
      "tpu.region"() ({
        %run_scoped3A_337 = tpu.sem_alloc : memref<!tpu.dma_semaphore, #tpu.memory_space<semaphore_mem>>
        %dma_start3A_338 = arith.constant 0 : i32
        %dma_start3A_339 = arith.constant 0 : i32
        %dma_start3A_340 = tpu.memref_slice %arg10[%run_scoped3A_336, %dma_start3A_338, %dma_start3A_339] : memref<2x80x128xf32, #tpu.memory_space<vmem>> -> memref<1x80x128xf32, #tpu.memory_space<vmem>>
        %dma_start3A_341 = tpu.memref_squeeze %dma_start3A_340 : memref<1x80x128xf32, #tpu.memory_space<vmem>> -> memref<80x128xf32, #tpu.memory_space<vmem>>
        %dma_start3A_342 = arith.constant 0 : i32
        %dma_start3A_343 = tpu.memref_slice %arg6[%add3A_335, %dma_start3A_342] : memref<20000x128xf32, #tpu.memory_space<hbm>> -> memref<80x128xf32, #tpu.memory_space<hbm>>
        %dma_start3A_344 = arith.constant 0 : i32
        %dma_start3A_345 = tpu.memref_slice %arg6[%add3A_335, %dma_start3A_344] : memref<20000x128xf32, #tpu.memory_space<hbm>> -> memref<80x128xf32, #tpu.memory_space<hbm>>
        %dma_start3A_346 = arith.constant 0 : i32
        %dma_start3A_347 = arith.constant 0 : i32
        %dma_start3A_348 = tpu.memref_slice %arg10[%run_scoped3A_336, %dma_start3A_346, %dma_start3A_347] : memref<2x80x128xf32, #tpu.memory_space<vmem>> -> memref<1x80x128xf32, #tpu.memory_space<vmem>>
        %dma_start3A_349 = tpu.memref_squeeze %dma_start3A_348 : memref<1x80x128xf32, #tpu.memory_space<vmem>> -> memref<80x128xf32, #tpu.memory_space<vmem>>
        tpu.enqueue_dma source(%dma_start3A_349 : memref<80x128xf32, #tpu.memory_space<vmem>>) target(%dma_start3A_345 : memref<80x128xf32, #tpu.memory_space<hbm>>) target_semaphore(%run_scoped3A_337 : memref<!tpu.dma_semaphore, #tpu.memory_space<semaphore_mem>>)
        %dma_wait3A_350 = arith.constant 0 : i32
        %dma_wait3A_351 = arith.constant 0 : i32
        %dma_wait3A_352 = tpu.memref_slice %arg10[%run_scoped3A_336, %dma_wait3A_350, %dma_wait3A_351] : memref<2x80x128xf32, #tpu.memory_space<vmem>> -> memref<1x80x128xf32, #tpu.memory_space<vmem>>
        %dma_wait3A_353 = tpu.memref_squeeze %dma_wait3A_352 : memref<1x80x128xf32, #tpu.memory_space<vmem>> -> memref<80x128xf32, #tpu.memory_space<vmem>>
        %dma_wait3A_354 = arith.constant 0 : i32
        %dma_wait3A_355 = tpu.memref_slice %arg6[%add3A_335, %dma_wait3A_354] : memref<20000x128xf32, #tpu.memory_space<hbm>> -> memref<80x128xf32, #tpu.memory_space<hbm>>
        %dma_wait3A_356 = arith.constant 0 : i32
        %dma_wait3A_357 = tpu.memref_slice %arg6[%add3A_335, %dma_wait3A_356] : memref<20000x128xf32, #tpu.memory_space<hbm>> -> memref<80x128xf32, #tpu.memory_space<hbm>>
        %dma_wait3A_358 = arith.constant 0 : i32
        %dma_wait3A_359 = arith.constant 0 : i32
        %dma_wait3A_360 = tpu.memref_slice %arg10[%run_scoped3A_336, %dma_wait3A_358, %dma_wait3A_359] : memref<2x80x128xf32, #tpu.memory_space<vmem>> -> memref<1x80x128xf32, #tpu.memory_space<vmem>>
        %dma_wait3A_361 = tpu.memref_squeeze %dma_wait3A_360 : memref<1x80x128xf32, #tpu.memory_space<vmem>> -> memref<80x128xf32, #tpu.memory_space<vmem>>
        tpu.wait_dma2 semaphore(%run_scoped3A_337 : memref<!tpu.dma_semaphore, #tpu.memory_space<semaphore_mem>>) src(%dma_wait3A_361 : memref<80x128xf32, #tpu.memory_space<vmem>>) dst(%dma_wait3A_357 : memref<80x128xf32, #tpu.memory_space<hbm>>)
        tpu.yield
      }) : () -> ()
    } else {
    }
    %add3A_281 = arith.constant 16 : i32
    %add3A_282 = arith.addi %arg1, %add3A_281 : i32
    %lt3A_283 = arith.constant 125 : i32
    %lt3A_284 = arith.cmpi slt, %add3A_282, %lt3A_283 : i32
    %convert_element_type3A_285 = arith.extui %lt3A_284 : i1 to i32
    %cond3A_286 = arith.constant 0 : i32
    %cond3A_287 = arith.cmpi ne, %convert_element_type3A_285, %cond3A_286 : i32
    scf.if %cond3A_287 {
      %mul3A_330 = arith.constant 80 : i32
      %mul3A_331 = arith.muli %add3A_282, %mul3A_330 : i32
      %run_scoped3A_332 = arith.constant 0 : i32
      "tpu.region"() ({
        %run_scoped3A_337 = tpu.sem_alloc : memref<!tpu.dma_semaphore, #tpu.memory_space<semaphore_mem>>
        %dma_start3A_338 = arith.constant 0 : i32
        %dma_start3A_339 = arith.constant 0 : i32
        %dma_start3A_340 = tpu.memref_slice %arg10[%run_scoped3A_332, %dma_start3A_338, %dma_start3A_339] : memref<2x80x128xf32, #tpu.memory_space<vmem>> -> memref<1x80x128xf32, #tpu.memory_space<vmem>>
        %dma_start3A_341 = tpu.memref_squeeze %dma_start3A_340 : memref<1x80x128xf32, #tpu.memory_space<vmem>> -> memref<80x128xf32, #tpu.memory_space<vmem>>
        %dma_start3A_342 = arith.constant 0 : i32
        %dma_start3A_343 = tpu.memref_slice %arg11[%mul3A_331, %dma_start3A_342] : memref<10000x128xf32, #tpu.memory_space<vmem_shared>> -> memref<80x128xf32, #tpu.memory_space<vmem_shared>>
        %dma_start3A_344 = arith.constant 0 : i32
        %dma_start3A_345 = arith.constant 0 : i32
        %dma_start3A_346 = tpu.memref_slice %arg10[%run_scoped3A_332, %dma_start3A_344, %dma_start3A_345] : memref<2x80x128xf32, #tpu.memory_space<vmem>> -> memref<1x80x128xf32, #tpu.memory_space<vmem>>
        %dma_start3A_347 = tpu.memref_squeeze %dma_start3A_346 : memref<1x80x128xf32, #tpu.memory_space<vmem>> -> memref<80x128xf32, #tpu.memory_space<vmem>>
        %dma_start3A_348 = arith.constant 0 : i32
        %dma_start3A_349 = tpu.memref_slice %arg11[%mul3A_331, %dma_start3A_348] : memref<10000x128xf32, #tpu.memory_space<vmem_shared>> -> memref<80x128xf32, #tpu.memory_space<vmem_shared>>
        tpu.enqueue_dma source(%dma_start3A_349 : memref<80x128xf32, #tpu.memory_space<vmem_shared>>) target(%dma_start3A_347 : memref<80x128xf32, #tpu.memory_space<vmem>>) target_semaphore(%run_scoped3A_337 : memref<!tpu.dma_semaphore, #tpu.memory_space<semaphore_mem>>)
        %dma_wait3A_350 = arith.constant 0 : i32
        %dma_wait3A_351 = arith.constant 0 : i32
        %dma_wait3A_352 = tpu.memref_slice %arg10[%run_scoped3A_332, %dma_wait3A_350, %dma_wait3A_351] : memref<2x80x128xf32, #tpu.memory_space<vmem>> -> memref<1x80x128xf32, #tpu.memory_space<vmem>>
        %dma_wait3A_353 = tpu.memref_squeeze %dma_wait3A_352 : memref<1x80x128xf32, #tpu.memory_space<vmem>> -> memref<80x128xf32, #tpu.memory_space<vmem>>
        %dma_wait3A_354 = arith.constant 0 : i32
        %dma_wait3A_355 = tpu.memref_slice %arg11[%mul3A_331, %dma_wait3A_354] : memref<10000x128xf32, #tpu.memory_space<vmem_shared>> -> memref<80x128xf32, #tpu.memory_space<vmem_shared>>
        %dma_wait3A_356 = arith.constant 0 : i32
        %dma_wait3A_357 = arith.constant 0 : i32
        %dma_wait3A_358 = tpu.memref_slice %arg10[%run_scoped3A_332, %dma_wait3A_356, %dma_wait3A_357] : memref<2x80x128xf32, #tpu.memory_space<vmem>> -> memref<1x80x128xf32, #tpu.memory_space<vmem>>
        %dma_wait3A_359 = tpu.memref_squeeze %dma_wait3A_358 : memref<1x80x128xf32, #tpu.memory_space<vmem>> -> memref<80x128xf32, #tpu.memory_space<vmem>>
        %dma_wait3A_360 = arith.constant 0 : i32
        %dma_wait3A_361 = tpu.memref_slice %arg11[%mul3A_331, %dma_wait3A_360] : memref<10000x128xf32, #tpu.memory_space<vmem_shared>> -> memref<80x128xf32, #tpu.memory_space<vmem_shared>>
        tpu.wait_dma2 semaphore(%run_scoped3A_337 : memref<!tpu.dma_semaphore, #tpu.memory_space<semaphore_mem>>) src(%dma_wait3A_361 : memref<80x128xf32, #tpu.memory_space<vmem_shared>>) dst(%dma_wait3A_359 : memref<80x128xf32, #tpu.memory_space<vmem>>)
        tpu.yield
      }) : () -> ()
      %mul3A_333 = arith.constant 10000 : i32
      %mul3A_334 = arith.muli %arg0, %mul3A_333 : i32
      %add3A_335 = arith.addi %mul3A_334, %mul3A_331 : i32
      %run_scoped3A_336 = arith.constant 0 : i32
      "tpu.region"() ({
        %run_scoped3A_337 = tpu.sem_alloc : memref<!tpu.dma_semaphore, #tpu.memory_space<semaphore_mem>>
        %dma_start3A_338 = arith.constant 0 : i32
        %dma_start3A_339 = arith.constant 0 : i32
        %dma_start3A_340 = tpu.memref_slice %arg10[%run_scoped3A_336, %dma_start3A_338, %dma_start3A_339] : memref<2x80x128xf32, #tpu.memory_space<vmem>> -> memref<1x80x128xf32, #tpu.memory_space<vmem>>
        %dma_start3A_341 = tpu.memref_squeeze %dma_start3A_340 : memref<1x80x128xf32, #tpu.memory_space<vmem>> -> memref<80x128xf32, #tpu.memory_space<vmem>>
        %dma_start3A_342 = arith.constant 0 : i32
        %dma_start3A_343 = tpu.memref_slice %arg6[%add3A_335, %dma_start3A_342] : memref<20000x128xf32, #tpu.memory_space<hbm>> -> memref<80x128xf32, #tpu.memory_space<hbm>>
        %dma_start3A_344 = arith.constant 0 : i32
        %dma_start3A_345 = tpu.memref_slice %arg6[%add3A_335, %dma_start3A_344] : memref<20000x128xf32, #tpu.memory_space<hbm>> -> memref<80x128xf32, #tpu.memory_space<hbm>>
        %dma_start3A_346 = arith.constant 0 : i32
        %dma_start3A_347 = arith.constant 0 : i32
        %dma_start3A_348 = tpu.memref_slice %arg10[%run_scoped3A_336, %dma_start3A_346, %dma_start3A_347] : memref<2x80x128xf32, #tpu.memory_space<vmem>> -> memref<1x80x128xf32, #tpu.memory_space<vmem>>
        %dma_start3A_349 = tpu.memref_squeeze %dma_start3A_348 : memref<1x80x128xf32, #tpu.memory_space<vmem>> -> memref<80x128xf32, #tpu.memory_space<vmem>>
        tpu.enqueue_dma source(%dma_start3A_349 : memref<80x128xf32, #tpu.memory_space<vmem>>) target(%dma_start3A_345 : memref<80x128xf32, #tpu.memory_space<hbm>>) target_semaphore(%run_scoped3A_337 : memref<!tpu.dma_semaphore, #tpu.memory_space<semaphore_mem>>)
        %dma_wait3A_350 = arith.constant 0 : i32
        %dma_wait3A_351 = arith.constant 0 : i32
        %dma_wait3A_352 = tpu.memref_slice %arg10[%run_scoped3A_336, %dma_wait3A_350, %dma_wait3A_351] : memref<2x80x128xf32, #tpu.memory_space<vmem>> -> memref<1x80x128xf32, #tpu.memory_space<vmem>>
        %dma_wait3A_353 = tpu.memref_squeeze %dma_wait3A_352 : memref<1x80x128xf32, #tpu.memory_space<vmem>> -> memref<80x128xf32, #tpu.memory_space<vmem>>
        %dma_wait3A_354 = arith.constant 0 : i32
        %dma_wait3A_355 = tpu.memref_slice %arg6[%add3A_335, %dma_wait3A_354] : memref<20000x128xf32, #tpu.memory_space<hbm>> -> memref<80x128xf32, #tpu.memory_space<hbm>>
        %dma_wait3A_356 = arith.constant 0 : i32
        %dma_wait3A_357 = tpu.memref_slice %arg6[%add3A_335, %dma_wait3A_356] : memref<20000x128xf32, #tpu.memory_space<hbm>> -> memref<80x128xf32, #tpu.memory_space<hbm>>
        %dma_wait3A_358 = arith.constant 0 : i32
        %dma_wait3A_359 = arith.constant 0 : i32
        %dma_wait3A_360 = tpu.memref_slice %arg10[%run_scoped3A_336, %dma_wait3A_358, %dma_wait3A_359] : memref<2x80x128xf32, #tpu.memory_space<vmem>> -> memref<1x80x128xf32, #tpu.memory_space<vmem>>
        %dma_wait3A_361 = tpu.memref_squeeze %dma_wait3A_360 : memref<1x80x128xf32, #tpu.memory_space<vmem>> -> memref<80x128xf32, #tpu.memory_space<vmem>>
        tpu.wait_dma2 semaphore(%run_scoped3A_337 : memref<!tpu.dma_semaphore, #tpu.memory_space<semaphore_mem>>) src(%dma_wait3A_361 : memref<80x128xf32, #tpu.memory_space<vmem>>) dst(%dma_wait3A_357 : memref<80x128xf32, #tpu.memory_space<hbm>>)
        tpu.yield
      }) : () -> ()
    } else {
    }
    %add3A_288 = arith.constant 32 : i32
    %add3A_289 = arith.addi %arg1, %add3A_288 : i32
    %lt3A_290 = arith.constant 125 : i32
    %lt3A_291 = arith.cmpi slt, %add3A_289, %lt3A_290 : i32
    %convert_element_type3A_292 = arith.extui %lt3A_291 : i1 to i32
    %cond3A_293 = arith.constant 0 : i32
    %cond3A_294 = arith.cmpi ne, %convert_element_type3A_292, %cond3A_293 : i32
    scf.if %cond3A_294 {
      %mul3A_330 = arith.constant 80 : i32
      %mul3A_331 = arith.muli %add3A_289, %mul3A_330 : i32
      %run_scoped3A_332 = arith.constant 0 : i32
      "tpu.region"() ({
        %run_scoped3A_337 = tpu.sem_alloc : memref<!tpu.dma_semaphore, #tpu.memory_space<semaphore_mem>>
        %dma_start3A_338 = arith.constant 0 : i32
        %dma_start3A_339 = arith.constant 0 : i32
        %dma_start3A_340 = tpu.memref_slice %arg10[%run_scoped3A_332, %dma_start3A_338, %dma_start3A_339] : memref<2x80x128xf32, #tpu.memory_space<vmem>> -> memref<1x80x128xf32, #tpu.memory_space<vmem>>
        %dma_start3A_341 = tpu.memref_squeeze %dma_start3A_340 : memref<1x80x128xf32, #tpu.memory_space<vmem>> -> memref<80x128xf32, #tpu.memory_space<vmem>>
        %dma_start3A_342 = arith.constant 0 : i32
        %dma_start3A_343 = tpu.memref_slice %arg11[%mul3A_331, %dma_start3A_342] : memref<10000x128xf32, #tpu.memory_space<vmem_shared>> -> memref<80x128xf32, #tpu.memory_space<vmem_shared>>
        %dma_start3A_344 = arith.constant 0 : i32
        %dma_start3A_345 = arith.constant 0 : i32
        %dma_start3A_346 = tpu.memref_slice %arg10[%run_scoped3A_332, %dma_start3A_344, %dma_start3A_345] : memref<2x80x128xf32, #tpu.memory_space<vmem>> -> memref<1x80x128xf32, #tpu.memory_space<vmem>>
        %dma_start3A_347 = tpu.memref_squeeze %dma_start3A_346 : memref<1x80x128xf32, #tpu.memory_space<vmem>> -> memref<80x128xf32, #tpu.memory_space<vmem>>
        %dma_start3A_348 = arith.constant 0 : i32
        %dma_start3A_349 = tpu.memref_slice %arg11[%mul3A_331, %dma_start3A_348] : memref<10000x128xf32, #tpu.memory_space<vmem_shared>> -> memref<80x128xf32, #tpu.memory_space<vmem_shared>>
        tpu.enqueue_dma source(%dma_start3A_349 : memref<80x128xf32, #tpu.memory_space<vmem_shared>>) target(%dma_start3A_347 : memref<80x128xf32, #tpu.memory_space<vmem>>) target_semaphore(%run_scoped3A_337 : memref<!tpu.dma_semaphore, #tpu.memory_space<semaphore_mem>>)
        %dma_wait3A_350 = arith.constant 0 : i32
        %dma_wait3A_351 = arith.constant 0 : i32
        %dma_wait3A_352 = tpu.memref_slice %arg10[%run_scoped3A_332, %dma_wait3A_350, %dma_wait3A_351] : memref<2x80x128xf32, #tpu.memory_space<vmem>> -> memref<1x80x128xf32, #tpu.memory_space<vmem>>
        %dma_wait3A_353 = tpu.memref_squeeze %dma_wait3A_352 : memref<1x80x128xf32, #tpu.memory_space<vmem>> -> memref<80x128xf32, #tpu.memory_space<vmem>>
        %dma_wait3A_354 = arith.constant 0 : i32
        %dma_wait3A_355 = tpu.memref_slice %arg11[%mul3A_331, %dma_wait3A_354] : memref<10000x128xf32, #tpu.memory_space<vmem_shared>> -> memref<80x128xf32, #tpu.memory_space<vmem_shared>>
        %dma_wait3A_356 = arith.constant 0 : i32
        %dma_wait3A_357 = arith.constant 0 : i32
        %dma_wait3A_358 = tpu.memref_slice %arg10[%run_scoped3A_332, %dma_wait3A_356, %dma_wait3A_357] : memref<2x80x128xf32, #tpu.memory_space<vmem>> -> memref<1x80x128xf32, #tpu.memory_space<vmem>>
        %dma_wait3A_359 = tpu.memref_squeeze %dma_wait3A_358 : memref<1x80x128xf32, #tpu.memory_space<vmem>> -> memref<80x128xf32, #tpu.memory_space<vmem>>
        %dma_wait3A_360 = arith.constant 0 : i32
        %dma_wait3A_361 = tpu.memref_slice %arg11[%mul3A_331, %dma_wait3A_360] : memref<10000x128xf32, #tpu.memory_space<vmem_shared>> -> memref<80x128xf32, #tpu.memory_space<vmem_shared>>
        tpu.wait_dma2 semaphore(%run_scoped3A_337 : memref<!tpu.dma_semaphore, #tpu.memory_space<semaphore_mem>>) src(%dma_wait3A_361 : memref<80x128xf32, #tpu.memory_space<vmem_shared>>) dst(%dma_wait3A_359 : memref<80x128xf32, #tpu.memory_space<vmem>>)
        tpu.yield
      }) : () -> ()
      %mul3A_333 = arith.constant 10000 : i32
      %mul3A_334 = arith.muli %arg0, %mul3A_333 : i32
      %add3A_335 = arith.addi %mul3A_334, %mul3A_331 : i32
      %run_scoped3A_336 = arith.constant 0 : i32
      "tpu.region"() ({
        %run_scoped3A_337 = tpu.sem_alloc : memref<!tpu.dma_semaphore, #tpu.memory_space<semaphore_mem>>
        %dma_start3A_338 = arith.constant 0 : i32
        %dma_start3A_339 = arith.constant 0 : i32
        %dma_start3A_340 = tpu.memref_slice %arg10[%run_scoped3A_336, %dma_start3A_338, %dma_start3A_339] : memref<2x80x128xf32, #tpu.memory_space<vmem>> -> memref<1x80x128xf32, #tpu.memory_space<vmem>>
        %dma_start3A_341 = tpu.memref_squeeze %dma_start3A_340 : memref<1x80x128xf32, #tpu.memory_space<vmem>> -> memref<80x128xf32, #tpu.memory_space<vmem>>
        %dma_start3A_342 = arith.constant 0 : i32
        %dma_start3A_343 = tpu.memref_slice %arg6[%add3A_335, %dma_start3A_342] : memref<20000x128xf32, #tpu.memory_space<hbm>> -> memref<80x128xf32, #tpu.memory_space<hbm>>
        %dma_start3A_344 = arith.constant 0 : i32
        %dma_start3A_345 = tpu.memref_slice %arg6[%add3A_335, %dma_start3A_344] : memref<20000x128xf32, #tpu.memory_space<hbm>> -> memref<80x128xf32, #tpu.memory_space<hbm>>
        %dma_start3A_346 = arith.constant 0 : i32
        %dma_start3A_347 = arith.constant 0 : i32
        %dma_start3A_348 = tpu.memref_slice %arg10[%run_scoped3A_336, %dma_start3A_346, %dma_start3A_347] : memref<2x80x128xf32, #tpu.memory_space<vmem>> -> memref<1x80x128xf32, #tpu.memory_space<vmem>>
        %dma_start3A_349 = tpu.memref_squeeze %dma_start3A_348 : memref<1x80x128xf32, #tpu.memory_space<vmem>> -> memref<80x128xf32, #tpu.memory_space<vmem>>
        tpu.enqueue_dma source(%dma_start3A_349 : memref<80x128xf32, #tpu.memory_space<vmem>>) target(%dma_start3A_345 : memref<80x128xf32, #tpu.memory_space<hbm>>) target_semaphore(%run_scoped3A_337 : memref<!tpu.dma_semaphore, #tpu.memory_space<semaphore_mem>>)
        %dma_wait3A_350 = arith.constant 0 : i32
        %dma_wait3A_351 = arith.constant 0 : i32
        %dma_wait3A_352 = tpu.memref_slice %arg10[%run_scoped3A_336, %dma_wait3A_350, %dma_wait3A_351] : memref<2x80x128xf32, #tpu.memory_space<vmem>> -> memref<1x80x128xf32, #tpu.memory_space<vmem>>
        %dma_wait3A_353 = tpu.memref_squeeze %dma_wait3A_352 : memref<1x80x128xf32, #tpu.memory_space<vmem>> -> memref<80x128xf32, #tpu.memory_space<vmem>>
        %dma_wait3A_354 = arith.constant 0 : i32
        %dma_wait3A_355 = tpu.memref_slice %arg6[%add3A_335, %dma_wait3A_354] : memref<20000x128xf32, #tpu.memory_space<hbm>> -> memref<80x128xf32, #tpu.memory_space<hbm>>
        %dma_wait3A_356 = arith.constant 0 : i32
        %dma_wait3A_357 = tpu.memref_slice %arg6[%add3A_335, %dma_wait3A_356] : memref<20000x128xf32, #tpu.memory_space<hbm>> -> memref<80x128xf32, #tpu.memory_space<hbm>>
        %dma_wait3A_358 = arith.constant 0 : i32
        %dma_wait3A_359 = arith.constant 0 : i32
        %dma_wait3A_360 = tpu.memref_slice %arg10[%run_scoped3A_336, %dma_wait3A_358, %dma_wait3A_359] : memref<2x80x128xf32, #tpu.memory_space<vmem>> -> memref<1x80x128xf32, #tpu.memory_space<vmem>>
        %dma_wait3A_361 = tpu.memref_squeeze %dma_wait3A_360 : memref<1x80x128xf32, #tpu.memory_space<vmem>> -> memref<80x128xf32, #tpu.memory_space<vmem>>
        tpu.wait_dma2 semaphore(%run_scoped3A_337 : memref<!tpu.dma_semaphore, #tpu.memory_space<semaphore_mem>>) src(%dma_wait3A_361 : memref<80x128xf32, #tpu.memory_space<vmem>>) dst(%dma_wait3A_357 : memref<80x128xf32, #tpu.memory_space<hbm>>)
        tpu.yield
      }) : () -> ()
    } else {
    }
    %add3A_295 = arith.constant 48 : i32
    %add3A_296 = arith.addi %arg1, %add3A_295 : i32
    %lt3A_297 = arith.constant 125 : i32
    %lt3A_298 = arith.cmpi slt, %add3A_296, %lt3A_297 : i32
    %convert_element_type3A_299 = arith.extui %lt3A_298 : i1 to i32
    %cond3A_300 = arith.constant 0 : i32
    %cond3A_301 = arith.cmpi ne, %convert_element_type3A_299, %cond3A_300 : i32
    scf.if %cond3A_301 {
      %mul3A_330 = arith.constant 80 : i32
      %mul3A_331 = arith.muli %add3A_296, %mul3A_330 : i32
      %run_scoped3A_332 = arith.constant 0 : i32
      "tpu.region"() ({
        %run_scoped3A_337 = tpu.sem_alloc : memref<!tpu.dma_semaphore, #tpu.memory_space<semaphore_mem>>
        %dma_start3A_338 = arith.constant 0 : i32
        %dma_start3A_339 = arith.constant 0 : i32
        %dma_start3A_340 = tpu.memref_slice %arg10[%run_scoped3A_332, %dma_start3A_338, %dma_start3A_339] : memref<2x80x128xf32, #tpu.memory_space<vmem>> -> memref<1x80x128xf32, #tpu.memory_space<vmem>>
        %dma_start3A_341 = tpu.memref_squeeze %dma_start3A_340 : memref<1x80x128xf32, #tpu.memory_space<vmem>> -> memref<80x128xf32, #tpu.memory_space<vmem>>
        %dma_start3A_342 = arith.constant 0 : i32
        %dma_start3A_343 = tpu.memref_slice %arg11[%mul3A_331, %dma_start3A_342] : memref<10000x128xf32, #tpu.memory_space<vmem_shared>> -> memref<80x128xf32, #tpu.memory_space<vmem_shared>>
        %dma_start3A_344 = arith.constant 0 : i32
        %dma_start3A_345 = arith.constant 0 : i32
        %dma_start3A_346 = tpu.memref_slice %arg10[%run_scoped3A_332, %dma_start3A_344, %dma_start3A_345] : memref<2x80x128xf32, #tpu.memory_space<vmem>> -> memref<1x80x128xf32, #tpu.memory_space<vmem>>
        %dma_start3A_347 = tpu.memref_squeeze %dma_start3A_346 : memref<1x80x128xf32, #tpu.memory_space<vmem>> -> memref<80x128xf32, #tpu.memory_space<vmem>>
        %dma_start3A_348 = arith.constant 0 : i32
        %dma_start3A_349 = tpu.memref_slice %arg11[%mul3A_331, %dma_start3A_348] : memref<10000x128xf32, #tpu.memory_space<vmem_shared>> -> memref<80x128xf32, #tpu.memory_space<vmem_shared>>
        tpu.enqueue_dma source(%dma_start3A_349 : memref<80x128xf32, #tpu.memory_space<vmem_shared>>) target(%dma_start3A_347 : memref<80x128xf32, #tpu.memory_space<vmem>>) target_semaphore(%run_scoped3A_337 : memref<!tpu.dma_semaphore, #tpu.memory_space<semaphore_mem>>)
        %dma_wait3A_350 = arith.constant 0 : i32
        %dma_wait3A_351 = arith.constant 0 : i32
        %dma_wait3A_352 = tpu.memref_slice %arg10[%run_scoped3A_332, %dma_wait3A_350, %dma_wait3A_351] : memref<2x80x128xf32, #tpu.memory_space<vmem>> -> memref<1x80x128xf32, #tpu.memory_space<vmem>>
        %dma_wait3A_353 = tpu.memref_squeeze %dma_wait3A_352 : memref<1x80x128xf32, #tpu.memory_space<vmem>> -> memref<80x128xf32, #tpu.memory_space<vmem>>
        %dma_wait3A_354 = arith.constant 0 : i32
        %dma_wait3A_355 = tpu.memref_slice %arg11[%mul3A_331, %dma_wait3A_354] : memref<10000x128xf32, #tpu.memory_space<vmem_shared>> -> memref<80x128xf32, #tpu.memory_space<vmem_shared>>
        %dma_wait3A_356 = arith.constant 0 : i32
        %dma_wait3A_357 = arith.constant 0 : i32
        %dma_wait3A_358 = tpu.memref_slice %arg10[%run_scoped3A_332, %dma_wait3A_356, %dma_wait3A_357] : memref<2x80x128xf32, #tpu.memory_space<vmem>> -> memref<1x80x128xf32, #tpu.memory_space<vmem>>
        %dma_wait3A_359 = tpu.memref_squeeze %dma_wait3A_358 : memref<1x80x128xf32, #tpu.memory_space<vmem>> -> memref<80x128xf32, #tpu.memory_space<vmem>>
        %dma_wait3A_360 = arith.constant 0 : i32
        %dma_wait3A_361 = tpu.memref_slice %arg11[%mul3A_331, %dma_wait3A_360] : memref<10000x128xf32, #tpu.memory_space<vmem_shared>> -> memref<80x128xf32, #tpu.memory_space<vmem_shared>>
        tpu.wait_dma2 semaphore(%run_scoped3A_337 : memref<!tpu.dma_semaphore, #tpu.memory_space<semaphore_mem>>) src(%dma_wait3A_361 : memref<80x128xf32, #tpu.memory_space<vmem_shared>>) dst(%dma_wait3A_359 : memref<80x128xf32, #tpu.memory_space<vmem>>)
        tpu.yield
      }) : () -> ()
      %mul3A_333 = arith.constant 10000 : i32
      %mul3A_334 = arith.muli %arg0, %mul3A_333 : i32
      %add3A_335 = arith.addi %mul3A_334, %mul3A_331 : i32
      %run_scoped3A_336 = arith.constant 0 : i32
      "tpu.region"() ({
        %run_scoped3A_337 = tpu.sem_alloc : memref<!tpu.dma_semaphore, #tpu.memory_space<semaphore_mem>>
        %dma_start3A_338 = arith.constant 0 : i32
        %dma_start3A_339 = arith.constant 0 : i32
        %dma_start3A_340 = tpu.memref_slice %arg10[%run_scoped3A_336, %dma_start3A_338, %dma_start3A_339] : memref<2x80x128xf32, #tpu.memory_space<vmem>> -> memref<1x80x128xf32, #tpu.memory_space<vmem>>
        %dma_start3A_341 = tpu.memref_squeeze %dma_start3A_340 : memref<1x80x128xf32, #tpu.memory_space<vmem>> -> memref<80x128xf32, #tpu.memory_space<vmem>>
        %dma_start3A_342 = arith.constant 0 : i32
        %dma_start3A_343 = tpu.memref_slice %arg6[%add3A_335, %dma_start3A_342] : memref<20000x128xf32, #tpu.memory_space<hbm>> -> memref<80x128xf32, #tpu.memory_space<hbm>>
        %dma_start3A_344 = arith.constant 0 : i32
        %dma_start3A_345 = tpu.memref_slice %arg6[%add3A_335, %dma_start3A_344] : memref<20000x128xf32, #tpu.memory_space<hbm>> -> memref<80x128xf32, #tpu.memory_space<hbm>>
        %dma_start3A_346 = arith.constant 0 : i32
        %dma_start3A_347 = arith.constant 0 : i32
        %dma_start3A_348 = tpu.memref_slice %arg10[%run_scoped3A_336, %dma_start3A_346, %dma_start3A_347] : memref<2x80x128xf32, #tpu.memory_space<vmem>> -> memref<1x80x128xf32, #tpu.memory_space<vmem>>
        %dma_start3A_349 = tpu.memref_squeeze %dma_start3A_348 : memref<1x80x128xf32, #tpu.memory_space<vmem>> -> memref<80x128xf32, #tpu.memory_space<vmem>>
        tpu.enqueue_dma source(%dma_start3A_349 : memref<80x128xf32, #tpu.memory_space<vmem>>) target(%dma_start3A_345 : memref<80x128xf32, #tpu.memory_space<hbm>>) target_semaphore(%run_scoped3A_337 : memref<!tpu.dma_semaphore, #tpu.memory_space<semaphore_mem>>)
        %dma_wait3A_350 = arith.constant 0 : i32
        %dma_wait3A_351 = arith.constant 0 : i32
        %dma_wait3A_352 = tpu.memref_slice %arg10[%run_scoped3A_336, %dma_wait3A_350, %dma_wait3A_351] : memref<2x80x128xf32, #tpu.memory_space<vmem>> -> memref<1x80x128xf32, #tpu.memory_space<vmem>>
        %dma_wait3A_353 = tpu.memref_squeeze %dma_wait3A_352 : memref<1x80x128xf32, #tpu.memory_space<vmem>> -> memref<80x128xf32, #tpu.memory_space<vmem>>
        %dma_wait3A_354 = arith.constant 0 : i32
        %dma_wait3A_355 = tpu.memref_slice %arg6[%add3A_335, %dma_wait3A_354] : memref<20000x128xf32, #tpu.memory_space<hbm>> -> memref<80x128xf32, #tpu.memory_space<hbm>>
        %dma_wait3A_356 = arith.constant 0 : i32
        %dma_wait3A_357 = tpu.memref_slice %arg6[%add3A_335, %dma_wait3A_356] : memref<20000x128xf32, #tpu.memory_space<hbm>> -> memref<80x128xf32, #tpu.memory_space<hbm>>
        %dma_wait3A_358 = arith.constant 0 : i32
        %dma_wait3A_359 = arith.constant 0 : i32
        %dma_wait3A_360 = tpu.memref_slice %arg10[%run_scoped3A_336, %dma_wait3A_358, %dma_wait3A_359] : memref<2x80x128xf32, #tpu.memory_space<vmem>> -> memref<1x80x128xf32, #tpu.memory_space<vmem>>
        %dma_wait3A_361 = tpu.memref_squeeze %dma_wait3A_360 : memref<1x80x128xf32, #tpu.memory_space<vmem>> -> memref<80x128xf32, #tpu.memory_space<vmem>>
        tpu.wait_dma2 semaphore(%run_scoped3A_337 : memref<!tpu.dma_semaphore, #tpu.memory_space<semaphore_mem>>) src(%dma_wait3A_361 : memref<80x128xf32, #tpu.memory_space<vmem>>) dst(%dma_wait3A_357 : memref<80x128xf32, #tpu.memory_space<hbm>>)
        tpu.yield
      }) : () -> ()
    } else {
    }
    %add3A_302 = arith.constant 64 : i32
    %add3A_303 = arith.addi %arg1, %add3A_302 : i32
    %lt3A_304 = arith.constant 125 : i32
    %lt3A_305 = arith.cmpi slt, %add3A_303, %lt3A_304 : i32
    %convert_element_type3A_306 = arith.extui %lt3A_305 : i1 to i32
    %cond3A_307 = arith.constant 0 : i32
    %cond3A_308 = arith.cmpi ne, %convert_element_type3A_306, %cond3A_307 : i32
    scf.if %cond3A_308 {
      %mul3A_330 = arith.constant 80 : i32
      %mul3A_331 = arith.muli %add3A_303, %mul3A_330 : i32
      %run_scoped3A_332 = arith.constant 0 : i32
      "tpu.region"() ({
        %run_scoped3A_337 = tpu.sem_alloc : memref<!tpu.dma_semaphore, #tpu.memory_space<semaphore_mem>>
        %dma_start3A_338 = arith.constant 0 : i32
        %dma_start3A_339 = arith.constant 0 : i32
        %dma_start3A_340 = tpu.memref_slice %arg10[%run_scoped3A_332, %dma_start3A_338, %dma_start3A_339] : memref<2x80x128xf32, #tpu.memory_space<vmem>> -> memref<1x80x128xf32, #tpu.memory_space<vmem>>
        %dma_start3A_341 = tpu.memref_squeeze %dma_start3A_340 : memref<1x80x128xf32, #tpu.memory_space<vmem>> -> memref<80x128xf32, #tpu.memory_space<vmem>>
        %dma_start3A_342 = arith.constant 0 : i32
        %dma_start3A_343 = tpu.memref_slice %arg11[%mul3A_331, %dma_start3A_342] : memref<10000x128xf32, #tpu.memory_space<vmem_shared>> -> memref<80x128xf32, #tpu.memory_space<vmem_shared>>
        %dma_start3A_344 = arith.constant 0 : i32
        %dma_start3A_345 = arith.constant 0 : i32
        %dma_start3A_346 = tpu.memref_slice %arg10[%run_scoped3A_332, %dma_start3A_344, %dma_start3A_345] : memref<2x80x128xf32, #tpu.memory_space<vmem>> -> memref<1x80x128xf32, #tpu.memory_space<vmem>>
        %dma_start3A_347 = tpu.memref_squeeze %dma_start3A_346 : memref<1x80x128xf32, #tpu.memory_space<vmem>> -> memref<80x128xf32, #tpu.memory_space<vmem>>
        %dma_start3A_348 = arith.constant 0 : i32
        %dma_start3A_349 = tpu.memref_slice %arg11[%mul3A_331, %dma_start3A_348] : memref<10000x128xf32, #tpu.memory_space<vmem_shared>> -> memref<80x128xf32, #tpu.memory_space<vmem_shared>>
        tpu.enqueue_dma source(%dma_start3A_349 : memref<80x128xf32, #tpu.memory_space<vmem_shared>>) target(%dma_start3A_347 : memref<80x128xf32, #tpu.memory_space<vmem>>) target_semaphore(%run_scoped3A_337 : memref<!tpu.dma_semaphore, #tpu.memory_space<semaphore_mem>>)
        %dma_wait3A_350 = arith.constant 0 : i32
        %dma_wait3A_351 = arith.constant 0 : i32
        %dma_wait3A_352 = tpu.memref_slice %arg10[%run_scoped3A_332, %dma_wait3A_350, %dma_wait3A_351] : memref<2x80x128xf32, #tpu.memory_space<vmem>> -> memref<1x80x128xf32, #tpu.memory_space<vmem>>
        %dma_wait3A_353 = tpu.memref_squeeze %dma_wait3A_352 : memref<1x80x128xf32, #tpu.memory_space<vmem>> -> memref<80x128xf32, #tpu.memory_space<vmem>>
        %dma_wait3A_354 = arith.constant 0 : i32
        %dma_wait3A_355 = tpu.memref_slice %arg11[%mul3A_331, %dma_wait3A_354] : memref<10000x128xf32, #tpu.memory_space<vmem_shared>> -> memref<80x128xf32, #tpu.memory_space<vmem_shared>>
        %dma_wait3A_356 = arith.constant 0 : i32
        %dma_wait3A_357 = arith.constant 0 : i32
        %dma_wait3A_358 = tpu.memref_slice %arg10[%run_scoped3A_332, %dma_wait3A_356, %dma_wait3A_357] : memref<2x80x128xf32, #tpu.memory_space<vmem>> -> memref<1x80x128xf32, #tpu.memory_space<vmem>>
        %dma_wait3A_359 = tpu.memref_squeeze %dma_wait3A_358 : memref<1x80x128xf32, #tpu.memory_space<vmem>> -> memref<80x128xf32, #tpu.memory_space<vmem>>
        %dma_wait3A_360 = arith.constant 0 : i32
        %dma_wait3A_361 = tpu.memref_slice %arg11[%mul3A_331, %dma_wait3A_360] : memref<10000x128xf32, #tpu.memory_space<vmem_shared>> -> memref<80x128xf32, #tpu.memory_space<vmem_shared>>
        tpu.wait_dma2 semaphore(%run_scoped3A_337 : memref<!tpu.dma_semaphore, #tpu.memory_space<semaphore_mem>>) src(%dma_wait3A_361 : memref<80x128xf32, #tpu.memory_space<vmem_shared>>) dst(%dma_wait3A_359 : memref<80x128xf32, #tpu.memory_space<vmem>>)
        tpu.yield
      }) : () -> ()
      %mul3A_333 = arith.constant 10000 : i32
      %mul3A_334 = arith.muli %arg0, %mul3A_333 : i32
      %add3A_335 = arith.addi %mul3A_334, %mul3A_331 : i32
      %run_scoped3A_336 = arith.constant 0 : i32
      "tpu.region"() ({
        %run_scoped3A_337 = tpu.sem_alloc : memref<!tpu.dma_semaphore, #tpu.memory_space<semaphore_mem>>
        %dma_start3A_338 = arith.constant 0 : i32
        %dma_start3A_339 = arith.constant 0 : i32
        %dma_start3A_340 = tpu.memref_slice %arg10[%run_scoped3A_336, %dma_start3A_338, %dma_start3A_339] : memref<2x80x128xf32, #tpu.memory_space<vmem>> -> memref<1x80x128xf32, #tpu.memory_space<vmem>>
        %dma_start3A_341 = tpu.memref_squeeze %dma_start3A_340 : memref<1x80x128xf32, #tpu.memory_space<vmem>> -> memref<80x128xf32, #tpu.memory_space<vmem>>
        %dma_start3A_342 = arith.constant 0 : i32
        %dma_start3A_343 = tpu.memref_slice %arg6[%add3A_335, %dma_start3A_342] : memref<20000x128xf32, #tpu.memory_space<hbm>> -> memref<80x128xf32, #tpu.memory_space<hbm>>
        %dma_start3A_344 = arith.constant 0 : i32
        %dma_start3A_345 = tpu.memref_slice %arg6[%add3A_335, %dma_start3A_344] : memref<20000x128xf32, #tpu.memory_space<hbm>> -> memref<80x128xf32, #tpu.memory_space<hbm>>
        %dma_start3A_346 = arith.constant 0 : i32
        %dma_start3A_347 = arith.constant 0 : i32
        %dma_start3A_348 = tpu.memref_slice %arg10[%run_scoped3A_336, %dma_start3A_346, %dma_start3A_347] : memref<2x80x128xf32, #tpu.memory_space<vmem>> -> memref<1x80x128xf32, #tpu.memory_space<vmem>>
        %dma_start3A_349 = tpu.memref_squeeze %dma_start3A_348 : memref<1x80x128xf32, #tpu.memory_space<vmem>> -> memref<80x128xf32, #tpu.memory_space<vmem>>
        tpu.enqueue_dma source(%dma_start3A_349 : memref<80x128xf32, #tpu.memory_space<vmem>>) target(%dma_start3A_345 : memref<80x128xf32, #tpu.memory_space<hbm>>) target_semaphore(%run_scoped3A_337 : memref<!tpu.dma_semaphore, #tpu.memory_space<semaphore_mem>>)
        %dma_wait3A_350 = arith.constant 0 : i32
        %dma_wait3A_351 = arith.constant 0 : i32
        %dma_wait3A_352 = tpu.memref_slice %arg10[%run_scoped3A_336, %dma_wait3A_350, %dma_wait3A_351] : memref<2x80x128xf32, #tpu.memory_space<vmem>> -> memref<1x80x128xf32, #tpu.memory_space<vmem>>
        %dma_wait3A_353 = tpu.memref_squeeze %dma_wait3A_352 : memref<1x80x128xf32, #tpu.memory_space<vmem>> -> memref<80x128xf32, #tpu.memory_space<vmem>>
        %dma_wait3A_354 = arith.constant 0 : i32
        %dma_wait3A_355 = tpu.memref_slice %arg6[%add3A_335, %dma_wait3A_354] : memref<20000x128xf32, #tpu.memory_space<hbm>> -> memref<80x128xf32, #tpu.memory_space<hbm>>
        %dma_wait3A_356 = arith.constant 0 : i32
        %dma_wait3A_357 = tpu.memref_slice %arg6[%add3A_335, %dma_wait3A_356] : memref<20000x128xf32, #tpu.memory_space<hbm>> -> memref<80x128xf32, #tpu.memory_space<hbm>>
        %dma_wait3A_358 = arith.constant 0 : i32
        %dma_wait3A_359 = arith.constant 0 : i32
        %dma_wait3A_360 = tpu.memref_slice %arg10[%run_scoped3A_336, %dma_wait3A_358, %dma_wait3A_359] : memref<2x80x128xf32, #tpu.memory_space<vmem>> -> memref<1x80x128xf32, #tpu.memory_space<vmem>>
        %dma_wait3A_361 = tpu.memref_squeeze %dma_wait3A_360 : memref<1x80x128xf32, #tpu.memory_space<vmem>> -> memref<80x128xf32, #tpu.memory_space<vmem>>
        tpu.wait_dma2 semaphore(%run_scoped3A_337 : memref<!tpu.dma_semaphore, #tpu.memory_space<semaphore_mem>>) src(%dma_wait3A_361 : memref<80x128xf32, #tpu.memory_space<vmem>>) dst(%dma_wait3A_357 : memref<80x128xf32, #tpu.memory_space<hbm>>)
        tpu.yield
      }) : () -> ()
    } else {
    }
    %add3A_309 = arith.constant 80 : i32
    %add3A_310 = arith.addi %arg1, %add3A_309 : i32
    %lt3A_311 = arith.constant 125 : i32
    %lt3A_312 = arith.cmpi slt, %add3A_310, %lt3A_311 : i32
    %convert_element_type3A_313 = arith.extui %lt3A_312 : i1 to i32
    %cond3A_314 = arith.constant 0 : i32
    %cond3A_315 = arith.cmpi ne, %convert_element_type3A_313, %cond3A_314 : i32
    scf.if %cond3A_315 {
      %mul3A_330 = arith.constant 80 : i32
      %mul3A_331 = arith.muli %add3A_310, %mul3A_330 : i32
      %run_scoped3A_332 = arith.constant 0 : i32
      "tpu.region"() ({
        %run_scoped3A_337 = tpu.sem_alloc : memref<!tpu.dma_semaphore, #tpu.memory_space<semaphore_mem>>
        %dma_start3A_338 = arith.constant 0 : i32
        %dma_start3A_339 = arith.constant 0 : i32
        %dma_start3A_340 = tpu.memref_slice %arg10[%run_scoped3A_332, %dma_start3A_338, %dma_start3A_339] : memref<2x80x128xf32, #tpu.memory_space<vmem>> -> memref<1x80x128xf32, #tpu.memory_space<vmem>>
        %dma_start3A_341 = tpu.memref_squeeze %dma_start3A_340 : memref<1x80x128xf32, #tpu.memory_space<vmem>> -> memref<80x128xf32, #tpu.memory_space<vmem>>
        %dma_start3A_342 = arith.constant 0 : i32
        %dma_start3A_343 = tpu.memref_slice %arg11[%mul3A_331, %dma_start3A_342] : memref<10000x128xf32, #tpu.memory_space<vmem_shared>> -> memref<80x128xf32, #tpu.memory_space<vmem_shared>>
        %dma_start3A_344 = arith.constant 0 : i32
        %dma_start3A_345 = arith.constant 0 : i32
        %dma_start3A_346 = tpu.memref_slice %arg10[%run_scoped3A_332, %dma_start3A_344, %dma_start3A_345] : memref<2x80x128xf32, #tpu.memory_space<vmem>> -> memref<1x80x128xf32, #tpu.memory_space<vmem>>
        %dma_start3A_347 = tpu.memref_squeeze %dma_start3A_346 : memref<1x80x128xf32, #tpu.memory_space<vmem>> -> memref<80x128xf32, #tpu.memory_space<vmem>>
        %dma_start3A_348 = arith.constant 0 : i32
        %dma_start3A_349 = tpu.memref_slice %arg11[%mul3A_331, %dma_start3A_348] : memref<10000x128xf32, #tpu.memory_space<vmem_shared>> -> memref<80x128xf32, #tpu.memory_space<vmem_shared>>
        tpu.enqueue_dma source(%dma_start3A_349 : memref<80x128xf32, #tpu.memory_space<vmem_shared>>) target(%dma_start3A_347 : memref<80x128xf32, #tpu.memory_space<vmem>>) target_semaphore(%run_scoped3A_337 : memref<!tpu.dma_semaphore, #tpu.memory_space<semaphore_mem>>)
        %dma_wait3A_350 = arith.constant 0 : i32
        %dma_wait3A_351 = arith.constant 0 : i32
        %dma_wait3A_352 = tpu.memref_slice %arg10[%run_scoped3A_332, %dma_wait3A_350, %dma_wait3A_351] : memref<2x80x128xf32, #tpu.memory_space<vmem>> -> memref<1x80x128xf32, #tpu.memory_space<vmem>>
        %dma_wait3A_353 = tpu.memref_squeeze %dma_wait3A_352 : memref<1x80x128xf32, #tpu.memory_space<vmem>> -> memref<80x128xf32, #tpu.memory_space<vmem>>
        %dma_wait3A_354 = arith.constant 0 : i32
        %dma_wait3A_355 = tpu.memref_slice %arg11[%mul3A_331, %dma_wait3A_354] : memref<10000x128xf32, #tpu.memory_space<vmem_shared>> -> memref<80x128xf32, #tpu.memory_space<vmem_shared>>
        %dma_wait3A_356 = arith.constant 0 : i32
        %dma_wait3A_357 = arith.constant 0 : i32
        %dma_wait3A_358 = tpu.memref_slice %arg10[%run_scoped3A_332, %dma_wait3A_356, %dma_wait3A_357] : memref<2x80x128xf32, #tpu.memory_space<vmem>> -> memref<1x80x128xf32, #tpu.memory_space<vmem>>
        %dma_wait3A_359 = tpu.memref_squeeze %dma_wait3A_358 : memref<1x80x128xf32, #tpu.memory_space<vmem>> -> memref<80x128xf32, #tpu.memory_space<vmem>>
        %dma_wait3A_360 = arith.constant 0 : i32
        %dma_wait3A_361 = tpu.memref_slice %arg11[%mul3A_331, %dma_wait3A_360] : memref<10000x128xf32, #tpu.memory_space<vmem_shared>> -> memref<80x128xf32, #tpu.memory_space<vmem_shared>>
        tpu.wait_dma2 semaphore(%run_scoped3A_337 : memref<!tpu.dma_semaphore, #tpu.memory_space<semaphore_mem>>) src(%dma_wait3A_361 : memref<80x128xf32, #tpu.memory_space<vmem_shared>>) dst(%dma_wait3A_359 : memref<80x128xf32, #tpu.memory_space<vmem>>)
        tpu.yield
      }) : () -> ()
      %mul3A_333 = arith.constant 10000 : i32
      %mul3A_334 = arith.muli %arg0, %mul3A_333 : i32
      %add3A_335 = arith.addi %mul3A_334, %mul3A_331 : i32
      %run_scoped3A_336 = arith.constant 0 : i32
      "tpu.region"() ({
        %run_scoped3A_337 = tpu.sem_alloc : memref<!tpu.dma_semaphore, #tpu.memory_space<semaphore_mem>>
        %dma_start3A_338 = arith.constant 0 : i32
        %dma_start3A_339 = arith.constant 0 : i32
        %dma_start3A_340 = tpu.memref_slice %arg10[%run_scoped3A_336, %dma_start3A_338, %dma_start3A_339] : memref<2x80x128xf32, #tpu.memory_space<vmem>> -> memref<1x80x128xf32, #tpu.memory_space<vmem>>
        %dma_start3A_341 = tpu.memref_squeeze %dma_start3A_340 : memref<1x80x128xf32, #tpu.memory_space<vmem>> -> memref<80x128xf32, #tpu.memory_space<vmem>>
        %dma_start3A_342 = arith.constant 0 : i32
        %dma_start3A_343 = tpu.memref_slice %arg6[%add3A_335, %dma_start3A_342] : memref<20000x128xf32, #tpu.memory_space<hbm>> -> memref<80x128xf32, #tpu.memory_space<hbm>>
        %dma_start3A_344 = arith.constant 0 : i32
        %dma_start3A_345 = tpu.memref_slice %arg6[%add3A_335, %dma_start3A_344] : memref<20000x128xf32, #tpu.memory_space<hbm>> -> memref<80x128xf32, #tpu.memory_space<hbm>>
        %dma_start3A_346 = arith.constant 0 : i32
        %dma_start3A_347 = arith.constant 0 : i32
        %dma_start3A_348 = tpu.memref_slice %arg10[%run_scoped3A_336, %dma_start3A_346, %dma_start3A_347] : memref<2x80x128xf32, #tpu.memory_space<vmem>> -> memref<1x80x128xf32, #tpu.memory_space<vmem>>
        %dma_start3A_349 = tpu.memref_squeeze %dma_start3A_348 : memref<1x80x128xf32, #tpu.memory_space<vmem>> -> memref<80x128xf32, #tpu.memory_space<vmem>>
        tpu.enqueue_dma source(%dma_start3A_349 : memref<80x128xf32, #tpu.memory_space<vmem>>) target(%dma_start3A_345 : memref<80x128xf32, #tpu.memory_space<hbm>>) target_semaphore(%run_scoped3A_337 : memref<!tpu.dma_semaphore, #tpu.memory_space<semaphore_mem>>)
        %dma_wait3A_350 = arith.constant 0 : i32
        %dma_wait3A_351 = arith.constant 0 : i32
        %dma_wait3A_352 = tpu.memref_slice %arg10[%run_scoped3A_336, %dma_wait3A_350, %dma_wait3A_351] : memref<2x80x128xf32, #tpu.memory_space<vmem>> -> memref<1x80x128xf32, #tpu.memory_space<vmem>>
        %dma_wait3A_353 = tpu.memref_squeeze %dma_wait3A_352 : memref<1x80x128xf32, #tpu.memory_space<vmem>> -> memref<80x128xf32, #tpu.memory_space<vmem>>
        %dma_wait3A_354 = arith.constant 0 : i32
        %dma_wait3A_355 = tpu.memref_slice %arg6[%add3A_335, %dma_wait3A_354] : memref<20000x128xf32, #tpu.memory_space<hbm>> -> memref<80x128xf32, #tpu.memory_space<hbm>>
        %dma_wait3A_356 = arith.constant 0 : i32
        %dma_wait3A_357 = tpu.memref_slice %arg6[%add3A_335, %dma_wait3A_356] : memref<20000x128xf32, #tpu.memory_space<hbm>> -> memref<80x128xf32, #tpu.memory_space<hbm>>
        %dma_wait3A_358 = arith.constant 0 : i32
        %dma_wait3A_359 = arith.constant 0 : i32
        %dma_wait3A_360 = tpu.memref_slice %arg10[%run_scoped3A_336, %dma_wait3A_358, %dma_wait3A_359] : memref<2x80x128xf32, #tpu.memory_space<vmem>> -> memref<1x80x128xf32, #tpu.memory_space<vmem>>
        %dma_wait3A_361 = tpu.memref_squeeze %dma_wait3A_360 : memref<1x80x128xf32, #tpu.memory_space<vmem>> -> memref<80x128xf32, #tpu.memory_space<vmem>>
        tpu.wait_dma2 semaphore(%run_scoped3A_337 : memref<!tpu.dma_semaphore, #tpu.memory_space<semaphore_mem>>) src(%dma_wait3A_361 : memref<80x128xf32, #tpu.memory_space<vmem>>) dst(%dma_wait3A_357 : memref<80x128xf32, #tpu.memory_space<hbm>>)
        tpu.yield
      }) : () -> ()
    } else {
    }
    %add3A_316 = arith.constant 96 : i32
    %add3A_317 = arith.addi %arg1, %add3A_316 : i32
    %lt3A_318 = arith.constant 125 : i32
    %lt3A_319 = arith.cmpi slt, %add3A_317, %lt3A_318 : i32
    %convert_element_type3A_320 = arith.extui %lt3A_319 : i1 to i32
    %cond3A_321 = arith.constant 0 : i32
    %cond3A_322 = arith.cmpi ne, %convert_element_type3A_320, %cond3A_321 : i32
    scf.if %cond3A_322 {
      %mul3A_330 = arith.constant 80 : i32
      %mul3A_331 = arith.muli %add3A_317, %mul3A_330 : i32
      %run_scoped3A_332 = arith.constant 0 : i32
      "tpu.region"() ({
        %run_scoped3A_337 = tpu.sem_alloc : memref<!tpu.dma_semaphore, #tpu.memory_space<semaphore_mem>>
        %dma_start3A_338 = arith.constant 0 : i32
        %dma_start3A_339 = arith.constant 0 : i32
        %dma_start3A_340 = tpu.memref_slice %arg10[%run_scoped3A_332, %dma_start3A_338, %dma_start3A_339] : memref<2x80x128xf32, #tpu.memory_space<vmem>> -> memref<1x80x128xf32, #tpu.memory_space<vmem>>
        %dma_start3A_341 = tpu.memref_squeeze %dma_start3A_340 : memref<1x80x128xf32, #tpu.memory_space<vmem>> -> memref<80x128xf32, #tpu.memory_space<vmem>>
        %dma_start3A_342 = arith.constant 0 : i32
        %dma_start3A_343 = tpu.memref_slice %arg11[%mul3A_331, %dma_start3A_342] : memref<10000x128xf32, #tpu.memory_space<vmem_shared>> -> memref<80x128xf32, #tpu.memory_space<vmem_shared>>
        %dma_start3A_344 = arith.constant 0 : i32
        %dma_start3A_345 = arith.constant 0 : i32
        %dma_start3A_346 = tpu.memref_slice %arg10[%run_scoped3A_332, %dma_start3A_344, %dma_start3A_345] : memref<2x80x128xf32, #tpu.memory_space<vmem>> -> memref<1x80x128xf32, #tpu.memory_space<vmem>>
        %dma_start3A_347 = tpu.memref_squeeze %dma_start3A_346 : memref<1x80x128xf32, #tpu.memory_space<vmem>> -> memref<80x128xf32, #tpu.memory_space<vmem>>
        %dma_start3A_348 = arith.constant 0 : i32
        %dma_start3A_349 = tpu.memref_slice %arg11[%mul3A_331, %dma_start3A_348] : memref<10000x128xf32, #tpu.memory_space<vmem_shared>> -> memref<80x128xf32, #tpu.memory_space<vmem_shared>>
        tpu.enqueue_dma source(%dma_start3A_349 : memref<80x128xf32, #tpu.memory_space<vmem_shared>>) target(%dma_start3A_347 : memref<80x128xf32, #tpu.memory_space<vmem>>) target_semaphore(%run_scoped3A_337 : memref<!tpu.dma_semaphore, #tpu.memory_space<semaphore_mem>>)
        %dma_wait3A_350 = arith.constant 0 : i32
        %dma_wait3A_351 = arith.constant 0 : i32
        %dma_wait3A_352 = tpu.memref_slice %arg10[%run_scoped3A_332, %dma_wait3A_350, %dma_wait3A_351] : memref<2x80x128xf32, #tpu.memory_space<vmem>> -> memref<1x80x128xf32, #tpu.memory_space<vmem>>
        %dma_wait3A_353 = tpu.memref_squeeze %dma_wait3A_352 : memref<1x80x128xf32, #tpu.memory_space<vmem>> -> memref<80x128xf32, #tpu.memory_space<vmem>>
        %dma_wait3A_354 = arith.constant 0 : i32
        %dma_wait3A_355 = tpu.memref_slice %arg11[%mul3A_331, %dma_wait3A_354] : memref<10000x128xf32, #tpu.memory_space<vmem_shared>> -> memref<80x128xf32, #tpu.memory_space<vmem_shared>>
        %dma_wait3A_356 = arith.constant 0 : i32
        %dma_wait3A_357 = arith.constant 0 : i32
        %dma_wait3A_358 = tpu.memref_slice %arg10[%run_scoped3A_332, %dma_wait3A_356, %dma_wait3A_357] : memref<2x80x128xf32, #tpu.memory_space<vmem>> -> memref<1x80x128xf32, #tpu.memory_space<vmem>>
        %dma_wait3A_359 = tpu.memref_squeeze %dma_wait3A_358 : memref<1x80x128xf32, #tpu.memory_space<vmem>> -> memref<80x128xf32, #tpu.memory_space<vmem>>
        %dma_wait3A_360 = arith.constant 0 : i32
        %dma_wait3A_361 = tpu.memref_slice %arg11[%mul3A_331, %dma_wait3A_360] : memref<10000x128xf32, #tpu.memory_space<vmem_shared>> -> memref<80x128xf32, #tpu.memory_space<vmem_shared>>
        tpu.wait_dma2 semaphore(%run_scoped3A_337 : memref<!tpu.dma_semaphore, #tpu.memory_space<semaphore_mem>>) src(%dma_wait3A_361 : memref<80x128xf32, #tpu.memory_space<vmem_shared>>) dst(%dma_wait3A_359 : memref<80x128xf32, #tpu.memory_space<vmem>>)
        tpu.yield
      }) : () -> ()
      %mul3A_333 = arith.constant 10000 : i32
      %mul3A_334 = arith.muli %arg0, %mul3A_333 : i32
      %add3A_335 = arith.addi %mul3A_334, %mul3A_331 : i32
      %run_scoped3A_336 = arith.constant 0 : i32
      "tpu.region"() ({
        %run_scoped3A_337 = tpu.sem_alloc : memref<!tpu.dma_semaphore, #tpu.memory_space<semaphore_mem>>
        %dma_start3A_338 = arith.constant 0 : i32
        %dma_start3A_339 = arith.constant 0 : i32
        %dma_start3A_340 = tpu.memref_slice %arg10[%run_scoped3A_336, %dma_start3A_338, %dma_start3A_339] : memref<2x80x128xf32, #tpu.memory_space<vmem>> -> memref<1x80x128xf32, #tpu.memory_space<vmem>>
        %dma_start3A_341 = tpu.memref_squeeze %dma_start3A_340 : memref<1x80x128xf32, #tpu.memory_space<vmem>> -> memref<80x128xf32, #tpu.memory_space<vmem>>
        %dma_start3A_342 = arith.constant 0 : i32
        %dma_start3A_343 = tpu.memref_slice %arg6[%add3A_335, %dma_start3A_342] : memref<20000x128xf32, #tpu.memory_space<hbm>> -> memref<80x128xf32, #tpu.memory_space<hbm>>
        %dma_start3A_344 = arith.constant 0 : i32
        %dma_start3A_345 = tpu.memref_slice %arg6[%add3A_335, %dma_start3A_344] : memref<20000x128xf32, #tpu.memory_space<hbm>> -> memref<80x128xf32, #tpu.memory_space<hbm>>
        %dma_start3A_346 = arith.constant 0 : i32
        %dma_start3A_347 = arith.constant 0 : i32
        %dma_start3A_348 = tpu.memref_slice %arg10[%run_scoped3A_336, %dma_start3A_346, %dma_start3A_347] : memref<2x80x128xf32, #tpu.memory_space<vmem>> -> memref<1x80x128xf32, #tpu.memory_space<vmem>>
        %dma_start3A_349 = tpu.memref_squeeze %dma_start3A_348 : memref<1x80x128xf32, #tpu.memory_space<vmem>> -> memref<80x128xf32, #tpu.memory_space<vmem>>
        tpu.enqueue_dma source(%dma_start3A_349 : memref<80x128xf32, #tpu.memory_space<vmem>>) target(%dma_start3A_345 : memref<80x128xf32, #tpu.memory_space<hbm>>) target_semaphore(%run_scoped3A_337 : memref<!tpu.dma_semaphore, #tpu.memory_space<semaphore_mem>>)
        %dma_wait3A_350 = arith.constant 0 : i32
        %dma_wait3A_351 = arith.constant 0 : i32
        %dma_wait3A_352 = tpu.memref_slice %arg10[%run_scoped3A_336, %dma_wait3A_350, %dma_wait3A_351] : memref<2x80x128xf32, #tpu.memory_space<vmem>> -> memref<1x80x128xf32, #tpu.memory_space<vmem>>
        %dma_wait3A_353 = tpu.memref_squeeze %dma_wait3A_352 : memref<1x80x128xf32, #tpu.memory_space<vmem>> -> memref<80x128xf32, #tpu.memory_space<vmem>>
        %dma_wait3A_354 = arith.constant 0 : i32
        %dma_wait3A_355 = tpu.memref_slice %arg6[%add3A_335, %dma_wait3A_354] : memref<20000x128xf32, #tpu.memory_space<hbm>> -> memref<80x128xf32, #tpu.memory_space<hbm>>
        %dma_wait3A_356 = arith.constant 0 : i32
        %dma_wait3A_357 = tpu.memref_slice %arg6[%add3A_335, %dma_wait3A_356] : memref<20000x128xf32, #tpu.memory_space<hbm>> -> memref<80x128xf32, #tpu.memory_space<hbm>>
        %dma_wait3A_358 = arith.constant 0 : i32
        %dma_wait3A_359 = arith.constant 0 : i32
        %dma_wait3A_360 = tpu.memref_slice %arg10[%run_scoped3A_336, %dma_wait3A_358, %dma_wait3A_359] : memref<2x80x128xf32, #tpu.memory_space<vmem>> -> memref<1x80x128xf32, #tpu.memory_space<vmem>>
        %dma_wait3A_361 = tpu.memref_squeeze %dma_wait3A_360 : memref<1x80x128xf32, #tpu.memory_space<vmem>> -> memref<80x128xf32, #tpu.memory_space<vmem>>
        tpu.wait_dma2 semaphore(%run_scoped3A_337 : memref<!tpu.dma_semaphore, #tpu.memory_space<semaphore_mem>>) src(%dma_wait3A_361 : memref<80x128xf32, #tpu.memory_space<vmem>>) dst(%dma_wait3A_357 : memref<80x128xf32, #tpu.memory_space<hbm>>)
        tpu.yield
      }) : () -> ()
    } else {
    }
    %add3A_323 = arith.constant 112 : i32
    %add3A_324 = arith.addi %arg1, %add3A_323 : i32
    %lt3A_325 = arith.constant 125 : i32
    %lt3A_326 = arith.cmpi slt, %add3A_324, %lt3A_325 : i32
    %convert_element_type3A_327 = arith.extui %lt3A_326 : i1 to i32
    %cond3A_328 = arith.constant 0 : i32
    %cond3A_329 = arith.cmpi ne, %convert_element_type3A_327, %cond3A_328 : i32
    scf.if %cond3A_329 {
      %mul3A_330 = arith.constant 80 : i32
      %mul3A_331 = arith.muli %add3A_324, %mul3A_330 : i32
      %run_scoped3A_332 = arith.constant 0 : i32
      "tpu.region"() ({
        %run_scoped3A_337 = tpu.sem_alloc : memref<!tpu.dma_semaphore, #tpu.memory_space<semaphore_mem>>
        %dma_start3A_338 = arith.constant 0 : i32
        %dma_start3A_339 = arith.constant 0 : i32
        %dma_start3A_340 = tpu.memref_slice %arg10[%run_scoped3A_332, %dma_start3A_338, %dma_start3A_339] : memref<2x80x128xf32, #tpu.memory_space<vmem>> -> memref<1x80x128xf32, #tpu.memory_space<vmem>>
        %dma_start3A_341 = tpu.memref_squeeze %dma_start3A_340 : memref<1x80x128xf32, #tpu.memory_space<vmem>> -> memref<80x128xf32, #tpu.memory_space<vmem>>
        %dma_start3A_342 = arith.constant 0 : i32
        %dma_start3A_343 = tpu.memref_slice %arg11[%mul3A_331, %dma_start3A_342] : memref<10000x128xf32, #tpu.memory_space<vmem_shared>> -> memref<80x128xf32, #tpu.memory_space<vmem_shared>>
        %dma_start3A_344 = arith.constant 0 : i32
        %dma_start3A_345 = arith.constant 0 : i32
        %dma_start3A_346 = tpu.memref_slice %arg10[%run_scoped3A_332, %dma_start3A_344, %dma_start3A_345] : memref<2x80x128xf32, #tpu.memory_space<vmem>> -> memref<1x80x128xf32, #tpu.memory_space<vmem>>
        %dma_start3A_347 = tpu.memref_squeeze %dma_start3A_346 : memref<1x80x128xf32, #tpu.memory_space<vmem>> -> memref<80x128xf32, #tpu.memory_space<vmem>>
        %dma_start3A_348 = arith.constant 0 : i32
        %dma_start3A_349 = tpu.memref_slice %arg11[%mul3A_331, %dma_start3A_348] : memref<10000x128xf32, #tpu.memory_space<vmem_shared>> -> memref<80x128xf32, #tpu.memory_space<vmem_shared>>
        tpu.enqueue_dma source(%dma_start3A_349 : memref<80x128xf32, #tpu.memory_space<vmem_shared>>) target(%dma_start3A_347 : memref<80x128xf32, #tpu.memory_space<vmem>>) target_semaphore(%run_scoped3A_337 : memref<!tpu.dma_semaphore, #tpu.memory_space<semaphore_mem>>)
        %dma_wait3A_350 = arith.constant 0 : i32
        %dma_wait3A_351 = arith.constant 0 : i32
        %dma_wait3A_352 = tpu.memref_slice %arg10[%run_scoped3A_332, %dma_wait3A_350, %dma_wait3A_351] : memref<2x80x128xf32, #tpu.memory_space<vmem>> -> memref<1x80x128xf32, #tpu.memory_space<vmem>>
        %dma_wait3A_353 = tpu.memref_squeeze %dma_wait3A_352 : memref<1x80x128xf32, #tpu.memory_space<vmem>> -> memref<80x128xf32, #tpu.memory_space<vmem>>
        %dma_wait3A_354 = arith.constant 0 : i32
        %dma_wait3A_355 = tpu.memref_slice %arg11[%mul3A_331, %dma_wait3A_354] : memref<10000x128xf32, #tpu.memory_space<vmem_shared>> -> memref<80x128xf32, #tpu.memory_space<vmem_shared>>
        %dma_wait3A_356 = arith.constant 0 : i32
        %dma_wait3A_357 = arith.constant 0 : i32
        %dma_wait3A_358 = tpu.memref_slice %arg10[%run_scoped3A_332, %dma_wait3A_356, %dma_wait3A_357] : memref<2x80x128xf32, #tpu.memory_space<vmem>> -> memref<1x80x128xf32, #tpu.memory_space<vmem>>
        %dma_wait3A_359 = tpu.memref_squeeze %dma_wait3A_358 : memref<1x80x128xf32, #tpu.memory_space<vmem>> -> memref<80x128xf32, #tpu.memory_space<vmem>>
        %dma_wait3A_360 = arith.constant 0 : i32
        %dma_wait3A_361 = tpu.memref_slice %arg11[%mul3A_331, %dma_wait3A_360] : memref<10000x128xf32, #tpu.memory_space<vmem_shared>> -> memref<80x128xf32, #tpu.memory_space<vmem_shared>>
        tpu.wait_dma2 semaphore(%run_scoped3A_337 : memref<!tpu.dma_semaphore, #tpu.memory_space<semaphore_mem>>) src(%dma_wait3A_361 : memref<80x128xf32, #tpu.memory_space<vmem_shared>>) dst(%dma_wait3A_359 : memref<80x128xf32, #tpu.memory_space<vmem>>)
        tpu.yield
      }) : () -> ()
      %mul3A_333 = arith.constant 10000 : i32
      %mul3A_334 = arith.muli %arg0, %mul3A_333 : i32
      %add3A_335 = arith.addi %mul3A_334, %mul3A_331 : i32
      %run_scoped3A_336 = arith.constant 0 : i32
      "tpu.region"() ({
        %run_scoped3A_337 = tpu.sem_alloc : memref<!tpu.dma_semaphore, #tpu.memory_space<semaphore_mem>>
        %dma_start3A_338 = arith.constant 0 : i32
        %dma_start3A_339 = arith.constant 0 : i32
        %dma_start3A_340 = tpu.memref_slice %arg10[%run_scoped3A_336, %dma_start3A_338, %dma_start3A_339] : memref<2x80x128xf32, #tpu.memory_space<vmem>> -> memref<1x80x128xf32, #tpu.memory_space<vmem>>
        %dma_start3A_341 = tpu.memref_squeeze %dma_start3A_340 : memref<1x80x128xf32, #tpu.memory_space<vmem>> -> memref<80x128xf32, #tpu.memory_space<vmem>>
        %dma_start3A_342 = arith.constant 0 : i32
        %dma_start3A_343 = tpu.memref_slice %arg6[%add3A_335, %dma_start3A_342] : memref<20000x128xf32, #tpu.memory_space<hbm>> -> memref<80x128xf32, #tpu.memory_space<hbm>>
        %dma_start3A_344 = arith.constant 0 : i32
        %dma_start3A_345 = tpu.memref_slice %arg6[%add3A_335, %dma_start3A_344] : memref<20000x128xf32, #tpu.memory_space<hbm>> -> memref<80x128xf32, #tpu.memory_space<hbm>>
        %dma_start3A_346 = arith.constant 0 : i32
        %dma_start3A_347 = arith.constant 0 : i32
        %dma_start3A_348 = tpu.memref_slice %arg10[%run_scoped3A_336, %dma_start3A_346, %dma_start3A_347] : memref<2x80x128xf32, #tpu.memory_space<vmem>> -> memref<1x80x128xf32, #tpu.memory_space<vmem>>
        %dma_start3A_349 = tpu.memref_squeeze %dma_start3A_348 : memref<1x80x128xf32, #tpu.memory_space<vmem>> -> memref<80x128xf32, #tpu.memory_space<vmem>>
        tpu.enqueue_dma source(%dma_start3A_349 : memref<80x128xf32, #tpu.memory_space<vmem>>) target(%dma_start3A_345 : memref<80x128xf32, #tpu.memory_space<hbm>>) target_semaphore(%run_scoped3A_337 : memref<!tpu.dma_semaphore, #tpu.memory_space<semaphore_mem>>)
        %dma_wait3A_350 = arith.constant 0 : i32
        %dma_wait3A_351 = arith.constant 0 : i32
        %dma_wait3A_352 = tpu.memref_slice %arg10[%run_scoped3A_336, %dma_wait3A_350, %dma_wait3A_351] : memref<2x80x128xf32, #tpu.memory_space<vmem>> -> memref<1x80x128xf32, #tpu.memory_space<vmem>>
        %dma_wait3A_353 = tpu.memref_squeeze %dma_wait3A_352 : memref<1x80x128xf32, #tpu.memory_space<vmem>> -> memref<80x128xf32, #tpu.memory_space<vmem>>
        %dma_wait3A_354 = arith.constant 0 : i32
        %dma_wait3A_355 = tpu.memref_slice %arg6[%add3A_335, %dma_wait3A_354] : memref<20000x128xf32, #tpu.memory_space<hbm>> -> memref<80x128xf32, #tpu.memory_space<hbm>>
        %dma_wait3A_356 = arith.constant 0 : i32
        %dma_wait3A_357 = tpu.memref_slice %arg6[%add3A_335, %dma_wait3A_356] : memref<20000x128xf32, #tpu.memory_space<hbm>> -> memref<80x128xf32, #tpu.memory_space<hbm>>
        %dma_wait3A_358 = arith.constant 0 : i32
        %dma_wait3A_359 = arith.constant 0 : i32
        %dma_wait3A_360 = tpu.memref_slice %arg10[%run_scoped3A_336, %dma_wait3A_358, %dma_wait3A_359] : memref<2x80x128xf32, #tpu.memory_space<vmem>> -> memref<1x80x128xf32, #tpu.memory_space<vmem>>
        %dma_wait3A_361 = tpu.memref_squeeze %dma_wait3A_360 : memref<1x80x128xf32, #tpu.memory_space<vmem>> -> memref<80x128xf32, #tpu.memory_space<vmem>>
        tpu.wait_dma2 semaphore(%run_scoped3A_337 : memref<!tpu.dma_semaphore, #tpu.memory_space<semaphore_mem>>) src(%dma_wait3A_361 : memref<80x128xf32, #tpu.memory_space<vmem>>) dst(%dma_wait3A_357 : memref<80x128xf32, #tpu.memory_space<hbm>>)
        tpu.yield
      }) : () -> ()
    } else {
    }
    return
  }
}

module attributes {stable_mosaic.version = 14 : i64} {
  func.func @_h_body(%arg0: i32, %arg1: memref<2000x128xf32, #tpu.memory_space<vmem>>, %arg2: memref<128x128xf32, #tpu.memory_space<vmem>>, %arg3: memref<2000x128xf32, #tpu.memory_space<vmem>>) attributes {dimension_semantics = [#tpu.dimension_semantics<arbitrary>], iteration_bounds = array<i64: 5>, scalar_prefetch = 0 : i64, scratch_operands = 0 : i64, tpu.core_type = #tpu.core_type<tc>, window_params = [{transform_indices = @transform_0, window_bounds = array<i64: 2000, 128>}, {pipeline_mode = #tpu.pipeline_mode<synchronous>, transform_indices = @transform_1, window_bounds = array<i64: 128, 128>}, {transform_indices = @transform_2, window_bounds = array<i64: 2000, 128>}]} {
    %get3A = arith.constant 0 : index
    %get3A_0 = arith.constant 0 : index
    %get3A_1 = vector.load %arg1[%get3A, %get3A_0] : memref<2000x128xf32, #tpu.memory_space<vmem>>, vector<2000x128xf32>
    %get3A_2 = arith.constant 0 : index
    %get3A_3 = arith.constant 0 : index
    %get3A_4 = vector.load %arg2[%get3A_2, %get3A_3] : memref<128x128xf32, #tpu.memory_space<vmem>>, vector<128x128xf32>
    %dot_general3A = arith.constant dense<0.000000e+00> : vector<2000x128xf32>
    %dot_general3A_5 = tpu.matmul %get3A_1, %get3A_4, %dot_general3A {dimension_numbers = #tpu.dot_dimension_numbers<[1], [0], [0], [1], [0, 0, 1, 1], [], []>, transpose_lhs_hint = false} : vector<2000x128xf32>, vector<128x128xf32>, vector<2000x128xf32> -> vector<2000x128xf32>
    %swap3A = arith.constant 0 : index
    %swap3A_6 = arith.constant 0 : index
    %swap3A_7 = vector.load %arg3[%swap3A, %swap3A_6] : memref<2000x128xf32, #tpu.memory_space<vmem>>, vector<2000x128xf32>
    tpu.vector_store %arg3[%swap3A, %swap3A_6], %dot_general3A_5 {strides = array<i32>} : memref<2000x128xf32, #tpu.memory_space<vmem>>, vector<2000x128xf32>,
    return
  }
  func.func @transform_0(%arg0: i32) -> (i32, i32) {
    %c0_i32 = arith.constant 0 : i32
    %c0_i32_0 = arith.constant 0 : i32
    return %arg0, %c0_i32 : i32, i32
  }
  func.func @transform_1(%arg0: i32) -> (i32, i32) {
    %c0_i32 = arith.constant 0 : i32
    %c0_i32_0 = arith.constant 0 : i32
    %c0_i32_1 = arith.constant 0 : i32
    return %c0_i32, %c0_i32_0 : i32, i32
  }
  func.func @transform_2(%arg0: i32) -> (i32, i32) {
    %c0_i32 = arith.constant 0 : i32
    %c0_i32_0 = arith.constant 0 : i32
    return %arg0, %c0_i32 : i32, i32
  }
}

module attributes {stable_mosaic.version = 14 : i64} {
  func.func @_t_body(%arg0: i32, %arg1: memref<8000x8xf32, #tpu.memory_space<vmem>>, %arg2: memref<8000x4xf32, #tpu.memory_space<vmem>>, %arg3: memref<8x8xf32, #tpu.memory_space<vmem>>, %arg4: memref<8x32xf32, #tpu.memory_space<vmem>>, %arg5: memref<4x32xf32, #tpu.memory_space<vmem>>, %arg6: memref<32x64xf32, #tpu.memory_space<vmem>>, %arg7: memref<32x64xf32, #tpu.memory_space<vmem>>, %arg8: memref<8000x64xi32, #tpu.memory_space<vmem>>) attributes {dimension_semantics = [#tpu.dimension_semantics<arbitrary>], iteration_bounds = array<i64: 40>, scalar_prefetch = 0 : i64, scratch_operands = 0 : i64, tpu.core_type = #tpu.core_type<tc>, window_params = [{transform_indices = @transform_0, window_bounds = array<i64: 8000, 8>}, {transform_indices = @transform_1, window_bounds = array<i64: 8000, 4>}, {pipeline_mode = #tpu.pipeline_mode<synchronous>, transform_indices = @transform_2, window_bounds = array<i64: 8, 8>}, {pipeline_mode = #tpu.pipeline_mode<synchronous>, transform_indices = @transform_3, window_bounds = array<i64: 8, 32>}, {pipeline_mode = #tpu.pipeline_mode<synchronous>, transform_indices = @transform_4, window_bounds = array<i64: 4, 32>}, {pipeline_mode = #tpu.pipeline_mode<synchronous>, transform_indices = @transform_5, window_bounds = array<i64: 32, 64>}, {pipeline_mode = #tpu.pipeline_mode<synchronous>, transform_indices = @transform_6, window_bounds = array<i64: 32, 64>}, {transform_indices = @transform_7, window_bounds = array<i64: 8000, 64>}]} {
    %get3A = arith.constant 0 : index
    %get3A_0 = arith.constant 0 : index
    %get3A_1 = vector.load %arg1[%get3A, %get3A_0] : memref<8000x8xf32, #tpu.memory_space<vmem>>, vector<8000x8xf32>
    %get3A_2 = arith.constant 0 : index
    %get3A_3 = arith.constant 0 : index
    %get3A_4 = vector.load %arg3[%get3A_2, %get3A_3] : memref<8x8xf32, #tpu.memory_space<vmem>>, vector<8x8xf32>
    %dot_general3A = arith.constant dense<0.000000e+00> : vector<8000x8xf32>
    %dot_general3A_5 = tpu.matmul %get3A_1, %get3A_4, %dot_general3A {dimension_numbers = #tpu.dot_dimension_numbers<[1], [0], [0], [1], [0, 0, 1, 1], [], []>, transpose_lhs_hint = false} : vector<8000x8xf32>, vector<8x8xf32>, vector<8000x8xf32> -> vector<8000x8xf32>
    %logistic3A = arith.negf %dot_general3A_5 : vector<8000x8xf32>
    %logistic3A_6 = math.exp %logistic3A : vector<8000x8xf32>
    %logistic3A_7 = arith.constant 1.000000e+00 : f32
    %logistic3A_8 = vector.broadcast %logistic3A_7 : f32 to vector<8000x8xf32>
    %logistic3A_9 = arith.addf %logistic3A_8, %logistic3A_6 : vector<8000x8xf32>
    %logistic3A_10 = arith.divf %logistic3A_8, %logistic3A_9 : vector<8000x8xf32>
    %mul3A = arith.mulf %dot_general3A_5, %logistic3A_10 : vector<8000x8xf32>
    %get3A_11 = arith.constant 0 : index
    %get3A_12 = arith.constant 0 : index
    %get3A_13 = vector.load %arg4[%get3A_11, %get3A_12] : memref<8x32xf32, #tpu.memory_space<vmem>>, vector<8x32xf32>
    %dot_general3A_14 = arith.constant dense<0.000000e+00> : vector<8000x32xf32>
    %dot_general3A_15 = tpu.matmul %mul3A, %get3A_13, %dot_general3A_14 {dimension_numbers = #tpu.dot_dimension_numbers<[1], [0], [0], [1], [0, 0, 1, 1], [], []>, transpose_lhs_hint = false} : vector<8000x8xf32>, vector<8x32xf32>, vector<8000x32xf32> -> vector<8000x32xf32>
    %get3A_16 = arith.constant 0 : index
    %get3A_17 = arith.constant 0 : index
    %get3A_18 = vector.load %arg2[%get3A_16, %get3A_17] : memref<8000x4xf32, #tpu.memory_space<vmem>>, vector<8000x4xf32>
    %get3A_19 = arith.constant 0 : index
    %get3A_20 = arith.constant 0 : index
    %get3A_21 = vector.load %arg5[%get3A_19, %get3A_20] : memref<4x32xf32, #tpu.memory_space<vmem>>, vector<4x32xf32>
    %dot_general3A_22 = arith.constant dense<0.000000e+00> : vector<8000x32xf32>
    %dot_general3A_23 = tpu.matmul %get3A_18, %get3A_21, %dot_general3A_22 {dimension_numbers = #tpu.dot_dimension_numbers<[1], [0], [0], [1], [0, 0, 1, 1], [], []>, transpose_lhs_hint = false} : vector<8000x4xf32>, vector<4x32xf32>, vector<8000x32xf32> -> vector<8000x32xf32>
    %mul3A_24 = arith.mulf %dot_general3A_15, %dot_general3A_23 : vector<8000x32xf32>
    %get3A_25 = arith.constant 0 : index
    %get3A_26 = arith.constant 0 : index
    %get3A_27 = vector.load %arg6[%get3A_25, %get3A_26] : memref<32x64xf32, #tpu.memory_space<vmem>>, vector<32x64xf32>
    %dot_general3A_28 = arith.constant dense<0.000000e+00> : vector<8000x64xf32>
    %dot_general3A_29 = tpu.matmul %mul3A_24, %get3A_27, %dot_general3A_28 {dimension_numbers = #tpu.dot_dimension_numbers<[1], [0], [0], [1], [0, 0, 1, 1], [], []>, transpose_lhs_hint = false} : vector<8000x32xf32>, vector<32x64xf32>, vector<8000x64xf32> -> vector<8000x64xf32>
    %get3A_30 = arith.constant 0 : index
    %get3A_31 = arith.constant 0 : index
    %get3A_32 = vector.load %arg7[%get3A_30, %get3A_31] : memref<32x64xf32, #tpu.memory_space<vmem>>, vector<32x64xf32>
    %dot_general3A_33 = arith.constant dense<0.000000e+00> : vector<8000x64xf32>
    %dot_general3A_34 = tpu.matmul %mul3A_24, %get3A_32, %dot_general3A_33 {dimension_numbers = #tpu.dot_dimension_numbers<[1], [0], [0], [1], [0, 0, 1, 1], [], []>, transpose_lhs_hint = false} : vector<8000x32xf32>, vector<32x64xf32>, vector<8000x64xf32> -> vector<8000x64xf32>
    %bitcast_convert_type3A = tpu.bitcast %dot_general3A_29 : vector<8000x64xf32> -> vector<8000x64xi32>
    %bitcast_convert_type3A_35 = tpu.bitcast %dot_general3A_34 : vector<8000x64xf32> -> vector<8000x64xi32>
    %add3A = arith.constant 32767 : i32
    %add3A_36 = vector.broadcast %add3A : i32 to vector<8000x64xi32>
    %add3A_37 = arith.addi %bitcast_convert_type3A, %add3A_36 : vector<8000x64xi32>
    %shift_right_logical3A = arith.constant 16 : i32
    %shift_right_logical3A_38 = vector.broadcast %shift_right_logical3A : i32 to vector<8000x64xi32>
    %shift_right_logical3A_39 = arith.shrui %bitcast_convert_type3A, %shift_right_logical3A_38 : vector<8000x64xi32>
    %and3A = arith.constant 1 : i32
    %and3A_40 = vector.broadcast %and3A : i32 to vector<8000x64xi32>
    %and3A_41 = arith.andi %shift_right_logical3A_39, %and3A_40 : vector<8000x64xi32>
    %add3A_42 = arith.addi %add3A_37, %and3A_41 : vector<8000x64xi32>
    %add3A_43 = arith.constant 32767 : i32
    %add3A_44 = vector.broadcast %add3A_43 : i32 to vector<8000x64xi32>
    %add3A_45 = arith.addi %bitcast_convert_type3A_35, %add3A_44 : vector<8000x64xi32>
    %shift_right_logical3A_46 = arith.constant 16 : i32
    %shift_right_logical3A_47 = vector.broadcast %shift_right_logical3A_46 : i32 to vector<8000x64xi32>
    %shift_right_logical3A_48 = arith.shrui %bitcast_convert_type3A_35, %shift_right_logical3A_47 : vector<8000x64xi32>
    %and3A_49 = arith.constant 1 : i32
    %and3A_50 = vector.broadcast %and3A_49 : i32 to vector<8000x64xi32>
    %and3A_51 = arith.andi %shift_right_logical3A_48, %and3A_50 : vector<8000x64xi32>
    %add3A_52 = arith.addi %add3A_45, %and3A_51 : vector<8000x64xi32>
    %shift_right_logical3A_53 = arith.constant 16 : i32
    %shift_right_logical3A_54 = vector.broadcast %shift_right_logical3A_53 : i32 to vector<8000x64xi32>
    %shift_right_logical3A_55 = arith.shrui %add3A_42, %shift_right_logical3A_54 : vector<8000x64xi32>
    %and3A_56 = arith.constant -65536 : i32
    %and3A_57 = vector.broadcast %and3A_56 : i32 to vector<8000x64xi32>
    %and3A_58 = arith.andi %add3A_52, %and3A_57 : vector<8000x64xi32>
    %or3A = arith.ori %shift_right_logical3A_55, %and3A_58 : vector<8000x64xi32>
    %bitcast_convert_type3A_59 = tpu.bitcast %or3A : vector<8000x64xi32> -> vector<8000x64xi32>
    %swap3A = arith.constant 0 : index
    %swap3A_60 = arith.constant 0 : index
    %swap3A_61 = vector.load %arg8[%swap3A, %swap3A_60] : memref<8000x64xi32, #tpu.memory_space<vmem>>, vector<8000x64xi32>
    tpu.vector_store %arg8[%swap3A, %swap3A_60], %bitcast_convert_type3A_59 {strides = array<i32>} : memref<8000x64xi32, #tpu.memory_space<vmem>>, vector<8000x64xi32>,
    return
  }
  func.func @transform_0(%arg0: i32) -> (i32, i32) {
    %c0_i32 = arith.constant 0 : i32
    %c0_i32_0 = arith.constant 0 : i32
    return %arg0, %c0_i32 : i32, i32
  }
  func.func @transform_1(%arg0: i32) -> (i32, i32) {
    %c0_i32 = arith.constant 0 : i32
    %c0_i32_0 = arith.constant 0 : i32
    return %arg0, %c0_i32 : i32, i32
  }
  func.func @transform_2(%arg0: i32) -> (i32, i32) {
    %c0_i32 = arith.constant 0 : i32
    %c0_i32_0 = arith.constant 0 : i32
    %c0_i32_1 = arith.constant 0 : i32
    return %c0_i32, %c0_i32_0 : i32, i32
  }
  func.func @transform_3(%arg0: i32) -> (i32, i32) {
    %c0_i32 = arith.constant 0 : i32
    %c0_i32_0 = arith.constant 0 : i32
    %c0_i32_1 = arith.constant 0 : i32
    return %c0_i32, %c0_i32_0 : i32, i32
  }
  func.func @transform_4(%arg0: i32) -> (i32, i32) {
    %c0_i32 = arith.constant 0 : i32
    %c0_i32_0 = arith.constant 0 : i32
    %c0_i32_1 = arith.constant 0 : i32
    return %c0_i32, %c0_i32_0 : i32, i32
  }
  func.func @transform_5(%arg0: i32) -> (i32, i32) {
    %c0_i32 = arith.constant 0 : i32
    %c0_i32_0 = arith.constant 0 : i32
    %c0_i32_1 = arith.constant 0 : i32
    return %c0_i32, %c0_i32_0 : i32, i32
  }
  func.func @transform_6(%arg0: i32) -> (i32, i32) {
    %c0_i32 = arith.constant 0 : i32
    %c0_i32_0 = arith.constant 0 : i32
    %c0_i32_1 = arith.constant 0 : i32
    return %c0_i32, %c0_i32_0 : i32, i32
  }
  func.func @transform_7(%arg0: i32) -> (i32, i32) {
    %c0_i32 = arith.constant 0 : i32
    %c0_i32_0 = arith.constant 0 : i32
    return %arg0, %c0_i32 : i32, i32
  }
}

module attributes {stable_mosaic.version = 14 : i64} {
  func.func @_final_body(%arg0: i32, %arg1: memref<2000x128xf32, #tpu.memory_space<vmem>>, %arg2: memref<2000x128xf32, #tpu.memory_space<vmem>>, %arg3: memref<2000x128xf32, #tpu.memory_space<vmem>>, %arg4: memref<2000x16xf32, #tpu.memory_space<vmem>>, %arg5: memref<128x128xf32, #tpu.memory_space<vmem>>, %arg6: memref<128x2048xf32, #tpu.memory_space<vmem>>, %arg7: memref<2000x128xf32, #tpu.memory_space<vmem>>) attributes {dimension_semantics = [#tpu.dimension_semantics<arbitrary>], iteration_bounds = array<i64: 5>, scalar_prefetch = 0 : i64, scratch_operands = 0 : i64, tpu.core_type = #tpu.core_type<tc>, window_params = [{transform_indices = @transform_0, window_bounds = array<i64: 2000, 128>}, {transform_indices = @transform_1, window_bounds = array<i64: 2000, 128>}, {transform_indices = @transform_2, window_bounds = array<i64: 2000, 128>}, {transform_indices = @transform_3, window_bounds = array<i64: 2000, 16>}, {pipeline_mode = #tpu.pipeline_mode<synchronous>, transform_indices = @transform_4, window_bounds = array<i64: 128, 128>}, {pipeline_mode = #tpu.pipeline_mode<synchronous>, transform_indices = @transform_5, window_bounds = array<i64: 128, 2048>}, {transform_indices = @transform_6, window_bounds = array<i64: 2000, 128>}]} {
    %get3A = arith.constant 0 : index
    %get3A_0 = arith.constant 0 : index
    %get3A_1 = vector.load %arg1[%get3A, %get3A_0] : memref<2000x128xf32, #tpu.memory_space<vmem>>, vector<2000x128xf32>
    %get3A_2 = arith.constant 0 : index
    %get3A_3 = arith.constant 0 : index
    %get3A_4 = vector.load %arg2[%get3A_2, %get3A_3] : memref<2000x128xf32, #tpu.memory_space<vmem>>, vector<2000x128xf32>
    %add3A = arith.addf %get3A_1, %get3A_4 : vector<2000x128xf32>
    %get3A_5 = arith.constant 0 : index
    %get3A_6 = arith.constant 0 : index
    %get3A_7 = vector.load %arg5[%get3A_5, %get3A_6] : memref<128x128xf32, #tpu.memory_space<vmem>>, vector<128x128xf32>
    %dot_general3A = arith.constant dense<0.000000e+00> : vector<2000x128xf32>
    %dot_general3A_8 = tpu.matmul %add3A, %get3A_7, %dot_general3A {dimension_numbers = #tpu.dot_dimension_numbers<[1], [0], [0], [1], [0, 0, 1, 1], [], []>, transpose_lhs_hint = false} : vector<2000x128xf32>, vector<128x128xf32>, vector<2000x128xf32> -> vector<2000x128xf32>
    %get3A_9 = arith.constant 0 : index
    %get3A_10 = arith.constant 0 : index
    %get3A_11 = vector.load %arg3[%get3A_9, %get3A_10] : memref<2000x128xf32, #tpu.memory_space<vmem>>, vector<2000x128xf32>
    %get3A_12 = arith.constant 0 : index
    %get3A_13 = arith.constant 0 : index
    %get3A_14 = vector.load %arg6[%get3A_12, %get3A_13] : memref<128x2048xf32, #tpu.memory_space<vmem>>, vector<128x2048xf32>
    %dot_general3A_15 = arith.constant dense<0.000000e+00> : vector<2000x2048xf32>
    %dot_general3A_16 = tpu.matmul %get3A_11, %get3A_14, %dot_general3A_15 {dimension_numbers = #tpu.dot_dimension_numbers<[1], [0], [0], [1], [0, 0, 1, 1], [], []>, transpose_lhs_hint = false} : vector<2000x128xf32>, vector<128x2048xf32>, vector<2000x2048xf32> -> vector<2000x2048xf32>
    %get3A_17 = arith.constant 0 : index
    %get3A_18 = arith.constant 0 : index
    %get3A_19 = vector.load %arg4[%get3A_17, %get3A_18] : memref<2000x16xf32, #tpu.memory_space<vmem>>, vector<2000x16xf32>
    %slice3A = vector.extract_strided_slice %get3A_19 {offsets = [0, 0], sizes = [2000, 1], strides = [1, 1]} : vector<2000x16xf32> to vector<2000x1xf32>
    %slice3A_20 = vector.extract_strided_slice %dot_general3A_16 {offsets = [0, 0], sizes = [2000, 128], strides = [1, 1]} : vector<2000x2048xf32> to vector<2000x128xf32>
    %mul3A = vector.broadcast %slice3A : vector<2000x1xf32> to vector<2000x128xf32>
    %mul3A_21 = arith.mulf %mul3A, %slice3A_20 : vector<2000x128xf32>
    %slice3A_22 = vector.extract_strided_slice %get3A_19 {offsets = [0, 1], sizes = [2000, 1], strides = [1, 1]} : vector<2000x16xf32> to vector<2000x1xf32>
    %slice3A_23 = vector.extract_strided_slice %dot_general3A_16 {offsets = [0, 128], sizes = [2000, 128], strides = [1, 1]} : vector<2000x2048xf32> to vector<2000x128xf32>
    %mul3A_24 = vector.broadcast %slice3A_22 : vector<2000x1xf32> to vector<2000x128xf32>
    %mul3A_25 = arith.mulf %mul3A_24, %slice3A_23 : vector<2000x128xf32>
    %add3A_26 = arith.addf %mul3A_21, %mul3A_25 : vector<2000x128xf32>
    %slice3A_27 = vector.extract_strided_slice %get3A_19 {offsets = [0, 2], sizes = [2000, 1], strides = [1, 1]} : vector<2000x16xf32> to vector<2000x1xf32>
    %slice3A_28 = vector.extract_strided_slice %dot_general3A_16 {offsets = [0, 256], sizes = [2000, 128], strides = [1, 1]} : vector<2000x2048xf32> to vector<2000x128xf32>
    %mul3A_29 = vector.broadcast %slice3A_27 : vector<2000x1xf32> to vector<2000x128xf32>
    %mul3A_30 = arith.mulf %mul3A_29, %slice3A_28 : vector<2000x128xf32>
    %add3A_31 = arith.addf %add3A_26, %mul3A_30 : vector<2000x128xf32>
    %slice3A_32 = vector.extract_strided_slice %get3A_19 {offsets = [0, 3], sizes = [2000, 1], strides = [1, 1]} : vector<2000x16xf32> to vector<2000x1xf32>
    %slice3A_33 = vector.extract_strided_slice %dot_general3A_16 {offsets = [0, 384], sizes = [2000, 128], strides = [1, 1]} : vector<2000x2048xf32> to vector<2000x128xf32>
    %mul3A_34 = vector.broadcast %slice3A_32 : vector<2000x1xf32> to vector<2000x128xf32>
    %mul3A_35 = arith.mulf %mul3A_34, %slice3A_33 : vector<2000x128xf32>
    %add3A_36 = arith.addf %add3A_31, %mul3A_35 : vector<2000x128xf32>
    %slice3A_37 = vector.extract_strided_slice %get3A_19 {offsets = [0, 4], sizes = [2000, 1], strides = [1, 1]} : vector<2000x16xf32> to vector<2000x1xf32>
    %slice3A_38 = vector.extract_strided_slice %dot_general3A_16 {offsets = [0, 512], sizes = [2000, 128], strides = [1, 1]} : vector<2000x2048xf32> to vector<2000x128xf32>
    %mul3A_39 = vector.broadcast %slice3A_37 : vector<2000x1xf32> to vector<2000x128xf32>
    %mul3A_40 = arith.mulf %mul3A_39, %slice3A_38 : vector<2000x128xf32>
    %add3A_41 = arith.addf %add3A_36, %mul3A_40 : vector<2000x128xf32>
    %slice3A_42 = vector.extract_strided_slice %get3A_19 {offsets = [0, 5], sizes = [2000, 1], strides = [1, 1]} : vector<2000x16xf32> to vector<2000x1xf32>
    %slice3A_43 = vector.extract_strided_slice %dot_general3A_16 {offsets = [0, 640], sizes = [2000, 128], strides = [1, 1]} : vector<2000x2048xf32> to vector<2000x128xf32>
    %mul3A_44 = vector.broadcast %slice3A_42 : vector<2000x1xf32> to vector<2000x128xf32>
    %mul3A_45 = arith.mulf %mul3A_44, %slice3A_43 : vector<2000x128xf32>
    %add3A_46 = arith.addf %add3A_41, %mul3A_45 : vector<2000x128xf32>
    %slice3A_47 = vector.extract_strided_slice %get3A_19 {offsets = [0, 6], sizes = [2000, 1], strides = [1, 1]} : vector<2000x16xf32> to vector<2000x1xf32>
    %slice3A_48 = vector.extract_strided_slice %dot_general3A_16 {offsets = [0, 768], sizes = [2000, 128], strides = [1, 1]} : vector<2000x2048xf32> to vector<2000x128xf32>
    %mul3A_49 = vector.broadcast %slice3A_47 : vector<2000x1xf32> to vector<2000x128xf32>
    %mul3A_50 = arith.mulf %mul3A_49, %slice3A_48 : vector<2000x128xf32>
    %add3A_51 = arith.addf %add3A_46, %mul3A_50 : vector<2000x128xf32>
    %slice3A_52 = vector.extract_strided_slice %get3A_19 {offsets = [0, 7], sizes = [2000, 1], strides = [1, 1]} : vector<2000x16xf32> to vector<2000x1xf32>
    %slice3A_53 = vector.extract_strided_slice %dot_general3A_16 {offsets = [0, 896], sizes = [2000, 128], strides = [1, 1]} : vector<2000x2048xf32> to vector<2000x128xf32>
    %mul3A_54 = vector.broadcast %slice3A_52 : vector<2000x1xf32> to vector<2000x128xf32>
    %mul3A_55 = arith.mulf %mul3A_54, %slice3A_53 : vector<2000x128xf32>
    %add3A_56 = arith.addf %add3A_51, %mul3A_55 : vector<2000x128xf32>
    %slice3A_57 = vector.extract_strided_slice %get3A_19 {offsets = [0, 8], sizes = [2000, 1], strides = [1, 1]} : vector<2000x16xf32> to vector<2000x1xf32>
    %slice3A_58 = vector.extract_strided_slice %dot_general3A_16 {offsets = [0, 1024], sizes = [2000, 128], strides = [1, 1]} : vector<2000x2048xf32> to vector<2000x128xf32>
    %mul3A_59 = vector.broadcast %slice3A_57 : vector<2000x1xf32> to vector<2000x128xf32>
    %mul3A_60 = arith.mulf %mul3A_59, %slice3A_58 : vector<2000x128xf32>
    %add3A_61 = arith.addf %add3A_56, %mul3A_60 : vector<2000x128xf32>
    %slice3A_62 = vector.extract_strided_slice %get3A_19 {offsets = [0, 9], sizes = [2000, 1], strides = [1, 1]} : vector<2000x16xf32> to vector<2000x1xf32>
    %slice3A_63 = vector.extract_strided_slice %dot_general3A_16 {offsets = [0, 1152], sizes = [2000, 128], strides = [1, 1]} : vector<2000x2048xf32> to vector<2000x128xf32>
    %mul3A_64 = vector.broadcast %slice3A_62 : vector<2000x1xf32> to vector<2000x128xf32>
    %mul3A_65 = arith.mulf %mul3A_64, %slice3A_63 : vector<2000x128xf32>
    %add3A_66 = arith.addf %add3A_61, %mul3A_65 : vector<2000x128xf32>
    %slice3A_67 = vector.extract_strided_slice %get3A_19 {offsets = [0, 10], sizes = [2000, 1], strides = [1, 1]} : vector<2000x16xf32> to vector<2000x1xf32>
    %slice3A_68 = vector.extract_strided_slice %dot_general3A_16 {offsets = [0, 1280], sizes = [2000, 128], strides = [1, 1]} : vector<2000x2048xf32> to vector<2000x128xf32>
    %mul3A_69 = vector.broadcast %slice3A_67 : vector<2000x1xf32> to vector<2000x128xf32>
    %mul3A_70 = arith.mulf %mul3A_69, %slice3A_68 : vector<2000x128xf32>
    %add3A_71 = arith.addf %add3A_66, %mul3A_70 : vector<2000x128xf32>
    %slice3A_72 = vector.extract_strided_slice %get3A_19 {offsets = [0, 11], sizes = [2000, 1], strides = [1, 1]} : vector<2000x16xf32> to vector<2000x1xf32>
    %slice3A_73 = vector.extract_strided_slice %dot_general3A_16 {offsets = [0, 1408], sizes = [2000, 128], strides = [1, 1]} : vector<2000x2048xf32> to vector<2000x128xf32>
    %mul3A_74 = vector.broadcast %slice3A_72 : vector<2000x1xf32> to vector<2000x128xf32>
    %mul3A_75 = arith.mulf %mul3A_74, %slice3A_73 : vector<2000x128xf32>
    %add3A_76 = arith.addf %add3A_71, %mul3A_75 : vector<2000x128xf32>
    %slice3A_77 = vector.extract_strided_slice %get3A_19 {offsets = [0, 12], sizes = [2000, 1], strides = [1, 1]} : vector<2000x16xf32> to vector<2000x1xf32>
    %slice3A_78 = vector.extract_strided_slice %dot_general3A_16 {offsets = [0, 1536], sizes = [2000, 128], strides = [1, 1]} : vector<2000x2048xf32> to vector<2000x128xf32>
    %mul3A_79 = vector.broadcast %slice3A_77 : vector<2000x1xf32> to vector<2000x128xf32>
    %mul3A_80 = arith.mulf %mul3A_79, %slice3A_78 : vector<2000x128xf32>
    %add3A_81 = arith.addf %add3A_76, %mul3A_80 : vector<2000x128xf32>
    %slice3A_82 = vector.extract_strided_slice %get3A_19 {offsets = [0, 13], sizes = [2000, 1], strides = [1, 1]} : vector<2000x16xf32> to vector<2000x1xf32>
    %slice3A_83 = vector.extract_strided_slice %dot_general3A_16 {offsets = [0, 1664], sizes = [2000, 128], strides = [1, 1]} : vector<2000x2048xf32> to vector<2000x128xf32>
    %mul3A_84 = vector.broadcast %slice3A_82 : vector<2000x1xf32> to vector<2000x128xf32>
    %mul3A_85 = arith.mulf %mul3A_84, %slice3A_83 : vector<2000x128xf32>
    %add3A_86 = arith.addf %add3A_81, %mul3A_85 : vector<2000x128xf32>
    %slice3A_87 = vector.extract_strided_slice %get3A_19 {offsets = [0, 14], sizes = [2000, 1], strides = [1, 1]} : vector<2000x16xf32> to vector<2000x1xf32>
    %slice3A_88 = vector.extract_strided_slice %dot_general3A_16 {offsets = [0, 1792], sizes = [2000, 128], strides = [1, 1]} : vector<2000x2048xf32> to vector<2000x128xf32>
    %mul3A_89 = vector.broadcast %slice3A_87 : vector<2000x1xf32> to vector<2000x128xf32>
    %mul3A_90 = arith.mulf %mul3A_89, %slice3A_88 : vector<2000x128xf32>
    %add3A_91 = arith.addf %add3A_86, %mul3A_90 : vector<2000x128xf32>
    %slice3A_92 = vector.extract_strided_slice %get3A_19 {offsets = [0, 15], sizes = [2000, 1], strides = [1, 1]} : vector<2000x16xf32> to vector<2000x1xf32>
    %slice3A_93 = vector.extract_strided_slice %dot_general3A_16 {offsets = [0, 1920], sizes = [2000, 128], strides = [1, 1]} : vector<2000x2048xf32> to vector<2000x128xf32>
    %mul3A_94 = vector.broadcast %slice3A_92 : vector<2000x1xf32> to vector<2000x128xf32>
    %mul3A_95 = arith.mulf %mul3A_94, %slice3A_93 : vector<2000x128xf32>
    %add3A_96 = arith.addf %add3A_91, %mul3A_95 : vector<2000x128xf32>
    %add3A_97 = arith.addf %dot_general3A_8, %add3A_96 : vector<2000x128xf32>
    %logistic3A = arith.negf %add3A_97 : vector<2000x128xf32>
    %logistic3A_98 = math.exp %logistic3A : vector<2000x128xf32>
    %logistic3A_99 = arith.constant 1.000000e+00 : f32
    %logistic3A_100 = vector.broadcast %logistic3A_99 : f32 to vector<2000x128xf32>
    %logistic3A_101 = arith.addf %logistic3A_100, %logistic3A_98 : vector<2000x128xf32>
    %logistic3A_102 = arith.divf %logistic3A_100, %logistic3A_101 : vector<2000x128xf32>
    %mul3A_103 = arith.mulf %add3A_97, %logistic3A_102 : vector<2000x128xf32>
    %add3A_104 = arith.addf %get3A_11, %mul3A_103 : vector<2000x128xf32>
    %swap3A = arith.constant 0 : index
    %swap3A_105 = arith.constant 0 : index
    %swap3A_106 = vector.load %arg7[%swap3A, %swap3A_105] : memref<2000x128xf32, #tpu.memory_space<vmem>>, vector<2000x128xf32>
    tpu.vector_store %arg7[%swap3A, %swap3A_105], %add3A_104 {strides = array<i32>} : memref<2000x128xf32, #tpu.memory_space<vmem>>, vector<2000x128xf32>,
    return
  }
  func.func @transform_0(%arg0: i32) -> (i32, i32) {
    %c0_i32 = arith.constant 0 : i32
    %c0_i32_0 = arith.constant 0 : i32
    return %arg0, %c0_i32 : i32, i32
  }
  func.func @transform_1(%arg0: i32) -> (i32, i32) {
    %add3A = arith.constant 5 : i32
    %add3A_0 = arith.addi %arg0, %add3A : i32
    %c0_i32 = arith.constant 0 : i32
    %c0_i32_1 = arith.constant 0 : i32
    return %add3A_0, %c0_i32 : i32, i32
  }
  func.func @transform_2(%arg0: i32) -> (i32, i32) {
    %c0_i32 = arith.constant 0 : i32
    %c0_i32_0 = arith.constant 0 : i32
    return %arg0, %c0_i32 : i32, i32
  }
  func.func @transform_3(%arg0: i32) -> (i32, i32) {
    %c0_i32 = arith.constant 0 : i32
    %c0_i32_0 = arith.constant 0 : i32
    return %arg0, %c0_i32 : i32, i32
  }
  func.func @transform_4(%arg0: i32) -> (i32, i32) {
    %c0_i32 = arith.constant 0 : i32
    %c0_i32_0 = arith.constant 0 : i32
    %c0_i32_1 = arith.constant 0 : i32
    return %c0_i32, %c0_i32_0 : i32, i32
  }
  func.func @transform_5(%arg0: i32) -> (i32, i32) {
    %c0_i32 = arith.constant 0 : i32
    %c0_i32_0 = arith.constant 0 : i32
    %c0_i32_1 = arith.constant 0 : i32
    return %c0_i32, %c0_i32_0 : i32, i32
  }
  func.func @transform_6(%arg0: i32) -> (i32, i32) {
    %c0_i32 = arith.constant 0 : i32
    %c0_i32_0 = arith.constant 0 : i32
    return %arg0, %c0_i32 : i32, i32
  }
}

</mosaic_0001>

<sc_bundles>
// kernel: kernel.6.cloned.1.call-start
scs
__scs_entry_jumppad:
0x0: {  	(pc) =	sbr.rel $0x88, $3  }
0x1: {  	(tag) =	ssettag $0x0;
	lr =	simm.s32 $0x1  }
0x2: {  	[smem:$0x3F97] =	sst lr;
	_ =	strace $0xD0000000  }
0x3: {  	_ = 	snop  }
0x4: {  	_ = 	snop  }
0x5: {  	_ = 	snop  }
0x6: {  	_ = 	snop  }
0x7: {  	_ = 	snop  }
__scs_overlays_trampoline_lowered:
0x8: {  	[smem:$0x3FA6] =	sst s0  }
0x9: {  	[smem:$0x3FA7] =	sst s1  }
0xa: {  	[smem:$0x3FA8] =	sst s2  }
0xb: {  	[smem:$0x3FA9] =	sst s3  }
0xc: {  	[smem:$0x3FAA] =	sst s4  }
0xd: {  	[smem:$0x3FAB] =	sst s5  }
0xe: {  	[smem:$0x3FAC] =	sst s6  }
0xf: {  	[smem:$0x3FAD] =	sst s7  }
0x10: {  	[smem:$0x3FAE] =	sst s8  }
0x11: {  	[smem:$0x3FAF] =	sst s9;
	s0 =	simm.s32 @!p0 $0x0  }
0x12: {  	s1 =	sld [smem:$0x3F95];
	s0 =	simm.s32 @p0 $0x1  }
0x13: {  	[smem:$0x3FB0] =	sst s0;
	s0 =	simm.s32 @!p1 $0x0  }
0x14: {  	s2 =	sld [smem:$0x3F94];
	s0 =	simm.s32 @p1 $0x1  }
0x15: {  	[smem:$0x3FB1] =	sst s0;
	s0 =	simm.s32 @!p2 $0x0  }
0x16: {  	s3 =	sld [smem:$0x3FDB];
	s0 =	simm.s32 @p2 $0x1  }
0x17: {  	s4 =	simm.s32 $0x1BF5;
	[smem:$0x3FB3] =	sst s0  }
0x18: {  	s0 =	sld [smem:$0x3F96];
	_ =	swait.ge [sflag:s4], $0x0  }
0x19: {  	s7 =	sld [smem:$0x3F97]  }
0x1a: {  	s8 =	sadd.s32 $0xFFFFE003, lr  }
0x1b: {  	s9 =	sadd.s32 $0xFFFFFEF7, lr;
	s5 =	simm.s32 $0xFFFFFFFF;
	p2 =	slt.u32 s8, $0xFFFFF086  }
0x1c: {  	p1 =	slt.u32 s9, $0xF7A;
	s5 =	simm.s32 @!p2 $0x0  }
0x1d: {  	s5 =	simm.s32 @p1 $0x1;
	p0 =	seq.s32 s7, s2  }
0x1e: {  	s7 =	smul.u32 @!p0 $0xF7A, s2;
	p2 =	seq.s32 @!p0 s5, $0x0  }
0x1f: {  	s9 =	smul.u32 $0xF7A, s1;
	s8 =	simm.s32 @!p0 $0x1BF5;
	p2 =	por !p2, p0  }
0x20: {  	[sflag:s8] =	ssyncset.s32 @!p0 $0xFFFFF086;
	s6 =	sadd.s32 @!p0 s3, s7;
	s7 =	simm.s32 @!p0 $0x108  }
0x21: {  	s3 =	sadd.s32 s3, s9;
	s6 =	sadd.s32 @!p0 $0x88, s6;
	s7 =	simm.s32 @p2 $0x1082  }
0x22: {  	[simem:s7], [sflag:s8] =	dma.local @!p0 [hbm:s6], $0xF7A  }
0x23: {  	s9 =	sor.u32 $0xD0000000, s2;
	s6 =	simm.s32 $0x108;
	_ =	swait.ge @!p0 [sflag:s8], $0x0  }
0x24: {  	s3 =	sadd.s32 $0x88, s3;
	s6 =	simm.s32 @!p1 $0x1082;
	[sflag:s4] =	ssyncset.s32 $0xFFFFF086  }
0x25: {  	[simem:s6], [sflag:s4] =	dma.local [hbm:s3], $0xF7A  }
0x26: {  	[smem:$0x3F97] =	sst s1;
	(tag) =	ssettag s2;
	_ =	strace s9  }
0x27: {  	s1 =	sld [smem:$0x3FA7]  }
0x28: {  	s2 =	sld [smem:$0x3FA8]  }
0x29: {  	s4 =	sld [smem:$0x3FAA]  }
0x2a: {  	p0 =	seq.s32 s5, $0x0;
	s5 =	sld [smem:$0x3FAB]  }
0x2b: {  	s6 =	sld [smem:$0x3FAC]  }
0x2c: {  	s7 =	sld [smem:$0x3FAD]  }
0x2d: {  	s3 =	simm.s32 $0x108;
	s8 =	sld [smem:$0x3FAE]  }
0x2e: {  	s3 =	simm.s32 @!p0 $0x1082;
	s9 =	sld [smem:$0x3FAF]  }
0x2f: {  	lr =	sadd.s32 s0, s3;
	s0 =	sld [smem:$0x3FA6]  }
0x30: {  	s3 =	sld [smem:$0x3FA9]  }
0x31: {  	[smem:$0x3FB2] =	sst s10  }
0x32: {  	s10 =	sld [smem:$0x3FB0];
	_ =	sdelay $0x3  }
0x33: {  	p0 =	seq.s32 s10, $0x1;
	s10 =	sld [smem:$0x3FB2];
	_ =	sdelay $0x3  }
0x34: {  	[smem:$0x3FB2] =	sst s10  }
0x35: {  	s10 =	sld [smem:$0x3FB1];
	_ =	sdelay $0x3  }
0x36: {  	p1 =	seq.s32 s10, $0x1;
	s10 =	sld [smem:$0x3FB2];
	_ =	sdelay $0x3  }
0x37: {  	[smem:$0x3FB2] =	sst s10  }
0x38: {  	s10 =	sld [smem:$0x3FB3]  }
0x39: {  	_ = 	snop;
	(pc) =	sbr.ind lr, $3  }
0x3a: {  	_ = 	snop  }
0x3b: {  	_ = 	snop  }
0x3c: {  	p2 =	seq.s32 s10, $0x1;
	s10 =	sld [smem:$0x3FB2]  }
0x3d: {  	_ =	shalt  }
0x3e: {  	_ =	shalt  }
0x3f: {  	_ =	shalt  }
0x40: {  	_ =	shalt  }
0x41: {  	_ =	shalt  }
0x42: {  	_ =	shalt  }
0x43: {  	_ =	shalt  }
0x44: {  	_ =	shalt  }
0x45: {  	_ =	shalt  }
0x46: {  	_ =	shalt  }
0x47: {  	_ =	shalt  }
0x48: {  	_ =	shalt  }
0x49: {  	_ =	shalt  }
0x4a: {  	_ =	shalt  }
0x4b: {  	_ =	shalt  }
0x4c: {  	_ =	shalt  }
0x4d: {  	_ =	shalt  }
0x4e: {  	_ =	shalt  }
0x4f: {  	_ =	shalt  }
0x50: {  	_ =	shalt  }
0x51: {  	_ =	shalt  }
0x52: {  	_ =	shalt  }
0x53: {  	_ =	shalt  }
0x54: {  	_ =	shalt  }
0x55: {  	_ =	shalt  }
0x56: {  	_ =	shalt  }
0x57: {  	_ =	shalt  }
0x58: {  	_ =	shalt  }
0x59: {  	_ =	shalt  }
0x5a: {  	_ =	shalt  }
0x5b: {  	_ =	shalt  }
0x5c: {  	_ =	shalt  }
0x5d: {  	_ =	shalt  }
0x5e: {  	_ =	shalt  }
0x5f: {  	_ =	shalt  }
0x60: {  	_ =	shalt  }
0x61: {  	_ =	shalt  }
0x62: {  	_ =	shalt  }
0x63: {  	_ =	shalt  }
0x64: {  	_ =	shalt  }
0x65: {  	_ =	shalt  }
0x66: {  	_ =	shalt  }
0x67: {  	_ =	shalt  }
0x68: {  	_ =	shalt  }
0x69: {  	_ =	shalt  }
0x6a: {  	_ =	shalt  }
0x6b: {  	_ =	shalt  }
0x6c: {  	_ =	shalt  }
0x6d: {  	_ =	shalt  }
0x6e: {  	_ =	shalt  }
0x6f: {  	_ =	shalt  }
0x70: {  	_ =	shalt  }
0x71: {  	_ =	shalt  }
0x72: {  	_ =	shalt  }
0x73: {  	_ =	shalt  }
0x74: {  	_ =	shalt  }
0x75: {  	_ =	shalt  }
0x76: {  	_ =	shalt  }
0x77: {  	_ =	shalt  }
0x78: {  	_ =	shalt  }
0x79: {  	_ =	shalt  }
0x7a: {  	_ =	shalt  }
0x7b: {  	_ =	shalt  }
0x7c: {  	_ =	shalt  }
0x7d: {  	_ =	shalt  }
0x7e: {  	_ =	shalt  }
0x7f: {  	_ =	shalt  }
0x80: {  	_ =	shalt  }
0x81: {  	_ =	shalt  }
0x82: {  	_ =	shalt  }
0x83: {  	_ =	shalt  }
0x84: {  	_ =	shalt  }
0x85: {  	_ =	shalt  }
0x86: {  	_ =	shalt  }
0x87: {  	_ =	shalt  }
.Lfunc_end0:
.L_simem_size_0:
called_computation_lowered:
.L_overlay_start_0:
0x88: {  	s2 =	sld [smem:$0x3FD9]  }
0x89: {  	s3 =	sld [smem:$0x3FFE];
	_ =	sdelay $0x1  }
0x8a: {  	s1 =	srdreg.scid  }
0x8b: {  	s0 =	sand.u32 $0x1, s1  }
0x8c: {  	s17 =	sshll.u32 s0, $0xA;
	s2 =	sadd.s32 s3, s2  }
0x8d: {  	s2 =	sadd.s32 s2, s17  }
0x8e: {  	[smem:$0x3FBE] =	sst s2  }
0x8f: {  	_ = 	snop  }
0x90: {  	s2 =	sld [smem:$0x3FD0];
	(tm) =	ssettm $0x1  }
0x91: {  	s18 =	sld [smem:$0x3FFB];
	_ =	sdelay $0x3  }
0x92: {  	_ =	strace s18  }
0x93: {  	s3 =	sld [smem:$0x3FFC];
	_ =	sdelay $0x3  }
0x94: {  	_ =	strace s3  }
0x95: {  	s3 =	sld [smem:$0x3FFD];
	_ =	sdelay $0x3  }
0x96: {  	_ =	strace s3  }
0x97: {  	_ =	strace $0x8FFFFFFF  }
0x98: {  	s19 =	sld [smem:$0x3FDB];
	_ =	sdelay $0x1  }
0x99: {  	s4 =	simm.s32 $_scs_section_size  }
0x9a: {  	s5 =	simm.s32 $_size__tile_overlayer_lowered;
	s6 =	simm.s32 $_tile_overlayer_lowered  }
0x9b: {  	s22 =	simm.s32 $0x1BFF;
	s21 =	sshll.u32 s6, $0x1;
	s3 =	sadd.s32 s4, s19  }
0x9c: {  	s7 =	simm.s32 $0x0;
	s20 =	sshll.u32 s5, $0x1;
	s5 =	sadd.s32 s21, s3  }
0x9d: {  	[timem:s7], [sflag:s22] =	dma.local [hbm:s5], s20  }
0x9e: {  	_ =	swait.ge [sflag:s22], s20  }
0x9f: {  	s4 =	ssub.s32 $0x0, s20;
	[sflag:s22] =	ssyncset.done $0x0  }
0xa0: {  	[sflag:s22] =	ssyncadd.s32 s4;
	_ =	sdelay $0x1  }
0xa1: {  	s23 =	simm.s32 $0x1B8B  }
0xa2: {  	_ =	swait.ge [sflag:s23], $0x1  }
0xa3: {  	[sflag:s23] =	ssyncset.done $0x0  }
0xa4: {  	s25 =	simm.s32 $0x1B8E;
	s24 =	sld [smem:$0x3FFE];
	[sflag:s23] =	ssyncadd.s32 $0xFFFFFFFF  }
0xa5: {  	s26 =	simm.s32 $execute0_lowered;
	[smem:$0x3FD2] =	sst s25  }
0xa6: {  	s5 =	sshll.u32 s26, $0x1;
	_ =	strace $0x80000046;
	[dreg:$0x1] =	wrdreg $0xFFFFFFFF  }
0xa7: {  	s28 =	simm.s32 $_size_execute0_lowered;
	s3 =	sadd.s32 s3, s5;
	[dreg:$0x0] =	wrdreg $0x0  }
0xa8: {  	s5 =	sshll.u32 s28, $0x1;
	[dreg:$0x2] =	wrdreg s3  }
0xa9: {  	[dreg:$0x3] =	wrdreg s5  }
0xaa: {  	[dreg:$0x4] =	wrdreg $0xC0  }
0xab: {  	_ =	task [dreg:s7], $0x5FFFF  }
0xac: {  	[dreg:$0x1] =	wrdreg $0xFFFFFFFF  }
0xad: {  	[dreg:$0x0] =	wrdreg $0x60  }
0xae: {  	[dreg:$0x2] =	wrdreg s2  }
0xaf: {  	[dreg:$0x3] =	wrdreg s24  }
0xb0: {  	[dreg:$0x4] =	wrdreg $0xA3000  }
0xb1: {  	[dreg:$0x5] =	wrdreg $0x9  }
0xb2: {  	_ =	task.clear_ibuf [dreg:s7], $0x6FFFF;
	_ =	strace $0x90000046  }
0xb3: {  	s29 =	simm.s32 $0x9;
	_ =	strace $0x80000048  }
0xb4: {  	_ =	swait.ge [sflag:s29], $0x1  }
0xb5: {  	[sflag:s29] =	ssyncadd.s32 $0xFFFFFFFF  }
0xb6: {  	_ =	strace $0x90000048  }
0xb7: {  	_ =	sfence  }
0xb8: {  	s30 =	sld [smem:$0x0];
	_ =	sdelay $0x2  }
0xb9: {  	s31 =	sshll.u32 s1, $0xD;
	s1 =	sshrl.u32 s1, $0x2  }
0xba: {  	s3 =	sand.u32 $0x4000, s31;
	s1 =	sadd.s32 s1, s30  }
0xbb: {  	s0 =	sor.u32 s3, s0;
	s1 =	sshll.u32 s1, $0x11  }
0xbc: {  	s0 =	sor.u32 s1, s0  }
0xbd: {  	s0 =	sadd.s32 $0x8F2B, s0  }
0xbe: {  	[sflag:s0] =	ssyncadd.remote.s32 $0x1  }
0xbf: {  	_ =	sfence.sel $0xFFFF  }
0xc0: {  	[dreg:$0x0] =	wrdreg $0xFFFFFFFF;
	(pc) =	sbr.abs _section_cstart, $3  }
0xc1: {  	[dreg:$0x1] =	wrdreg $0xFFFFFFFF  }
0xc2: {  	_ =	task.clear_ibuf [dreg:s7], $0x2FFFF;
	_ =	strace $0x9FFFFFFF  }
0xc3: {  	(tm) =	ssettm $0x7FFFFFFF  }
tec
execute0_lowered:
.L_overlay_start_1:
0x0: {  	(tag) =	ssettag $0x1  }
0x1: {  	s1 =	rddreg [dreg:$0x0]  }
0x2: {  	s4 =	rddreg [dreg:$0x1]  }
0x3: {  	s2 =	rddreg [dreg:$0x2]  }
0x4: {  	s3 =	simm.s32 $0x0;
	s0 =	srdreg.scid;
	s24 =	stileid.u32  }
0x5: {  	s28 =	simm.s32 $0x80;
	s29 =	simm.s32 $0x180;
	s30 =	simm.s32 $0x2B00  }
0x6: {  	s31 =	simm.s32 $0x2;
	s6 =	sand.u32 $0x1, s0;
	s10 =	smul.u32 $0x50, s24  }
0x7: {  	[smem:$0x7FF] =	sst s3;
	s9 =	sor.u32 $0x10, s24;
	s8 =	smul.u32 $0x2710, s6  }
0x8: {  	s5 =	sadd.s32 $0x9D9400, s4;
	s12 =	sor.u32 $0x20, s24;
	s13 =	smul.u32 $0x50, s9  }
0x9: {  	s7 =	sadd.s32 $0x1800, s4;
	s16 =	sor.u32 $0x40, s24;
	s14 =	smul.u32 $0x50, s12  }
0xa: {  	s15 =	sshll.u32 s24, $0x1;
	s18 =	sor.u32 $0x50, s24;
	s26 =	smul.u32 $0x50, s16  }
0xb: {  	s19 =	sor.u32 $0x60, s24;
	s20 =	sor.u32 $0x70, s24;
	s21 =	smul.u32 $0x50, s18  }
0xc: {  	p0 =	sgt.u32 s24, $0xC;
	s0 =	ssub.s32 $0x2, s6;
	s22 =	smul.u32 $0x50, s19  }
0xd: {  	_ =	strace $0x80000047;
	s23 =	smul.u32 $0x50, s20;
	s11 =	sshrl.u32 s0, $0x1  }
0xe: {  	s6 =	sor.u32 s6, s15;
	s9 =	smul.u32 $0xA000, s9;
	s0 =	ssub.s32 s0, s11  }
0xf: {  	s11 =	sor.u32 $0x30, s24;
	s10 =	sadd.s32 s10, s8;
	s13 =	sadd.s32 s8, s13  }
0x10: {  	s14 =	sadd.s32 s8, s14;
	s15 =	sadd.s32 s8, s26;
	s21 =	sadd.s32 s8, s21  }
0x11: {  	s22 =	sadd.s32 s8, s22;
	s17 =	smul.u32 $0x50, s11;
	s10 =	sshll.u32 s10, $0x4  }
0x12: {  	s13 =	sshll.u32 s13, $0x4;
	s25 =	sshll.u32 s14, $0x4;
	s10 =	sadd.s32 s7, s10  }
0x13: {  	s17 =	sadd.s32 s8, s17;
	s8 =	sadd.s32 s8, s23;
	s23 =	smul.u32 $0xA000, s24  }
0x14: {  	[dreg:$0x4] =	wrdreg s10;
	s10 =	sadd.s32 s7, s13;
	s13 =	smul.u32 $0xA000, s11  }
0x15: {  	s21 =	sshll.u32 s21, $0x4;
	s0 =	smax.u32 s0, $0x1;
	s11 =	smul.u32 $0x2710, s6  }
0x16: {  	[dreg:$0x1d] =	wrdreg s0;
	s0 =	simm.s32 $0x7B00;
	s6 =	smul.u32 $0x27100, s6  }
0x17: {  	s24 =	simm.s32 $0x300;
	[dreg:$0x5] =	wrdreg s10;
	s26 =	sshll.u32 s17, $0x4  }
0x18: {  	s10 =	sadd.s32 s7, s25;
	s17 =	sshll.u32 s15, $0x4;
	s25 =	sshll.u32 s22, $0x4  }
0x19: {  	s8 =	sshll.u32 s8, $0x4;
	s15 =	sadd.s32 $0x9C5800, s4;
	[dreg:$0x6] =	wrdreg s10  }
0x1a: {  	s14 =	sadd.s32 s7, s26;
	s10 =	sadd.s32 s7, s17;
	s26 =	sadd.s32 s7, s25  }
0x1b: {  	s17 =	sshrl.u32 s9, $0x2;
	s25 =	sshrl.u32 s13, $0x2;
	[dreg:$0x7] =	wrdreg s14  }
0x1c: {  	s6 =	sadd.s32 s5, s6;
	[dreg:$0x8] =	wrdreg s10;
	s10 =	sadd.s32 s7, s21  }
0x1d: {  	[dreg:$0xa] =	wrdreg s26;
	s7 =	sadd.s32 s7, s8;
	s21 =	smul.u32 $0xA000, s16  }
0x1e: {  	s14 =	sadd.s32 $0x9CF600, s4;
	s26 =	smul.u32 $0xA000, s19;
	[dreg:$0x16] =	wrdreg s6  }
0x1f: {  	s19 =	sadd.s32 $0x50, s11;
	[dreg:$0x9] =	wrdreg s10;
	s10 =	smul.u32 $0xA000, s12  }
0x20: {  	[dreg:$0xb] =	wrdreg s7;
	s12 =	sshrl.u32 s23, $0x2;
	s23 =	smul.u32 $0xA000, s18  }
0x21: {  	s4 =	sadd.s32 s12, s2;
	s9 =	sshrl.u32 s21, $0x2;
	s8 =	sshrl.u32 s26, $0x2  }
0x22: {  	[dreg:$0xc] =	wrdreg s4;
	s4 =	sadd.s32 s17, s2;
	s22 =	sshrl.u32 s10, $0x2  }
0x23: {  	s10 =	smul.u32 $0xA000, s20;
	s13 =	sadd.s32 s8, s2;
	[dreg:$0xd] =	wrdreg s4  }
0x24: {  	s7 =	sshrl.u32 s23, $0x2;
	s4 =	sadd.s32 s22, s2;
	[dreg:$0x12] =	wrdreg s13  }
0x25: {  	s17 =	sshrl.u32 s11, $0x3;
	s12 =	sadd.s32 s7, s2;
	[dreg:$0xe] =	wrdreg s4  }
0x26: {  	s20 =	sshrl.u32 s19, $0x3;
	s18 =	sadd.s32 s14, s17;
	[dreg:$0x11] =	wrdreg s12  }
0x27: {  	s8 =	sadd.s32 $0x190, s11;
	s7 =	sadd.s32 s15, s17;
	[dreg:$0x14] =	wrdreg s18  }
0x28: {  	s21 =	sadd.s32 s14, s20;
	s22 =	sadd.s32 $0xA0, s11;
	[dreg:$0x15] =	wrdreg s7  }
0x29: {  	s6 =	sadd.s32 s15, s20;
	s13 =	simm.s32 $0x100;
	[dreg:$0x17] =	wrdreg s21  }
0x2a: {  	s4 =	sadd.s32 s25, s2;
	s16 =	sshrl.u32 s10, $0x2;
	[dreg:$0x18] =	wrdreg s6  }
0x2b: {  	s23 =	sshrl.u32 s22, $0x3;
	s26 =	sshll.u32 s22, $0x4;
	s6 =	sadd.s32 $0xF0, s11  }
0x2c: {  	s7 =	sadd.s32 $0x140, s11;
	s12 =	simm.s32 $0x3;
	s10 =	simm.s32 $0x280  }
0x2d: {  	[dreg:$0xf] =	wrdreg s4;
	s4 =	sadd.s32 s9, s2;
	s25 =	sadd.s32 s14, s23  }
0x2e: {  	s9 =	sadd.s32 $0x1E0, s11;
	[dreg:$0x10] =	wrdreg s4;
	s4 =	sadd.s32 s16, s2  }
.Ltmp0:
0x2f: {  	[dreg:$0x13] =	wrdreg s4;
	s4 =	sshll.u32 s19, $0x4;
	(pc) =	sbr.rel .LBB2_1-.Ltmp0, $4  }
0x30: {  	s11 =	simm.s32 $0x5300;
	[dreg:$0x1a] =	wrdreg s25;
	s4 =	sadd.s32 s5, s4  }
0x31: {  	s25 =	simm.s32 $0x1;
	[dreg:$0x19] =	wrdreg s4;
	s4 =	sadd.s32 s15, s23  }
0x32: {  	s16 =	simm.s32 $0x0;
	[dreg:$0x1b] =	wrdreg s4;
	s4 =	sadd.s32 s5, s26  }
0x33: {  	v0 =	vimm.f32 $0.0e+00;
	s26 =	simm.s32 $0x50;
	[dreg:$0x1c] =	wrdreg s4;
	s4 =	simm.s32 $0x200  }
.LBB2_16:
0x34: {  	[spmem:s2] =	stream.indirect.scatter.add.f32 [tilespmem:s11], [sflag:$0x3], $0x80, s13, s26, $0xb8;
	[tilespmem:$0x1DB80] =	vst v63  }
0x35: {  	_ =	swait.ge [sflag:s12], $0x2800  }
0x36: {  	[sflag:s12] =	ssyncset.done $0x0  }
0x37: {  	[sflag:s12] =	ssyncadd.s32 $0xFFFFD800  }
0x38: {  	[bflag:$0x0] =	sbarrier.arrive $0xFFFF  }
0x39: {  	s17 =	rddreg [dreg:$0xc]  }
0x3a: {  	[tilespmem:s11], [sflag:$0x3] =	stream.linear.gather [spmem:s17], $0x2800, $0x38;
	[tilespmem:$0x1DB80] =	vst v63  }
0x3b: {  	_ =	swait.ge [sflag:s12], $0x2800  }
0x3c: {  	[sflag:s12] =	ssyncset.done $0x0  }
0x3d: {  	s22 =	rddreg [dreg:$0x4];
	[sflag:s12] =	ssyncadd.s32 $0xFFFFD800  }
0x3e: {  	[hbm4b:s22+s3] =	stream.linear.scatter [tilespmem:s11], [sflag:$0x3], $0x2800, $0x38;
	[tilespmem:$0x1DB80] =	vst v63  }
0x3f: {  	_ =	swait.ge [sflag:s12], $0x2800  }
0x40: {  	[sflag:s12] =	ssyncset.done $0x0  }
0x41: {  	s23 =	rddreg [dreg:$0xd];
	[sflag:s12] =	ssyncadd.s32 $0xFFFFD800  }
0x42: {  	[tilespmem:s11], [sflag:$0x3] =	stream.linear.gather [spmem:s23], $0x2800, $0x38;
	[tilespmem:$0x1DB80] =	vst v63  }
0x43: {  	_ =	swait.ge [sflag:s12], $0x2800  }
0x44: {  	[sflag:s12] =	ssyncset.done $0x0  }
0x45: {  	s18 =	rddreg [dreg:$0x5];
	[sflag:s12] =	ssyncadd.s32 $0xFFFFD800  }
0x46: {  	[hbm4b:s18+s3] =	stream.linear.scatter [tilespmem:s11], [sflag:$0x3], $0x2800, $0x38;
	[tilespmem:$0x1DB80] =	vst v63  }
0x47: {  	_ =	swait.ge [sflag:s12], $0x2800  }
0x48: {  	[sflag:s12] =	ssyncset.done $0x0  }
0x49: {  	s19 =	rddreg [dreg:$0xe];
	[sflag:s12] =	ssyncadd.s32 $0xFFFFD800  }
0x4a: {  	[tilespmem:s11], [sflag:$0x3] =	stream.linear.gather [spmem:s19], $0x2800, $0x38;
	[tilespmem:$0x1DB80] =	vst v63  }
0x4b: {  	_ =	swait.ge [sflag:s12], $0x2800  }
0x4c: {  	[sflag:s12] =	ssyncset.done $0x0  }
0x4d: {  	s20 =	rddreg [dreg:$0x6];
	[sflag:s12] =	ssyncadd.s32 $0xFFFFD800  }
0x4e: {  	[hbm4b:s20+s3] =	stream.linear.scatter [tilespmem:s11], [sflag:$0x3], $0x2800, $0x38;
	[tilespmem:$0x1DB80] =	vst v63  }
0x4f: {  	_ =	swait.ge [sflag:s12], $0x2800  }
0x50: {  	[sflag:s12] =	ssyncset.done $0x0  }
0x51: {  	s21 =	rddreg [dreg:$0xf];
	[sflag:s12] =	ssyncadd.s32 $0xFFFFD800  }
0x52: {  	[tilespmem:s11], [sflag:$0x3] =	stream.linear.gather [spmem:s21], $0x2800, $0x38;
	[tilespmem:$0x1DB80] =	vst v63  }
0x53: {  	_ =	swait.ge [sflag:s12], $0x2800  }
0x54: {  	[sflag:s12] =	ssyncset.done $0x0  }
0x55: {  	s22 =	rddreg [dreg:$0x7];
	[sflag:s12] =	ssyncadd.s32 $0xFFFFD800  }
0x56: {  	[hbm4b:s22+s3] =	stream.linear.scatter [tilespmem:s11], [sflag:$0x3], $0x2800, $0x38;
	[tilespmem:$0x1DB80] =	vst v63  }
0x57: {  	_ =	swait.ge [sflag:s12], $0x2800  }
0x58: {  	[sflag:s12] =	ssyncset.done $0x0  }
0x59: {  	s23 =	rddreg [dreg:$0x10];
	[sflag:s12] =	ssyncadd.s32 $0xFFFFD800  }
0x5a: {  	[tilespmem:s11], [sflag:$0x3] =	stream.linear.gather [spmem:s23], $0x2800, $0x38;
	[tilespmem:$0x1DB80] =	vst v63  }
0x5b: {  	_ =	swait.ge [sflag:s12], $0x2800  }
0x5c: {  	[sflag:s12] =	ssyncset.done $0x0  }
0x5d: {  	s18 =	rddreg [dreg:$0x8];
	[sflag:s12] =	ssyncadd.s32 $0xFFFFD800  }
0x5e: {  	[hbm4b:s18+s3] =	stream.linear.scatter [tilespmem:s11], [sflag:$0x3], $0x2800, $0x38;
	[tilespmem:$0x1DB80] =	vst v63  }
0x5f: {  	_ =	swait.ge [sflag:s12], $0x2800  }
0x60: {  	[sflag:s12] =	ssyncset.done $0x0  }
0x61: {  	s19 =	rddreg [dreg:$0x11];
	[sflag:s12] =	ssyncadd.s32 $0xFFFFD800  }
0x62: {  	[tilespmem:s11], [sflag:$0x3] =	stream.linear.gather [spmem:s19], $0x2800, $0x38;
	[tilespmem:$0x1DB80] =	vst v63  }
0x63: {  	_ =	swait.ge [sflag:s12], $0x2800  }
0x64: {  	[sflag:s12] =	ssyncset.done $0x0  }
0x65: {  	s20 =	rddreg [dreg:$0x9];
	[sflag:s12] =	ssyncadd.s32 $0xFFFFD800  }
0x66: {  	[hbm4b:s20+s3] =	stream.linear.scatter [tilespmem:s11], [sflag:$0x3], $0x2800, $0x38;
	[tilespmem:$0x1DB80] =	vst v63  }
0x67: {  	_ =	swait.ge [sflag:s12], $0x2800  }
0x68: {  	[sflag:s12] =	ssyncset.done $0x0  }
0x69: {  	s21 =	rddreg [dreg:$0x12];
	[sflag:s12] =	ssyncadd.s32 $0xFFFFD800  }
0x6a: {  	[tilespmem:s11], [sflag:$0x3] =	stream.linear.gather [spmem:s21], $0x2800, $0x38;
	[tilespmem:$0x1DB80] =	vst v63  }
0x6b: {  	_ =	swait.ge [sflag:s12], $0x2800  }
0x6c: {  	[sflag:s12] =	ssyncset.done $0x0  }
0x6d: {  	s22 =	rddreg [dreg:$0xa];
	[sflag:s12] =	ssyncadd.s32 $0xFFFFD800  }
0x6e: {  	[hbm4b:s22+s3] =	stream.linear.scatter [tilespmem:s11], [sflag:$0x3], $0x2800, $0x38;
	[tilespmem:$0x1DB80] =	vst v63  }
0x6f: {  	_ =	swait.ge [sflag:s12], $0x2800  }
0x70: {  	[sflag:s12] =	ssyncset.done $0x0  }
0x71: {  	s17 =	simm.s32 @!p0 $0x5300;
	s18 =	rddreg [dreg:$0x13];
	[sflag:s12] =	ssyncadd.s32 $0xFFFFD800  }
0x72: {  	[tilespmem:s17], [sflag:$0x3] =	stream.linear.gather @!p0 [spmem:s18], $0x2800, $0x38;
	[tilespmem:$0x1DB80] =	vst v63  }
0x73: {  	s18 =	simm.s32 @!p0 $0x3  }
0x74: {  	_ =	swait.ge @!p0 [sflag:s18], $0x2800  }
0x75: {  	[sflag:s18] =	ssyncset.done @!p0 $0x0  }
0x76: {  	s19 =	simm.s32 @!p0 $0x0;
	s20 =	rddreg [dreg:$0xb];
	[sflag:s18] =	ssyncadd.s32 @!p0 $0xFFFFD800  }
0x77: {  	[hbm4b:s20+s19] =	stream.linear.scatter @!p0 [tilespmem:s17], [sflag:$0x3], $0x2800, $0x38;
	[tilespmem:$0x1DB80] =	vst v63  }
0x78: {  	_ =	swait.ge @!p0 [sflag:s18], $0x2800  }
0x79: {  	s16 =	sadd.s32 $0x1, s16;
	s23 =	rddreg [dreg:$0x1d]  }
0x7a: {  	p1 =	sne.s32 s16, s23  }
.Ltmp1:
0x7b: {  	_ = 	snop;
	(pc) =	sbr.rel @!p1 .LBB2_17-.Ltmp1, $3  }
0x7c: {  	_ =	sdelay $0x1  }
0x7d: {  	[sflag:s18] =	ssyncset.done @!p0 $0x0  }
0x7e: {  	[sflag:s18] =	ssyncadd.s32 @!p0 $0xFFFFD800  }
.LBB2_1:
0x7f: {  	s17 =	simm.s32 $0x0;
	s18 =	simm.s32 $0x200  }
.LBB2_2:
0x80: {  	p1 =	sne.s32 s18, $0x9E00;
	[tilespmem:s17+$0x5370] =	vst v0  }
0x81: {  	[tilespmem:s17+$0x5300] =	vst v0  }
0x82: {  	[tilespmem:s17+$0x5310] =	vst v0  }
.Ltmp2:
0x83: {  	[tilespmem:s17+$0x5320] =	vst v0;
	(pc) =	sbr.rel @p1 .LBB2_2-.Ltmp2, $4  }
0x84: {  	[tilespmem:s17+$0x5330] =	vst v0  }
0x85: {  	[tilespmem:s17+$0x5340] =	vst v0  }
0x86: {  	[tilespmem:s17+$0x5350] =	vst v0  }
0x87: {  	[tilespmem:s17+$0x5360] =	vst v0;
	s17 =	sshra.s32 s18, $0x2;
	s18 =	sadd.s32 $0x200, s18  }
0x88: {  	[tilespmem:s17+$0x5370] =	vst v0  }
0x89: {  	[tilespmem:s17+$0x5300] =	vst v0  }
0x8a: {  	[tilespmem:s17+$0x5310] =	vst v0  }
0x8b: {  	[tilespmem:s17+$0x5320] =	vst v0  }
0x8c: {  	[tilespmem:s17+$0x5330] =	vst v0  }
0x8d: {  	[tilespmem:s17+$0x5340] =	vst v0  }
0x8e: {  	[tilespmem:s17+$0x5350] =	vst v0  }
0x8f: {  	[tilespmem:s17+$0x5360] =	vst v0;
	s22 =	rddreg [dreg:$0xc]  }
0x90: {  	[spmem:s22] =	stream.linear.scatter [tilespmem:s11], [sflag:$0x3], $0x2800, $0x38;
	[tilespmem:$0x1DB80] =	vst v63  }
0x91: {  	_ =	swait.ge [sflag:s12], $0x2800  }
0x92: {  	[sflag:s12] =	ssyncset.done $0x0  }
0x93: {  	s23 =	rddreg [dreg:$0xd];
	[sflag:s12] =	ssyncadd.s32 $0xFFFFD800  }
0x94: {  	[spmem:s23] =	stream.linear.scatter [tilespmem:s11], [sflag:$0x3], $0x2800, $0x38;
	[tilespmem:$0x1DB80] =	vst v63  }
0x95: {  	_ =	swait.ge [sflag:s12], $0x2800  }
0x96: {  	[sflag:s12] =	ssyncset.done $0x0  }
0x97: {  	s18 =	rddreg [dreg:$0xe];
	[sflag:s12] =	ssyncadd.s32 $0xFFFFD800  }
0x98: {  	[spmem:s18] =	stream.linear.scatter [tilespmem:s11], [sflag:$0x3], $0x2800, $0x38;
	[tilespmem:$0x1DB80] =	vst v63  }
0x99: {  	_ =	swait.ge [sflag:s12], $0x2800  }
0x9a: {  	[sflag:s12] =	ssyncset.done $0x0  }
0x9b: {  	s19 =	rddreg [dreg:$0xf];
	[sflag:s12] =	ssyncadd.s32 $0xFFFFD800  }
0x9c: {  	[spmem:s19] =	stream.linear.scatter [tilespmem:s11], [sflag:$0x3], $0x2800, $0x38;
	[tilespmem:$0x1DB80] =	vst v63  }
0x9d: {  	_ =	swait.ge [sflag:s12], $0x2800  }
0x9e: {  	[sflag:s12] =	ssyncset.done $0x0  }
0x9f: {  	s20 =	rddreg [dreg:$0x10];
	[sflag:s12] =	ssyncadd.s32 $0xFFFFD800  }
0xa0: {  	[spmem:s20] =	stream.linear.scatter [tilespmem:s11], [sflag:$0x3], $0x2800, $0x38;
	[tilespmem:$0x1DB80] =	vst v63  }
0xa1: {  	_ =	swait.ge [sflag:s12], $0x2800  }
0xa2: {  	[sflag:s12] =	ssyncset.done $0x0  }
0xa3: {  	s21 =	rddreg [dreg:$0x11];
	[sflag:s12] =	ssyncadd.s32 $0xFFFFD800  }
0xa4: {  	[spmem:s21] =	stream.linear.scatter [tilespmem:s11], [sflag:$0x3], $0x2800, $0x38;
	[tilespmem:$0x1DB80] =	vst v63  }
0xa5: {  	_ =	swait.ge [sflag:s12], $0x2800  }
0xa6: {  	[sflag:s12] =	ssyncset.done $0x0  }
0xa7: {  	s22 =	rddreg [dreg:$0x12];
	[sflag:s12] =	ssyncadd.s32 $0xFFFFD800  }
0xa8: {  	[spmem:s22] =	stream.linear.scatter [tilespmem:s11], [sflag:$0x3], $0x2800, $0x38;
	[tilespmem:$0x1DB80] =	vst v63  }
0xa9: {  	_ =	swait.ge [sflag:s12], $0x2800  }
0xaa: {  	[sflag:s12] =	ssyncset.done $0x0  }
0xab: {  	s17 =	simm.s32 @!p0 $0x5300;
	s18 =	rddreg [dreg:$0x13];
	[sflag:s12] =	ssyncadd.s32 $0xFFFFD800  }
0xac: {  	[spmem:s18] =	stream.linear.scatter @!p0 [tilespmem:s17], [sflag:$0x3], $0x2800, $0x38;
	[tilespmem:$0x1DB80] =	vst v63  }
0xad: {  	s17 =	simm.s32 @!p0 $0x3  }
0xae: {  	_ =	swait.ge @!p0 [sflag:s17], $0x2800  }
0xaf: {  	[sflag:s17] =	ssyncset.done @!p0 $0x0  }
0xb0: {  	[sflag:s17] =	ssyncadd.s32 @!p0 $0xFFFFD800  }
0xb1: {  	[bflag:$0x0] =	sbarrier.arrive $0xFFFF  }
0xb2: {  	s17 =	simm.s32 $0x0;
	s23 =	rddreg [dreg:$0x14]  }
0xb3: {  	[tilespmem:s17], [sflag:$0x1] =	stream.linear.gather [hbm4b:s23+s17], $0x50, $0x38;
	[tilespmem:$0x1DB80] =	vst v63  }
0xb4: {  	s19 =	rddreg [dreg:$0x15]  }
0xb5: {  	[tilespmem:s13], [sflag:$0x1] =	stream.linear.gather [hbm4b:s19+s17], $0x50, $0x38;
	[tilespmem:$0x1DB80] =	vst v63  }
0xb6: {  	s20 =	rddreg [dreg:$0x16]  }
0xb7: {  	[tilespmem:s24], [sflag:$0x1] =	stream.linear.gather [hbm4b:s20+s17], $0x2800, $0x38;
	[tilespmem:$0x1DB80] =	vst v63  }
0xb8: {  	_ =	swait.ge [sflag:s25], $0x50  }
0xb9: {  	[sflag:s25] =	ssyncset.done $0x0  }
0xba: {  	[sflag:s25] =	ssyncadd.s32 $0xFFFFFFB0  }
0xbb: {  	_ =	swait.ge [sflag:s25], $0x50  }
0xbc: {  	[sflag:s25] =	ssyncset.done $0x0  }
0xbd: {  	[sflag:s25] =	ssyncadd.s32 $0xFFFFFFB0  }
0xbe: {  	_ =	swait.ge [sflag:s25], $0x2800  }
0xbf: {  	[sflag:s25] =	ssyncset.done $0x0  }
0xc0: {  	[sflag:s25] =	ssyncadd.s32 $0xFFFFD800  }
0xc1: {  	[tilespmem:s11], [sflag:$0x2] =	stream.indirect.gather [hbm4b:s1+s26], $0x80, s17, s26, $0xb8;
	[tilespmem:$0x1DB80] =	vst v63  }
0xc2: {  	s21 =	rddreg [dreg:$0x17]  }
0xc3: {  	[tilespmem:s28], [sflag:$0x1] =	stream.linear.gather [hbm4b:s21+s17], $0x50, $0x38;
	[tilespmem:$0x1DB80] =	vst v63  }
0xc4: {  	s22 =	rddreg [dreg:$0x18]  }
0xc5: {  	[tilespmem:s29], [sflag:$0x1] =	stream.linear.gather [hbm4b:s22+s17], $0x50, $0x38;
	[tilespmem:$0x1DB80] =	vst v63  }
0xc6: {  	s23 =	rddreg [dreg:$0x19]  }
0xc7: {  	[tilespmem:s30], [sflag:$0x1] =	stream.linear.gather [hbm4b:s23+s17], $0x2800, $0x38;
	[tilespmem:$0x1DB80] =	vst v63  }
0xc8: {  	_ =	swait.ge [sflag:s31], $0x2800  }
0xc9: {  	[sflag:s31] =	ssyncset.done $0x0  }
0xca: {  	s17 =	simm.s32 $0x0;
	[sflag:s31] =	ssyncadd.s32 $0xFFFFD800  }
0xcb: {  	v5 =	vld [tilespmem:s17+$0x300]  }
0xcc: {  	v3 =	vld [tilespmem:s17+$0x310]  }
0xcd: {  	v2 =	vld [tilespmem:s17+$0x320]  }
0xce: {  	v1 =	vld [tilespmem:s17+$0x330]  }
0xcf: {  	v9 =	vld [tilespmem:s17+$0x5300]  }
0xd0: {  	v8 =	vld [tilespmem:s17+$0x5310]  }
0xd1: {  	v7 =	vld [tilespmem:s17+$0x5320]  }
0xd2: {  	v6 =	vld [tilespmem:s17+$0x5330]  }
0xd3: {  	v4 =	vld [tilespmem:s17+$0x5340];
	v11 =	vshll.u32 v5, $0x10  }
0xd4: {  	s18 =	simm.s32 $0x200;
	v10 =	vand.u32 $0xFFFF0000, v5;
	v5 =	vld [tilespmem:s17+$0x5350];
	v9 =	vmul.f32 v11, v9  }
.LBB2_4:
0xd5: {  	p1 =	sne.s32 s18, $0x9E00;
	v8 =	vmul.f32 v10, v8;
	v10 =	vshll.u32 v3, $0x10;
	v11 =	vld [tilespmem:s17+$0x5360]  }
0xd6: {  	s19 =	sshra.s32 s18, $0x2;
	v3 =	vand.u32 $0xFFFF0000, v3;
	[tilespmem:s17+$0x5300] =	vst v9;
	v7 =	vmul.f32 v10, v7;
	v9 =	vld [tilespmem:s17+$0x5370]  }
0xd7: {  	v10 =	vld [tilespmem:s19+$0x300];
	[tilespmem:s17+$0x5310] =	vst v8;
	v6 =	vmul.f32 v3, v6;
	v8 =	vshll.u32 v2, $0x10  }
0xd8: {  	v3 =	vld [tilespmem:s19+$0x310];
	[tilespmem:s17+$0x5320] =	vst v7;
	v7 =	vand.u32 $0xFFFF0000, v2;
	v4 =	vmul.f32 v8, v4  }
0xd9: {  	v2 =	vld [tilespmem:s19+$0x320];
	[tilespmem:s17+$0x5330] =	vst v6;
	v5 =	vmul.f32 v7, v5;
	v6 =	vshll.u32 v1, $0x10  }
0xda: {  	[tilespmem:s17+$0x5340] =	vst v4;
	v4 =	vand.u32 $0xFFFF0000, v1;
	v1 =	vld [tilespmem:s19+$0x330];
	v6 =	vmul.f32 v6, v11  }
0xdb: {  	v11 =	vld [tilespmem:s19+$0x5300];
	[tilespmem:s17+$0x5350] =	vst v5;
	v4 =	vmul.f32 v4, v9  }
.Ltmp3:
0xdc: {  	v8 =	vld [tilespmem:s19+$0x5310];
	[tilespmem:s17+$0x5360] =	vst v6;
	(pc) =	sbr.rel @p1 .LBB2_4-.Ltmp3, $4  }
0xdd: {  	v7 =	vld [tilespmem:s19+$0x5320];
	[tilespmem:s17+$0x5370] =	vst v4;
	s17 =	smov.u32 s19  }
0xde: {  	v6 =	vld [tilespmem:s17+$0x5330]  }
0xdf: {  	v5 =	vshll.u32 v10, $0x10;
	v4 =	vld [tilespmem:s17+$0x5340]  }
0xe0: {  	s18 =	sadd.s32 $0x200, s18;
	v10 =	vand.u32 $0xFFFF0000, v10;
	v9 =	vmul.f32 v5, v11;
	v5 =	vld [tilespmem:s17+$0x5350]  }
0xe1: {  	v11 =	vld [tilespmem:s17+$0x5360];
	v8 =	vmul.f32 v10, v8;
	v61 =	vshll.u32 v3, $0x10  }
0xe2: {  	v3 =	vand.u32 $0xFFFF0000, v3;
	v62 =	vld [tilespmem:s17+$0x5370];
	[tilespmem:s17+$0x5300] =	vst v9;
	v7 =	vmul.f32 v61, v7  }
0xe3: {  	v63 =	vshll.u32 v2, $0x10;
	[tilespmem:s17+$0x5310] =	vst v8;
	v3 =	vmul.f32 v3, v6  }
0xe4: {  	v2 =	vand.u32 $0xFFFF0000, v2;
	[tilespmem:s17+$0x5320] =	vst v7;
	v4 =	vmul.f32 v63, v4  }
0xe5: {  	[tilespmem:s17+$0x5330] =	vst v3;
	v2 =	vmul.f32 v2, v5;
	v3 =	vshll.u32 v1, $0x10  }
0xe6: {  	v1 =	vand.u32 $0xFFFF0000, v1;
	[tilespmem:s17+$0x5340] =	vst v4;
	v3 =	vmul.f32 v3, v11  }
0xe7: {  	v1 =	vmul.f32 v1, v62;
	[tilespmem:s17+$0x5350] =	vst v2  }
0xe8: {  	[tilespmem:s17+$0x5360] =	vst v3  }
0xe9: {  	[tilespmem:s17+$0x5370] =	vst v1  }
0xea: {  	_ =	swait.ge [sflag:s25], $0x50  }
0xeb: {  	[sflag:s25] =	ssyncset.done $0x0  }
0xec: {  	[sflag:s25] =	ssyncadd.s32 $0xFFFFFFB0  }
0xed: {  	_ =	swait.ge [sflag:s25], $0x50  }
0xee: {  	[sflag:s25] =	ssyncset.done $0x0  }
0xef: {  	[sflag:s25] =	ssyncadd.s32 $0xFFFFFFB0  }
0xf0: {  	_ =	swait.ge [sflag:s25], $0x2800  }
0xf1: {  	[sflag:s25] =	ssyncset.done $0x0  }
0xf2: {  	[sflag:s25] =	ssyncadd.s32 $0xFFFFD800  }
0xf3: {  	[tilespmem:s0], [sflag:$0x2] =	stream.indirect.gather [hbm4b:s1+s26], $0x80, s28, s26, $0xb8;
	[tilespmem:$0x1DB80] =	vst v63  }
0xf4: {  	_ = 	snop  }
0xf5: {  	[spmem:s2] =	stream.indirect.scatter.add.f32 [tilespmem:s11], [sflag:$0x3], $0x80, s13, s26, $0xb8;
	[tilespmem:$0x1DB80] =	vst v63  }
0xf6: {  	_ =	swait.ge [sflag:s12], $0x2800  }
0xf7: {  	[sflag:s12] =	ssyncset.done $0x0  }
0xf8: {  	s17 =	simm.s32 $0x0;
	s18 =	rddreg [dreg:$0x1a];
	[sflag:s12] =	ssyncadd.s32 $0xFFFFD800  }
0xf9: {  	[tilespmem:s17], [sflag:$0x1] =	stream.linear.gather [hbm4b:s18+s17], $0x50, $0x38;
	[tilespmem:$0x1DB80] =	vst v63  }
0xfa: {  	s22 =	rddreg [dreg:$0x1b]  }
0xfb: {  	[tilespmem:s4], [sflag:$0x1] =	stream.linear.gather [hbm4b:s22+s17], $0x50, $0x38;
	[tilespmem:$0x1DB80] =	vst v63  }
0xfc: {  	s23 =	rddreg [dreg:$0x1c]  }
0xfd: {  	[tilespmem:s24], [sflag:$0x1] =	stream.linear.gather [hbm4b:s23+s17], $0x2800, $0x38;
	[tilespmem:$0x1DB80] =	vst v63  }
.LBB2_6:
0xfe: {  	_ =	swait.ge [sflag:s31], $0x2800  }
0xff: {  	[sflag:s31] =	ssyncset.done $0x0  }
0x100: {  	s18 =	simm.s32 $0x0;
	[sflag:s31] =	ssyncadd.s32 $0xFFFFD800  }
0x101: {  	v5 =	vld [tilespmem:s18+$0x2B00]  }
0x102: {  	v3 =	vld [tilespmem:s18+$0x2B10]  }
0x103: {  	v2 =	vld [tilespmem:s18+$0x2B20]  }
0x104: {  	v1 =	vld [tilespmem:s18+$0x2B30]  }
0x105: {  	v9 =	vld [tilespmem:s18+$0x7B00]  }
0x106: {  	v8 =	vld [tilespmem:s18+$0x7B10]  }
0x107: {  	v7 =	vld [tilespmem:s18+$0x7B20]  }
0x108: {  	v6 =	vld [tilespmem:s18+$0x7B30]  }
0x109: {  	v4 =	vld [tilespmem:s18+$0x7B40];
	v11 =	vshll.u32 v5, $0x10  }
0x10a: {  	s19 =	simm.s32 $0x200;
	v10 =	vand.u32 $0xFFFF0000, v5;
	v5 =	vld [tilespmem:s18+$0x7B50];
	v9 =	vmul.f32 v11, v9  }
.LBB2_7:
0x10b: {  	p1 =	sne.s32 s19, $0x9E00;
	v8 =	vmul.f32 v10, v8;
	v10 =	vshll.u32 v3, $0x10;
	v11 =	vld [tilespmem:s18+$0x7B60]  }
0x10c: {  	s20 =	sshra.s32 s19, $0x2;
	v3 =	vand.u32 $0xFFFF0000, v3;
	[tilespmem:s18+$0x7B00] =	vst v9;
	v7 =	vmul.f32 v10, v7;
	v9 =	vld [tilespmem:s18+$0x7B70]  }
0x10d: {  	v10 =	vld [tilespmem:s20+$0x2B00];
	[tilespmem:s18+$0x7B10] =	vst v8;
	v6 =	vmul.f32 v3, v6;
	v8 =	vshll.u32 v2, $0x10  }
0x10e: {  	v3 =	vld [tilespmem:s20+$0x2B10];
	[tilespmem:s18+$0x7B20] =	vst v7;
	v7 =	vand.u32 $0xFFFF0000, v2;
	v4 =	vmul.f32 v8, v4  }
0x10f: {  	v2 =	vld [tilespmem:s20+$0x2B20];
	[tilespmem:s18+$0x7B30] =	vst v6;
	v5 =	vmul.f32 v7, v5;
	v6 =	vshll.u32 v1, $0x10  }
0x110: {  	[tilespmem:s18+$0x7B40] =	vst v4;
	v4 =	vand.u32 $0xFFFF0000, v1;
	v1 =	vld [tilespmem:s20+$0x2B30];
	v6 =	vmul.f32 v6, v11  }
0x111: {  	v11 =	vld [tilespmem:s20+$0x7B00];
	[tilespmem:s18+$0x7B50] =	vst v5;
	v4 =	vmul.f32 v4, v9  }
.Ltmp4:
0x112: {  	v8 =	vld [tilespmem:s20+$0x7B10];
	[tilespmem:s18+$0x7B60] =	vst v6;
	(pc) =	sbr.rel @p1 .LBB2_7-.Ltmp4, $4  }
0x113: {  	v7 =	vld [tilespmem:s20+$0x7B20];
	[tilespmem:s18+$0x7B70] =	vst v4;
	s18 =	smov.u32 s20  }
0x114: {  	v6 =	vld [tilespmem:s18+$0x7B30]  }
0x115: {  	v5 =	vshll.u32 v10, $0x10;
	v4 =	vld [tilespmem:s18+$0x7B40]  }
0x116: {  	s19 =	sadd.s32 $0x200, s19;
	v10 =	vand.u32 $0xFFFF0000, v10;
	v9 =	vmul.f32 v5, v11;
	v5 =	vld [tilespmem:s18+$0x7B50]  }
0x117: {  	v11 =	vld [tilespmem:s18+$0x7B60];
	v8 =	vmul.f32 v10, v8;
	v10 =	vshll.u32 v3, $0x10  }
0x118: {  	v3 =	vand.u32 $0xFFFF0000, v3;
	[tilespmem:s18+$0x7B00] =	vst v9;
	v7 =	vmul.f32 v10, v7;
	v9 =	vld [tilespmem:s18+$0x7B70]  }
0x119: {  	[tilespmem:s18+$0x7B10] =	vst v8;
	v3 =	vmul.f32 v3, v6;
	v6 =	vshll.u32 v2, $0x10  }
0x11a: {  	v2 =	vand.u32 $0xFFFF0000, v2;
	[tilespmem:s18+$0x7B20] =	vst v7;
	v4 =	vmul.f32 v6, v4  }
0x11b: {  	[tilespmem:s18+$0x7B30] =	vst v3;
	v2 =	vmul.f32 v2, v5;
	v3 =	vshll.u32 v1, $0x10  }
0x11c: {  	v1 =	vand.u32 $0xFFFF0000, v1;
	[tilespmem:s18+$0x7B40] =	vst v4;
	v3 =	vmul.f32 v3, v11  }
0x11d: {  	[tilespmem:s18+$0x7B50] =	vst v2;
	v1 =	vmul.f32 v1, v9  }
0x11e: {  	[tilespmem:s18+$0x7B60] =	vst v3  }
0x11f: {  	[tilespmem:s18+$0x7B70] =	vst v1  }
0x120: {  	_ =	swait.ge [sflag:s25], $0x50  }
0x121: {  	[sflag:s25] =	ssyncset.done $0x0  }
0x122: {  	[sflag:s25] =	ssyncadd.s32 $0xFFFFFFB0  }
0x123: {  	_ =	swait.ge [sflag:s25], $0x50  }
0x124: {  	[sflag:s25] =	ssyncset.done $0x0  }
0x125: {  	[sflag:s25] =	ssyncadd.s32 $0xFFFFFFB0  }
0x126: {  	_ =	swait.ge [sflag:s25], $0x2800  }
0x127: {  	[sflag:s25] =	ssyncset.done $0x0  }
0x128: {  	s19 =	simm.s32 $0x0;
	[sflag:s25] =	ssyncadd.s32 $0xFFFFD800  }
0x129: {  	[tilespmem:s11], [sflag:$0x2] =	stream.indirect.gather [hbm4b:s1+s26], $0x80, s19, s26, $0xb8;
	[tilespmem:$0x1DB80] =	vst v63  }
0x12a: {  	s18 =	smul.u32 $0x140, s17  }
0x12b: {  	[spmem:s2] =	stream.indirect.scatter.add.f32 [tilespmem:s0], [sflag:$0x3], $0x80, s29, s26, $0xb8;
	[tilespmem:$0x1DB80] =	vst v63  }
0x12c: {  	s20 =	sadd.s32 s18, s6;
	_ =	swait.ge [sflag:s12], $0x2800  }
0x12d: {  	s21 =	sshrl.u32 s20, $0x3;
	[sflag:s12] =	ssyncset.done $0x0  }
0x12e: {  	s22 =	sadd.s32 s14, s21;
	[sflag:s12] =	ssyncadd.s32 $0xFFFFD800  }
0x12f: {  	[tilespmem:s28], [sflag:$0x1] =	stream.linear.gather [hbm4b:s22+s19], $0x50, $0x38;
	[tilespmem:$0x1DB80] =	vst v63  }
0x130: {  	s20 =	sshll.u32 s20, $0x4;
	s21 =	sadd.s32 s15, s21  }
0x131: {  	[tilespmem:s10], [sflag:$0x1] =	stream.linear.gather [hbm4b:s21+s19], $0x50, $0x38;
	[tilespmem:$0x1DB80] =	vst v63  }
0x132: {  	s20 =	sadd.s32 s5, s20  }
0x133: {  	[tilespmem:s30], [sflag:$0x1] =	stream.linear.gather [hbm4b:s20+s19], $0x2800, $0x38;
	[tilespmem:$0x1DB80] =	vst v63  }
0x134: {  	_ =	swait.ge [sflag:s31], $0x2800  }
0x135: {  	[sflag:s31] =	ssyncset.done $0x0  }
0x136: {  	s19 =	simm.s32 $0x0;
	[sflag:s31] =	ssyncadd.s32 $0xFFFFD800  }
0x137: {  	v5 =	vld [tilespmem:s19+$0x300]  }
0x138: {  	v3 =	vld [tilespmem:s19+$0x310]  }
0x139: {  	v2 =	vld [tilespmem:s19+$0x320]  }
0x13a: {  	v1 =	vld [tilespmem:s19+$0x330]  }
0x13b: {  	v9 =	vld [tilespmem:s19+$0x5300]  }
0x13c: {  	v8 =	vld [tilespmem:s19+$0x5310]  }
0x13d: {  	v7 =	vld [tilespmem:s19+$0x5320]  }
0x13e: {  	v6 =	vld [tilespmem:s19+$0x5330]  }
0x13f: {  	v4 =	vld [tilespmem:s19+$0x5340];
	v11 =	vshll.u32 v5, $0x10  }
0x140: {  	s20 =	simm.s32 $0x200;
	v10 =	vand.u32 $0xFFFF0000, v5;
	v5 =	vld [tilespmem:s19+$0x5350];
	v9 =	vmul.f32 v11, v9  }
.LBB2_9:
0x141: {  	p1 =	sne.s32 s20, $0x9E00;
	v8 =	vmul.f32 v10, v8;
	v10 =	vshll.u32 v3, $0x10;
	v11 =	vld [tilespmem:s19+$0x5360]  }
0x142: {  	s21 =	sshra.s32 s20, $0x2;
	v3 =	vand.u32 $0xFFFF0000, v3;
	[tilespmem:s19+$0x5300] =	vst v9;
	v7 =	vmul.f32 v10, v7;
	v9 =	vld [tilespmem:s19+$0x5370]  }
0x143: {  	v10 =	vld [tilespmem:s21+$0x300];
	[tilespmem:s19+$0x5310] =	vst v8;
	v6 =	vmul.f32 v3, v6;
	v8 =	vshll.u32 v2, $0x10  }
0x144: {  	v3 =	vld [tilespmem:s21+$0x310];
	[tilespmem:s19+$0x5320] =	vst v7;
	v7 =	vand.u32 $0xFFFF0000, v2;
	v4 =	vmul.f32 v8, v4  }
0x145: {  	v2 =	vld [tilespmem:s21+$0x320];
	[tilespmem:s19+$0x5330] =	vst v6;
	v5 =	vmul.f32 v7, v5;
	v6 =	vshll.u32 v1, $0x10  }
0x146: {  	[tilespmem:s19+$0x5340] =	vst v4;
	v4 =	vand.u32 $0xFFFF0000, v1;
	v1 =	vld [tilespmem:s21+$0x330];
	v6 =	vmul.f32 v6, v11  }
0x147: {  	v11 =	vld [tilespmem:s21+$0x5300];
	[tilespmem:s19+$0x5350] =	vst v5;
	v4 =	vmul.f32 v4, v9  }
.Ltmp5:
0x148: {  	v8 =	vld [tilespmem:s21+$0x5310];
	[tilespmem:s19+$0x5360] =	vst v6;
	(pc) =	sbr.rel @p1 .LBB2_9-.Ltmp5, $4  }
0x149: {  	v7 =	vld [tilespmem:s21+$0x5320];
	[tilespmem:s19+$0x5370] =	vst v4;
	s19 =	smov.u32 s21  }
0x14a: {  	v6 =	vld [tilespmem:s19+$0x5330]  }
0x14b: {  	v5 =	vshll.u32 v10, $0x10;
	v4 =	vld [tilespmem:s19+$0x5340]  }
0x14c: {  	s20 =	sadd.s32 $0x200, s20;
	v10 =	vand.u32 $0xFFFF0000, v10;
	v9 =	vmul.f32 v5, v11;
	v5 =	vld [tilespmem:s19+$0x5350]  }
0x14d: {  	v11 =	vld [tilespmem:s19+$0x5360];
	v8 =	vmul.f32 v10, v8;
	v10 =	vshll.u32 v3, $0x10  }
0x14e: {  	v3 =	vand.u32 $0xFFFF0000, v3;
	[tilespmem:s19+$0x5300] =	vst v9;
	v7 =	vmul.f32 v10, v7;
	v9 =	vld [tilespmem:s19+$0x5370]  }
0x14f: {  	[tilespmem:s19+$0x5310] =	vst v8;
	v3 =	vmul.f32 v3, v6;
	v6 =	vshll.u32 v2, $0x10  }
0x150: {  	v2 =	vand.u32 $0xFFFF0000, v2;
	[tilespmem:s19+$0x5320] =	vst v7;
	v4 =	vmul.f32 v6, v4  }
0x151: {  	[tilespmem:s19+$0x5330] =	vst v3;
	v2 =	vmul.f32 v2, v5;
	v3 =	vshll.u32 v1, $0x10  }
0x152: {  	v1 =	vand.u32 $0xFFFF0000, v1;
	[tilespmem:s19+$0x5340] =	vst v4;
	v3 =	vmul.f32 v3, v11  }
0x153: {  	[tilespmem:s19+$0x5350] =	vst v2;
	v1 =	vmul.f32 v1, v9  }
0x154: {  	[tilespmem:s19+$0x5360] =	vst v3  }
0x155: {  	[tilespmem:s19+$0x5370] =	vst v1  }
0x156: {  	_ =	swait.ge [sflag:s25], $0x50  }
0x157: {  	[sflag:s25] =	ssyncset.done $0x0  }
0x158: {  	[sflag:s25] =	ssyncadd.s32 $0xFFFFFFB0  }
0x159: {  	_ =	swait.ge [sflag:s25], $0x50  }
0x15a: {  	[sflag:s25] =	ssyncset.done $0x0  }
0x15b: {  	[sflag:s25] =	ssyncadd.s32 $0xFFFFFFB0  }
0x15c: {  	_ =	swait.ge [sflag:s25], $0x2800  }
0x15d: {  	[sflag:s25] =	ssyncset.done $0x0  }
0x15e: {  	[sflag:s25] =	ssyncadd.s32 $0xFFFFD800  }
0x15f: {  	[tilespmem:s0], [sflag:$0x2] =	stream.indirect.gather [hbm4b:s1+s26], $0x80, s28, s26, $0xb8;
	[tilespmem:$0x1DB80] =	vst v63  }
0x160: {  	_ = 	snop  }
0x161: {  	[spmem:s2] =	stream.indirect.scatter.add.f32 [tilespmem:s11], [sflag:$0x3], $0x80, s4, s26, $0xb8;
	[tilespmem:$0x1DB80] =	vst v63  }
0x162: {  	s23 =	sadd.s32 s18, s7;
	_ =	swait.ge [sflag:s12], $0x2800  }
0x163: {  	s20 =	sshrl.u32 s23, $0x3;
	[sflag:s12] =	ssyncset.done $0x0  }
0x164: {  	s22 =	simm.s32 $0x0;
	s21 =	sadd.s32 s14, s20;
	[sflag:s12] =	ssyncadd.s32 $0xFFFFD800  }
0x165: {  	[tilespmem:s22], [sflag:$0x1] =	stream.linear.gather [hbm4b:s21+s22], $0x50, $0x38;
	[tilespmem:$0x1DB80] =	vst v63  }
0x166: {  	s20 =	sadd.s32 s15, s20;
	s19 =	sshll.u32 s23, $0x4  }
0x167: {  	[tilespmem:s13], [sflag:$0x1] =	stream.linear.gather [hbm4b:s20+s22], $0x50, $0x38;
	[tilespmem:$0x1DB80] =	vst v63  }
0x168: {  	s19 =	sadd.s32 s5, s19  }
0x169: {  	[tilespmem:s24], [sflag:$0x1] =	stream.linear.gather [hbm4b:s19+s22], $0x2800, $0x38;
	[tilespmem:$0x1DB80] =	vst v63  }
0x16a: {  	_ =	swait.ge [sflag:s31], $0x2800  }
0x16b: {  	[sflag:s31] =	ssyncset.done $0x0  }
0x16c: {  	s19 =	simm.s32 $0x0;
	[sflag:s31] =	ssyncadd.s32 $0xFFFFD800  }
0x16d: {  	v5 =	vld [tilespmem:s19+$0x2B00]  }
0x16e: {  	v3 =	vld [tilespmem:s19+$0x2B10]  }
0x16f: {  	v2 =	vld [tilespmem:s19+$0x2B20]  }
0x170: {  	v1 =	vld [tilespmem:s19+$0x2B30]  }
0x171: {  	v9 =	vld [tilespmem:s19+$0x7B00]  }
0x172: {  	v8 =	vld [tilespmem:s19+$0x7B10]  }
0x173: {  	v7 =	vld [tilespmem:s19+$0x7B20]  }
0x174: {  	v6 =	vld [tilespmem:s19+$0x7B30]  }
0x175: {  	v4 =	vld [tilespmem:s19+$0x7B40];
	v11 =	vshll.u32 v5, $0x10  }
0x176: {  	s20 =	simm.s32 $0x200;
	v10 =	vand.u32 $0xFFFF0000, v5;
	v5 =	vld [tilespmem:s19+$0x7B50];
	v9 =	vmul.f32 v11, v9  }
.LBB2_11:
0x177: {  	p1 =	sne.s32 s20, $0x9E00;
	v8 =	vmul.f32 v10, v8;
	v10 =	vshll.u32 v3, $0x10;
	v11 =	vld [tilespmem:s19+$0x7B60]  }
0x178: {  	s21 =	sshra.s32 s20, $0x2;
	v3 =	vand.u32 $0xFFFF0000, v3;
	[tilespmem:s19+$0x7B00] =	vst v9;
	v7 =	vmul.f32 v10, v7;
	v9 =	vld [tilespmem:s19+$0x7B70]  }
0x179: {  	v10 =	vld [tilespmem:s21+$0x2B00];
	[tilespmem:s19+$0x7B10] =	vst v8;
	v6 =	vmul.f32 v3, v6;
	v8 =	vshll.u32 v2, $0x10  }
0x17a: {  	v3 =	vld [tilespmem:s21+$0x2B10];
	[tilespmem:s19+$0x7B20] =	vst v7;
	v7 =	vand.u32 $0xFFFF0000, v2;
	v4 =	vmul.f32 v8, v4  }
0x17b: {  	v2 =	vld [tilespmem:s21+$0x2B20];
	[tilespmem:s19+$0x7B30] =	vst v6;
	v5 =	vmul.f32 v7, v5;
	v6 =	vshll.u32 v1, $0x10  }
0x17c: {  	[tilespmem:s19+$0x7B40] =	vst v4;
	v4 =	vand.u32 $0xFFFF0000, v1;
	v1 =	vld [tilespmem:s21+$0x2B30];
	v6 =	vmul.f32 v6, v11  }
0x17d: {  	v11 =	vld [tilespmem:s21+$0x7B00];
	[tilespmem:s19+$0x7B50] =	vst v5;
	v4 =	vmul.f32 v4, v9  }
.Ltmp6:
0x17e: {  	v8 =	vld [tilespmem:s21+$0x7B10];
	[tilespmem:s19+$0x7B60] =	vst v6;
	(pc) =	sbr.rel @p1 .LBB2_11-.Ltmp6, $4  }
0x17f: {  	v7 =	vld [tilespmem:s21+$0x7B20];
	[tilespmem:s19+$0x7B70] =	vst v4;
	s19 =	smov.u32 s21  }
0x180: {  	v6 =	vld [tilespmem:s19+$0x7B30]  }
0x181: {  	v5 =	vshll.u32 v10, $0x10;
	v4 =	vld [tilespmem:s19+$0x7B40]  }
0x182: {  	s20 =	sadd.s32 $0x200, s20;
	v10 =	vand.u32 $0xFFFF0000, v10;
	v9 =	vmul.f32 v5, v11;
	v5 =	vld [tilespmem:s19+$0x7B50]  }
0x183: {  	v11 =	vld [tilespmem:s19+$0x7B60];
	v8 =	vmul.f32 v10, v8;
	v10 =	vshll.u32 v3, $0x10  }
0x184: {  	v3 =	vand.u32 $0xFFFF0000, v3;
	[tilespmem:s19+$0x7B00] =	vst v9;
	v7 =	vmul.f32 v10, v7;
	v9 =	vld [tilespmem:s19+$0x7B70]  }
0x185: {  	[tilespmem:s19+$0x7B10] =	vst v8;
	v3 =	vmul.f32 v3, v6;
	v6 =	vshll.u32 v2, $0x10  }
0x186: {  	v2 =	vand.u32 $0xFFFF0000, v2;
	[tilespmem:s19+$0x7B20] =	vst v7;
	v4 =	vmul.f32 v6, v4  }
0x187: {  	[tilespmem:s19+$0x7B30] =	vst v3;
	v2 =	vmul.f32 v2, v5;
	v3 =	vshll.u32 v1, $0x10  }
0x188: {  	v1 =	vand.u32 $0xFFFF0000, v1;
	[tilespmem:s19+$0x7B40] =	vst v4;
	v3 =	vmul.f32 v3, v11  }
0x189: {  	[tilespmem:s19+$0x7B50] =	vst v2;
	v1 =	vmul.f32 v1, v9  }
0x18a: {  	[tilespmem:s19+$0x7B60] =	vst v3  }
0x18b: {  	[tilespmem:s19+$0x7B70] =	vst v1  }
0x18c: {  	_ =	swait.ge [sflag:s25], $0x50  }
0x18d: {  	[sflag:s25] =	ssyncset.done $0x0  }
0x18e: {  	[sflag:s25] =	ssyncadd.s32 $0xFFFFFFB0  }
0x18f: {  	_ =	swait.ge [sflag:s25], $0x50  }
0x190: {  	[sflag:s25] =	ssyncset.done $0x0  }
0x191: {  	[sflag:s25] =	ssyncadd.s32 $0xFFFFFFB0  }
0x192: {  	_ =	swait.ge [sflag:s25], $0x2800  }
0x193: {  	[sflag:s25] =	ssyncset.done $0x0  }
0x194: {  	[sflag:s25] =	ssyncadd.s32 $0xFFFFD800  }
0x195: {  	[tilespmem:s11], [sflag:$0x2] =	stream.indirect.gather [hbm4b:s1+s26], $0x80, s3, s26, $0xb8;
	[tilespmem:$0x1DB80] =	vst v63  }
0x196: {  	p1 =	seq.s32 s17, $0x1E  }
0x197: {  	[spmem:s2] =	stream.indirect.scatter.add.f32 [tilespmem:s0], [sflag:$0x3], $0x80, s10, s26, $0xb8;
	[tilespmem:$0x1DB80] =	vst v63  }
0x198: {  	s19 =	sadd.s32 @!p1 s18, s8;
	_ =	swait.ge [sflag:s12], $0x2800  }
0x199: {  	s22 =	simm.s32 @!p1 $0x0;
	s20 =	sshrl.u32 @!p1 s19, $0x3;
	[sflag:s12] =	ssyncset.done $0x0  }
0x19a: {  	s23 =	simm.s32 @!p1 $0x80;
	s21 =	sadd.s32 @!p1 s14, s20;
	[sflag:s12] =	ssyncadd.s32 $0xFFFFD800  }
0x19b: {  	[tilespmem:s23], [sflag:$0x1] =	stream.linear.gather @!p1 [hbm4b:s21+s22], $0x50, $0x38;
	[tilespmem:$0x1DB80] =	vst v63  }
0x19c: {  	s19 =	sshll.u32 @!p1 s19, $0x4;
	s20 =	sadd.s32 @!p1 s15, s20;
	s21 =	simm.s32 @!p1 $0x180  }
0x19d: {  	[tilespmem:s21], [sflag:$0x1] =	stream.linear.gather @!p1 [hbm4b:s20+s22], $0x50, $0x38;
	[tilespmem:$0x1DB80] =	vst v63  }
0x19e: {  	s19 =	sadd.s32 @!p1 s5, s19;
	s20 =	simm.s32 @!p1 $0x2B00  }
0x19f: {  	[tilespmem:s20], [sflag:$0x1] =	stream.linear.gather @!p1 [hbm4b:s19+s22], $0x2800, $0x38;
	[tilespmem:$0x1DB80] =	vst v63  }
0x1a0: {  	_ =	swait.ge [sflag:s31], $0x2800  }
0x1a1: {  	[sflag:s31] =	ssyncset.done $0x0  }
0x1a2: {  	s19 =	simm.s32 $0x0;
	[sflag:s31] =	ssyncadd.s32 $0xFFFFD800  }
0x1a3: {  	v5 =	vld [tilespmem:s19+$0x300]  }
0x1a4: {  	v3 =	vld [tilespmem:s19+$0x310]  }
0x1a5: {  	v2 =	vld [tilespmem:s19+$0x320]  }
0x1a6: {  	v1 =	vld [tilespmem:s19+$0x330]  }
0x1a7: {  	v9 =	vld [tilespmem:s19+$0x5300]  }
0x1a8: {  	v8 =	vld [tilespmem:s19+$0x5310]  }
0x1a9: {  	v7 =	vld [tilespmem:s19+$0x5320]  }
0x1aa: {  	v6 =	vld [tilespmem:s19+$0x5330]  }
0x1ab: {  	v4 =	vld [tilespmem:s19+$0x5340];
	v11 =	vshll.u32 v5, $0x10  }
0x1ac: {  	s20 =	simm.s32 $0x200;
	v10 =	vand.u32 $0xFFFF0000, v5;
	v5 =	vld [tilespmem:s19+$0x5350];
	v9 =	vmul.f32 v11, v9  }
.LBB2_13:
0x1ad: {  	p2 =	sne.s32 s20, $0x9E00;
	v8 =	vmul.f32 v10, v8;
	v10 =	vshll.u32 v3, $0x10;
	v11 =	vld [tilespmem:s19+$0x5360]  }
0x1ae: {  	s21 =	sshra.s32 s20, $0x2;
	v3 =	vand.u32 $0xFFFF0000, v3;
	[tilespmem:s19+$0x5300] =	vst v9;
	v7 =	vmul.f32 v10, v7;
	v9 =	vld [tilespmem:s19+$0x5370]  }
0x1af: {  	v10 =	vld [tilespmem:s21+$0x300];
	[tilespmem:s19+$0x5310] =	vst v8;
	v6 =	vmul.f32 v3, v6;
	v8 =	vshll.u32 v2, $0x10  }
0x1b0: {  	v3 =	vld [tilespmem:s21+$0x310];
	[tilespmem:s19+$0x5320] =	vst v7;
	v7 =	vand.u32 $0xFFFF0000, v2;
	v4 =	vmul.f32 v8, v4  }
0x1b1: {  	v2 =	vld [tilespmem:s21+$0x320];
	[tilespmem:s19+$0x5330] =	vst v6;
	v5 =	vmul.f32 v7, v5;
	v6 =	vshll.u32 v1, $0x10  }
0x1b2: {  	[tilespmem:s19+$0x5340] =	vst v4;
	v4 =	vand.u32 $0xFFFF0000, v1;
	v1 =	vld [tilespmem:s21+$0x330];
	v6 =	vmul.f32 v6, v11  }
0x1b3: {  	v11 =	vld [tilespmem:s21+$0x5300];
	[tilespmem:s19+$0x5350] =	vst v5;
	v4 =	vmul.f32 v4, v9  }
.Ltmp7:
0x1b4: {  	v8 =	vld [tilespmem:s21+$0x5310];
	[tilespmem:s19+$0x5360] =	vst v6;
	(pc) =	sbr.rel @p2 .LBB2_13-.Ltmp7, $4  }
0x1b5: {  	v7 =	vld [tilespmem:s21+$0x5320];
	[tilespmem:s19+$0x5370] =	vst v4;
	s19 =	smov.u32 s21  }
0x1b6: {  	v6 =	vld [tilespmem:s19+$0x5330]  }
0x1b7: {  	v5 =	vshll.u32 v10, $0x10;
	v4 =	vld [tilespmem:s19+$0x5340]  }
0x1b8: {  	s20 =	sadd.s32 $0x200, s20;
	v10 =	vand.u32 $0xFFFF0000, v10;
	v9 =	vmul.f32 v5, v11;
	v5 =	vld [tilespmem:s19+$0x5350]  }
0x1b9: {  	v11 =	vld [tilespmem:s19+$0x5360];
	v8 =	vmul.f32 v10, v8;
	v61 =	vshll.u32 v3, $0x10  }
0x1ba: {  	v3 =	vand.u32 $0xFFFF0000, v3;
	v62 =	vld [tilespmem:s19+$0x5370];
	[tilespmem:s19+$0x5300] =	vst v9;
	v7 =	vmul.f32 v61, v7  }
0x1bb: {  	v63 =	vshll.u32 v2, $0x10;
	[tilespmem:s19+$0x5310] =	vst v8;
	v3 =	vmul.f32 v3, v6  }
0x1bc: {  	v2 =	vand.u32 $0xFFFF0000, v2;
	[tilespmem:s19+$0x5320] =	vst v7;
	v4 =	vmul.f32 v63, v4  }
.Ltmp8:
0x1bd: {  	[tilespmem:s19+$0x5330] =	vst v3;
	v2 =	vmul.f32 v2, v5;
	v3 =	vshll.u32 v1, $0x10;
	(pc) =	sbr.rel @p1 .LBB2_16-.Ltmp8, $4  }
0x1be: {  	v1 =	vand.u32 $0xFFFF0000, v1;
	[tilespmem:s19+$0x5340] =	vst v4;
	v3 =	vmul.f32 v3, v11  }
0x1bf: {  	v1 =	vmul.f32 v1, v62;
	[tilespmem:s19+$0x5350] =	vst v2  }
0x1c0: {  	[tilespmem:s19+$0x5360] =	vst v3  }
0x1c1: {  	[tilespmem:s19+$0x5370] =	vst v1  }
0x1c2: {  	_ =	swait.ge [sflag:s25], $0x50  }
0x1c3: {  	[sflag:s25] =	ssyncset.done $0x0  }
0x1c4: {  	[sflag:s25] =	ssyncadd.s32 $0xFFFFFFB0  }
0x1c5: {  	_ =	swait.ge [sflag:s25], $0x50  }
0x1c6: {  	[sflag:s25] =	ssyncset.done $0x0  }
0x1c7: {  	[sflag:s25] =	ssyncadd.s32 $0xFFFFFFB0  }
0x1c8: {  	_ =	swait.ge [sflag:s25], $0x2800  }
0x1c9: {  	[sflag:s25] =	ssyncset.done $0x0  }
0x1ca: {  	[sflag:s25] =	ssyncadd.s32 $0xFFFFD800  }
0x1cb: {  	[tilespmem:s0], [sflag:$0x2] =	stream.indirect.gather [hbm4b:s1+s26], $0x80, s28, s26, $0xb8;
	[tilespmem:$0x1DB80] =	vst v63  }
0x1cc: {  	_ = 	snop  }
0x1cd: {  	[spmem:s2] =	stream.indirect.scatter.add.f32 [tilespmem:s11], [sflag:$0x3], $0x80, s13, s26, $0xb8;
	[tilespmem:$0x1DB80] =	vst v63  }
0x1ce: {  	s18 =	sadd.s32 s18, s9;
	_ =	swait.ge [sflag:s12], $0x2800  }
0x1cf: {  	s19 =	sshrl.u32 s18, $0x3;
	[sflag:s12] =	ssyncset.done $0x0  }
0x1d0: {  	s20 =	sadd.s32 s14, s19;
	[sflag:s12] =	ssyncadd.s32 $0xFFFFD800  }
0x1d1: {  	[tilespmem:s3], [sflag:$0x1] =	stream.linear.gather [hbm4b:s20+s3], $0x50, $0x38;
	[tilespmem:$0x1DB80] =	vst v63  }
.Ltmp9:
0x1d2: {  	_ = 	snop;
	(pc) =	sbr.rel .LBB2_6-.Ltmp9, $4  }
0x1d3: {  	s18 =	sshll.u32 s18, $0x4;
	s19 =	sadd.s32 s15, s19  }
0x1d4: {  	[tilespmem:s4], [sflag:$0x1] =	stream.linear.gather [hbm4b:s19+s3], $0x50, $0x38;
	[tilespmem:$0x1DB80] =	vst v63  }
0x1d5: {  	s17 =	sadd.s32 $0x1, s17;
	s18 =	sadd.s32 s5, s18  }
0x1d6: {  	[tilespmem:s24], [sflag:$0x1] =	stream.linear.gather [hbm4b:s18+s3], $0x2800, $0x38;
	[tilespmem:$0x1DB80] =	vst v63  }
.LBB2_17:
0x1d7: {  	_ =	sfence.sel $0x180000  }
0x1d8: {  	[bflag:$0x0] =	sbarrier.arrive $0xFFFF  }
0x1d9: {  	_ =	strace $0x90000047  }
0x1da: {  	s0 =	stileid.u32;
	[bflag:$0x2] =	sbarrier.arrive $0xFFFF  }
0x1db: {  	p0 =	sne.s32 s0, $0x0;
	s0 =	rddreg [dreg:$0x3]  }
0x1dc: {  	s0 =	sadd.s32 @!p0 $0x100000, s0  }
0x1dd: {  	[sflag:s0] =	ssyncadd.tile.s32 @!p0 $0x1;
	_ =	shalt  }
.Lfunc_end2:
_tile_overlayer_lowered:
.L_overlay_start_2:
0x1de: {  	(tag) =	ssettag $0x2  }
0x1df: {  	s0 =	rddreg [dreg:$0x0];
	s2 =	stileid.u32  }
0x1e0: {  	s1 =	rddreg [dreg:$0x1];
	p0 =	sne.s32 s2, $0x0  }
0x1e1: {  	s3 =	rddreg [dreg:$0x2];
	[bflag:$0x3] =	sbarrier.arrive $0xFFFF;
	s2 =	simm.s32 @!p0 $0x1C03  }
0x1e2: {  	[timem:s3], [sflag:s2] =	dma.local @!p0 [hbm:s0], s1  }
0x1e3: {  	s0 =	simm.s32 @!p0 $0x3  }
0x1e4: {  	_ =	swait.ge @!p0 [sflag:s0], s1  }
0x1e5: {  	s1 =	ssub.s32 @!p0 $0x0, s1;
	[sflag:s0] =	ssyncset.done @!p0 $0x0  }
0x1e6: {  	[sflag:s0] =	ssyncadd.s32 @!p0 s1  }
0x1e7: {  	[bflag:$0x3] =	sbarrier.arrive $0xFFFF  }
0x1e8: {  	_ =	shalt  }

</sc_bundles>
